<compile_context>
chip_gen: v7x
topology: tpu7x:2x2x1
jax: 0.10.2.dev20260603
libtpu: 0.0.44.dev20260713+nightly
codegen_flags: <defaults>
</compile_context>

<pallas_src>
import jax
import jax.numpy as jnp
from jax import lax
from jax.experimental import pallas as pl
from jax.experimental.pallas import tpu as pltpu
from jax.experimental.pallas import tpu_sc as plsc

N = 10000
E = 160000
D = 128
NC = 2
NS = 16
L = 16

CHUNK = 128
E_PAD = 163840
EPT = E_PAD // NS
NCHUNK = EPT // CHUNK
NBUF = 5
N_PAD = 10112
ZSEG = N_PAD // NS
WSTEP = 624
WSEG = 640
STG = 128
DL = 8


def _sc_kernel_body(x_user, x_item, src_f, dst_f, src_b, dst_b,
                    agg_f, deg_f, agg_b, deg_b,
                    src_v, dst_v, msg_v, ones_v, dstage_v,
                    acc_s, deg_s, *sems):
    c = lax.axis_index("c")
    s = lax.axis_index("s")
    gsem = sems[0:NBUF]
    ssem = sems[NBUF:2 * NBUF]
    dsem = sems[2 * NBUF:3 * NBUF]

    zero32 = jnp.zeros((2 * L,), jnp.bfloat16)
    oneD = jnp.ones((DL,), jnp.float32)
    zeroD = jnp.zeros((DL,), jnp.float32)

    @pl.loop(0, CHUNK)
    def fill_rows(i):
        for j in range(D // (2 * L)):
            msg_v[0, i, pl.ds(j * 2 * L, 2 * L)] = zero32
        ones_v[i, :] = oneD
        dstage_v[i, :] = zeroD

    zb = s * ZSEG
    for rs in (0, STG, 2 * STG, 3 * STG, ZSEG - STG):
        pltpu.sync_copy(msg_v.at[0], acc_s.at[pl.ds(zb + rs, STG)])
        pltpu.sync_copy(dstage_v, deg_s.at[pl.ds(zb + rs, STG)])
    plsc.subcore_barrier()

    def do_relation(x_hbm, src_hbm, dst_hbm):
        def fire_gather(gi, b):
            pltpu.async_copy(x_hbm.at[src_v.at[gi]], msg_v.at[b], gsem[b])

        def wait_gather(gi, b):
            pltpu.make_async_copy(
                x_hbm.at[src_v.at[gi]], msg_v.at[b], gsem[b]).wait()

        pltpu.sync_copy(src_hbm.at[s], src_v)
        pltpu.sync_copy(dst_hbm.at[s], dst_v)

        for b in range(NBUF - 1):
            fire_gather(b, b)

        @pl.loop(0, NCHUNK, step=NBUF)
        def body(g):
            for b in range(NBUF):
                gi = g + b
                nb = (b + NBUF - 1) % NBUF
                wait_gather(gi, b)

                @pl.when(gi + NBUF - 1 < NCHUNK)
                def _():
                    @pl.when(gi >= 1)
                    def _():
                        pltpu.make_async_copy(
                            msg_v.at[nb], acc_s.at[dst_v.at[gi - 1]],
                            ssem[nb]).wait()
                        pltpu.make_async_copy(
                            ones_v, deg_s.at[dst_v.at[gi - 1]],
                            dsem[nb]).wait()
                    fire_gather(gi + NBUF - 1, nb)

                pltpu.async_copy(msg_v.at[b], acc_s.at[dst_v.at[gi]],
                                 ssem[b], add=True)
                pltpu.async_copy(ones_v, deg_s.at[dst_v.at[gi]],
                                 dsem[b], add=True)

        for gi in range(NCHUNK - NBUF, NCHUNK):
            b = gi % NBUF
            pltpu.make_async_copy(
                msg_v.at[b], acc_s.at[dst_v.at[gi]], ssem[b]).wait()
            pltpu.make_async_copy(
                ones_v, deg_s.at[dst_v.at[gi]], dsem[b]).wait()

    @pl.when(c == 0)
    def _():
        do_relation(x_user, src_f, dst_f)

    @pl.when(c == 1)
    def _():
        do_relation(x_item, src_b, dst_b)

    plsc.subcore_barrier()

    def writeout(agg_hbm, deg_hbm):
        rb = s * WSTEP
        for rs in range(0, WSEG, STG):
            pltpu.sync_copy(acc_s.at[pl.ds(rb + rs, STG)], msg_v.at[0])
            pltpu.sync_copy(msg_v.at[0], agg_hbm.at[pl.ds(rb + rs, STG)])
            pltpu.sync_copy(deg_s.at[pl.ds(rb + rs, STG)], dstage_v)
            pltpu.sync_copy(dstage_v, deg_hbm.at[pl.ds(rb + rs, STG)])

    @pl.when(c == 0)
    def _():
        writeout(agg_f, deg_f)

    @pl.when(c == 1)
    def _():
        writeout(agg_b, deg_b)


def _make_sc_call():
    mesh = plsc.VectorSubcoreMesh(
        core_axis_name="c", subcore_axis_name="s",
        num_cores=NC, num_subcores=NS)
    out_type = (
        jax.ShapeDtypeStruct((N, D), jnp.bfloat16),
        jax.ShapeDtypeStruct((N, DL), jnp.float32),
        jax.ShapeDtypeStruct((N, D), jnp.bfloat16),
        jax.ShapeDtypeStruct((N, DL), jnp.float32),
    )
    scratch = [
        pltpu.VMEM((NCHUNK, CHUNK), jnp.int32),
        pltpu.VMEM((NCHUNK, CHUNK), jnp.int32),
        pltpu.VMEM((NBUF, CHUNK, D), jnp.bfloat16),
        pltpu.VMEM((CHUNK, DL), jnp.float32),
        pltpu.VMEM((STG, DL), jnp.float32),
        pltpu.VMEM_SHARED((N_PAD, D), jnp.bfloat16),
        pltpu.VMEM_SHARED((N_PAD, DL), jnp.float32),
    ] + [pltpu.SemaphoreType.DMA] * (3 * NBUF)
    return pl.kernel(_sc_kernel_body, out_type=out_type, mesh=mesh,
                     scratch_types=scratch,
                     compiler_params=pltpu.CompilerParams(
                         use_tc_tiling_on_sc=False))


def _tc_kernel_body(agg_f, deg_f, w_f, agg_b, deg_b, w_b, out_f, out_b):
    for agg, deg, w, out in ((agg_f, deg_f, w_f, out_f),
                             (agg_b, deg_b, w_b, out_b)):
        norm = 1.0 / jnp.maximum(deg[...][:, 0:1], 1.0)
        a = agg[...].astype(jnp.float32)
        out[...] = jnp.dot(a * norm, w[...],
                           preferred_element_type=jnp.float32)


def _tc_call(agg_f, deg_f, w_f, agg_b, deg_b, w_b):
    rows = 1000
    grid = (N // rows,)
    mat_spec = pl.BlockSpec((rows, D), lambda i: (i, 0))
    deg_spec = pl.BlockSpec((rows, DL), lambda i: (i, 0))
    w_spec = pl.BlockSpec((D, D), lambda i: (0, 0))
    return pl.pallas_call(
        _tc_kernel_body,
        grid=grid,
        in_specs=[mat_spec, deg_spec, w_spec, mat_spec, deg_spec, w_spec],
        out_specs=[mat_spec, mat_spec],
        out_shape=[jax.ShapeDtypeStruct((N, D), jnp.float32),
                   jax.ShapeDtypeStruct((N, D), jnp.float32)],
    )(agg_f, deg_f, w_f, agg_b, deg_b, w_b)


def kernel(x_user, x_item, W_follows, W_bought,
           edge_index_follows, edge_index_bought):
    npad = E_PAD - E
    pad_src = jnp.zeros((npad,), jnp.int32)

    pad_dst = N + (jnp.arange(npad, dtype=jnp.int32) % (N_PAD - N))

    def pad_edges(edge_index):
        src = jnp.concatenate([edge_index[0], pad_src])
        dst = jnp.concatenate([edge_index[1], pad_dst])
        return src, dst

    def slab(a):
        return a.reshape(NS, NCHUNK, CHUNK)

    src_f, dst_f = pad_edges(edge_index_follows)
    src_b, dst_b = pad_edges(edge_index_bought)
    src_f, dst_f, src_b, dst_b = map(slab, (src_f, dst_f, src_b, dst_b))

    sc = _make_sc_call()
    agg_f, deg_f, agg_b, deg_b = sc(x_user.astype(jnp.bfloat16),
                                    x_item.astype(jnp.bfloat16),
                                    src_f, dst_f, src_b, dst_b)
    out_f, out_b = _tc_call(agg_f, deg_f, W_follows, agg_b, deg_b, W_bought)
    return (out_f, out_b)

# --- scband reference (transcript-rebuilt; emitter-appended) ---
"""Pipeline reference for scband-hetero-graph-conv-24137716204096 (READ-ONLY COPY).

The authoritative reference and input builder live on the scoring server;
editing this copy changes nothing except your own understanding.
"""

import jax, jax.numpy as jnp
import numpy as np

N_USER = 10000
N_ITEM = 10000
E = 160000
D = 128


def setup_inputs(seed: int = 0) -> dict:
    key = jax.random.key(seed)
    k1, k2, k3, k4, k5, k6 = jax.random.split(key, 6)
    x_user = jax.random.normal(k1, (N_USER, D), dtype=jnp.float32)
    x_item = jax.random.normal(k2, (N_ITEM, D), dtype=jnp.float32)
    # int32 used for portability on CPU jax without x64; values in [0, N)
    edge_index_follows = jax.random.randint(k3, (2, E), 0, N_USER, dtype=jnp.int32)
    edge_index_bought = jax.random.randint(k4, (2, E), 0, N_ITEM, dtype=jnp.int32)
    # learned per-relation GraphConv weights
    W_follows = jax.random.normal(k5, (D, D), dtype=jnp.float32) * (1.0 / np.sqrt(D))
    W_bought = jax.random.normal(k6, (D, D), dtype=jnp.float32) * (1.0 / np.sqrt(D))
    return {
        "x_user": x_user,
        "x_item": x_item,
        "W_follows": W_follows,
        "W_bought": W_bought,
        "edge_index_follows": edge_index_follows,
        "edge_index_bought": edge_index_bought,
    }


def _graph_conv(x_src, edge_index, W, n_dst):
    # DGL GraphConv with norm='right': mean over incoming edges then linear.
    src = edge_index[0]
    dst = edge_index[1]
    msg = jnp.take(x_src, src, axis=0)                       # gather  [E, D]
    agg = jax.ops.segment_sum(msg, dst, num_segments=n_dst)  # scatter-add [N_dst, D]
    ones = jnp.ones((edge_index.shape[1],), dtype=x_src.dtype)
    deg = jax.ops.segment_sum(ones, dst, num_segments=n_dst)
    norm = 1.0 / jnp.clip(deg, 1.0)
    return (agg * norm[:, None]) @ W


def reference(x_user, x_item, W_follows, W_bought, edge_index_follows, edge_index_bought):
    # HeteroGraphConv with aggregate='all': each relation's sub-module runs on its
    # relation graph; both relations share dsttype 'user', so the result is a
    # dict {etype: Tensor}. We return it as a tuple ordered (follows, bought).
    out_follows = _graph_conv(x_user, edge_index_follows, W_follows, N_USER)  # ('user','follows','user')
    out_bought = _graph_conv(x_item, edge_index_bought, W_bought, N_USER)     # ('item','bought','user')
    return (out_follows, out_bought)

if __name__ == "__main__":
    import jax
    _d = setup_inputs()
    print(jax.jit(kernel)(*tuple(_d.values())))

</pallas_src>

<mosaic_0001>
#map = affine_map<(d0, d1) -> (0, 0)>
#map1 = affine_map<(d0, d1) -> (0, 0, 0)>
module attributes {stable_mosaic.version = 14 : i64} {
  func.func @_sc_kernel_body(%arg0: i32, %arg1: i32, %arg2: memref<10000x128xbf16, #tpu.memory_space<hbm>>, %arg3: memref<10000x128xbf16, #tpu.memory_space<hbm>>, %arg4: memref<16x80x128xi32, #tpu.memory_space<hbm>>, %arg5: memref<16x80x128xi32, #tpu.memory_space<hbm>>, %arg6: memref<16x80x128xi32, #tpu.memory_space<hbm>>, %arg7: memref<16x80x128xi32, #tpu.memory_space<hbm>>, %arg8: memref<10000x128xbf16, #tpu.memory_space<hbm>>, %arg9: memref<10000x8xf32, #tpu.memory_space<hbm>>, %arg10: memref<10000x128xbf16, #tpu.memory_space<hbm>>, %arg11: memref<10000x8xf32, #tpu.memory_space<hbm>>, %arg12: memref<80x128xi32, #tpu.memory_space<vmem>>, %arg13: memref<80x128xi32, #tpu.memory_space<vmem>>, %arg14: memref<5x128x128xbf16, #tpu.memory_space<vmem>>, %arg15: memref<128x8xf32, #tpu.memory_space<vmem>>, %arg16: memref<128x8xf32, #tpu.memory_space<vmem>>, %arg17: memref<10112x128xbf16, #tpu.memory_space<vmem_shared>>, %arg18: memref<10112x8xf32, #tpu.memory_space<vmem_shared>>, %arg19: memref<!tpu.dma_semaphore, #tpu.memory_space<semaphore_mem>>, %arg20: memref<!tpu.dma_semaphore, #tpu.memory_space<semaphore_mem>>, %arg21: memref<!tpu.dma_semaphore, #tpu.memory_space<semaphore_mem>>, %arg22: memref<!tpu.dma_semaphore, #tpu.memory_space<semaphore_mem>>, %arg23: memref<!tpu.dma_semaphore, #tpu.memory_space<semaphore_mem>>, %arg24: memref<!tpu.dma_semaphore, #tpu.memory_space<semaphore_mem>>, %arg25: memref<!tpu.dma_semaphore, #tpu.memory_space<semaphore_mem>>, %arg26: memref<!tpu.dma_semaphore, #tpu.memory_space<semaphore_mem>>, %arg27: memref<!tpu.dma_semaphore, #tpu.memory_space<semaphore_mem>>, %arg28: memref<!tpu.dma_semaphore, #tpu.memory_space<semaphore_mem>>, %arg29: memref<!tpu.dma_semaphore, #tpu.memory_space<semaphore_mem>>, %arg30: memref<!tpu.dma_semaphore, #tpu.memory_space<semaphore_mem>>, %arg31: memref<!tpu.dma_semaphore, #tpu.memory_space<semaphore_mem>>, %arg32: memref<!tpu.dma_semaphore, #tpu.memory_space<semaphore_mem>>, %arg33: memref<!tpu.dma_semaphore, #tpu.memory_space<semaphore_mem>>) attributes {dimension_semantics = [#tpu.dimension_semantics<core_parallel>, #tpu.dimension_semantics<subcore_parallel>], iteration_bounds = array<i64: 2, 16>, scalar_prefetch = 0 : i64, scratch_operands = 22 : i64, tpu.core_type = #tpu.core_type<sc_vector_subcore>, window_params = [{transform_indices = #map}, {transform_indices = #map}, {transform_indices = #map1}, {transform_indices = #map1}, {transform_indices = #map1}, {transform_indices = #map1}, {transform_indices = #map}, {transform_indices = #map}, {transform_indices = #map}, {transform_indices = #map}]} {
    %broadcast_in_dim3A = arith.constant 0.000000e+00 : bf16
    %broadcast_in_dim3A_0 = vector.broadcast %broadcast_in_dim3A : bf16 to vector<32xbf16>
    %broadcast_in_dim3A_1 = arith.constant 1.000000e+00 : f32
    %broadcast_in_dim3A_2 = vector.broadcast %broadcast_in_dim3A_1 : f32 to vector<8xf32>
    %broadcast_in_dim3A_3 = arith.constant 0.000000e+00 : f32
    %broadcast_in_dim3A_4 = vector.broadcast %broadcast_in_dim3A_3 : f32 to vector<8xf32>
    %scan3A = arith.constant 0 : i32
    %scan3A_5 = arith.constant 128 : i32
    %scan3A_6 = arith.addi %scan3A, %scan3A_5 : i32
    %scan3A_7 = arith.constant 1 : i32
    scf.for %scan3A_51 = %scan3A to %scan3A_6 step %scan3A_7  : i32 {
      %mul3A_52 = arith.constant 1 : i32
      %mul3A_53 = arith.muli %scan3A_51, %mul3A_52 : i32
      %add3A_54 = arith.constant 0 : i32
      %add3A_55 = arith.addi %add3A_54, %mul3A_53 : i32
      %swap3A = arith.constant 0 : i32
      %swap3A_56 = arith.index_cast %swap3A : i32 to index
      %swap3A_57 = arith.index_cast %add3A_55 : i32 to index
      %swap3A_58 = arith.constant 0 : index
      %swap3A_59 = tpu.vector_load %arg14[%swap3A_56, %swap3A_57, %swap3A_58] {strides = array<i32>} : memref<5x128x128xbf16, #tpu.memory_space<vmem>>, vector<1x1x32xbf16>,
      %swap3A_60 = vector.shape_cast %swap3A_59 : vector<1x1x32xbf16> to vector<32xbf16>
      %swap3A_61 = vector.shape_cast %broadcast_in_dim3A_0 : vector<32xbf16> to vector<1x1x32xbf16>
      tpu.vector_store %arg14[%swap3A_56, %swap3A_57, %swap3A_58], %swap3A_61 {strides = array<i32>} : memref<5x128x128xbf16, #tpu.memory_space<vmem>>, vector<1x1x32xbf16>,
      %swap3A_62 = arith.constant 0 : i32
      %swap3A_63 = arith.index_cast %swap3A_62 : i32 to index
      %swap3A_64 = arith.index_cast %add3A_55 : i32 to index
      %swap3A_65 = arith.constant 32 : index
      %swap3A_66 = tpu.vector_load %arg14[%swap3A_63, %swap3A_64, %swap3A_65] {strides = array<i32>} : memref<5x128x128xbf16, #tpu.memory_space<vmem>>, vector<1x1x32xbf16>,
      %swap3A_67 = vector.shape_cast %swap3A_66 : vector<1x1x32xbf16> to vector<32xbf16>
      %swap3A_68 = vector.shape_cast %broadcast_in_dim3A_0 : vector<32xbf16> to vector<1x1x32xbf16>
      tpu.vector_store %arg14[%swap3A_63, %swap3A_64, %swap3A_65], %swap3A_68 {strides = array<i32>} : memref<5x128x128xbf16, #tpu.memory_space<vmem>>, vector<1x1x32xbf16>,
      %swap3A_69 = arith.constant 0 : i32
      %swap3A_70 = arith.index_cast %swap3A_69 : i32 to index
      %swap3A_71 = arith.index_cast %add3A_55 : i32 to index
      %swap3A_72 = arith.constant 64 : index
      %swap3A_73 = tpu.vector_load %arg14[%swap3A_70, %swap3A_71, %swap3A_72] {strides = array<i32>} : memref<5x128x128xbf16, #tpu.memory_space<vmem>>, vector<1x1x32xbf16>,
      %swap3A_74 = vector.shape_cast %swap3A_73 : vector<1x1x32xbf16> to vector<32xbf16>
      %swap3A_75 = vector.shape_cast %broadcast_in_dim3A_0 : vector<32xbf16> to vector<1x1x32xbf16>
      tpu.vector_store %arg14[%swap3A_70, %swap3A_71, %swap3A_72], %swap3A_75 {strides = array<i32>} : memref<5x128x128xbf16, #tpu.memory_space<vmem>>, vector<1x1x32xbf16>,
      %swap3A_76 = arith.constant 0 : i32
      %swap3A_77 = arith.index_cast %swap3A_76 : i32 to index
      %swap3A_78 = arith.index_cast %add3A_55 : i32 to index
      %swap3A_79 = arith.constant 96 : index
      %swap3A_80 = tpu.vector_load %arg14[%swap3A_77, %swap3A_78, %swap3A_79] {strides = array<i32>} : memref<5x128x128xbf16, #tpu.memory_space<vmem>>, vector<1x1x32xbf16>,
      %swap3A_81 = vector.shape_cast %swap3A_80 : vector<1x1x32xbf16> to vector<32xbf16>
      %swap3A_82 = vector.shape_cast %broadcast_in_dim3A_0 : vector<32xbf16> to vector<1x1x32xbf16>
      tpu.vector_store %arg14[%swap3A_77, %swap3A_78, %swap3A_79], %swap3A_82 {strides = array<i32>} : memref<5x128x128xbf16, #tpu.memory_space<vmem>>, vector<1x1x32xbf16>,
      %swap3A_83 = arith.index_cast %add3A_55 : i32 to index
      %swap3A_84 = arith.constant 0 : index
      %swap3A_85 = tpu.vector_load %arg15[%swap3A_83, %swap3A_84] {strides = array<i32>} : memref<128x8xf32, #tpu.memory_space<vmem>>, vector<1x8xf32>,
      %swap3A_86 = vector.shape_cast %swap3A_85 : vector<1x8xf32> to vector<8xf32>
      %swap3A_87 = vector.shape_cast %broadcast_in_dim3A_2 : vector<8xf32> to vector<1x8xf32>
      tpu.vector_store %arg15[%swap3A_83, %swap3A_84], %swap3A_87 {strides = array<i32>} : memref<128x8xf32, #tpu.memory_space<vmem>>, vector<1x8xf32>,
      %swap3A_88 = arith.index_cast %add3A_55 : i32 to index
      %swap3A_89 = arith.constant 0 : index
      %swap3A_90 = tpu.vector_load %arg16[%swap3A_88, %swap3A_89] {strides = array<i32>} : memref<128x8xf32, #tpu.memory_space<vmem>>, vector<1x8xf32>,
      %swap3A_91 = vector.shape_cast %swap3A_90 : vector<1x8xf32> to vector<8xf32>
      %swap3A_92 = vector.shape_cast %broadcast_in_dim3A_4 : vector<8xf32> to vector<1x8xf32>
      tpu.vector_store %arg16[%swap3A_88, %swap3A_89], %swap3A_92 {strides = array<i32>} : memref<128x8xf32, #tpu.memory_space<vmem>>, vector<1x8xf32>,
    }
    %scan3A_8 = arith.constant 128 : i32
    %mul3A = arith.constant 632 : i32
    %mul3A_9 = arith.muli %arg1, %mul3A : i32
    %add3A = arith.constant 0 : i32
    %add3A_10 = arith.addi %mul3A_9, %add3A : i32
    %run_scoped3A = arith.constant 0 : i32
    "tpu.region"() ({
      %run_scoped3A_51 = tpu.sem_alloc : memref<!tpu.dma_semaphore, #tpu.memory_space<semaphore_mem>>
      %dma_start3A = arith.constant 0 : i32
      %dma_start3A_52 = arith.constant 0 : i32
      %dma_start3A_53 = tpu.memref_slice %arg14[%run_scoped3A, %dma_start3A, %dma_start3A_52] : memref<5x128x128xbf16, #tpu.memory_space<vmem>> -> memref<1x128x128xbf16, #tpu.memory_space<vmem>>
      %dma_start3A_54 = tpu.memref_squeeze %dma_start3A_53 : memref<1x128x128xbf16, #tpu.memory_space<vmem>> -> memref<128x128xbf16, #tpu.memory_space<vmem>>
      %dma_start3A_55 = arith.constant 0 : i32
      %dma_start3A_56 = tpu.memref_slice %arg17[%add3A_10, %dma_start3A_55] : memref<10112x128xbf16, #tpu.memory_space<vmem_shared>> -> memref<128x128xbf16, #tpu.memory_space<vmem_shared>>
      %dma_start3A_57 = arith.constant 0 : i32
      %dma_start3A_58 = tpu.memref_slice %arg17[%add3A_10, %dma_start3A_57] : memref<10112x128xbf16, #tpu.memory_space<vmem_shared>> -> memref<128x128xbf16, #tpu.memory_space<vmem_shared>>
      %dma_start3A_59 = arith.constant 0 : i32
      %dma_start3A_60 = arith.constant 0 : i32
      %dma_start3A_61 = tpu.memref_slice %arg14[%run_scoped3A, %dma_start3A_59, %dma_start3A_60] : memref<5x128x128xbf16, #tpu.memory_space<vmem>> -> memref<1x128x128xbf16, #tpu.memory_space<vmem>>
      %dma_start3A_62 = tpu.memref_squeeze %dma_start3A_61 : memref<1x128x128xbf16, #tpu.memory_space<vmem>> -> memref<128x128xbf16, #tpu.memory_space<vmem>>
      tpu.enqueue_dma source(%dma_start3A_62 : memref<128x128xbf16, #tpu.memory_space<vmem>>) target(%dma_start3A_58 : memref<128x128xbf16, #tpu.memory_space<vmem_shared>>) target_semaphore(%run_scoped3A_51 : memref<!tpu.dma_semaphore, #tpu.memory_space<semaphore_mem>>)
      %dma_wait3A = arith.constant 0 : i32
      %dma_wait3A_63 = arith.constant 0 : i32
      %dma_wait3A_64 = tpu.memref_slice %arg14[%run_scoped3A, %dma_wait3A, %dma_wait3A_63] : memref<5x128x128xbf16, #tpu.memory_space<vmem>> -> memref<1x128x128xbf16, #tpu.memory_space<vmem>>
      %dma_wait3A_65 = tpu.memref_squeeze %dma_wait3A_64 : memref<1x128x128xbf16, #tpu.memory_space<vmem>> -> memref<128x128xbf16, #tpu.memory_space<vmem>>
      %dma_wait3A_66 = arith.constant 0 : i32
      %dma_wait3A_67 = tpu.memref_slice %arg17[%add3A_10, %dma_wait3A_66] : memref<10112x128xbf16, #tpu.memory_space<vmem_shared>> -> memref<128x128xbf16, #tpu.memory_space<vmem_shared>>
      %dma_wait3A_68 = arith.constant 0 : i32
      %dma_wait3A_69 = tpu.memref_slice %arg17[%add3A_10, %dma_wait3A_68] : memref<10112x128xbf16, #tpu.memory_space<vmem_shared>> -> memref<128x128xbf16, #tpu.memory_space<vmem_shared>>
      %dma_wait3A_70 = arith.constant 0 : i32
      %dma_wait3A_71 = arith.constant 0 : i32
      %dma_wait3A_72 = tpu.memref_slice %arg14[%run_scoped3A, %dma_wait3A_70, %dma_wait3A_71] : memref<5x128x128xbf16, #tpu.memory_space<vmem>> -> memref<1x128x128xbf16, #tpu.memory_space<vmem>>
      %dma_wait3A_73 = tpu.memref_squeeze %dma_wait3A_72 : memref<1x128x128xbf16, #tpu.memory_space<vmem>> -> memref<128x128xbf16, #tpu.memory_space<vmem>>
      tpu.wait_dma2 semaphore(%run_scoped3A_51 : memref<!tpu.dma_semaphore, #tpu.memory_space<semaphore_mem>>) src(%dma_wait3A_73 : memref<128x128xbf16, #tpu.memory_space<vmem>>) dst(%dma_wait3A_69 : memref<128x128xbf16, #tpu.memory_space<vmem_shared>>)
      tpu.yield
    }) : () -> ()
    %add3A_11 = arith.constant 0 : i32
    %add3A_12 = arith.addi %mul3A_9, %add3A_11 : i32
    "tpu.region"() ({
      %run_scoped3A_51 = tpu.sem_alloc : memref<!tpu.dma_semaphore, #tpu.memory_space<semaphore_mem>>
      %dma_start3A = arith.constant 0 : i32
      %dma_start3A_52 = tpu.memref_slice %arg18[%add3A_12, %dma_start3A] : memref<10112x8xf32, #tpu.memory_space<vmem_shared>> -> memref<128x8xf32, #tpu.memory_space<vmem_shared>>
      %dma_start3A_53 = arith.constant 0 : i32
      %dma_start3A_54 = tpu.memref_slice %arg18[%add3A_12, %dma_start3A_53] : memref<10112x8xf32, #tpu.memory_space<vmem_shared>> -> memref<128x8xf32, #tpu.memory_space<vmem_shared>>
      tpu.enqueue_dma source(%arg16 : memref<128x8xf32, #tpu.memory_space<vmem>>) target(%dma_start3A_54 : memref<128x8xf32, #tpu.memory_space<vmem_shared>>) target_semaphore(%run_scoped3A_51 : memref<!tpu.dma_semaphore, #tpu.memory_space<semaphore_mem>>)
      %dma_wait3A = arith.constant 0 : i32
      %dma_wait3A_55 = tpu.memref_slice %arg18[%add3A_12, %dma_wait3A] : memref<10112x8xf32, #tpu.memory_space<vmem_shared>> -> memref<128x8xf32, #tpu.memory_space<vmem_shared>>
      %dma_wait3A_56 = arith.constant 0 : i32
      %dma_wait3A_57 = tpu.memref_slice %arg18[%add3A_12, %dma_wait3A_56] : memref<10112x8xf32, #tpu.memory_space<vmem_shared>> -> memref<128x8xf32, #tpu.memory_space<vmem_shared>>
      tpu.wait_dma2 semaphore(%run_scoped3A_51 : memref<!tpu.dma_semaphore, #tpu.memory_space<semaphore_mem>>) src(%arg16 : memref<128x8xf32, #tpu.memory_space<vmem>>) dst(%dma_wait3A_57 : memref<128x8xf32, #tpu.memory_space<vmem_shared>>)
      tpu.yield
    }) : () -> ()
    %add3A_13 = arith.constant 128 : i32
    %add3A_14 = arith.addi %mul3A_9, %add3A_13 : i32
    %run_scoped3A_15 = arith.constant 0 : i32
    "tpu.region"() ({
      %run_scoped3A_51 = tpu.sem_alloc : memref<!tpu.dma_semaphore, #tpu.memory_space<semaphore_mem>>
      %dma_start3A = arith.constant 0 : i32
      %dma_start3A_52 = arith.constant 0 : i32
      %dma_start3A_53 = tpu.memref_slice %arg14[%run_scoped3A_15, %dma_start3A, %dma_start3A_52] : memref<5x128x128xbf16, #tpu.memory_space<vmem>> -> memref<1x128x128xbf16, #tpu.memory_space<vmem>>
      %dma_start3A_54 = tpu.memref_squeeze %dma_start3A_53 : memref<1x128x128xbf16, #tpu.memory_space<vmem>> -> memref<128x128xbf16, #tpu.memory_space<vmem>>
      %dma_start3A_55 = arith.constant 0 : i32
      %dma_start3A_56 = tpu.memref_slice %arg17[%add3A_14, %dma_start3A_55] : memref<10112x128xbf16, #tpu.memory_space<vmem_shared>> -> memref<128x128xbf16, #tpu.memory_space<vmem_shared>>
      %dma_start3A_57 = arith.constant 0 : i32
      %dma_start3A_58 = tpu.memref_slice %arg17[%add3A_14, %dma_start3A_57] : memref<10112x128xbf16, #tpu.memory_space<vmem_shared>> -> memref<128x128xbf16, #tpu.memory_space<vmem_shared>>
      %dma_start3A_59 = arith.constant 0 : i32
      %dma_start3A_60 = arith.constant 0 : i32
      %dma_start3A_61 = tpu.memref_slice %arg14[%run_scoped3A_15, %dma_start3A_59, %dma_start3A_60] : memref<5x128x128xbf16, #tpu.memory_space<vmem>> -> memref<1x128x128xbf16, #tpu.memory_space<vmem>>
      %dma_start3A_62 = tpu.memref_squeeze %dma_start3A_61 : memref<1x128x128xbf16, #tpu.memory_space<vmem>> -> memref<128x128xbf16, #tpu.memory_space<vmem>>
      tpu.enqueue_dma source(%dma_start3A_62 : memref<128x128xbf16, #tpu.memory_space<vmem>>) target(%dma_start3A_58 : memref<128x128xbf16, #tpu.memory_space<vmem_shared>>) target_semaphore(%run_scoped3A_51 : memref<!tpu.dma_semaphore, #tpu.memory_space<semaphore_mem>>)
      %dma_wait3A = arith.constant 0 : i32
      %dma_wait3A_63 = arith.constant 0 : i32
      %dma_wait3A_64 = tpu.memref_slice %arg14[%run_scoped3A_15, %dma_wait3A, %dma_wait3A_63] : memref<5x128x128xbf16, #tpu.memory_space<vmem>> -> memref<1x128x128xbf16, #tpu.memory_space<vmem>>
      %dma_wait3A_65 = tpu.memref_squeeze %dma_wait3A_64 : memref<1x128x128xbf16, #tpu.memory_space<vmem>> -> memref<128x128xbf16, #tpu.memory_space<vmem>>
      %dma_wait3A_66 = arith.constant 0 : i32
      %dma_wait3A_67 = tpu.memref_slice %arg17[%add3A_14, %dma_wait3A_66] : memref<10112x128xbf16, #tpu.memory_space<vmem_shared>> -> memref<128x128xbf16, #tpu.memory_space<vmem_shared>>
      %dma_wait3A_68 = arith.constant 0 : i32
      %dma_wait3A_69 = tpu.memref_slice %arg17[%add3A_14, %dma_wait3A_68] : memref<10112x128xbf16, #tpu.memory_space<vmem_shared>> -> memref<128x128xbf16, #tpu.memory_space<vmem_shared>>
      %dma_wait3A_70 = arith.constant 0 : i32
      %dma_wait3A_71 = arith.constant 0 : i32
      %dma_wait3A_72 = tpu.memref_slice %arg14[%run_scoped3A_15, %dma_wait3A_70, %dma_wait3A_71] : memref<5x128x128xbf16, #tpu.memory_space<vmem>> -> memref<1x128x128xbf16, #tpu.memory_space<vmem>>
      %dma_wait3A_73 = tpu.memref_squeeze %dma_wait3A_72 : memref<1x128x128xbf16, #tpu.memory_space<vmem>> -> memref<128x128xbf16, #tpu.memory_space<vmem>>
      tpu.wait_dma2 semaphore(%run_scoped3A_51 : memref<!tpu.dma_semaphore, #tpu.memory_space<semaphore_mem>>) src(%dma_wait3A_73 : memref<128x128xbf16, #tpu.memory_space<vmem>>) dst(%dma_wait3A_69 : memref<128x128xbf16, #tpu.memory_space<vmem_shared>>)
      tpu.yield
    }) : () -> ()
    %add3A_16 = arith.constant 128 : i32
    %add3A_17 = arith.addi %mul3A_9, %add3A_16 : i32
    "tpu.region"() ({
      %run_scoped3A_51 = tpu.sem_alloc : memref<!tpu.dma_semaphore, #tpu.memory_space<semaphore_mem>>
      %dma_start3A = arith.constant 0 : i32
      %dma_start3A_52 = tpu.memref_slice %arg18[%add3A_17, %dma_start3A] : memref<10112x8xf32, #tpu.memory_space<vmem_shared>> -> memref<128x8xf32, #tpu.memory_space<vmem_shared>>
      %dma_start3A_53 = arith.constant 0 : i32
      %dma_start3A_54 = tpu.memref_slice %arg18[%add3A_17, %dma_start3A_53] : memref<10112x8xf32, #tpu.memory_space<vmem_shared>> -> memref<128x8xf32, #tpu.memory_space<vmem_shared>>
      tpu.enqueue_dma source(%arg16 : memref<128x8xf32, #tpu.memory_space<vmem>>) target(%dma_start3A_54 : memref<128x8xf32, #tpu.memory_space<vmem_shared>>) target_semaphore(%run_scoped3A_51 : memref<!tpu.dma_semaphore, #tpu.memory_space<semaphore_mem>>)
      %dma_wait3A = arith.constant 0 : i32
      %dma_wait3A_55 = tpu.memref_slice %arg18[%add3A_17, %dma_wait3A] : memref<10112x8xf32, #tpu.memory_space<vmem_shared>> -> memref<128x8xf32, #tpu.memory_space<vmem_shared>>
      %dma_wait3A_56 = arith.constant 0 : i32
      %dma_wait3A_57 = tpu.memref_slice %arg18[%add3A_17, %dma_wait3A_56] : memref<10112x8xf32, #tpu.memory_space<vmem_shared>> -> memref<128x8xf32, #tpu.memory_space<vmem_shared>>
      tpu.wait_dma2 semaphore(%run_scoped3A_51 : memref<!tpu.dma_semaphore, #tpu.memory_space<semaphore_mem>>) src(%arg16 : memref<128x8xf32, #tpu.memory_space<vmem>>) dst(%dma_wait3A_57 : memref<128x8xf32, #tpu.memory_space<vmem_shared>>)
      tpu.yield
    }) : () -> ()
    %add3A_18 = arith.constant 256 : i32
    %add3A_19 = arith.addi %mul3A_9, %add3A_18 : i32
    %run_scoped3A_20 = arith.constant 0 : i32
    "tpu.region"() ({
      %run_scoped3A_51 = tpu.sem_alloc : memref<!tpu.dma_semaphore, #tpu.memory_space<semaphore_mem>>
      %dma_start3A = arith.constant 0 : i32
      %dma_start3A_52 = arith.constant 0 : i32
      %dma_start3A_53 = tpu.memref_slice %arg14[%run_scoped3A_20, %dma_start3A, %dma_start3A_52] : memref<5x128x128xbf16, #tpu.memory_space<vmem>> -> memref<1x128x128xbf16, #tpu.memory_space<vmem>>
      %dma_start3A_54 = tpu.memref_squeeze %dma_start3A_53 : memref<1x128x128xbf16, #tpu.memory_space<vmem>> -> memref<128x128xbf16, #tpu.memory_space<vmem>>
      %dma_start3A_55 = arith.constant 0 : i32
      %dma_start3A_56 = tpu.memref_slice %arg17[%add3A_19, %dma_start3A_55] : memref<10112x128xbf16, #tpu.memory_space<vmem_shared>> -> memref<128x128xbf16, #tpu.memory_space<vmem_shared>>
      %dma_start3A_57 = arith.constant 0 : i32
      %dma_start3A_58 = tpu.memref_slice %arg17[%add3A_19, %dma_start3A_57] : memref<10112x128xbf16, #tpu.memory_space<vmem_shared>> -> memref<128x128xbf16, #tpu.memory_space<vmem_shared>>
      %dma_start3A_59 = arith.constant 0 : i32
      %dma_start3A_60 = arith.constant 0 : i32
      %dma_start3A_61 = tpu.memref_slice %arg14[%run_scoped3A_20, %dma_start3A_59, %dma_start3A_60] : memref<5x128x128xbf16, #tpu.memory_space<vmem>> -> memref<1x128x128xbf16, #tpu.memory_space<vmem>>
      %dma_start3A_62 = tpu.memref_squeeze %dma_start3A_61 : memref<1x128x128xbf16, #tpu.memory_space<vmem>> -> memref<128x128xbf16, #tpu.memory_space<vmem>>
      tpu.enqueue_dma source(%dma_start3A_62 : memref<128x128xbf16, #tpu.memory_space<vmem>>) target(%dma_start3A_58 : memref<128x128xbf16, #tpu.memory_space<vmem_shared>>) target_semaphore(%run_scoped3A_51 : memref<!tpu.dma_semaphore, #tpu.memory_space<semaphore_mem>>)
      %dma_wait3A = arith.constant 0 : i32
      %dma_wait3A_63 = arith.constant 0 : i32
      %dma_wait3A_64 = tpu.memref_slice %arg14[%run_scoped3A_20, %dma_wait3A, %dma_wait3A_63] : memref<5x128x128xbf16, #tpu.memory_space<vmem>> -> memref<1x128x128xbf16, #tpu.memory_space<vmem>>
      %dma_wait3A_65 = tpu.memref_squeeze %dma_wait3A_64 : memref<1x128x128xbf16, #tpu.memory_space<vmem>> -> memref<128x128xbf16, #tpu.memory_space<vmem>>
      %dma_wait3A_66 = arith.constant 0 : i32
      %dma_wait3A_67 = tpu.memref_slice %arg17[%add3A_19, %dma_wait3A_66] : memref<10112x128xbf16, #tpu.memory_space<vmem_shared>> -> memref<128x128xbf16, #tpu.memory_space<vmem_shared>>
      %dma_wait3A_68 = arith.constant 0 : i32
      %dma_wait3A_69 = tpu.memref_slice %arg17[%add3A_19, %dma_wait3A_68] : memref<10112x128xbf16, #tpu.memory_space<vmem_shared>> -> memref<128x128xbf16, #tpu.memory_space<vmem_shared>>
      %dma_wait3A_70 = arith.constant 0 : i32
      %dma_wait3A_71 = arith.constant 0 : i32
      %dma_wait3A_72 = tpu.memref_slice %arg14[%run_scoped3A_20, %dma_wait3A_70, %dma_wait3A_71] : memref<5x128x128xbf16, #tpu.memory_space<vmem>> -> memref<1x128x128xbf16, #tpu.memory_space<vmem>>
      %dma_wait3A_73 = tpu.memref_squeeze %dma_wait3A_72 : memref<1x128x128xbf16, #tpu.memory_space<vmem>> -> memref<128x128xbf16, #tpu.memory_space<vmem>>
      tpu.wait_dma2 semaphore(%run_scoped3A_51 : memref<!tpu.dma_semaphore, #tpu.memory_space<semaphore_mem>>) src(%dma_wait3A_73 : memref<128x128xbf16, #tpu.memory_space<vmem>>) dst(%dma_wait3A_69 : memref<128x128xbf16, #tpu.memory_space<vmem_shared>>)
      tpu.yield
    }) : () -> ()
    %add3A_21 = arith.constant 256 : i32
    %add3A_22 = arith.addi %mul3A_9, %add3A_21 : i32
    "tpu.region"() ({
      %run_scoped3A_51 = tpu.sem_alloc : memref<!tpu.dma_semaphore, #tpu.memory_space<semaphore_mem>>
      %dma_start3A = arith.constant 0 : i32
      %dma_start3A_52 = tpu.memref_slice %arg18[%add3A_22, %dma_start3A] : memref<10112x8xf32, #tpu.memory_space<vmem_shared>> -> memref<128x8xf32, #tpu.memory_space<vmem_shared>>
      %dma_start3A_53 = arith.constant 0 : i32
      %dma_start3A_54 = tpu.memref_slice %arg18[%add3A_22, %dma_start3A_53] : memref<10112x8xf32, #tpu.memory_space<vmem_shared>> -> memref<128x8xf32, #tpu.memory_space<vmem_shared>>
      tpu.enqueue_dma source(%arg16 : memref<128x8xf32, #tpu.memory_space<vmem>>) target(%dma_start3A_54 : memref<128x8xf32, #tpu.memory_space<vmem_shared>>) target_semaphore(%run_scoped3A_51 : memref<!tpu.dma_semaphore, #tpu.memory_space<semaphore_mem>>)
      %dma_wait3A = arith.constant 0 : i32
      %dma_wait3A_55 = tpu.memref_slice %arg18[%add3A_22, %dma_wait3A] : memref<10112x8xf32, #tpu.memory_space<vmem_shared>> -> memref<128x8xf32, #tpu.memory_space<vmem_shared>>
      %dma_wait3A_56 = arith.constant 0 : i32
      %dma_wait3A_57 = tpu.memref_slice %arg18[%add3A_22, %dma_wait3A_56] : memref<10112x8xf32, #tpu.memory_space<vmem_shared>> -> memref<128x8xf32, #tpu.memory_space<vmem_shared>>
      tpu.wait_dma2 semaphore(%run_scoped3A_51 : memref<!tpu.dma_semaphore, #tpu.memory_space<semaphore_mem>>) src(%arg16 : memref<128x8xf32, #tpu.memory_space<vmem>>) dst(%dma_wait3A_57 : memref<128x8xf32, #tpu.memory_space<vmem_shared>>)
      tpu.yield
    }) : () -> ()
    %add3A_23 = arith.constant 384 : i32
    %add3A_24 = arith.addi %mul3A_9, %add3A_23 : i32
    %run_scoped3A_25 = arith.constant 0 : i32
    "tpu.region"() ({
      %run_scoped3A_51 = tpu.sem_alloc : memref<!tpu.dma_semaphore, #tpu.memory_space<semaphore_mem>>
      %dma_start3A = arith.constant 0 : i32
      %dma_start3A_52 = arith.constant 0 : i32
      %dma_start3A_53 = tpu.memref_slice %arg14[%run_scoped3A_25, %dma_start3A, %dma_start3A_52] : memref<5x128x128xbf16, #tpu.memory_space<vmem>> -> memref<1x128x128xbf16, #tpu.memory_space<vmem>>
      %dma_start3A_54 = tpu.memref_squeeze %dma_start3A_53 : memref<1x128x128xbf16, #tpu.memory_space<vmem>> -> memref<128x128xbf16, #tpu.memory_space<vmem>>
      %dma_start3A_55 = arith.constant 0 : i32
      %dma_start3A_56 = tpu.memref_slice %arg17[%add3A_24, %dma_start3A_55] : memref<10112x128xbf16, #tpu.memory_space<vmem_shared>> -> memref<128x128xbf16, #tpu.memory_space<vmem_shared>>
      %dma_start3A_57 = arith.constant 0 : i32
      %dma_start3A_58 = tpu.memref_slice %arg17[%add3A_24, %dma_start3A_57] : memref<10112x128xbf16, #tpu.memory_space<vmem_shared>> -> memref<128x128xbf16, #tpu.memory_space<vmem_shared>>
      %dma_start3A_59 = arith.constant 0 : i32
      %dma_start3A_60 = arith.constant 0 : i32
      %dma_start3A_61 = tpu.memref_slice %arg14[%run_scoped3A_25, %dma_start3A_59, %dma_start3A_60] : memref<5x128x128xbf16, #tpu.memory_space<vmem>> -> memref<1x128x128xbf16, #tpu.memory_space<vmem>>
      %dma_start3A_62 = tpu.memref_squeeze %dma_start3A_61 : memref<1x128x128xbf16, #tpu.memory_space<vmem>> -> memref<128x128xbf16, #tpu.memory_space<vmem>>
      tpu.enqueue_dma source(%dma_start3A_62 : memref<128x128xbf16, #tpu.memory_space<vmem>>) target(%dma_start3A_58 : memref<128x128xbf16, #tpu.memory_space<vmem_shared>>) target_semaphore(%run_scoped3A_51 : memref<!tpu.dma_semaphore, #tpu.memory_space<semaphore_mem>>)
      %dma_wait3A = arith.constant 0 : i32
      %dma_wait3A_63 = arith.constant 0 : i32
      %dma_wait3A_64 = tpu.memref_slice %arg14[%run_scoped3A_25, %dma_wait3A, %dma_wait3A_63] : memref<5x128x128xbf16, #tpu.memory_space<vmem>> -> memref<1x128x128xbf16, #tpu.memory_space<vmem>>
      %dma_wait3A_65 = tpu.memref_squeeze %dma_wait3A_64 : memref<1x128x128xbf16, #tpu.memory_space<vmem>> -> memref<128x128xbf16, #tpu.memory_space<vmem>>
      %dma_wait3A_66 = arith.constant 0 : i32
      %dma_wait3A_67 = tpu.memref_slice %arg17[%add3A_24, %dma_wait3A_66] : memref<10112x128xbf16, #tpu.memory_space<vmem_shared>> -> memref<128x128xbf16, #tpu.memory_space<vmem_shared>>
      %dma_wait3A_68 = arith.constant 0 : i32
      %dma_wait3A_69 = tpu.memref_slice %arg17[%add3A_24, %dma_wait3A_68] : memref<10112x128xbf16, #tpu.memory_space<vmem_shared>> -> memref<128x128xbf16, #tpu.memory_space<vmem_shared>>
      %dma_wait3A_70 = arith.constant 0 : i32
      %dma_wait3A_71 = arith.constant 0 : i32
      %dma_wait3A_72 = tpu.memref_slice %arg14[%run_scoped3A_25, %dma_wait3A_70, %dma_wait3A_71] : memref<5x128x128xbf16, #tpu.memory_space<vmem>> -> memref<1x128x128xbf16, #tpu.memory_space<vmem>>
      %dma_wait3A_73 = tpu.memref_squeeze %dma_wait3A_72 : memref<1x128x128xbf16, #tpu.memory_space<vmem>> -> memref<128x128xbf16, #tpu.memory_space<vmem>>
      tpu.wait_dma2 semaphore(%run_scoped3A_51 : memref<!tpu.dma_semaphore, #tpu.memory_space<semaphore_mem>>) src(%dma_wait3A_73 : memref<128x128xbf16, #tpu.memory_space<vmem>>) dst(%dma_wait3A_69 : memref<128x128xbf16, #tpu.memory_space<vmem_shared>>)
      tpu.yield
    }) : () -> ()
    %add3A_26 = arith.constant 384 : i32
    %add3A_27 = arith.addi %mul3A_9, %add3A_26 : i32
    "tpu.region"() ({
      %run_scoped3A_51 = tpu.sem_alloc : memref<!tpu.dma_semaphore, #tpu.memory_space<semaphore_mem>>
      %dma_start3A = arith.constant 0 : i32
      %dma_start3A_52 = tpu.memref_slice %arg18[%add3A_27, %dma_start3A] : memref<10112x8xf32, #tpu.memory_space<vmem_shared>> -> memref<128x8xf32, #tpu.memory_space<vmem_shared>>
      %dma_start3A_53 = arith.constant 0 : i32
      %dma_start3A_54 = tpu.memref_slice %arg18[%add3A_27, %dma_start3A_53] : memref<10112x8xf32, #tpu.memory_space<vmem_shared>> -> memref<128x8xf32, #tpu.memory_space<vmem_shared>>
      tpu.enqueue_dma source(%arg16 : memref<128x8xf32, #tpu.memory_space<vmem>>) target(%dma_start3A_54 : memref<128x8xf32, #tpu.memory_space<vmem_shared>>) target_semaphore(%run_scoped3A_51 : memref<!tpu.dma_semaphore, #tpu.memory_space<semaphore_mem>>)
      %dma_wait3A = arith.constant 0 : i32
      %dma_wait3A_55 = tpu.memref_slice %arg18[%add3A_27, %dma_wait3A] : memref<10112x8xf32, #tpu.memory_space<vmem_shared>> -> memref<128x8xf32, #tpu.memory_space<vmem_shared>>
      %dma_wait3A_56 = arith.constant 0 : i32
      %dma_wait3A_57 = tpu.memref_slice %arg18[%add3A_27, %dma_wait3A_56] : memref<10112x8xf32, #tpu.memory_space<vmem_shared>> -> memref<128x8xf32, #tpu.memory_space<vmem_shared>>
      tpu.wait_dma2 semaphore(%run_scoped3A_51 : memref<!tpu.dma_semaphore, #tpu.memory_space<semaphore_mem>>) src(%arg16 : memref<128x8xf32, #tpu.memory_space<vmem>>) dst(%dma_wait3A_57 : memref<128x8xf32, #tpu.memory_space<vmem_shared>>)
      tpu.yield
    }) : () -> ()
    %add3A_28 = arith.constant 504 : i32
    %add3A_29 = arith.addi %mul3A_9, %add3A_28 : i32
    %run_scoped3A_30 = arith.constant 0 : i32
    "tpu.region"() ({
      %run_scoped3A_51 = tpu.sem_alloc : memref<!tpu.dma_semaphore, #tpu.memory_space<semaphore_mem>>
      %dma_start3A = arith.constant 0 : i32
      %dma_start3A_52 = arith.constant 0 : i32
      %dma_start3A_53 = tpu.memref_slice %arg14[%run_scoped3A_30, %dma_start3A, %dma_start3A_52] : memref<5x128x128xbf16, #tpu.memory_space<vmem>> -> memref<1x128x128xbf16, #tpu.memory_space<vmem>>
      %dma_start3A_54 = tpu.memref_squeeze %dma_start3A_53 : memref<1x128x128xbf16, #tpu.memory_space<vmem>> -> memref<128x128xbf16, #tpu.memory_space<vmem>>
      %dma_start3A_55 = arith.constant 0 : i32
      %dma_start3A_56 = tpu.memref_slice %arg17[%add3A_29, %dma_start3A_55] : memref<10112x128xbf16, #tpu.memory_space<vmem_shared>> -> memref<128x128xbf16, #tpu.memory_space<vmem_shared>>
      %dma_start3A_57 = arith.constant 0 : i32
      %dma_start3A_58 = tpu.memref_slice %arg17[%add3A_29, %dma_start3A_57] : memref<10112x128xbf16, #tpu.memory_space<vmem_shared>> -> memref<128x128xbf16, #tpu.memory_space<vmem_shared>>
      %dma_start3A_59 = arith.constant 0 : i32
      %dma_start3A_60 = arith.constant 0 : i32
      %dma_start3A_61 = tpu.memref_slice %arg14[%run_scoped3A_30, %dma_start3A_59, %dma_start3A_60] : memref<5x128x128xbf16, #tpu.memory_space<vmem>> -> memref<1x128x128xbf16, #tpu.memory_space<vmem>>
      %dma_start3A_62 = tpu.memref_squeeze %dma_start3A_61 : memref<1x128x128xbf16, #tpu.memory_space<vmem>> -> memref<128x128xbf16, #tpu.memory_space<vmem>>
      tpu.enqueue_dma source(%dma_start3A_62 : memref<128x128xbf16, #tpu.memory_space<vmem>>) target(%dma_start3A_58 : memref<128x128xbf16, #tpu.memory_space<vmem_shared>>) target_semaphore(%run_scoped3A_51 : memref<!tpu.dma_semaphore, #tpu.memory_space<semaphore_mem>>)
      %dma_wait3A = arith.constant 0 : i32
      %dma_wait3A_63 = arith.constant 0 : i32
      %dma_wait3A_64 = tpu.memref_slice %arg14[%run_scoped3A_30, %dma_wait3A, %dma_wait3A_63] : memref<5x128x128xbf16, #tpu.memory_space<vmem>> -> memref<1x128x128xbf16, #tpu.memory_space<vmem>>
      %dma_wait3A_65 = tpu.memref_squeeze %dma_wait3A_64 : memref<1x128x128xbf16, #tpu.memory_space<vmem>> -> memref<128x128xbf16, #tpu.memory_space<vmem>>
      %dma_wait3A_66 = arith.constant 0 : i32
      %dma_wait3A_67 = tpu.memref_slice %arg17[%add3A_29, %dma_wait3A_66] : memref<10112x128xbf16, #tpu.memory_space<vmem_shared>> -> memref<128x128xbf16, #tpu.memory_space<vmem_shared>>
      %dma_wait3A_68 = arith.constant 0 : i32
      %dma_wait3A_69 = tpu.memref_slice %arg17[%add3A_29, %dma_wait3A_68] : memref<10112x128xbf16, #tpu.memory_space<vmem_shared>> -> memref<128x128xbf16, #tpu.memory_space<vmem_shared>>
      %dma_wait3A_70 = arith.constant 0 : i32
      %dma_wait3A_71 = arith.constant 0 : i32
      %dma_wait3A_72 = tpu.memref_slice %arg14[%run_scoped3A_30, %dma_wait3A_70, %dma_wait3A_71] : memref<5x128x128xbf16, #tpu.memory_space<vmem>> -> memref<1x128x128xbf16, #tpu.memory_space<vmem>>
      %dma_wait3A_73 = tpu.memref_squeeze %dma_wait3A_72 : memref<1x128x128xbf16, #tpu.memory_space<vmem>> -> memref<128x128xbf16, #tpu.memory_space<vmem>>
      tpu.wait_dma2 semaphore(%run_scoped3A_51 : memref<!tpu.dma_semaphore, #tpu.memory_space<semaphore_mem>>) src(%dma_wait3A_73 : memref<128x128xbf16, #tpu.memory_space<vmem>>) dst(%dma_wait3A_69 : memref<128x128xbf16, #tpu.memory_space<vmem_shared>>)
      tpu.yield
    }) : () -> ()
    %add3A_31 = arith.constant 504 : i32
    %add3A_32 = arith.addi %mul3A_9, %add3A_31 : i32
    "tpu.region"() ({
      %run_scoped3A_51 = tpu.sem_alloc : memref<!tpu.dma_semaphore, #tpu.memory_space<semaphore_mem>>
      %dma_start3A = arith.constant 0 : i32
      %dma_start3A_52 = tpu.memref_slice %arg18[%add3A_32, %dma_start3A] : memref<10112x8xf32, #tpu.memory_space<vmem_shared>> -> memref<128x8xf32, #tpu.memory_space<vmem_shared>>
      %dma_start3A_53 = arith.constant 0 : i32
      %dma_start3A_54 = tpu.memref_slice %arg18[%add3A_32, %dma_start3A_53] : memref<10112x8xf32, #tpu.memory_space<vmem_shared>> -> memref<128x8xf32, #tpu.memory_space<vmem_shared>>
      tpu.enqueue_dma source(%arg16 : memref<128x8xf32, #tpu.memory_space<vmem>>) target(%dma_start3A_54 : memref<128x8xf32, #tpu.memory_space<vmem_shared>>) target_semaphore(%run_scoped3A_51 : memref<!tpu.dma_semaphore, #tpu.memory_space<semaphore_mem>>)
      %dma_wait3A = arith.constant 0 : i32
      %dma_wait3A_55 = tpu.memref_slice %arg18[%add3A_32, %dma_wait3A] : memref<10112x8xf32, #tpu.memory_space<vmem_shared>> -> memref<128x8xf32, #tpu.memory_space<vmem_shared>>
      %dma_wait3A_56 = arith.constant 0 : i32
      %dma_wait3A_57 = tpu.memref_slice %arg18[%add3A_32, %dma_wait3A_56] : memref<10112x8xf32, #tpu.memory_space<vmem_shared>> -> memref<128x8xf32, #tpu.memory_space<vmem_shared>>
      tpu.wait_dma2 semaphore(%run_scoped3A_51 : memref<!tpu.dma_semaphore, #tpu.memory_space<semaphore_mem>>) src(%arg16 : memref<128x8xf32, #tpu.memory_space<vmem>>) dst(%dma_wait3A_57 : memref<128x8xf32, #tpu.memory_space<vmem_shared>>)
      tpu.yield
    }) : () -> ()
    %barrier3A = arith.constant 0 : index
    tpu.barrier barrier_id(%barrier3A)
    %eq3A = arith.constant 0 : i32
    %eq3A_33 = arith.cmpi eq, %arg0, %eq3A : i32
    %convert_element_type3A = arith.extui %eq3A_33 : i1 to i32
    %cond3A = arith.constant 0 : i32
    %cond3A_34 = arith.cmpi ne, %convert_element_type3A, %cond3A : i32
    scf.if %cond3A_34 {
      "tpu.region"() ({
        %run_scoped3A_197 = tpu.sem_alloc : memref<!tpu.dma_semaphore, #tpu.memory_space<semaphore_mem>>
        %dma_start3A_198 = arith.constant 0 : i32
        %dma_start3A_199 = arith.constant 0 : i32
        %dma_start3A_200 = tpu.memref_slice %arg4[%arg1, %dma_start3A_198, %dma_start3A_199] : memref<16x80x128xi32, #tpu.memory_space<hbm>> -> memref<1x80x128xi32, #tpu.memory_space<hbm>>
        %dma_start3A_201 = tpu.memref_squeeze %dma_start3A_200 : memref<1x80x128xi32, #tpu.memory_space<hbm>> -> memref<80x128xi32, #tpu.memory_space<hbm>>
        %dma_start3A_202 = arith.constant 0 : i32
        %dma_start3A_203 = arith.constant 0 : i32
        %dma_start3A_204 = tpu.memref_slice %arg4[%arg1, %dma_start3A_202, %dma_start3A_203] : memref<16x80x128xi32, #tpu.memory_space<hbm>> -> memref<1x80x128xi32, #tpu.memory_space<hbm>>
        %dma_start3A_205 = tpu.memref_squeeze %dma_start3A_204 : memref<1x80x128xi32, #tpu.memory_space<hbm>> -> memref<80x128xi32, #tpu.memory_space<hbm>>
        tpu.enqueue_dma source(%dma_start3A_205 : memref<80x128xi32, #tpu.memory_space<hbm>>) target(%arg12 : memref<80x128xi32, #tpu.memory_space<vmem>>) target_semaphore(%run_scoped3A_197 : memref<!tpu.dma_semaphore, #tpu.memory_space<semaphore_mem>>)
        %dma_wait3A_206 = arith.constant 0 : i32
        %dma_wait3A_207 = arith.constant 0 : i32
        %dma_wait3A_208 = tpu.memref_slice %arg4[%arg1, %dma_wait3A_206, %dma_wait3A_207] : memref<16x80x128xi32, #tpu.memory_space<hbm>> -> memref<1x80x128xi32, #tpu.memory_space<hbm>>
        %dma_wait3A_209 = tpu.memref_squeeze %dma_wait3A_208 : memref<1x80x128xi32, #tpu.memory_space<hbm>> -> memref<80x128xi32, #tpu.memory_space<hbm>>
        %dma_wait3A_210 = arith.constant 0 : i32
        %dma_wait3A_211 = arith.constant 0 : i32
        %dma_wait3A_212 = tpu.memref_slice %arg4[%arg1, %dma_wait3A_210, %dma_wait3A_211] : memref<16x80x128xi32, #tpu.memory_space<hbm>> -> memref<1x80x128xi32, #tpu.memory_space<hbm>>
        %dma_wait3A_213 = tpu.memref_squeeze %dma_wait3A_212 : memref<1x80x128xi32, #tpu.memory_space<hbm>> -> memref<80x128xi32, #tpu.memory_space<hbm>>
        tpu.wait_dma2 semaphore(%run_scoped3A_197 : memref<!tpu.dma_semaphore, #tpu.memory_space<semaphore_mem>>) src(%dma_wait3A_213 : memref<80x128xi32, #tpu.memory_space<hbm>>) dst(%arg12 : memref<80x128xi32, #tpu.memory_space<vmem>>)
        tpu.yield
      }) : () -> ()
      "tpu.region"() ({
        %run_scoped3A_197 = tpu.sem_alloc : memref<!tpu.dma_semaphore, #tpu.memory_space<semaphore_mem>>
        %dma_start3A_198 = arith.constant 0 : i32
        %dma_start3A_199 = arith.constant 0 : i32
        %dma_start3A_200 = tpu.memref_slice %arg5[%arg1, %dma_start3A_198, %dma_start3A_199] : memref<16x80x128xi32, #tpu.memory_space<hbm>> -> memref<1x80x128xi32, #tpu.memory_space<hbm>>
        %dma_start3A_201 = tpu.memref_squeeze %dma_start3A_200 : memref<1x80x128xi32, #tpu.memory_space<hbm>> -> memref<80x128xi32, #tpu.memory_space<hbm>>
        %dma_start3A_202 = arith.constant 0 : i32
        %dma_start3A_203 = arith.constant 0 : i32
        %dma_start3A_204 = tpu.memref_slice %arg5[%arg1, %dma_start3A_202, %dma_start3A_203] : memref<16x80x128xi32, #tpu.memory_space<hbm>> -> memref<1x80x128xi32, #tpu.memory_space<hbm>>
        %dma_start3A_205 = tpu.memref_squeeze %dma_start3A_204 : memref<1x80x128xi32, #tpu.memory_space<hbm>> -> memref<80x128xi32, #tpu.memory_space<hbm>>
        tpu.enqueue_dma source(%dma_start3A_205 : memref<80x128xi32, #tpu.memory_space<hbm>>) target(%arg13 : memref<80x128xi32, #tpu.memory_space<vmem>>) target_semaphore(%run_scoped3A_197 : memref<!tpu.dma_semaphore, #tpu.memory_space<semaphore_mem>>)
        %dma_wait3A_206 = arith.constant 0 : i32
        %dma_wait3A_207 = arith.constant 0 : i32
        %dma_wait3A_208 = tpu.memref_slice %arg5[%arg1, %dma_wait3A_206, %dma_wait3A_207] : memref<16x80x128xi32, #tpu.memory_space<hbm>> -> memref<1x80x128xi32, #tpu.memory_space<hbm>>
        %dma_wait3A_209 = tpu.memref_squeeze %dma_wait3A_208 : memref<1x80x128xi32, #tpu.memory_space<hbm>> -> memref<80x128xi32, #tpu.memory_space<hbm>>
        %dma_wait3A_210 = arith.constant 0 : i32
        %dma_wait3A_211 = arith.constant 0 : i32
        %dma_wait3A_212 = tpu.memref_slice %arg5[%arg1, %dma_wait3A_210, %dma_wait3A_211] : memref<16x80x128xi32, #tpu.memory_space<hbm>> -> memref<1x80x128xi32, #tpu.memory_space<hbm>>
        %dma_wait3A_213 = tpu.memref_squeeze %dma_wait3A_212 : memref<1x80x128xi32, #tpu.memory_space<hbm>> -> memref<80x128xi32, #tpu.memory_space<hbm>>
        tpu.wait_dma2 semaphore(%run_scoped3A_197 : memref<!tpu.dma_semaphore, #tpu.memory_space<semaphore_mem>>) src(%dma_wait3A_213 : memref<80x128xi32, #tpu.memory_space<hbm>>) dst(%arg13 : memref<80x128xi32, #tpu.memory_space<vmem>>)
        tpu.yield
      }) : () -> ()
      %dma_start3A = arith.constant 0 : i32
      %dma_start3A_51 = arith.constant 0 : i32
      %dma_start3A_52 = arith.constant 0 : i32
      %dma_start3A_53 = arith.constant 0 : i32
      %dma_start3A_54 = tpu.memref_slice %arg14[%dma_start3A_51, %dma_start3A_52, %dma_start3A_53] : memref<5x128x128xbf16, #tpu.memory_space<vmem>> -> memref<1x128x128xbf16, #tpu.memory_space<vmem>>
      %dma_start3A_55 = tpu.memref_squeeze %dma_start3A_54 : memref<1x128x128xbf16, #tpu.memory_space<vmem>> -> memref<128x128xbf16, #tpu.memory_space<vmem>>
      %dma_start3A_56 = arith.constant 0 : i32
      %dma_start3A_57 = tpu.memref_slice %arg12[%dma_start3A, %dma_start3A_56] : memref<80x128xi32, #tpu.memory_space<vmem>> -> memref<1x128xi32, #tpu.memory_space<vmem>>
      %dma_start3A_58 = tpu.memref_squeeze %dma_start3A_57 : memref<1x128xi32, #tpu.memory_space<vmem>> -> memref<128xi32, #tpu.memory_space<vmem>>
      %dma_start3A_59 = arith.constant 0 : i32
      %dma_start3A_60 = arith.constant 0 : i32
      %dma_start3A_61 = tpu.memref_slice %arg2[%dma_start3A_59, %dma_start3A_60] : memref<10000x128xbf16, #tpu.memory_space<hbm>> -> memref<10000x128xbf16, #tpu.memory_space<hbm>>
      tpu.enqueue_indirect_dma source(%dma_start3A_61 : memref<10000x128xbf16, #tpu.memory_space<hbm>>) target(%dma_start3A_55 : memref<128x128xbf16, #tpu.memory_space<vmem>>) offsets(%dma_start3A_58 : memref<128xi32, #tpu.memory_space<vmem>>) semaphore(%arg19 : memref<!tpu.dma_semaphore, #tpu.memory_space<semaphore_mem>>)
      %dma_start3A_62 = arith.constant 1 : i32
      %dma_start3A_63 = arith.constant 1 : i32
      %dma_start3A_64 = arith.constant 0 : i32
      %dma_start3A_65 = arith.constant 0 : i32
      %dma_start3A_66 = tpu.memref_slice %arg14[%dma_start3A_63, %dma_start3A_64, %dma_start3A_65] : memref<5x128x128xbf16, #tpu.memory_space<vmem>> -> memref<1x128x128xbf16, #tpu.memory_space<vmem>>
      %dma_start3A_67 = tpu.memref_squeeze %dma_start3A_66 : memref<1x128x128xbf16, #tpu.memory_space<vmem>> -> memref<128x128xbf16, #tpu.memory_space<vmem>>
      %dma_start3A_68 = arith.constant 0 : i32
      %dma_start3A_69 = tpu.memref_slice %arg12[%dma_start3A_62, %dma_start3A_68] : memref<80x128xi32, #tpu.memory_space<vmem>> -> memref<1x128xi32, #tpu.memory_space<vmem>>
      %dma_start3A_70 = tpu.memref_squeeze %dma_start3A_69 : memref<1x128xi32, #tpu.memory_space<vmem>> -> memref<128xi32, #tpu.memory_space<vmem>>
      %dma_start3A_71 = arith.constant 0 : i32
      %dma_start3A_72 = arith.constant 0 : i32
      %dma_start3A_73 = tpu.memref_slice %arg2[%dma_start3A_71, %dma_start3A_72] : memref<10000x128xbf16, #tpu.memory_space<hbm>> -> memref<10000x128xbf16, #tpu.memory_space<hbm>>
      tpu.enqueue_indirect_dma source(%dma_start3A_73 : memref<10000x128xbf16, #tpu.memory_space<hbm>>) target(%dma_start3A_67 : memref<128x128xbf16, #tpu.memory_space<vmem>>) offsets(%dma_start3A_70 : memref<128xi32, #tpu.memory_space<vmem>>) semaphore(%arg20 : memref<!tpu.dma_semaphore, #tpu.memory_space<semaphore_mem>>)
      %dma_start3A_74 = arith.constant 2 : i32
      %dma_start3A_75 = arith.constant 2 : i32
      %dma_start3A_76 = arith.constant 0 : i32
      %dma_start3A_77 = arith.constant 0 : i32
      %dma_start3A_78 = tpu.memref_slice %arg14[%dma_start3A_75, %dma_start3A_76, %dma_start3A_77] : memref<5x128x128xbf16, #tpu.memory_space<vmem>> -> memref<1x128x128xbf16, #tpu.memory_space<vmem>>
      %dma_start3A_79 = tpu.memref_squeeze %dma_start3A_78 : memref<1x128x128xbf16, #tpu.memory_space<vmem>> -> memref<128x128xbf16, #tpu.memory_space<vmem>>
      %dma_start3A_80 = arith.constant 0 : i32
      %dma_start3A_81 = tpu.memref_slice %arg12[%dma_start3A_74, %dma_start3A_80] : memref<80x128xi32, #tpu.memory_space<vmem>> -> memref<1x128xi32, #tpu.memory_space<vmem>>
      %dma_start3A_82 = tpu.memref_squeeze %dma_start3A_81 : memref<1x128xi32, #tpu.memory_space<vmem>> -> memref<128xi32, #tpu.memory_space<vmem>>
      %dma_start3A_83 = arith.constant 0 : i32
      %dma_start3A_84 = arith.constant 0 : i32
      %dma_start3A_85 = tpu.memref_slice %arg2[%dma_start3A_83, %dma_start3A_84] : memref<10000x128xbf16, #tpu.memory_space<hbm>> -> memref<10000x128xbf16, #tpu.memory_space<hbm>>
      tpu.enqueue_indirect_dma source(%dma_start3A_85 : memref<10000x128xbf16, #tpu.memory_space<hbm>>) target(%dma_start3A_79 : memref<128x128xbf16, #tpu.memory_space<vmem>>) offsets(%dma_start3A_82 : memref<128xi32, #tpu.memory_space<vmem>>) semaphore(%arg21 : memref<!tpu.dma_semaphore, #tpu.memory_space<semaphore_mem>>)
      %dma_start3A_86 = arith.constant 3 : i32
      %dma_start3A_87 = arith.constant 3 : i32
      %dma_start3A_88 = arith.constant 0 : i32
      %dma_start3A_89 = arith.constant 0 : i32
      %dma_start3A_90 = tpu.memref_slice %arg14[%dma_start3A_87, %dma_start3A_88, %dma_start3A_89] : memref<5x128x128xbf16, #tpu.memory_space<vmem>> -> memref<1x128x128xbf16, #tpu.memory_space<vmem>>
      %dma_start3A_91 = tpu.memref_squeeze %dma_start3A_90 : memref<1x128x128xbf16, #tpu.memory_space<vmem>> -> memref<128x128xbf16, #tpu.memory_space<vmem>>
      %dma_start3A_92 = arith.constant 0 : i32
      %dma_start3A_93 = tpu.memref_slice %arg12[%dma_start3A_86, %dma_start3A_92] : memref<80x128xi32, #tpu.memory_space<vmem>> -> memref<1x128xi32, #tpu.memory_space<vmem>>
      %dma_start3A_94 = tpu.memref_squeeze %dma_start3A_93 : memref<1x128xi32, #tpu.memory_space<vmem>> -> memref<128xi32, #tpu.memory_space<vmem>>
      %dma_start3A_95 = arith.constant 0 : i32
      %dma_start3A_96 = arith.constant 0 : i32
      %dma_start3A_97 = tpu.memref_slice %arg2[%dma_start3A_95, %dma_start3A_96] : memref<10000x128xbf16, #tpu.memory_space<hbm>> -> memref<10000x128xbf16, #tpu.memory_space<hbm>>
      tpu.enqueue_indirect_dma source(%dma_start3A_97 : memref<10000x128xbf16, #tpu.memory_space<hbm>>) target(%dma_start3A_91 : memref<128x128xbf16, #tpu.memory_space<vmem>>) offsets(%dma_start3A_94 : memref<128xi32, #tpu.memory_space<vmem>>) semaphore(%arg22 : memref<!tpu.dma_semaphore, #tpu.memory_space<semaphore_mem>>)
      %scan3A_98 = arith.constant 0 : i32
      %scan3A_99 = arith.constant 16 : i32
      %scan3A_100 = arith.addi %scan3A_98, %scan3A_99 : i32
      %scan3A_101 = arith.constant 1 : i32
      scf.for %scan3A_197 = %scan3A_98 to %scan3A_100 step %scan3A_101  : i32 {
        %mul3A_198 = arith.constant 5 : i32
        %mul3A_199 = arith.muli %scan3A_197, %mul3A_198 : i32
        %add3A_200 = arith.constant 0 : i32
        %add3A_201 = arith.addi %add3A_200, %mul3A_199 : i32
        %add3A_202 = arith.constant 0 : i32
        %add3A_203 = arith.addi %add3A_201, %add3A_202 : i32
        %dma_wait3A_204 = arith.constant 0 : i32
        %dma_wait3A_205 = arith.constant 0 : i32
        %dma_wait3A_206 = arith.constant 0 : i32
        %dma_wait3A_207 = tpu.memref_slice %arg14[%dma_wait3A_204, %dma_wait3A_205, %dma_wait3A_206] : memref<5x128x128xbf16, #tpu.memory_space<vmem>> -> memref<1x128x128xbf16, #tpu.memory_space<vmem>>
        %dma_wait3A_208 = tpu.memref_squeeze %dma_wait3A_207 : memref<1x128x128xbf16, #tpu.memory_space<vmem>> -> memref<128x128xbf16, #tpu.memory_space<vmem>>
        %dma_wait3A_209 = arith.constant 0 : i32
        %dma_wait3A_210 = tpu.memref_slice %arg12[%add3A_203, %dma_wait3A_209] : memref<80x128xi32, #tpu.memory_space<vmem>> -> memref<1x128xi32, #tpu.memory_space<vmem>>
        %dma_wait3A_211 = tpu.memref_squeeze %dma_wait3A_210 : memref<1x128xi32, #tpu.memory_space<vmem>> -> memref<128xi32, #tpu.memory_space<vmem>>
        %dma_wait3A_212 = arith.constant 0 : i32
        %dma_wait3A_213 = arith.constant 0 : i32
        %dma_wait3A_214 = tpu.memref_slice %arg2[%dma_wait3A_212, %dma_wait3A_213] : memref<10000x128xbf16, #tpu.memory_space<hbm>> -> memref<10000x128xbf16, #tpu.memory_space<hbm>>
        tpu.wait_indirect_dma semaphore(%arg19 : memref<!tpu.dma_semaphore, #tpu.memory_space<semaphore_mem>>) src(%dma_wait3A_214 : memref<10000x128xbf16, #tpu.memory_space<hbm>>) dst(%dma_wait3A_208 : memref<128x128xbf16, #tpu.memory_space<vmem>>)
        %add3A_215 = arith.constant 5 : i32
        %add3A_216 = arith.addi %add3A_203, %add3A_215 : i32
        %sub3A = arith.constant 1 : i32
        %sub3A_217 = arith.subi %add3A_216, %sub3A : i32
        %lt3A = arith.constant 80 : i32
        %lt3A_218 = arith.cmpi slt, %sub3A_217, %lt3A : i32
        %convert_element_type3A_219 = arith.extui %lt3A_218 : i1 to i32
        %cond3A_220 = arith.constant 0 : i32
        %cond3A_221 = arith.cmpi ne, %convert_element_type3A_219, %cond3A_220 : i32
        scf.if %cond3A_221 {
          %ge3A = arith.constant 1 : i32
          %ge3A_395 = arith.cmpi sge, %add3A_203, %ge3A : i32
          %convert_element_type3A_396 = arith.extui %ge3A_395 : i1 to i32
          %cond3A_397 = arith.constant 0 : i32
          %cond3A_398 = arith.cmpi ne, %convert_element_type3A_396, %cond3A_397 : i32
          scf.if %cond3A_398 {
            %sub3A_414 = arith.constant 1 : i32
            %sub3A_415 = arith.subi %add3A_203, %sub3A_414 : i32
            %dma_wait3A_416 = arith.constant 4 : i32
            %dma_wait3A_417 = arith.constant 0 : i32
            %dma_wait3A_418 = arith.constant 0 : i32
            %dma_wait3A_419 = tpu.memref_slice %arg14[%dma_wait3A_416, %dma_wait3A_417, %dma_wait3A_418] : memref<5x128x128xbf16, #tpu.memory_space<vmem>> -> memref<1x128x128xbf16, #tpu.memory_space<vmem>>
            %dma_wait3A_420 = tpu.memref_squeeze %dma_wait3A_419 : memref<1x128x128xbf16, #tpu.memory_space<vmem>> -> memref<128x128xbf16, #tpu.memory_space<vmem>>
            %dma_wait3A_421 = arith.constant 0 : i32
            %dma_wait3A_422 = tpu.memref_slice %arg13[%sub3A_415, %dma_wait3A_421] : memref<80x128xi32, #tpu.memory_space<vmem>> -> memref<1x128xi32, #tpu.memory_space<vmem>>
            %dma_wait3A_423 = tpu.memref_squeeze %dma_wait3A_422 : memref<1x128xi32, #tpu.memory_space<vmem>> -> memref<128xi32, #tpu.memory_space<vmem>>
            %dma_wait3A_424 = arith.constant 0 : i32
            %dma_wait3A_425 = arith.constant 0 : i32
            %dma_wait3A_426 = tpu.memref_slice %arg17[%dma_wait3A_424, %dma_wait3A_425] : memref<10112x128xbf16, #tpu.memory_space<vmem_shared>> -> memref<10112x128xbf16, #tpu.memory_space<vmem_shared>>
            tpu.wait_indirect_dma semaphore(%arg28 : memref<!tpu.dma_semaphore, #tpu.memory_space<semaphore_mem>>) src(%dma_wait3A_420 : memref<128x128xbf16, #tpu.memory_space<vmem>>) dst(%dma_wait3A_426 : memref<10112x128xbf16, #tpu.memory_space<vmem_shared>>)
            %sub3A_427 = arith.constant 1 : i32
            %sub3A_428 = arith.subi %add3A_203, %sub3A_427 : i32
            %dma_wait3A_429 = arith.constant 0 : i32
            %dma_wait3A_430 = tpu.memref_slice %arg13[%sub3A_428, %dma_wait3A_429] : memref<80x128xi32, #tpu.memory_space<vmem>> -> memref<1x128xi32, #tpu.memory_space<vmem>>
            %dma_wait3A_431 = tpu.memref_squeeze %dma_wait3A_430 : memref<1x128xi32, #tpu.memory_space<vmem>> -> memref<128xi32, #tpu.memory_space<vmem>>
            %dma_wait3A_432 = arith.constant 0 : i32
            %dma_wait3A_433 = arith.constant 0 : i32
            %dma_wait3A_434 = tpu.memref_slice %arg18[%dma_wait3A_432, %dma_wait3A_433] : memref<10112x8xf32, #tpu.memory_space<vmem_shared>> -> memref<10112x8xf32, #tpu.memory_space<vmem_shared>>
            tpu.wait_indirect_dma semaphore(%arg33 : memref<!tpu.dma_semaphore, #tpu.memory_space<semaphore_mem>>) src(%arg15 : memref<128x8xf32, #tpu.memory_space<vmem>>) dst(%dma_wait3A_434 : memref<10112x8xf32, #tpu.memory_space<vmem_shared>>)
          } else {
          }
          %add3A_399 = arith.constant 5 : i32
          %add3A_400 = arith.addi %add3A_203, %add3A_399 : i32
          %sub3A_401 = arith.constant 1 : i32
          %sub3A_402 = arith.subi %add3A_400, %sub3A_401 : i32
          %dma_start3A_403 = arith.constant 4 : i32
          %dma_start3A_404 = arith.constant 0 : i32
          %dma_start3A_405 = arith.constant 0 : i32
          %dma_start3A_406 = tpu.memref_slice %arg14[%dma_start3A_403, %dma_start3A_404, %dma_start3A_405] : memref<5x128x128xbf16, #tpu.memory_space<vmem>> -> memref<1x128x128xbf16, #tpu.memory_space<vmem>>
          %dma_start3A_407 = tpu.memref_squeeze %dma_start3A_406 : memref<1x128x128xbf16, #tpu.memory_space<vmem>> -> memref<128x128xbf16, #tpu.memory_space<vmem>>
          %dma_start3A_408 = arith.constant 0 : i32
          %dma_start3A_409 = tpu.memref_slice %arg12[%sub3A_402, %dma_start3A_408] : memref<80x128xi32, #tpu.memory_space<vmem>> -> memref<1x128xi32, #tpu.memory_space<vmem>>
          %dma_start3A_410 = tpu.memref_squeeze %dma_start3A_409 : memref<1x128xi32, #tpu.memory_space<vmem>> -> memref<128xi32, #tpu.memory_space<vmem>>
          %dma_start3A_411 = arith.constant 0 : i32
          %dma_start3A_412 = arith.constant 0 : i32
          %dma_start3A_413 = tpu.memref_slice %arg2[%dma_start3A_411, %dma_start3A_412] : memref<10000x128xbf16, #tpu.memory_space<hbm>> -> memref<10000x128xbf16, #tpu.memory_space<hbm>>
          tpu.enqueue_indirect_dma source(%dma_start3A_413 : memref<10000x128xbf16, #tpu.memory_space<hbm>>) target(%dma_start3A_407 : memref<128x128xbf16, #tpu.memory_space<vmem>>) offsets(%dma_start3A_410 : memref<128xi32, #tpu.memory_space<vmem>>) semaphore(%arg23 : memref<!tpu.dma_semaphore, #tpu.memory_space<semaphore_mem>>)
        } else {
        }
        %dma_start3A_222 = arith.constant 0 : i32
        %dma_start3A_223 = arith.constant 0 : i32
        %dma_start3A_224 = arith.constant 0 : i32
        %dma_start3A_225 = tpu.memref_slice %arg14[%dma_start3A_222, %dma_start3A_223, %dma_start3A_224] : memref<5x128x128xbf16, #tpu.memory_space<vmem>> -> memref<1x128x128xbf16, #tpu.memory_space<vmem>>
        %dma_start3A_226 = tpu.memref_squeeze %dma_start3A_225 : memref<1x128x128xbf16, #tpu.memory_space<vmem>> -> memref<128x128xbf16, #tpu.memory_space<vmem>>
        %dma_start3A_227 = arith.constant 0 : i32
        %dma_start3A_228 = tpu.memref_slice %arg13[%add3A_203, %dma_start3A_227] : memref<80x128xi32, #tpu.memory_space<vmem>> -> memref<1x128xi32, #tpu.memory_space<vmem>>
        %dma_start3A_229 = tpu.memref_squeeze %dma_start3A_228 : memref<1x128xi32, #tpu.memory_space<vmem>> -> memref<128xi32, #tpu.memory_space<vmem>>
        %dma_start3A_230 = arith.constant 0 : i32
        %dma_start3A_231 = arith.constant 0 : i32
        %dma_start3A_232 = tpu.memref_slice %arg17[%dma_start3A_230, %dma_start3A_231] : memref<10112x128xbf16, #tpu.memory_space<vmem_shared>> -> memref<10112x128xbf16, #tpu.memory_space<vmem_shared>>
        tpu.enqueue_indirect_dma source(%dma_start3A_226 : memref<128x128xbf16, #tpu.memory_space<vmem>>) target(%dma_start3A_232 : memref<10112x128xbf16, #tpu.memory_space<vmem_shared>>) offsets(%dma_start3A_229 : memref<128xi32, #tpu.memory_space<vmem>>) semaphore(%arg24 : memref<!tpu.dma_semaphore, #tpu.memory_space<semaphore_mem>>) {add = true}
        %dma_start3A_233 = arith.constant 0 : i32
        %dma_start3A_234 = tpu.memref_slice %arg13[%add3A_203, %dma_start3A_233] : memref<80x128xi32, #tpu.memory_space<vmem>> -> memref<1x128xi32, #tpu.memory_space<vmem>>
        %dma_start3A_235 = tpu.memref_squeeze %dma_start3A_234 : memref<1x128xi32, #tpu.memory_space<vmem>> -> memref<128xi32, #tpu.memory_space<vmem>>
        %dma_start3A_236 = arith.constant 0 : i32
        %dma_start3A_237 = arith.constant 0 : i32
        %dma_start3A_238 = tpu.memref_slice %arg18[%dma_start3A_236, %dma_start3A_237] : memref<10112x8xf32, #tpu.memory_space<vmem_shared>> -> memref<10112x8xf32, #tpu.memory_space<vmem_shared>>
        tpu.enqueue_indirect_dma source(%arg15 : memref<128x8xf32, #tpu.memory_space<vmem>>) target(%dma_start3A_238 : memref<10112x8xf32, #tpu.memory_space<vmem_shared>>) offsets(%dma_start3A_235 : memref<128xi32, #tpu.memory_space<vmem>>) semaphore(%arg29 : memref<!tpu.dma_semaphore, #tpu.memory_space<semaphore_mem>>) {add = true}
        %add3A_239 = arith.constant 1 : i32
        %add3A_240 = arith.addi %add3A_201, %add3A_239 : i32
        %dma_wait3A_241 = arith.constant 1 : i32
        %dma_wait3A_242 = arith.constant 0 : i32
        %dma_wait3A_243 = arith.constant 0 : i32
        %dma_wait3A_244 = tpu.memref_slice %arg14[%dma_wait3A_241, %dma_wait3A_242, %dma_wait3A_243] : memref<5x128x128xbf16, #tpu.memory_space<vmem>> -> memref<1x128x128xbf16, #tpu.memory_space<vmem>>
        %dma_wait3A_245 = tpu.memref_squeeze %dma_wait3A_244 : memref<1x128x128xbf16, #tpu.memory_space<vmem>> -> memref<128x128xbf16, #tpu.memory_space<vmem>>
        %dma_wait3A_246 = arith.constant 0 : i32
        %dma_wait3A_247 = tpu.memref_slice %arg12[%add3A_240, %dma_wait3A_246] : memref<80x128xi32, #tpu.memory_space<vmem>> -> memref<1x128xi32, #tpu.memory_space<vmem>>
        %dma_wait3A_248 = tpu.memref_squeeze %dma_wait3A_247 : memref<1x128xi32, #tpu.memory_space<vmem>> -> memref<128xi32, #tpu.memory_space<vmem>>
        %dma_wait3A_249 = arith.constant 0 : i32
        %dma_wait3A_250 = arith.constant 0 : i32
        %dma_wait3A_251 = tpu.memref_slice %arg2[%dma_wait3A_249, %dma_wait3A_250] : memref<10000x128xbf16, #tpu.memory_space<hbm>> -> memref<10000x128xbf16, #tpu.memory_space<hbm>>
        tpu.wait_indirect_dma semaphore(%arg20 : memref<!tpu.dma_semaphore, #tpu.memory_space<semaphore_mem>>) src(%dma_wait3A_251 : memref<10000x128xbf16, #tpu.memory_space<hbm>>) dst(%dma_wait3A_245 : memref<128x128xbf16, #tpu.memory_space<vmem>>)
        %add3A_252 = arith.constant 5 : i32
        %add3A_253 = arith.addi %add3A_240, %add3A_252 : i32
        %sub3A_254 = arith.constant 1 : i32
        %sub3A_255 = arith.subi %add3A_253, %sub3A_254 : i32
        %lt3A_256 = arith.constant 80 : i32
        %lt3A_257 = arith.cmpi slt, %sub3A_255, %lt3A_256 : i32
        %convert_element_type3A_258 = arith.extui %lt3A_257 : i1 to i32
        %cond3A_259 = arith.constant 0 : i32
        %cond3A_260 = arith.cmpi ne, %convert_element_type3A_258, %cond3A_259 : i32
        scf.if %cond3A_260 {
          %ge3A = arith.constant 1 : i32
          %ge3A_395 = arith.cmpi sge, %add3A_240, %ge3A : i32
          %convert_element_type3A_396 = arith.extui %ge3A_395 : i1 to i32
          %cond3A_397 = arith.constant 0 : i32
          %cond3A_398 = arith.cmpi ne, %convert_element_type3A_396, %cond3A_397 : i32
          scf.if %cond3A_398 {
            %sub3A_414 = arith.constant 1 : i32
            %sub3A_415 = arith.subi %add3A_240, %sub3A_414 : i32
            %dma_wait3A_416 = arith.constant 0 : i32
            %dma_wait3A_417 = arith.constant 0 : i32
            %dma_wait3A_418 = arith.constant 0 : i32
            %dma_wait3A_419 = tpu.memref_slice %arg14[%dma_wait3A_416, %dma_wait3A_417, %dma_wait3A_418] : memref<5x128x128xbf16, #tpu.memory_space<vmem>> -> memref<1x128x128xbf16, #tpu.memory_space<vmem>>
            %dma_wait3A_420 = tpu.memref_squeeze %dma_wait3A_419 : memref<1x128x128xbf16, #tpu.memory_space<vmem>> -> memref<128x128xbf16, #tpu.memory_space<vmem>>
            %dma_wait3A_421 = arith.constant 0 : i32
            %dma_wait3A_422 = tpu.memref_slice %arg13[%sub3A_415, %dma_wait3A_421] : memref<80x128xi32, #tpu.memory_space<vmem>> -> memref<1x128xi32, #tpu.memory_space<vmem>>
            %dma_wait3A_423 = tpu.memref_squeeze %dma_wait3A_422 : memref<1x128xi32, #tpu.memory_space<vmem>> -> memref<128xi32, #tpu.memory_space<vmem>>
            %dma_wait3A_424 = arith.constant 0 : i32
            %dma_wait3A_425 = arith.constant 0 : i32
            %dma_wait3A_426 = tpu.memref_slice %arg17[%dma_wait3A_424, %dma_wait3A_425] : memref<10112x128xbf16, #tpu.memory_space<vmem_shared>> -> memref<10112x128xbf16, #tpu.memory_space<vmem_shared>>
            tpu.wait_indirect_dma semaphore(%arg24 : memref<!tpu.dma_semaphore, #tpu.memory_space<semaphore_mem>>) src(%dma_wait3A_420 : memref<128x128xbf16, #tpu.memory_space<vmem>>) dst(%dma_wait3A_426 : memref<10112x128xbf16, #tpu.memory_space<vmem_shared>>)
            %sub3A_427 = arith.constant 1 : i32
            %sub3A_428 = arith.subi %add3A_240, %sub3A_427 : i32
            %dma_wait3A_429 = arith.constant 0 : i32
            %dma_wait3A_430 = tpu.memref_slice %arg13[%sub3A_428, %dma_wait3A_429] : memref<80x128xi32, #tpu.memory_space<vmem>> -> memref<1x128xi32, #tpu.memory_space<vmem>>
            %dma_wait3A_431 = tpu.memref_squeeze %dma_wait3A_430 : memref<1x128xi32, #tpu.memory_space<vmem>> -> memref<128xi32, #tpu.memory_space<vmem>>
            %dma_wait3A_432 = arith.constant 0 : i32
            %dma_wait3A_433 = arith.constant 0 : i32
            %dma_wait3A_434 = tpu.memref_slice %arg18[%dma_wait3A_432, %dma_wait3A_433] : memref<10112x8xf32, #tpu.memory_space<vmem_shared>> -> memref<10112x8xf32, #tpu.memory_space<vmem_shared>>
            tpu.wait_indirect_dma semaphore(%arg29 : memref<!tpu.dma_semaphore, #tpu.memory_space<semaphore_mem>>) src(%arg15 : memref<128x8xf32, #tpu.memory_space<vmem>>) dst(%dma_wait3A_434 : memref<10112x8xf32, #tpu.memory_space<vmem_shared>>)
          } else {
          }
          %add3A_399 = arith.constant 5 : i32
          %add3A_400 = arith.addi %add3A_240, %add3A_399 : i32
          %sub3A_401 = arith.constant 1 : i32
          %sub3A_402 = arith.subi %add3A_400, %sub3A_401 : i32
          %dma_start3A_403 = arith.constant 0 : i32
          %dma_start3A_404 = arith.constant 0 : i32
          %dma_start3A_405 = arith.constant 0 : i32
          %dma_start3A_406 = tpu.memref_slice %arg14[%dma_start3A_403, %dma_start3A_404, %dma_start3A_405] : memref<5x128x128xbf16, #tpu.memory_space<vmem>> -> memref<1x128x128xbf16, #tpu.memory_space<vmem>>
          %dma_start3A_407 = tpu.memref_squeeze %dma_start3A_406 : memref<1x128x128xbf16, #tpu.memory_space<vmem>> -> memref<128x128xbf16, #tpu.memory_space<vmem>>
          %dma_start3A_408 = arith.constant 0 : i32
          %dma_start3A_409 = tpu.memref_slice %arg12[%sub3A_402, %dma_start3A_408] : memref<80x128xi32, #tpu.memory_space<vmem>> -> memref<1x128xi32, #tpu.memory_space<vmem>>
          %dma_start3A_410 = tpu.memref_squeeze %dma_start3A_409 : memref<1x128xi32, #tpu.memory_space<vmem>> -> memref<128xi32, #tpu.memory_space<vmem>>
          %dma_start3A_411 = arith.constant 0 : i32
          %dma_start3A_412 = arith.constant 0 : i32
          %dma_start3A_413 = tpu.memref_slice %arg2[%dma_start3A_411, %dma_start3A_412] : memref<10000x128xbf16, #tpu.memory_space<hbm>> -> memref<10000x128xbf16, #tpu.memory_space<hbm>>
          tpu.enqueue_indirect_dma source(%dma_start3A_413 : memref<10000x128xbf16, #tpu.memory_space<hbm>>) target(%dma_start3A_407 : memref<128x128xbf16, #tpu.memory_space<vmem>>) offsets(%dma_start3A_410 : memref<128xi32, #tpu.memory_space<vmem>>) semaphore(%arg19 : memref<!tpu.dma_semaphore, #tpu.memory_space<semaphore_mem>>)
        } else {
        }
        %dma_start3A_261 = arith.constant 1 : i32
        %dma_start3A_262 = arith.constant 0 : i32
        %dma_start3A_263 = arith.constant 0 : i32
        %dma_start3A_264 = tpu.memref_slice %arg14[%dma_start3A_261, %dma_start3A_262, %dma_start3A_263] : memref<5x128x128xbf16, #tpu.memory_space<vmem>> -> memref<1x128x128xbf16, #tpu.memory_space<vmem>>
        %dma_start3A_265 = tpu.memref_squeeze %dma_start3A_264 : memref<1x128x128xbf16, #tpu.memory_space<vmem>> -> memref<128x128xbf16, #tpu.memory_space<vmem>>
        %dma_start3A_266 = arith.constant 0 : i32
        %dma_start3A_267 = tpu.memref_slice %arg13[%add3A_240, %dma_start3A_266] : memref<80x128xi32, #tpu.memory_space<vmem>> -> memref<1x128xi32, #tpu.memory_space<vmem>>
        %dma_start3A_268 = tpu.memref_squeeze %dma_start3A_267 : memref<1x128xi32, #tpu.memory_space<vmem>> -> memref<128xi32, #tpu.memory_space<vmem>>
        %dma_start3A_269 = arith.constant 0 : i32
        %dma_start3A_270 = arith.constant 0 : i32
        %dma_start3A_271 = tpu.memref_slice %arg17[%dma_start3A_269, %dma_start3A_270] : memref<10112x128xbf16, #tpu.memory_space<vmem_shared>> -> memref<10112x128xbf16, #tpu.memory_space<vmem_shared>>
        tpu.enqueue_indirect_dma source(%dma_start3A_265 : memref<128x128xbf16, #tpu.memory_space<vmem>>) target(%dma_start3A_271 : memref<10112x128xbf16, #tpu.memory_space<vmem_shared>>) offsets(%dma_start3A_268 : memref<128xi32, #tpu.memory_space<vmem>>) semaphore(%arg25 : memref<!tpu.dma_semaphore, #tpu.memory_space<semaphore_mem>>) {add = true}
        %dma_start3A_272 = arith.constant 0 : i32
        %dma_start3A_273 = tpu.memref_slice %arg13[%add3A_240, %dma_start3A_272] : memref<80x128xi32, #tpu.memory_space<vmem>> -> memref<1x128xi32, #tpu.memory_space<vmem>>
        %dma_start3A_274 = tpu.memref_squeeze %dma_start3A_273 : memref<1x128xi32, #tpu.memory_space<vmem>> -> memref<128xi32, #tpu.memory_space<vmem>>
        %dma_start3A_275 = arith.constant 0 : i32
        %dma_start3A_276 = arith.constant 0 : i32
        %dma_start3A_277 = tpu.memref_slice %arg18[%dma_start3A_275, %dma_start3A_276] : memref<10112x8xf32, #tpu.memory_space<vmem_shared>> -> memref<10112x8xf32, #tpu.memory_space<vmem_shared>>
        tpu.enqueue_indirect_dma source(%arg15 : memref<128x8xf32, #tpu.memory_space<vmem>>) target(%dma_start3A_277 : memref<10112x8xf32, #tpu.memory_space<vmem_shared>>) offsets(%dma_start3A_274 : memref<128xi32, #tpu.memory_space<vmem>>) semaphore(%arg30 : memref<!tpu.dma_semaphore, #tpu.memory_space<semaphore_mem>>) {add = true}
        %add3A_278 = arith.constant 2 : i32
        %add3A_279 = arith.addi %add3A_201, %add3A_278 : i32
        %dma_wait3A_280 = arith.constant 2 : i32
        %dma_wait3A_281 = arith.constant 0 : i32
        %dma_wait3A_282 = arith.constant 0 : i32
        %dma_wait3A_283 = tpu.memref_slice %arg14[%dma_wait3A_280, %dma_wait3A_281, %dma_wait3A_282] : memref<5x128x128xbf16, #tpu.memory_space<vmem>> -> memref<1x128x128xbf16, #tpu.memory_space<vmem>>
        %dma_wait3A_284 = tpu.memref_squeeze %dma_wait3A_283 : memref<1x128x128xbf16, #tpu.memory_space<vmem>> -> memref<128x128xbf16, #tpu.memory_space<vmem>>
        %dma_wait3A_285 = arith.constant 0 : i32
        %dma_wait3A_286 = tpu.memref_slice %arg12[%add3A_279, %dma_wait3A_285] : memref<80x128xi32, #tpu.memory_space<vmem>> -> memref<1x128xi32, #tpu.memory_space<vmem>>
        %dma_wait3A_287 = tpu.memref_squeeze %dma_wait3A_286 : memref<1x128xi32, #tpu.memory_space<vmem>> -> memref<128xi32, #tpu.memory_space<vmem>>
        %dma_wait3A_288 = arith.constant 0 : i32
        %dma_wait3A_289 = arith.constant 0 : i32
        %dma_wait3A_290 = tpu.memref_slice %arg2[%dma_wait3A_288, %dma_wait3A_289] : memref<10000x128xbf16, #tpu.memory_space<hbm>> -> memref<10000x128xbf16, #tpu.memory_space<hbm>>
        tpu.wait_indirect_dma semaphore(%arg21 : memref<!tpu.dma_semaphore, #tpu.memory_space<semaphore_mem>>) src(%dma_wait3A_290 : memref<10000x128xbf16, #tpu.memory_space<hbm>>) dst(%dma_wait3A_284 : memref<128x128xbf16, #tpu.memory_space<vmem>>)
        %add3A_291 = arith.constant 5 : i32
        %add3A_292 = arith.addi %add3A_279, %add3A_291 : i32
        %sub3A_293 = arith.constant 1 : i32
        %sub3A_294 = arith.subi %add3A_292, %sub3A_293 : i32
        %lt3A_295 = arith.constant 80 : i32
        %lt3A_296 = arith.cmpi slt, %sub3A_294, %lt3A_295 : i32
        %convert_element_type3A_297 = arith.extui %lt3A_296 : i1 to i32
        %cond3A_298 = arith.constant 0 : i32
        %cond3A_299 = arith.cmpi ne, %convert_element_type3A_297, %cond3A_298 : i32
        scf.if %cond3A_299 {
          %ge3A = arith.constant 1 : i32
          %ge3A_395 = arith.cmpi sge, %add3A_279, %ge3A : i32
          %convert_element_type3A_396 = arith.extui %ge3A_395 : i1 to i32
          %cond3A_397 = arith.constant 0 : i32
          %cond3A_398 = arith.cmpi ne, %convert_element_type3A_396, %cond3A_397 : i32
          scf.if %cond3A_398 {
            %sub3A_414 = arith.constant 1 : i32
            %sub3A_415 = arith.subi %add3A_279, %sub3A_414 : i32
            %dma_wait3A_416 = arith.constant 1 : i32
            %dma_wait3A_417 = arith.constant 0 : i32
            %dma_wait3A_418 = arith.constant 0 : i32
            %dma_wait3A_419 = tpu.memref_slice %arg14[%dma_wait3A_416, %dma_wait3A_417, %dma_wait3A_418] : memref<5x128x128xbf16, #tpu.memory_space<vmem>> -> memref<1x128x128xbf16, #tpu.memory_space<vmem>>
            %dma_wait3A_420 = tpu.memref_squeeze %dma_wait3A_419 : memref<1x128x128xbf16, #tpu.memory_space<vmem>> -> memref<128x128xbf16, #tpu.memory_space<vmem>>
            %dma_wait3A_421 = arith.constant 0 : i32
            %dma_wait3A_422 = tpu.memref_slice %arg13[%sub3A_415, %dma_wait3A_421] : memref<80x128xi32, #tpu.memory_space<vmem>> -> memref<1x128xi32, #tpu.memory_space<vmem>>
            %dma_wait3A_423 = tpu.memref_squeeze %dma_wait3A_422 : memref<1x128xi32, #tpu.memory_space<vmem>> -> memref<128xi32, #tpu.memory_space<vmem>>
            %dma_wait3A_424 = arith.constant 0 : i32
            %dma_wait3A_425 = arith.constant 0 : i32
            %dma_wait3A_426 = tpu.memref_slice %arg17[%dma_wait3A_424, %dma_wait3A_425] : memref<10112x128xbf16, #tpu.memory_space<vmem_shared>> -> memref<10112x128xbf16, #tpu.memory_space<vmem_shared>>
            tpu.wait_indirect_dma semaphore(%arg25 : memref<!tpu.dma_semaphore, #tpu.memory_space<semaphore_mem>>) src(%dma_wait3A_420 : memref<128x128xbf16, #tpu.memory_space<vmem>>) dst(%dma_wait3A_426 : memref<10112x128xbf16, #tpu.memory_space<vmem_shared>>)
            %sub3A_427 = arith.constant 1 : i32
            %sub3A_428 = arith.subi %add3A_279, %sub3A_427 : i32
            %dma_wait3A_429 = arith.constant 0 : i32
            %dma_wait3A_430 = tpu.memref_slice %arg13[%sub3A_428, %dma_wait3A_429] : memref<80x128xi32, #tpu.memory_space<vmem>> -> memref<1x128xi32, #tpu.memory_space<vmem>>
            %dma_wait3A_431 = tpu.memref_squeeze %dma_wait3A_430 : memref<1x128xi32, #tpu.memory_space<vmem>> -> memref<128xi32, #tpu.memory_space<vmem>>
            %dma_wait3A_432 = arith.constant 0 : i32
            %dma_wait3A_433 = arith.constant 0 : i32
            %dma_wait3A_434 = tpu.memref_slice %arg18[%dma_wait3A_432, %dma_wait3A_433] : memref<10112x8xf32, #tpu.memory_space<vmem_shared>> -> memref<10112x8xf32, #tpu.memory_space<vmem_shared>>
            tpu.wait_indirect_dma semaphore(%arg30 : memref<!tpu.dma_semaphore, #tpu.memory_space<semaphore_mem>>) src(%arg15 : memref<128x8xf32, #tpu.memory_space<vmem>>) dst(%dma_wait3A_434 : memref<10112x8xf32, #tpu.memory_space<vmem_shared>>)
          } else {
          }
          %add3A_399 = arith.constant 5 : i32
          %add3A_400 = arith.addi %add3A_279, %add3A_399 : i32
          %sub3A_401 = arith.constant 1 : i32
          %sub3A_402 = arith.subi %add3A_400, %sub3A_401 : i32
          %dma_start3A_403 = arith.constant 1 : i32
          %dma_start3A_404 = arith.constant 0 : i32
          %dma_start3A_405 = arith.constant 0 : i32
          %dma_start3A_406 = tpu.memref_slice %arg14[%dma_start3A_403, %dma_start3A_404, %dma_start3A_405] : memref<5x128x128xbf16, #tpu.memory_space<vmem>> -> memref<1x128x128xbf16, #tpu.memory_space<vmem>>
          %dma_start3A_407 = tpu.memref_squeeze %dma_start3A_406 : memref<1x128x128xbf16, #tpu.memory_space<vmem>> -> memref<128x128xbf16, #tpu.memory_space<vmem>>
          %dma_start3A_408 = arith.constant 0 : i32
          %dma_start3A_409 = tpu.memref_slice %arg12[%sub3A_402, %dma_start3A_408] : memref<80x128xi32, #tpu.memory_space<vmem>> -> memref<1x128xi32, #tpu.memory_space<vmem>>
          %dma_start3A_410 = tpu.memref_squeeze %dma_start3A_409 : memref<1x128xi32, #tpu.memory_space<vmem>> -> memref<128xi32, #tpu.memory_space<vmem>>
          %dma_start3A_411 = arith.constant 0 : i32
          %dma_start3A_412 = arith.constant 0 : i32
          %dma_start3A_413 = tpu.memref_slice %arg2[%dma_start3A_411, %dma_start3A_412] : memref<10000x128xbf16, #tpu.memory_space<hbm>> -> memref<10000x128xbf16, #tpu.memory_space<hbm>>
          tpu.enqueue_indirect_dma source(%dma_start3A_413 : memref<10000x128xbf16, #tpu.memory_space<hbm>>) target(%dma_start3A_407 : memref<128x128xbf16, #tpu.memory_space<vmem>>) offsets(%dma_start3A_410 : memref<128xi32, #tpu.memory_space<vmem>>) semaphore(%arg20 : memref<!tpu.dma_semaphore, #tpu.memory_space<semaphore_mem>>)
        } else {
        }
        %dma_start3A_300 = arith.constant 2 : i32
        %dma_start3A_301 = arith.constant 0 : i32
        %dma_start3A_302 = arith.constant 0 : i32
        %dma_start3A_303 = tpu.memref_slice %arg14[%dma_start3A_300, %dma_start3A_301, %dma_start3A_302] : memref<5x128x128xbf16, #tpu.memory_space<vmem>> -> memref<1x128x128xbf16, #tpu.memory_space<vmem>>
        %dma_start3A_304 = tpu.memref_squeeze %dma_start3A_303 : memref<1x128x128xbf16, #tpu.memory_space<vmem>> -> memref<128x128xbf16, #tpu.memory_space<vmem>>
        %dma_start3A_305 = arith.constant 0 : i32
        %dma_start3A_306 = tpu.memref_slice %arg13[%add3A_279, %dma_start3A_305] : memref<80x128xi32, #tpu.memory_space<vmem>> -> memref<1x128xi32, #tpu.memory_space<vmem>>
        %dma_start3A_307 = tpu.memref_squeeze %dma_start3A_306 : memref<1x128xi32, #tpu.memory_space<vmem>> -> memref<128xi32, #tpu.memory_space<vmem>>
        %dma_start3A_308 = arith.constant 0 : i32
        %dma_start3A_309 = arith.constant 0 : i32
        %dma_start3A_310 = tpu.memref_slice %arg17[%dma_start3A_308, %dma_start3A_309] : memref<10112x128xbf16, #tpu.memory_space<vmem_shared>> -> memref<10112x128xbf16, #tpu.memory_space<vmem_shared>>
        tpu.enqueue_indirect_dma source(%dma_start3A_304 : memref<128x128xbf16, #tpu.memory_space<vmem>>) target(%dma_start3A_310 : memref<10112x128xbf16, #tpu.memory_space<vmem_shared>>) offsets(%dma_start3A_307 : memref<128xi32, #tpu.memory_space<vmem>>) semaphore(%arg26 : memref<!tpu.dma_semaphore, #tpu.memory_space<semaphore_mem>>) {add = true}
        %dma_start3A_311 = arith.constant 0 : i32
        %dma_start3A_312 = tpu.memref_slice %arg13[%add3A_279, %dma_start3A_311] : memref<80x128xi32, #tpu.memory_space<vmem>> -> memref<1x128xi32, #tpu.memory_space<vmem>>
        %dma_start3A_313 = tpu.memref_squeeze %dma_start3A_312 : memref<1x128xi32, #tpu.memory_space<vmem>> -> memref<128xi32, #tpu.memory_space<vmem>>
        %dma_start3A_314 = arith.constant 0 : i32
        %dma_start3A_315 = arith.constant 0 : i32
        %dma_start3A_316 = tpu.memref_slice %arg18[%dma_start3A_314, %dma_start3A_315] : memref<10112x8xf32, #tpu.memory_space<vmem_shared>> -> memref<10112x8xf32, #tpu.memory_space<vmem_shared>>
        tpu.enqueue_indirect_dma source(%arg15 : memref<128x8xf32, #tpu.memory_space<vmem>>) target(%dma_start3A_316 : memref<10112x8xf32, #tpu.memory_space<vmem_shared>>) offsets(%dma_start3A_313 : memref<128xi32, #tpu.memory_space<vmem>>) semaphore(%arg31 : memref<!tpu.dma_semaphore, #tpu.memory_space<semaphore_mem>>) {add = true}
        %add3A_317 = arith.constant 3 : i32
        %add3A_318 = arith.addi %add3A_201, %add3A_317 : i32
        %dma_wait3A_319 = arith.constant 3 : i32
        %dma_wait3A_320 = arith.constant 0 : i32
        %dma_wait3A_321 = arith.constant 0 : i32
        %dma_wait3A_322 = tpu.memref_slice %arg14[%dma_wait3A_319, %dma_wait3A_320, %dma_wait3A_321] : memref<5x128x128xbf16, #tpu.memory_space<vmem>> -> memref<1x128x128xbf16, #tpu.memory_space<vmem>>
        %dma_wait3A_323 = tpu.memref_squeeze %dma_wait3A_322 : memref<1x128x128xbf16, #tpu.memory_space<vmem>> -> memref<128x128xbf16, #tpu.memory_space<vmem>>
        %dma_wait3A_324 = arith.constant 0 : i32
        %dma_wait3A_325 = tpu.memref_slice %arg12[%add3A_318, %dma_wait3A_324] : memref<80x128xi32, #tpu.memory_space<vmem>> -> memref<1x128xi32, #tpu.memory_space<vmem>>
        %dma_wait3A_326 = tpu.memref_squeeze %dma_wait3A_325 : memref<1x128xi32, #tpu.memory_space<vmem>> -> memref<128xi32, #tpu.memory_space<vmem>>
        %dma_wait3A_327 = arith.constant 0 : i32
        %dma_wait3A_328 = arith.constant 0 : i32
        %dma_wait3A_329 = tpu.memref_slice %arg2[%dma_wait3A_327, %dma_wait3A_328] : memref<10000x128xbf16, #tpu.memory_space<hbm>> -> memref<10000x128xbf16, #tpu.memory_space<hbm>>
        tpu.wait_indirect_dma semaphore(%arg22 : memref<!tpu.dma_semaphore, #tpu.memory_space<semaphore_mem>>) src(%dma_wait3A_329 : memref<10000x128xbf16, #tpu.memory_space<hbm>>) dst(%dma_wait3A_323 : memref<128x128xbf16, #tpu.memory_space<vmem>>)
        %add3A_330 = arith.constant 5 : i32
        %add3A_331 = arith.addi %add3A_318, %add3A_330 : i32
        %sub3A_332 = arith.constant 1 : i32
        %sub3A_333 = arith.subi %add3A_331, %sub3A_332 : i32
        %lt3A_334 = arith.constant 80 : i32
        %lt3A_335 = arith.cmpi slt, %sub3A_333, %lt3A_334 : i32
        %convert_element_type3A_336 = arith.extui %lt3A_335 : i1 to i32
        %cond3A_337 = arith.constant 0 : i32
        %cond3A_338 = arith.cmpi ne, %convert_element_type3A_336, %cond3A_337 : i32
        scf.if %cond3A_338 {
          %ge3A = arith.constant 1 : i32
          %ge3A_395 = arith.cmpi sge, %add3A_318, %ge3A : i32
          %convert_element_type3A_396 = arith.extui %ge3A_395 : i1 to i32
          %cond3A_397 = arith.constant 0 : i32
          %cond3A_398 = arith.cmpi ne, %convert_element_type3A_396, %cond3A_397 : i32
          scf.if %cond3A_398 {
            %sub3A_414 = arith.constant 1 : i32
            %sub3A_415 = arith.subi %add3A_318, %sub3A_414 : i32
            %dma_wait3A_416 = arith.constant 2 : i32
            %dma_wait3A_417 = arith.constant 0 : i32
            %dma_wait3A_418 = arith.constant 0 : i32
            %dma_wait3A_419 = tpu.memref_slice %arg14[%dma_wait3A_416, %dma_wait3A_417, %dma_wait3A_418] : memref<5x128x128xbf16, #tpu.memory_space<vmem>> -> memref<1x128x128xbf16, #tpu.memory_space<vmem>>
            %dma_wait3A_420 = tpu.memref_squeeze %dma_wait3A_419 : memref<1x128x128xbf16, #tpu.memory_space<vmem>> -> memref<128x128xbf16, #tpu.memory_space<vmem>>
            %dma_wait3A_421 = arith.constant 0 : i32
            %dma_wait3A_422 = tpu.memref_slice %arg13[%sub3A_415, %dma_wait3A_421] : memref<80x128xi32, #tpu.memory_space<vmem>> -> memref<1x128xi32, #tpu.memory_space<vmem>>
            %dma_wait3A_423 = tpu.memref_squeeze %dma_wait3A_422 : memref<1x128xi32, #tpu.memory_space<vmem>> -> memref<128xi32, #tpu.memory_space<vmem>>
            %dma_wait3A_424 = arith.constant 0 : i32
            %dma_wait3A_425 = arith.constant 0 : i32
            %dma_wait3A_426 = tpu.memref_slice %arg17[%dma_wait3A_424, %dma_wait3A_425] : memref<10112x128xbf16, #tpu.memory_space<vmem_shared>> -> memref<10112x128xbf16, #tpu.memory_space<vmem_shared>>
            tpu.wait_indirect_dma semaphore(%arg26 : memref<!tpu.dma_semaphore, #tpu.memory_space<semaphore_mem>>) src(%dma_wait3A_420 : memref<128x128xbf16, #tpu.memory_space<vmem>>) dst(%dma_wait3A_426 : memref<10112x128xbf16, #tpu.memory_space<vmem_shared>>)
            %sub3A_427 = arith.constant 1 : i32
            %sub3A_428 = arith.subi %add3A_318, %sub3A_427 : i32
            %dma_wait3A_429 = arith.constant 0 : i32
            %dma_wait3A_430 = tpu.memref_slice %arg13[%sub3A_428, %dma_wait3A_429] : memref<80x128xi32, #tpu.memory_space<vmem>> -> memref<1x128xi32, #tpu.memory_space<vmem>>
            %dma_wait3A_431 = tpu.memref_squeeze %dma_wait3A_430 : memref<1x128xi32, #tpu.memory_space<vmem>> -> memref<128xi32, #tpu.memory_space<vmem>>
            %dma_wait3A_432 = arith.constant 0 : i32
            %dma_wait3A_433 = arith.constant 0 : i32
            %dma_wait3A_434 = tpu.memref_slice %arg18[%dma_wait3A_432, %dma_wait3A_433] : memref<10112x8xf32, #tpu.memory_space<vmem_shared>> -> memref<10112x8xf32, #tpu.memory_space<vmem_shared>>
            tpu.wait_indirect_dma semaphore(%arg31 : memref<!tpu.dma_semaphore, #tpu.memory_space<semaphore_mem>>) src(%arg15 : memref<128x8xf32, #tpu.memory_space<vmem>>) dst(%dma_wait3A_434 : memref<10112x8xf32, #tpu.memory_space<vmem_shared>>)
          } else {
          }
          %add3A_399 = arith.constant 5 : i32
          %add3A_400 = arith.addi %add3A_318, %add3A_399 : i32
          %sub3A_401 = arith.constant 1 : i32
          %sub3A_402 = arith.subi %add3A_400, %sub3A_401 : i32
          %dma_start3A_403 = arith.constant 2 : i32
          %dma_start3A_404 = arith.constant 0 : i32
          %dma_start3A_405 = arith.constant 0 : i32
          %dma_start3A_406 = tpu.memref_slice %arg14[%dma_start3A_403, %dma_start3A_404, %dma_start3A_405] : memref<5x128x128xbf16, #tpu.memory_space<vmem>> -> memref<1x128x128xbf16, #tpu.memory_space<vmem>>
          %dma_start3A_407 = tpu.memref_squeeze %dma_start3A_406 : memref<1x128x128xbf16, #tpu.memory_space<vmem>> -> memref<128x128xbf16, #tpu.memory_space<vmem>>
          %dma_start3A_408 = arith.constant 0 : i32
          %dma_start3A_409 = tpu.memref_slice %arg12[%sub3A_402, %dma_start3A_408] : memref<80x128xi32, #tpu.memory_space<vmem>> -> memref<1x128xi32, #tpu.memory_space<vmem>>
          %dma_start3A_410 = tpu.memref_squeeze %dma_start3A_409 : memref<1x128xi32, #tpu.memory_space<vmem>> -> memref<128xi32, #tpu.memory_space<vmem>>
          %dma_start3A_411 = arith.constant 0 : i32
          %dma_start3A_412 = arith.constant 0 : i32
          %dma_start3A_413 = tpu.memref_slice %arg2[%dma_start3A_411, %dma_start3A_412] : memref<10000x128xbf16, #tpu.memory_space<hbm>> -> memref<10000x128xbf16, #tpu.memory_space<hbm>>
          tpu.enqueue_indirect_dma source(%dma_start3A_413 : memref<10000x128xbf16, #tpu.memory_space<hbm>>) target(%dma_start3A_407 : memref<128x128xbf16, #tpu.memory_space<vmem>>) offsets(%dma_start3A_410 : memref<128xi32, #tpu.memory_space<vmem>>) semaphore(%arg21 : memref<!tpu.dma_semaphore, #tpu.memory_space<semaphore_mem>>)
        } else {
        }
        %dma_start3A_339 = arith.constant 3 : i32
        %dma_start3A_340 = arith.constant 0 : i32
        %dma_start3A_341 = arith.constant 0 : i32
        %dma_start3A_342 = tpu.memref_slice %arg14[%dma_start3A_339, %dma_start3A_340, %dma_start3A_341] : memref<5x128x128xbf16, #tpu.memory_space<vmem>> -> memref<1x128x128xbf16, #tpu.memory_space<vmem>>
        %dma_start3A_343 = tpu.memref_squeeze %dma_start3A_342 : memref<1x128x128xbf16, #tpu.memory_space<vmem>> -> memref<128x128xbf16, #tpu.memory_space<vmem>>
        %dma_start3A_344 = arith.constant 0 : i32
        %dma_start3A_345 = tpu.memref_slice %arg13[%add3A_318, %dma_start3A_344] : memref<80x128xi32, #tpu.memory_space<vmem>> -> memref<1x128xi32, #tpu.memory_space<vmem>>
        %dma_start3A_346 = tpu.memref_squeeze %dma_start3A_345 : memref<1x128xi32, #tpu.memory_space<vmem>> -> memref<128xi32, #tpu.memory_space<vmem>>
        %dma_start3A_347 = arith.constant 0 : i32
        %dma_start3A_348 = arith.constant 0 : i32
        %dma_start3A_349 = tpu.memref_slice %arg17[%dma_start3A_347, %dma_start3A_348] : memref<10112x128xbf16, #tpu.memory_space<vmem_shared>> -> memref<10112x128xbf16, #tpu.memory_space<vmem_shared>>
        tpu.enqueue_indirect_dma source(%dma_start3A_343 : memref<128x128xbf16, #tpu.memory_space<vmem>>) target(%dma_start3A_349 : memref<10112x128xbf16, #tpu.memory_space<vmem_shared>>) offsets(%dma_start3A_346 : memref<128xi32, #tpu.memory_space<vmem>>) semaphore(%arg27 : memref<!tpu.dma_semaphore, #tpu.memory_space<semaphore_mem>>) {add = true}
        %dma_start3A_350 = arith.constant 0 : i32
        %dma_start3A_351 = tpu.memref_slice %arg13[%add3A_318, %dma_start3A_350] : memref<80x128xi32, #tpu.memory_space<vmem>> -> memref<1x128xi32, #tpu.memory_space<vmem>>
        %dma_start3A_352 = tpu.memref_squeeze %dma_start3A_351 : memref<1x128xi32, #tpu.memory_space<vmem>> -> memref<128xi32, #tpu.memory_space<vmem>>
        %dma_start3A_353 = arith.constant 0 : i32
        %dma_start3A_354 = arith.constant 0 : i32
        %dma_start3A_355 = tpu.memref_slice %arg18[%dma_start3A_353, %dma_start3A_354] : memref<10112x8xf32, #tpu.memory_space<vmem_shared>> -> memref<10112x8xf32, #tpu.memory_space<vmem_shared>>
        tpu.enqueue_indirect_dma source(%arg15 : memref<128x8xf32, #tpu.memory_space<vmem>>) target(%dma_start3A_355 : memref<10112x8xf32, #tpu.memory_space<vmem_shared>>) offsets(%dma_start3A_352 : memref<128xi32, #tpu.memory_space<vmem>>) semaphore(%arg32 : memref<!tpu.dma_semaphore, #tpu.memory_space<semaphore_mem>>) {add = true}
        %add3A_356 = arith.constant 4 : i32
        %add3A_357 = arith.addi %add3A_201, %add3A_356 : i32
        %dma_wait3A_358 = arith.constant 4 : i32
        %dma_wait3A_359 = arith.constant 0 : i32
        %dma_wait3A_360 = arith.constant 0 : i32
        %dma_wait3A_361 = tpu.memref_slice %arg14[%dma_wait3A_358, %dma_wait3A_359, %dma_wait3A_360] : memref<5x128x128xbf16, #tpu.memory_space<vmem>> -> memref<1x128x128xbf16, #tpu.memory_space<vmem>>
        %dma_wait3A_362 = tpu.memref_squeeze %dma_wait3A_361 : memref<1x128x128xbf16, #tpu.memory_space<vmem>> -> memref<128x128xbf16, #tpu.memory_space<vmem>>
        %dma_wait3A_363 = arith.constant 0 : i32
        %dma_wait3A_364 = tpu.memref_slice %arg12[%add3A_357, %dma_wait3A_363] : memref<80x128xi32, #tpu.memory_space<vmem>> -> memref<1x128xi32, #tpu.memory_space<vmem>>
        %dma_wait3A_365 = tpu.memref_squeeze %dma_wait3A_364 : memref<1x128xi32, #tpu.memory_space<vmem>> -> memref<128xi32, #tpu.memory_space<vmem>>
        %dma_wait3A_366 = arith.constant 0 : i32
        %dma_wait3A_367 = arith.constant 0 : i32
        %dma_wait3A_368 = tpu.memref_slice %arg2[%dma_wait3A_366, %dma_wait3A_367] : memref<10000x128xbf16, #tpu.memory_space<hbm>> -> memref<10000x128xbf16, #tpu.memory_space<hbm>>
        tpu.wait_indirect_dma semaphore(%arg23 : memref<!tpu.dma_semaphore, #tpu.memory_space<semaphore_mem>>) src(%dma_wait3A_368 : memref<10000x128xbf16, #tpu.memory_space<hbm>>) dst(%dma_wait3A_362 : memref<128x128xbf16, #tpu.memory_space<vmem>>)
        %add3A_369 = arith.constant 5 : i32
        %add3A_370 = arith.addi %add3A_357, %add3A_369 : i32
        %sub3A_371 = arith.constant 1 : i32
        %sub3A_372 = arith.subi %add3A_370, %sub3A_371 : i32
        %lt3A_373 = arith.constant 80 : i32
        %lt3A_374 = arith.cmpi slt, %sub3A_372, %lt3A_373 : i32
        %convert_element_type3A_375 = arith.extui %lt3A_374 : i1 to i32
        %cond3A_376 = arith.constant 0 : i32
        %cond3A_377 = arith.cmpi ne, %convert_element_type3A_375, %cond3A_376 : i32
        scf.if %cond3A_377 {
          %ge3A = arith.constant 1 : i32
          %ge3A_395 = arith.cmpi sge, %add3A_357, %ge3A : i32
          %convert_element_type3A_396 = arith.extui %ge3A_395 : i1 to i32
          %cond3A_397 = arith.constant 0 : i32
          %cond3A_398 = arith.cmpi ne, %convert_element_type3A_396, %cond3A_397 : i32
          scf.if %cond3A_398 {
            %sub3A_414 = arith.constant 1 : i32
            %sub3A_415 = arith.subi %add3A_357, %sub3A_414 : i32
            %dma_wait3A_416 = arith.constant 3 : i32
            %dma_wait3A_417 = arith.constant 0 : i32
            %dma_wait3A_418 = arith.constant 0 : i32
            %dma_wait3A_419 = tpu.memref_slice %arg14[%dma_wait3A_416, %dma_wait3A_417, %dma_wait3A_418] : memref<5x128x128xbf16, #tpu.memory_space<vmem>> -> memref<1x128x128xbf16, #tpu.memory_space<vmem>>
            %dma_wait3A_420 = tpu.memref_squeeze %dma_wait3A_419 : memref<1x128x128xbf16, #tpu.memory_space<vmem>> -> memref<128x128xbf16, #tpu.memory_space<vmem>>
            %dma_wait3A_421 = arith.constant 0 : i32
            %dma_wait3A_422 = tpu.memref_slice %arg13[%sub3A_415, %dma_wait3A_421] : memref<80x128xi32, #tpu.memory_space<vmem>> -> memref<1x128xi32, #tpu.memory_space<vmem>>
            %dma_wait3A_423 = tpu.memref_squeeze %dma_wait3A_422 : memref<1x128xi32, #tpu.memory_space<vmem>> -> memref<128xi32, #tpu.memory_space<vmem>>
            %dma_wait3A_424 = arith.constant 0 : i32
            %dma_wait3A_425 = arith.constant 0 : i32
            %dma_wait3A_426 = tpu.memref_slice %arg17[%dma_wait3A_424, %dma_wait3A_425] : memref<10112x128xbf16, #tpu.memory_space<vmem_shared>> -> memref<10112x128xbf16, #tpu.memory_space<vmem_shared>>
            tpu.wait_indirect_dma semaphore(%arg27 : memref<!tpu.dma_semaphore, #tpu.memory_space<semaphore_mem>>) src(%dma_wait3A_420 : memref<128x128xbf16, #tpu.memory_space<vmem>>) dst(%dma_wait3A_426 : memref<10112x128xbf16, #tpu.memory_space<vmem_shared>>)
            %sub3A_427 = arith.constant 1 : i32
            %sub3A_428 = arith.subi %add3A_357, %sub3A_427 : i32
            %dma_wait3A_429 = arith.constant 0 : i32
            %dma_wait3A_430 = tpu.memref_slice %arg13[%sub3A_428, %dma_wait3A_429] : memref<80x128xi32, #tpu.memory_space<vmem>> -> memref<1x128xi32, #tpu.memory_space<vmem>>
            %dma_wait3A_431 = tpu.memref_squeeze %dma_wait3A_430 : memref<1x128xi32, #tpu.memory_space<vmem>> -> memref<128xi32, #tpu.memory_space<vmem>>
            %dma_wait3A_432 = arith.constant 0 : i32
            %dma_wait3A_433 = arith.constant 0 : i32
            %dma_wait3A_434 = tpu.memref_slice %arg18[%dma_wait3A_432, %dma_wait3A_433] : memref<10112x8xf32, #tpu.memory_space<vmem_shared>> -> memref<10112x8xf32, #tpu.memory_space<vmem_shared>>
            tpu.wait_indirect_dma semaphore(%arg32 : memref<!tpu.dma_semaphore, #tpu.memory_space<semaphore_mem>>) src(%arg15 : memref<128x8xf32, #tpu.memory_space<vmem>>) dst(%dma_wait3A_434 : memref<10112x8xf32, #tpu.memory_space<vmem_shared>>)
          } else {
          }
          %add3A_399 = arith.constant 5 : i32
          %add3A_400 = arith.addi %add3A_357, %add3A_399 : i32
          %sub3A_401 = arith.constant 1 : i32
          %sub3A_402 = arith.subi %add3A_400, %sub3A_401 : i32
          %dma_start3A_403 = arith.constant 3 : i32
          %dma_start3A_404 = arith.constant 0 : i32
          %dma_start3A_405 = arith.constant 0 : i32
          %dma_start3A_406 = tpu.memref_slice %arg14[%dma_start3A_403, %dma_start3A_404, %dma_start3A_405] : memref<5x128x128xbf16, #tpu.memory_space<vmem>> -> memref<1x128x128xbf16, #tpu.memory_space<vmem>>
          %dma_start3A_407 = tpu.memref_squeeze %dma_start3A_406 : memref<1x128x128xbf16, #tpu.memory_space<vmem>> -> memref<128x128xbf16, #tpu.memory_space<vmem>>
          %dma_start3A_408 = arith.constant 0 : i32
          %dma_start3A_409 = tpu.memref_slice %arg12[%sub3A_402, %dma_start3A_408] : memref<80x128xi32, #tpu.memory_space<vmem>> -> memref<1x128xi32, #tpu.memory_space<vmem>>
          %dma_start3A_410 = tpu.memref_squeeze %dma_start3A_409 : memref<1x128xi32, #tpu.memory_space<vmem>> -> memref<128xi32, #tpu.memory_space<vmem>>
          %dma_start3A_411 = arith.constant 0 : i32
          %dma_start3A_412 = arith.constant 0 : i32
          %dma_start3A_413 = tpu.memref_slice %arg2[%dma_start3A_411, %dma_start3A_412] : memref<10000x128xbf16, #tpu.memory_space<hbm>> -> memref<10000x128xbf16, #tpu.memory_space<hbm>>
          tpu.enqueue_indirect_dma source(%dma_start3A_413 : memref<10000x128xbf16, #tpu.memory_space<hbm>>) target(%dma_start3A_407 : memref<128x128xbf16, #tpu.memory_space<vmem>>) offsets(%dma_start3A_410 : memref<128xi32, #tpu.memory_space<vmem>>) semaphore(%arg22 : memref<!tpu.dma_semaphore, #tpu.memory_space<semaphore_mem>>)
        } else {
        }
        %dma_start3A_378 = arith.constant 4 : i32
        %dma_start3A_379 = arith.constant 0 : i32
        %dma_start3A_380 = arith.constant 0 : i32
        %dma_start3A_381 = tpu.memref_slice %arg14[%dma_start3A_378, %dma_start3A_379, %dma_start3A_380] : memref<5x128x128xbf16, #tpu.memory_space<vmem>> -> memref<1x128x128xbf16, #tpu.memory_space<vmem>>
        %dma_start3A_382 = tpu.memref_squeeze %dma_start3A_381 : memref<1x128x128xbf16, #tpu.memory_space<vmem>> -> memref<128x128xbf16, #tpu.memory_space<vmem>>
        %dma_start3A_383 = arith.constant 0 : i32
        %dma_start3A_384 = tpu.memref_slice %arg13[%add3A_357, %dma_start3A_383] : memref<80x128xi32, #tpu.memory_space<vmem>> -> memref<1x128xi32, #tpu.memory_space<vmem>>
        %dma_start3A_385 = tpu.memref_squeeze %dma_start3A_384 : memref<1x128xi32, #tpu.memory_space<vmem>> -> memref<128xi32, #tpu.memory_space<vmem>>
        %dma_start3A_386 = arith.constant 0 : i32
        %dma_start3A_387 = arith.constant 0 : i32
        %dma_start3A_388 = tpu.memref_slice %arg17[%dma_start3A_386, %dma_start3A_387] : memref<10112x128xbf16, #tpu.memory_space<vmem_shared>> -> memref<10112x128xbf16, #tpu.memory_space<vmem_shared>>
        tpu.enqueue_indirect_dma source(%dma_start3A_382 : memref<128x128xbf16, #tpu.memory_space<vmem>>) target(%dma_start3A_388 : memref<10112x128xbf16, #tpu.memory_space<vmem_shared>>) offsets(%dma_start3A_385 : memref<128xi32, #tpu.memory_space<vmem>>) semaphore(%arg28 : memref<!tpu.dma_semaphore, #tpu.memory_space<semaphore_mem>>) {add = true}
        %dma_start3A_389 = arith.constant 0 : i32
        %dma_start3A_390 = tpu.memref_slice %arg13[%add3A_357, %dma_start3A_389] : memref<80x128xi32, #tpu.memory_space<vmem>> -> memref<1x128xi32, #tpu.memory_space<vmem>>
        %dma_start3A_391 = tpu.memref_squeeze %dma_start3A_390 : memref<1x128xi32, #tpu.memory_space<vmem>> -> memref<128xi32, #tpu.memory_space<vmem>>
        %dma_start3A_392 = arith.constant 0 : i32
        %dma_start3A_393 = arith.constant 0 : i32
        %dma_start3A_394 = tpu.memref_slice %arg18[%dma_start3A_392, %dma_start3A_393] : memref<10112x8xf32, #tpu.memory_space<vmem_shared>> -> memref<10112x8xf32, #tpu.memory_space<vmem_shared>>
        tpu.enqueue_indirect_dma source(%arg15 : memref<128x8xf32, #tpu.memory_space<vmem>>) target(%dma_start3A_394 : memref<10112x8xf32, #tpu.memory_space<vmem_shared>>) offsets(%dma_start3A_391 : memref<128xi32, #tpu.memory_space<vmem>>) semaphore(%arg33 : memref<!tpu.dma_semaphore, #tpu.memory_space<semaphore_mem>>) {add = true}
      }
      %scan3A_102 = arith.constant 16 : i32
      %dma_wait3A = arith.constant 0 : i32
      %dma_wait3A_103 = arith.constant 75 : i32
      %dma_wait3A_104 = arith.constant 0 : i32
      %dma_wait3A_105 = arith.constant 0 : i32
      %dma_wait3A_106 = tpu.memref_slice %arg14[%dma_wait3A, %dma_wait3A_104, %dma_wait3A_105] : memref<5x128x128xbf16, #tpu.memory_space<vmem>> -> memref<1x128x128xbf16, #tpu.memory_space<vmem>>
      %dma_wait3A_107 = tpu.memref_squeeze %dma_wait3A_106 : memref<1x128x128xbf16, #tpu.memory_space<vmem>> -> memref<128x128xbf16, #tpu.memory_space<vmem>>
      %dma_wait3A_108 = arith.constant 0 : i32
      %dma_wait3A_109 = tpu.memref_slice %arg13[%dma_wait3A_103, %dma_wait3A_108] : memref<80x128xi32, #tpu.memory_space<vmem>> -> memref<1x128xi32, #tpu.memory_space<vmem>>
      %dma_wait3A_110 = tpu.memref_squeeze %dma_wait3A_109 : memref<1x128xi32, #tpu.memory_space<vmem>> -> memref<128xi32, #tpu.memory_space<vmem>>
      %dma_wait3A_111 = arith.constant 0 : i32
      %dma_wait3A_112 = arith.constant 0 : i32
      %dma_wait3A_113 = tpu.memref_slice %arg17[%dma_wait3A_111, %dma_wait3A_112] : memref<10112x128xbf16, #tpu.memory_space<vmem_shared>> -> memref<10112x128xbf16, #tpu.memory_space<vmem_shared>>
      tpu.wait_indirect_dma semaphore(%arg24 : memref<!tpu.dma_semaphore, #tpu.memory_space<semaphore_mem>>) src(%dma_wait3A_107 : memref<128x128xbf16, #tpu.memory_space<vmem>>) dst(%dma_wait3A_113 : memref<10112x128xbf16, #tpu.memory_space<vmem_shared>>)
      %dma_wait3A_114 = arith.constant 75 : i32
      %dma_wait3A_115 = arith.constant 0 : i32
      %dma_wait3A_116 = tpu.memref_slice %arg13[%dma_wait3A_114, %dma_wait3A_115] : memref<80x128xi32, #tpu.memory_space<vmem>> -> memref<1x128xi32, #tpu.memory_space<vmem>>
      %dma_wait3A_117 = tpu.memref_squeeze %dma_wait3A_116 : memref<1x128xi32, #tpu.memory_space<vmem>> -> memref<128xi32, #tpu.memory_space<vmem>>
      %dma_wait3A_118 = arith.constant 0 : i32
      %dma_wait3A_119 = arith.constant 0 : i32
      %dma_wait3A_120 = tpu.memref_slice %arg18[%dma_wait3A_118, %dma_wait3A_119] : memref<10112x8xf32, #tpu.memory_space<vmem_shared>> -> memref<10112x8xf32, #tpu.memory_space<vmem_shared>>
      tpu.wait_indirect_dma semaphore(%arg29 : memref<!tpu.dma_semaphore, #tpu.memory_space<semaphore_mem>>) src(%arg15 : memref<128x8xf32, #tpu.memory_space<vmem>>) dst(%dma_wait3A_120 : memref<10112x8xf32, #tpu.memory_space<vmem_shared>>)
      %dma_wait3A_121 = arith.constant 1 : i32
      %dma_wait3A_122 = arith.constant 76 : i32
      %dma_wait3A_123 = arith.constant 0 : i32
      %dma_wait3A_124 = arith.constant 0 : i32
      %dma_wait3A_125 = tpu.memref_slice %arg14[%dma_wait3A_121, %dma_wait3A_123, %dma_wait3A_124] : memref<5x128x128xbf16, #tpu.memory_space<vmem>> -> memref<1x128x128xbf16, #tpu.memory_space<vmem>>
      %dma_wait3A_126 = tpu.memref_squeeze %dma_wait3A_125 : memref<1x128x128xbf16, #tpu.memory_space<vmem>> -> memref<128x128xbf16, #tpu.memory_space<vmem>>
      %dma_wait3A_127 = arith.constant 0 : i32
      %dma_wait3A_128 = tpu.memref_slice %arg13[%dma_wait3A_122, %dma_wait3A_127] : memref<80x128xi32, #tpu.memory_space<vmem>> -> memref<1x128xi32, #tpu.memory_space<vmem>>
      %dma_wait3A_129 = tpu.memref_squeeze %dma_wait3A_128 : memref<1x128xi32, #tpu.memory_space<vmem>> -> memref<128xi32, #tpu.memory_space<vmem>>
      %dma_wait3A_130 = arith.constant 0 : i32
      %dma_wait3A_131 = arith.constant 0 : i32
      %dma_wait3A_132 = tpu.memref_slice %arg17[%dma_wait3A_130, %dma_wait3A_131] : memref<10112x128xbf16, #tpu.memory_space<vmem_shared>> -> memref<10112x128xbf16, #tpu.memory_space<vmem_shared>>
      tpu.wait_indirect_dma semaphore(%arg25 : memref<!tpu.dma_semaphore, #tpu.memory_space<semaphore_mem>>) src(%dma_wait3A_126 : memref<128x128xbf16, #tpu.memory_space<vmem>>) dst(%dma_wait3A_132 : memref<10112x128xbf16, #tpu.memory_space<vmem_shared>>)
      %dma_wait3A_133 = arith.constant 76 : i32
      %dma_wait3A_134 = arith.constant 0 : i32
      %dma_wait3A_135 = tpu.memref_slice %arg13[%dma_wait3A_133, %dma_wait3A_134] : memref<80x128xi32, #tpu.memory_space<vmem>> -> memref<1x128xi32, #tpu.memory_space<vmem>>
      %dma_wait3A_136 = tpu.memref_squeeze %dma_wait3A_135 : memref<1x128xi32, #tpu.memory_space<vmem>> -> memref<128xi32, #tpu.memory_space<vmem>>
      %dma_wait3A_137 = arith.constant 0 : i32
      %dma_wait3A_138 = arith.constant 0 : i32
      %dma_wait3A_139 = tpu.memref_slice %arg18[%dma_wait3A_137, %dma_wait3A_138] : memref<10112x8xf32, #tpu.memory_space<vmem_shared>> -> memref<10112x8xf32, #tpu.memory_space<vmem_shared>>
      tpu.wait_indirect_dma semaphore(%arg30 : memref<!tpu.dma_semaphore, #tpu.memory_space<semaphore_mem>>) src(%arg15 : memref<128x8xf32, #tpu.memory_space<vmem>>) dst(%dma_wait3A_139 : memref<10112x8xf32, #tpu.memory_space<vmem_shared>>)
      %dma_wait3A_140 = arith.constant 2 : i32
      %dma_wait3A_141 = arith.constant 77 : i32
      %dma_wait3A_142 = arith.constant 0 : i32
      %dma_wait3A_143 = arith.constant 0 : i32
      %dma_wait3A_144 = tpu.memref_slice %arg14[%dma_wait3A_140, %dma_wait3A_142, %dma_wait3A_143] : memref<5x128x128xbf16, #tpu.memory_space<vmem>> -> memref<1x128x128xbf16, #tpu.memory_space<vmem>>
      %dma_wait3A_145 = tpu.memref_squeeze %dma_wait3A_144 : memref<1x128x128xbf16, #tpu.memory_space<vmem>> -> memref<128x128xbf16, #tpu.memory_space<vmem>>
      %dma_wait3A_146 = arith.constant 0 : i32
      %dma_wait3A_147 = tpu.memref_slice %arg13[%dma_wait3A_141, %dma_wait3A_146] : memref<80x128xi32, #tpu.memory_space<vmem>> -> memref<1x128xi32, #tpu.memory_space<vmem>>
      %dma_wait3A_148 = tpu.memref_squeeze %dma_wait3A_147 : memref<1x128xi32, #tpu.memory_space<vmem>> -> memref<128xi32, #tpu.memory_space<vmem>>
      %dma_wait3A_149 = arith.constant 0 : i32
      %dma_wait3A_150 = arith.constant 0 : i32
      %dma_wait3A_151 = tpu.memref_slice %arg17[%dma_wait3A_149, %dma_wait3A_150] : memref<10112x128xbf16, #tpu.memory_space<vmem_shared>> -> memref<10112x128xbf16, #tpu.memory_space<vmem_shared>>
      tpu.wait_indirect_dma semaphore(%arg26 : memref<!tpu.dma_semaphore, #tpu.memory_space<semaphore_mem>>) src(%dma_wait3A_145 : memref<128x128xbf16, #tpu.memory_space<vmem>>) dst(%dma_wait3A_151 : memref<10112x128xbf16, #tpu.memory_space<vmem_shared>>)
      %dma_wait3A_152 = arith.constant 77 : i32
      %dma_wait3A_153 = arith.constant 0 : i32
      %dma_wait3A_154 = tpu.memref_slice %arg13[%dma_wait3A_152, %dma_wait3A_153] : memref<80x128xi32, #tpu.memory_space<vmem>> -> memref<1x128xi32, #tpu.memory_space<vmem>>
      %dma_wait3A_155 = tpu.memref_squeeze %dma_wait3A_154 : memref<1x128xi32, #tpu.memory_space<vmem>> -> memref<128xi32, #tpu.memory_space<vmem>>
      %dma_wait3A_156 = arith.constant 0 : i32
      %dma_wait3A_157 = arith.constant 0 : i32
      %dma_wait3A_158 = tpu.memref_slice %arg18[%dma_wait3A_156, %dma_wait3A_157] : memref<10112x8xf32, #tpu.memory_space<vmem_shared>> -> memref<10112x8xf32, #tpu.memory_space<vmem_shared>>
      tpu.wait_indirect_dma semaphore(%arg31 : memref<!tpu.dma_semaphore, #tpu.memory_space<semaphore_mem>>) src(%arg15 : memref<128x8xf32, #tpu.memory_space<vmem>>) dst(%dma_wait3A_158 : memref<10112x8xf32, #tpu.memory_space<vmem_shared>>)
      %dma_wait3A_159 = arith.constant 3 : i32
      %dma_wait3A_160 = arith.constant 78 : i32
      %dma_wait3A_161 = arith.constant 0 : i32
      %dma_wait3A_162 = arith.constant 0 : i32
      %dma_wait3A_163 = tpu.memref_slice %arg14[%dma_wait3A_159, %dma_wait3A_161, %dma_wait3A_162] : memref<5x128x128xbf16, #tpu.memory_space<vmem>> -> memref<1x128x128xbf16, #tpu.memory_space<vmem>>
      %dma_wait3A_164 = tpu.memref_squeeze %dma_wait3A_163 : memref<1x128x128xbf16, #tpu.memory_space<vmem>> -> memref<128x128xbf16, #tpu.memory_space<vmem>>
      %dma_wait3A_165 = arith.constant 0 : i32
      %dma_wait3A_166 = tpu.memref_slice %arg13[%dma_wait3A_160, %dma_wait3A_165] : memref<80x128xi32, #tpu.memory_space<vmem>> -> memref<1x128xi32, #tpu.memory_space<vmem>>
      %dma_wait3A_167 = tpu.memref_squeeze %dma_wait3A_166 : memref<1x128xi32, #tpu.memory_space<vmem>> -> memref<128xi32, #tpu.memory_space<vmem>>
      %dma_wait3A_168 = arith.constant 0 : i32
      %dma_wait3A_169 = arith.constant 0 : i32
      %dma_wait3A_170 = tpu.memref_slice %arg17[%dma_wait3A_168, %dma_wait3A_169] : memref<10112x128xbf16, #tpu.memory_space<vmem_shared>> -> memref<10112x128xbf16, #tpu.memory_space<vmem_shared>>
      tpu.wait_indirect_dma semaphore(%arg27 : memref<!tpu.dma_semaphore, #tpu.memory_space<semaphore_mem>>) src(%dma_wait3A_164 : memref<128x128xbf16, #tpu.memory_space<vmem>>) dst(%dma_wait3A_170 : memref<10112x128xbf16, #tpu.memory_space<vmem_shared>>)
      %dma_wait3A_171 = arith.constant 78 : i32
      %dma_wait3A_172 = arith.constant 0 : i32
      %dma_wait3A_173 = tpu.memref_slice %arg13[%dma_wait3A_171, %dma_wait3A_172] : memref<80x128xi32, #tpu.memory_space<vmem>> -> memref<1x128xi32, #tpu.memory_space<vmem>>
      %dma_wait3A_174 = tpu.memref_squeeze %dma_wait3A_173 : memref<1x128xi32, #tpu.memory_space<vmem>> -> memref<128xi32, #tpu.memory_space<vmem>>
      %dma_wait3A_175 = arith.constant 0 : i32
      %dma_wait3A_176 = arith.constant 0 : i32
      %dma_wait3A_177 = tpu.memref_slice %arg18[%dma_wait3A_175, %dma_wait3A_176] : memref<10112x8xf32, #tpu.memory_space<vmem_shared>> -> memref<10112x8xf32, #tpu.memory_space<vmem_shared>>
      tpu.wait_indirect_dma semaphore(%arg32 : memref<!tpu.dma_semaphore, #tpu.memory_space<semaphore_mem>>) src(%arg15 : memref<128x8xf32, #tpu.memory_space<vmem>>) dst(%dma_wait3A_177 : memref<10112x8xf32, #tpu.memory_space<vmem_shared>>)
      %dma_wait3A_178 = arith.constant 4 : i32
      %dma_wait3A_179 = arith.constant 79 : i32
      %dma_wait3A_180 = arith.constant 0 : i32
      %dma_wait3A_181 = arith.constant 0 : i32
      %dma_wait3A_182 = tpu.memref_slice %arg14[%dma_wait3A_178, %dma_wait3A_180, %dma_wait3A_181] : memref<5x128x128xbf16, #tpu.memory_space<vmem>> -> memref<1x128x128xbf16, #tpu.memory_space<vmem>>
      %dma_wait3A_183 = tpu.memref_squeeze %dma_wait3A_182 : memref<1x128x128xbf16, #tpu.memory_space<vmem>> -> memref<128x128xbf16, #tpu.memory_space<vmem>>
      %dma_wait3A_184 = arith.constant 0 : i32
      %dma_wait3A_185 = tpu.memref_slice %arg13[%dma_wait3A_179, %dma_wait3A_184] : memref<80x128xi32, #tpu.memory_space<vmem>> -> memref<1x128xi32, #tpu.memory_space<vmem>>
      %dma_wait3A_186 = tpu.memref_squeeze %dma_wait3A_185 : memref<1x128xi32, #tpu.memory_space<vmem>> -> memref<128xi32, #tpu.memory_space<vmem>>
      %dma_wait3A_187 = arith.constant 0 : i32
      %dma_wait3A_188 = arith.constant 0 : i32
      %dma_wait3A_189 = tpu.memref_slice %arg17[%dma_wait3A_187, %dma_wait3A_188] : memref<10112x128xbf16, #tpu.memory_space<vmem_shared>> -> memref<10112x128xbf16, #tpu.memory_space<vmem_shared>>
      tpu.wait_indirect_dma semaphore(%arg28 : memref<!tpu.dma_semaphore, #tpu.memory_space<semaphore_mem>>) src(%dma_wait3A_183 : memref<128x128xbf16, #tpu.memory_space<vmem>>) dst(%dma_wait3A_189 : memref<10112x128xbf16, #tpu.memory_space<vmem_shared>>)
      %dma_wait3A_190 = arith.constant 79 : i32
      %dma_wait3A_191 = arith.constant 0 : i32
      %dma_wait3A_192 = tpu.memref_slice %arg13[%dma_wait3A_190, %dma_wait3A_191] : memref<80x128xi32, #tpu.memory_space<vmem>> -> memref<1x128xi32, #tpu.memory_space<vmem>>
      %dma_wait3A_193 = tpu.memref_squeeze %dma_wait3A_192 : memref<1x128xi32, #tpu.memory_space<vmem>> -> memref<128xi32, #tpu.memory_space<vmem>>
      %dma_wait3A_194 = arith.constant 0 : i32
      %dma_wait3A_195 = arith.constant 0 : i32
      %dma_wait3A_196 = tpu.memref_slice %arg18[%dma_wait3A_194, %dma_wait3A_195] : memref<10112x8xf32, #tpu.memory_space<vmem_shared>> -> memref<10112x8xf32, #tpu.memory_space<vmem_shared>>
      tpu.wait_indirect_dma semaphore(%arg33 : memref<!tpu.dma_semaphore, #tpu.memory_space<semaphore_mem>>) src(%arg15 : memref<128x8xf32, #tpu.memory_space<vmem>>) dst(%dma_wait3A_196 : memref<10112x8xf32, #tpu.memory_space<vmem_shared>>)
    } else {
    }
    %eq3A_35 = arith.constant 1 : i32
    %eq3A_36 = arith.cmpi eq, %arg0, %eq3A_35 : i32
    %convert_element_type3A_37 = arith.extui %eq3A_36 : i1 to i32
    %cond3A_38 = arith.constant 0 : i32
    %cond3A_39 = arith.cmpi ne, %convert_element_type3A_37, %cond3A_38 : i32
    scf.if %cond3A_39 {
      "tpu.region"() ({
        %run_scoped3A_197 = tpu.sem_alloc : memref<!tpu.dma_semaphore, #tpu.memory_space<semaphore_mem>>
        %dma_start3A_198 = arith.constant 0 : i32
        %dma_start3A_199 = arith.constant 0 : i32
        %dma_start3A_200 = tpu.memref_slice %arg6[%arg1, %dma_start3A_198, %dma_start3A_199] : memref<16x80x128xi32, #tpu.memory_space<hbm>> -> memref<1x80x128xi32, #tpu.memory_space<hbm>>
        %dma_start3A_201 = tpu.memref_squeeze %dma_start3A_200 : memref<1x80x128xi32, #tpu.memory_space<hbm>> -> memref<80x128xi32, #tpu.memory_space<hbm>>
        %dma_start3A_202 = arith.constant 0 : i32
        %dma_start3A_203 = arith.constant 0 : i32
        %dma_start3A_204 = tpu.memref_slice %arg6[%arg1, %dma_start3A_202, %dma_start3A_203] : memref<16x80x128xi32, #tpu.memory_space<hbm>> -> memref<1x80x128xi32, #tpu.memory_space<hbm>>
        %dma_start3A_205 = tpu.memref_squeeze %dma_start3A_204 : memref<1x80x128xi32, #tpu.memory_space<hbm>> -> memref<80x128xi32, #tpu.memory_space<hbm>>
        tpu.enqueue_dma source(%dma_start3A_205 : memref<80x128xi32, #tpu.memory_space<hbm>>) target(%arg12 : memref<80x128xi32, #tpu.memory_space<vmem>>) target_semaphore(%run_scoped3A_197 : memref<!tpu.dma_semaphore, #tpu.memory_space<semaphore_mem>>)
        %dma_wait3A_206 = arith.constant 0 : i32
        %dma_wait3A_207 = arith.constant 0 : i32
        %dma_wait3A_208 = tpu.memref_slice %arg6[%arg1, %dma_wait3A_206, %dma_wait3A_207] : memref<16x80x128xi32, #tpu.memory_space<hbm>> -> memref<1x80x128xi32, #tpu.memory_space<hbm>>
        %dma_wait3A_209 = tpu.memref_squeeze %dma_wait3A_208 : memref<1x80x128xi32, #tpu.memory_space<hbm>> -> memref<80x128xi32, #tpu.memory_space<hbm>>
        %dma_wait3A_210 = arith.constant 0 : i32
        %dma_wait3A_211 = arith.constant 0 : i32
        %dma_wait3A_212 = tpu.memref_slice %arg6[%arg1, %dma_wait3A_210, %dma_wait3A_211] : memref<16x80x128xi32, #tpu.memory_space<hbm>> -> memref<1x80x128xi32, #tpu.memory_space<hbm>>
        %dma_wait3A_213 = tpu.memref_squeeze %dma_wait3A_212 : memref<1x80x128xi32, #tpu.memory_space<hbm>> -> memref<80x128xi32, #tpu.memory_space<hbm>>
        tpu.wait_dma2 semaphore(%run_scoped3A_197 : memref<!tpu.dma_semaphore, #tpu.memory_space<semaphore_mem>>) src(%dma_wait3A_213 : memref<80x128xi32, #tpu.memory_space<hbm>>) dst(%arg12 : memref<80x128xi32, #tpu.memory_space<vmem>>)
        tpu.yield
      }) : () -> ()
      "tpu.region"() ({
        %run_scoped3A_197 = tpu.sem_alloc : memref<!tpu.dma_semaphore, #tpu.memory_space<semaphore_mem>>
        %dma_start3A_198 = arith.constant 0 : i32
        %dma_start3A_199 = arith.constant 0 : i32
        %dma_start3A_200 = tpu.memref_slice %arg7[%arg1, %dma_start3A_198, %dma_start3A_199] : memref<16x80x128xi32, #tpu.memory_space<hbm>> -> memref<1x80x128xi32, #tpu.memory_space<hbm>>
        %dma_start3A_201 = tpu.memref_squeeze %dma_start3A_200 : memref<1x80x128xi32, #tpu.memory_space<hbm>> -> memref<80x128xi32, #tpu.memory_space<hbm>>
        %dma_start3A_202 = arith.constant 0 : i32
        %dma_start3A_203 = arith.constant 0 : i32
        %dma_start3A_204 = tpu.memref_slice %arg7[%arg1, %dma_start3A_202, %dma_start3A_203] : memref<16x80x128xi32, #tpu.memory_space<hbm>> -> memref<1x80x128xi32, #tpu.memory_space<hbm>>
        %dma_start3A_205 = tpu.memref_squeeze %dma_start3A_204 : memref<1x80x128xi32, #tpu.memory_space<hbm>> -> memref<80x128xi32, #tpu.memory_space<hbm>>
        tpu.enqueue_dma source(%dma_start3A_205 : memref<80x128xi32, #tpu.memory_space<hbm>>) target(%arg13 : memref<80x128xi32, #tpu.memory_space<vmem>>) target_semaphore(%run_scoped3A_197 : memref<!tpu.dma_semaphore, #tpu.memory_space<semaphore_mem>>)
        %dma_wait3A_206 = arith.constant 0 : i32
        %dma_wait3A_207 = arith.constant 0 : i32
        %dma_wait3A_208 = tpu.memref_slice %arg7[%arg1, %dma_wait3A_206, %dma_wait3A_207] : memref<16x80x128xi32, #tpu.memory_space<hbm>> -> memref<1x80x128xi32, #tpu.memory_space<hbm>>
        %dma_wait3A_209 = tpu.memref_squeeze %dma_wait3A_208 : memref<1x80x128xi32, #tpu.memory_space<hbm>> -> memref<80x128xi32, #tpu.memory_space<hbm>>
        %dma_wait3A_210 = arith.constant 0 : i32
        %dma_wait3A_211 = arith.constant 0 : i32
        %dma_wait3A_212 = tpu.memref_slice %arg7[%arg1, %dma_wait3A_210, %dma_wait3A_211] : memref<16x80x128xi32, #tpu.memory_space<hbm>> -> memref<1x80x128xi32, #tpu.memory_space<hbm>>
        %dma_wait3A_213 = tpu.memref_squeeze %dma_wait3A_212 : memref<1x80x128xi32, #tpu.memory_space<hbm>> -> memref<80x128xi32, #tpu.memory_space<hbm>>
        tpu.wait_dma2 semaphore(%run_scoped3A_197 : memref<!tpu.dma_semaphore, #tpu.memory_space<semaphore_mem>>) src(%dma_wait3A_213 : memref<80x128xi32, #tpu.memory_space<hbm>>) dst(%arg13 : memref<80x128xi32, #tpu.memory_space<vmem>>)
        tpu.yield
      }) : () -> ()
      %dma_start3A = arith.constant 0 : i32
      %dma_start3A_51 = arith.constant 0 : i32
      %dma_start3A_52 = arith.constant 0 : i32
      %dma_start3A_53 = arith.constant 0 : i32
      %dma_start3A_54 = tpu.memref_slice %arg14[%dma_start3A_51, %dma_start3A_52, %dma_start3A_53] : memref<5x128x128xbf16, #tpu.memory_space<vmem>> -> memref<1x128x128xbf16, #tpu.memory_space<vmem>>
      %dma_start3A_55 = tpu.memref_squeeze %dma_start3A_54 : memref<1x128x128xbf16, #tpu.memory_space<vmem>> -> memref<128x128xbf16, #tpu.memory_space<vmem>>
      %dma_start3A_56 = arith.constant 0 : i32
      %dma_start3A_57 = tpu.memref_slice %arg12[%dma_start3A, %dma_start3A_56] : memref<80x128xi32, #tpu.memory_space<vmem>> -> memref<1x128xi32, #tpu.memory_space<vmem>>
      %dma_start3A_58 = tpu.memref_squeeze %dma_start3A_57 : memref<1x128xi32, #tpu.memory_space<vmem>> -> memref<128xi32, #tpu.memory_space<vmem>>
      %dma_start3A_59 = arith.constant 0 : i32
      %dma_start3A_60 = arith.constant 0 : i32
      %dma_start3A_61 = tpu.memref_slice %arg3[%dma_start3A_59, %dma_start3A_60] : memref<10000x128xbf16, #tpu.memory_space<hbm>> -> memref<10000x128xbf16, #tpu.memory_space<hbm>>
      tpu.enqueue_indirect_dma source(%dma_start3A_61 : memref<10000x128xbf16, #tpu.memory_space<hbm>>) target(%dma_start3A_55 : memref<128x128xbf16, #tpu.memory_space<vmem>>) offsets(%dma_start3A_58 : memref<128xi32, #tpu.memory_space<vmem>>) semaphore(%arg19 : memref<!tpu.dma_semaphore, #tpu.memory_space<semaphore_mem>>)
      %dma_start3A_62 = arith.constant 1 : i32
      %dma_start3A_63 = arith.constant 1 : i32
      %dma_start3A_64 = arith.constant 0 : i32
      %dma_start3A_65 = arith.constant 0 : i32
      %dma_start3A_66 = tpu.memref_slice %arg14[%dma_start3A_63, %dma_start3A_64, %dma_start3A_65] : memref<5x128x128xbf16, #tpu.memory_space<vmem>> -> memref<1x128x128xbf16, #tpu.memory_space<vmem>>
      %dma_start3A_67 = tpu.memref_squeeze %dma_start3A_66 : memref<1x128x128xbf16, #tpu.memory_space<vmem>> -> memref<128x128xbf16, #tpu.memory_space<vmem>>
      %dma_start3A_68 = arith.constant 0 : i32
      %dma_start3A_69 = tpu.memref_slice %arg12[%dma_start3A_62, %dma_start3A_68] : memref<80x128xi32, #tpu.memory_space<vmem>> -> memref<1x128xi32, #tpu.memory_space<vmem>>
      %dma_start3A_70 = tpu.memref_squeeze %dma_start3A_69 : memref<1x128xi32, #tpu.memory_space<vmem>> -> memref<128xi32, #tpu.memory_space<vmem>>
      %dma_start3A_71 = arith.constant 0 : i32
      %dma_start3A_72 = arith.constant 0 : i32
      %dma_start3A_73 = tpu.memref_slice %arg3[%dma_start3A_71, %dma_start3A_72] : memref<10000x128xbf16, #tpu.memory_space<hbm>> -> memref<10000x128xbf16, #tpu.memory_space<hbm>>
      tpu.enqueue_indirect_dma source(%dma_start3A_73 : memref<10000x128xbf16, #tpu.memory_space<hbm>>) target(%dma_start3A_67 : memref<128x128xbf16, #tpu.memory_space<vmem>>) offsets(%dma_start3A_70 : memref<128xi32, #tpu.memory_space<vmem>>) semaphore(%arg20 : memref<!tpu.dma_semaphore, #tpu.memory_space<semaphore_mem>>)
      %dma_start3A_74 = arith.constant 2 : i32
      %dma_start3A_75 = arith.constant 2 : i32
      %dma_start3A_76 = arith.constant 0 : i32
      %dma_start3A_77 = arith.constant 0 : i32
      %dma_start3A_78 = tpu.memref_slice %arg14[%dma_start3A_75, %dma_start3A_76, %dma_start3A_77] : memref<5x128x128xbf16, #tpu.memory_space<vmem>> -> memref<1x128x128xbf16, #tpu.memory_space<vmem>>
      %dma_start3A_79 = tpu.memref_squeeze %dma_start3A_78 : memref<1x128x128xbf16, #tpu.memory_space<vmem>> -> memref<128x128xbf16, #tpu.memory_space<vmem>>
      %dma_start3A_80 = arith.constant 0 : i32
      %dma_start3A_81 = tpu.memref_slice %arg12[%dma_start3A_74, %dma_start3A_80] : memref<80x128xi32, #tpu.memory_space<vmem>> -> memref<1x128xi32, #tpu.memory_space<vmem>>
      %dma_start3A_82 = tpu.memref_squeeze %dma_start3A_81 : memref<1x128xi32, #tpu.memory_space<vmem>> -> memref<128xi32, #tpu.memory_space<vmem>>
      %dma_start3A_83 = arith.constant 0 : i32
      %dma_start3A_84 = arith.constant 0 : i32
      %dma_start3A_85 = tpu.memref_slice %arg3[%dma_start3A_83, %dma_start3A_84] : memref<10000x128xbf16, #tpu.memory_space<hbm>> -> memref<10000x128xbf16, #tpu.memory_space<hbm>>
      tpu.enqueue_indirect_dma source(%dma_start3A_85 : memref<10000x128xbf16, #tpu.memory_space<hbm>>) target(%dma_start3A_79 : memref<128x128xbf16, #tpu.memory_space<vmem>>) offsets(%dma_start3A_82 : memref<128xi32, #tpu.memory_space<vmem>>) semaphore(%arg21 : memref<!tpu.dma_semaphore, #tpu.memory_space<semaphore_mem>>)
      %dma_start3A_86 = arith.constant 3 : i32
      %dma_start3A_87 = arith.constant 3 : i32
      %dma_start3A_88 = arith.constant 0 : i32
      %dma_start3A_89 = arith.constant 0 : i32
      %dma_start3A_90 = tpu.memref_slice %arg14[%dma_start3A_87, %dma_start3A_88, %dma_start3A_89] : memref<5x128x128xbf16, #tpu.memory_space<vmem>> -> memref<1x128x128xbf16, #tpu.memory_space<vmem>>
      %dma_start3A_91 = tpu.memref_squeeze %dma_start3A_90 : memref<1x128x128xbf16, #tpu.memory_space<vmem>> -> memref<128x128xbf16, #tpu.memory_space<vmem>>
      %dma_start3A_92 = arith.constant 0 : i32
      %dma_start3A_93 = tpu.memref_slice %arg12[%dma_start3A_86, %dma_start3A_92] : memref<80x128xi32, #tpu.memory_space<vmem>> -> memref<1x128xi32, #tpu.memory_space<vmem>>
      %dma_start3A_94 = tpu.memref_squeeze %dma_start3A_93 : memref<1x128xi32, #tpu.memory_space<vmem>> -> memref<128xi32, #tpu.memory_space<vmem>>
      %dma_start3A_95 = arith.constant 0 : i32
      %dma_start3A_96 = arith.constant 0 : i32
      %dma_start3A_97 = tpu.memref_slice %arg3[%dma_start3A_95, %dma_start3A_96] : memref<10000x128xbf16, #tpu.memory_space<hbm>> -> memref<10000x128xbf16, #tpu.memory_space<hbm>>
      tpu.enqueue_indirect_dma source(%dma_start3A_97 : memref<10000x128xbf16, #tpu.memory_space<hbm>>) target(%dma_start3A_91 : memref<128x128xbf16, #tpu.memory_space<vmem>>) offsets(%dma_start3A_94 : memref<128xi32, #tpu.memory_space<vmem>>) semaphore(%arg22 : memref<!tpu.dma_semaphore, #tpu.memory_space<semaphore_mem>>)
      %scan3A_98 = arith.constant 0 : i32
      %scan3A_99 = arith.constant 16 : i32
      %scan3A_100 = arith.addi %scan3A_98, %scan3A_99 : i32
      %scan3A_101 = arith.constant 1 : i32
      scf.for %scan3A_197 = %scan3A_98 to %scan3A_100 step %scan3A_101  : i32 {
        %mul3A_198 = arith.constant 5 : i32
        %mul3A_199 = arith.muli %scan3A_197, %mul3A_198 : i32
        %add3A_200 = arith.constant 0 : i32
        %add3A_201 = arith.addi %add3A_200, %mul3A_199 : i32
        %add3A_202 = arith.constant 0 : i32
        %add3A_203 = arith.addi %add3A_201, %add3A_202 : i32
        %dma_wait3A_204 = arith.constant 0 : i32
        %dma_wait3A_205 = arith.constant 0 : i32
        %dma_wait3A_206 = arith.constant 0 : i32
        %dma_wait3A_207 = tpu.memref_slice %arg14[%dma_wait3A_204, %dma_wait3A_205, %dma_wait3A_206] : memref<5x128x128xbf16, #tpu.memory_space<vmem>> -> memref<1x128x128xbf16, #tpu.memory_space<vmem>>
        %dma_wait3A_208 = tpu.memref_squeeze %dma_wait3A_207 : memref<1x128x128xbf16, #tpu.memory_space<vmem>> -> memref<128x128xbf16, #tpu.memory_space<vmem>>
        %dma_wait3A_209 = arith.constant 0 : i32
        %dma_wait3A_210 = tpu.memref_slice %arg12[%add3A_203, %dma_wait3A_209] : memref<80x128xi32, #tpu.memory_space<vmem>> -> memref<1x128xi32, #tpu.memory_space<vmem>>
        %dma_wait3A_211 = tpu.memref_squeeze %dma_wait3A_210 : memref<1x128xi32, #tpu.memory_space<vmem>> -> memref<128xi32, #tpu.memory_space<vmem>>
        %dma_wait3A_212 = arith.constant 0 : i32
        %dma_wait3A_213 = arith.constant 0 : i32
        %dma_wait3A_214 = tpu.memref_slice %arg3[%dma_wait3A_212, %dma_wait3A_213] : memref<10000x128xbf16, #tpu.memory_space<hbm>> -> memref<10000x128xbf16, #tpu.memory_space<hbm>>
        tpu.wait_indirect_dma semaphore(%arg19 : memref<!tpu.dma_semaphore, #tpu.memory_space<semaphore_mem>>) src(%dma_wait3A_214 : memref<10000x128xbf16, #tpu.memory_space<hbm>>) dst(%dma_wait3A_208 : memref<128x128xbf16, #tpu.memory_space<vmem>>)
        %add3A_215 = arith.constant 5 : i32
        %add3A_216 = arith.addi %add3A_203, %add3A_215 : i32
        %sub3A = arith.constant 1 : i32
        %sub3A_217 = arith.subi %add3A_216, %sub3A : i32
        %lt3A = arith.constant 80 : i32
        %lt3A_218 = arith.cmpi slt, %sub3A_217, %lt3A : i32
        %convert_element_type3A_219 = arith.extui %lt3A_218 : i1 to i32
        %cond3A_220 = arith.constant 0 : i32
        %cond3A_221 = arith.cmpi ne, %convert_element_type3A_219, %cond3A_220 : i32
        scf.if %cond3A_221 {
          %ge3A = arith.constant 1 : i32
          %ge3A_395 = arith.cmpi sge, %add3A_203, %ge3A : i32
          %convert_element_type3A_396 = arith.extui %ge3A_395 : i1 to i32
          %cond3A_397 = arith.constant 0 : i32
          %cond3A_398 = arith.cmpi ne, %convert_element_type3A_396, %cond3A_397 : i32
          scf.if %cond3A_398 {
            %sub3A_414 = arith.constant 1 : i32
            %sub3A_415 = arith.subi %add3A_203, %sub3A_414 : i32
            %dma_wait3A_416 = arith.constant 4 : i32
            %dma_wait3A_417 = arith.constant 0 : i32
            %dma_wait3A_418 = arith.constant 0 : i32
            %dma_wait3A_419 = tpu.memref_slice %arg14[%dma_wait3A_416, %dma_wait3A_417, %dma_wait3A_418] : memref<5x128x128xbf16, #tpu.memory_space<vmem>> -> memref<1x128x128xbf16, #tpu.memory_space<vmem>>
            %dma_wait3A_420 = tpu.memref_squeeze %dma_wait3A_419 : memref<1x128x128xbf16, #tpu.memory_space<vmem>> -> memref<128x128xbf16, #tpu.memory_space<vmem>>
            %dma_wait3A_421 = arith.constant 0 : i32
            %dma_wait3A_422 = tpu.memref_slice %arg13[%sub3A_415, %dma_wait3A_421] : memref<80x128xi32, #tpu.memory_space<vmem>> -> memref<1x128xi32, #tpu.memory_space<vmem>>
            %dma_wait3A_423 = tpu.memref_squeeze %dma_wait3A_422 : memref<1x128xi32, #tpu.memory_space<vmem>> -> memref<128xi32, #tpu.memory_space<vmem>>
            %dma_wait3A_424 = arith.constant 0 : i32
            %dma_wait3A_425 = arith.constant 0 : i32
            %dma_wait3A_426 = tpu.memref_slice %arg17[%dma_wait3A_424, %dma_wait3A_425] : memref<10112x128xbf16, #tpu.memory_space<vmem_shared>> -> memref<10112x128xbf16, #tpu.memory_space<vmem_shared>>
            tpu.wait_indirect_dma semaphore(%arg28 : memref<!tpu.dma_semaphore, #tpu.memory_space<semaphore_mem>>) src(%dma_wait3A_420 : memref<128x128xbf16, #tpu.memory_space<vmem>>) dst(%dma_wait3A_426 : memref<10112x128xbf16, #tpu.memory_space<vmem_shared>>)
            %sub3A_427 = arith.constant 1 : i32
            %sub3A_428 = arith.subi %add3A_203, %sub3A_427 : i32
            %dma_wait3A_429 = arith.constant 0 : i32
            %dma_wait3A_430 = tpu.memref_slice %arg13[%sub3A_428, %dma_wait3A_429] : memref<80x128xi32, #tpu.memory_space<vmem>> -> memref<1x128xi32, #tpu.memory_space<vmem>>
            %dma_wait3A_431 = tpu.memref_squeeze %dma_wait3A_430 : memref<1x128xi32, #tpu.memory_space<vmem>> -> memref<128xi32, #tpu.memory_space<vmem>>
            %dma_wait3A_432 = arith.constant 0 : i32
            %dma_wait3A_433 = arith.constant 0 : i32
            %dma_wait3A_434 = tpu.memref_slice %arg18[%dma_wait3A_432, %dma_wait3A_433] : memref<10112x8xf32, #tpu.memory_space<vmem_shared>> -> memref<10112x8xf32, #tpu.memory_space<vmem_shared>>
            tpu.wait_indirect_dma semaphore(%arg33 : memref<!tpu.dma_semaphore, #tpu.memory_space<semaphore_mem>>) src(%arg15 : memref<128x8xf32, #tpu.memory_space<vmem>>) dst(%dma_wait3A_434 : memref<10112x8xf32, #tpu.memory_space<vmem_shared>>)
          } else {
          }
          %add3A_399 = arith.constant 5 : i32
          %add3A_400 = arith.addi %add3A_203, %add3A_399 : i32
          %sub3A_401 = arith.constant 1 : i32
          %sub3A_402 = arith.subi %add3A_400, %sub3A_401 : i32
          %dma_start3A_403 = arith.constant 4 : i32
          %dma_start3A_404 = arith.constant 0 : i32
          %dma_start3A_405 = arith.constant 0 : i32
          %dma_start3A_406 = tpu.memref_slice %arg14[%dma_start3A_403, %dma_start3A_404, %dma_start3A_405] : memref<5x128x128xbf16, #tpu.memory_space<vmem>> -> memref<1x128x128xbf16, #tpu.memory_space<vmem>>
          %dma_start3A_407 = tpu.memref_squeeze %dma_start3A_406 : memref<1x128x128xbf16, #tpu.memory_space<vmem>> -> memref<128x128xbf16, #tpu.memory_space<vmem>>
          %dma_start3A_408 = arith.constant 0 : i32
          %dma_start3A_409 = tpu.memref_slice %arg12[%sub3A_402, %dma_start3A_408] : memref<80x128xi32, #tpu.memory_space<vmem>> -> memref<1x128xi32, #tpu.memory_space<vmem>>
          %dma_start3A_410 = tpu.memref_squeeze %dma_start3A_409 : memref<1x128xi32, #tpu.memory_space<vmem>> -> memref<128xi32, #tpu.memory_space<vmem>>
          %dma_start3A_411 = arith.constant 0 : i32
          %dma_start3A_412 = arith.constant 0 : i32
          %dma_start3A_413 = tpu.memref_slice %arg3[%dma_start3A_411, %dma_start3A_412] : memref<10000x128xbf16, #tpu.memory_space<hbm>> -> memref<10000x128xbf16, #tpu.memory_space<hbm>>
          tpu.enqueue_indirect_dma source(%dma_start3A_413 : memref<10000x128xbf16, #tpu.memory_space<hbm>>) target(%dma_start3A_407 : memref<128x128xbf16, #tpu.memory_space<vmem>>) offsets(%dma_start3A_410 : memref<128xi32, #tpu.memory_space<vmem>>) semaphore(%arg23 : memref<!tpu.dma_semaphore, #tpu.memory_space<semaphore_mem>>)
        } else {
        }
        %dma_start3A_222 = arith.constant 0 : i32
        %dma_start3A_223 = arith.constant 0 : i32
        %dma_start3A_224 = arith.constant 0 : i32
        %dma_start3A_225 = tpu.memref_slice %arg14[%dma_start3A_222, %dma_start3A_223, %dma_start3A_224] : memref<5x128x128xbf16, #tpu.memory_space<vmem>> -> memref<1x128x128xbf16, #tpu.memory_space<vmem>>
        %dma_start3A_226 = tpu.memref_squeeze %dma_start3A_225 : memref<1x128x128xbf16, #tpu.memory_space<vmem>> -> memref<128x128xbf16, #tpu.memory_space<vmem>>
        %dma_start3A_227 = arith.constant 0 : i32
        %dma_start3A_228 = tpu.memref_slice %arg13[%add3A_203, %dma_start3A_227] : memref<80x128xi32, #tpu.memory_space<vmem>> -> memref<1x128xi32, #tpu.memory_space<vmem>>
        %dma_start3A_229 = tpu.memref_squeeze %dma_start3A_228 : memref<1x128xi32, #tpu.memory_space<vmem>> -> memref<128xi32, #tpu.memory_space<vmem>>
        %dma_start3A_230 = arith.constant 0 : i32
        %dma_start3A_231 = arith.constant 0 : i32
        %dma_start3A_232 = tpu.memref_slice %arg17[%dma_start3A_230, %dma_start3A_231] : memref<10112x128xbf16, #tpu.memory_space<vmem_shared>> -> memref<10112x128xbf16, #tpu.memory_space<vmem_shared>>
        tpu.enqueue_indirect_dma source(%dma_start3A_226 : memref<128x128xbf16, #tpu.memory_space<vmem>>) target(%dma_start3A_232 : memref<10112x128xbf16, #tpu.memory_space<vmem_shared>>) offsets(%dma_start3A_229 : memref<128xi32, #tpu.memory_space<vmem>>) semaphore(%arg24 : memref<!tpu.dma_semaphore, #tpu.memory_space<semaphore_mem>>) {add = true}
        %dma_start3A_233 = arith.constant 0 : i32
        %dma_start3A_234 = tpu.memref_slice %arg13[%add3A_203, %dma_start3A_233] : memref<80x128xi32, #tpu.memory_space<vmem>> -> memref<1x128xi32, #tpu.memory_space<vmem>>
        %dma_start3A_235 = tpu.memref_squeeze %dma_start3A_234 : memref<1x128xi32, #tpu.memory_space<vmem>> -> memref<128xi32, #tpu.memory_space<vmem>>
        %dma_start3A_236 = arith.constant 0 : i32
        %dma_start3A_237 = arith.constant 0 : i32
        %dma_start3A_238 = tpu.memref_slice %arg18[%dma_start3A_236, %dma_start3A_237] : memref<10112x8xf32, #tpu.memory_space<vmem_shared>> -> memref<10112x8xf32, #tpu.memory_space<vmem_shared>>
        tpu.enqueue_indirect_dma source(%arg15 : memref<128x8xf32, #tpu.memory_space<vmem>>) target(%dma_start3A_238 : memref<10112x8xf32, #tpu.memory_space<vmem_shared>>) offsets(%dma_start3A_235 : memref<128xi32, #tpu.memory_space<vmem>>) semaphore(%arg29 : memref<!tpu.dma_semaphore, #tpu.memory_space<semaphore_mem>>) {add = true}
        %add3A_239 = arith.constant 1 : i32
        %add3A_240 = arith.addi %add3A_201, %add3A_239 : i32
        %dma_wait3A_241 = arith.constant 1 : i32
        %dma_wait3A_242 = arith.constant 0 : i32
        %dma_wait3A_243 = arith.constant 0 : i32
        %dma_wait3A_244 = tpu.memref_slice %arg14[%dma_wait3A_241, %dma_wait3A_242, %dma_wait3A_243] : memref<5x128x128xbf16, #tpu.memory_space<vmem>> -> memref<1x128x128xbf16, #tpu.memory_space<vmem>>
        %dma_wait3A_245 = tpu.memref_squeeze %dma_wait3A_244 : memref<1x128x128xbf16, #tpu.memory_space<vmem>> -> memref<128x128xbf16, #tpu.memory_space<vmem>>
        %dma_wait3A_246 = arith.constant 0 : i32
        %dma_wait3A_247 = tpu.memref_slice %arg12[%add3A_240, %dma_wait3A_246] : memref<80x128xi32, #tpu.memory_space<vmem>> -> memref<1x128xi32, #tpu.memory_space<vmem>>
        %dma_wait3A_248 = tpu.memref_squeeze %dma_wait3A_247 : memref<1x128xi32, #tpu.memory_space<vmem>> -> memref<128xi32, #tpu.memory_space<vmem>>
        %dma_wait3A_249 = arith.constant 0 : i32
        %dma_wait3A_250 = arith.constant 0 : i32
        %dma_wait3A_251 = tpu.memref_slice %arg3[%dma_wait3A_249, %dma_wait3A_250] : memref<10000x128xbf16, #tpu.memory_space<hbm>> -> memref<10000x128xbf16, #tpu.memory_space<hbm>>
        tpu.wait_indirect_dma semaphore(%arg20 : memref<!tpu.dma_semaphore, #tpu.memory_space<semaphore_mem>>) src(%dma_wait3A_251 : memref<10000x128xbf16, #tpu.memory_space<hbm>>) dst(%dma_wait3A_245 : memref<128x128xbf16, #tpu.memory_space<vmem>>)
        %add3A_252 = arith.constant 5 : i32
        %add3A_253 = arith.addi %add3A_240, %add3A_252 : i32
        %sub3A_254 = arith.constant 1 : i32
        %sub3A_255 = arith.subi %add3A_253, %sub3A_254 : i32
        %lt3A_256 = arith.constant 80 : i32
        %lt3A_257 = arith.cmpi slt, %sub3A_255, %lt3A_256 : i32
        %convert_element_type3A_258 = arith.extui %lt3A_257 : i1 to i32
        %cond3A_259 = arith.constant 0 : i32
        %cond3A_260 = arith.cmpi ne, %convert_element_type3A_258, %cond3A_259 : i32
        scf.if %cond3A_260 {
          %ge3A = arith.constant 1 : i32
          %ge3A_395 = arith.cmpi sge, %add3A_240, %ge3A : i32
          %convert_element_type3A_396 = arith.extui %ge3A_395 : i1 to i32
          %cond3A_397 = arith.constant 0 : i32
          %cond3A_398 = arith.cmpi ne, %convert_element_type3A_396, %cond3A_397 : i32
          scf.if %cond3A_398 {
            %sub3A_414 = arith.constant 1 : i32
            %sub3A_415 = arith.subi %add3A_240, %sub3A_414 : i32
            %dma_wait3A_416 = arith.constant 0 : i32
            %dma_wait3A_417 = arith.constant 0 : i32
            %dma_wait3A_418 = arith.constant 0 : i32
            %dma_wait3A_419 = tpu.memref_slice %arg14[%dma_wait3A_416, %dma_wait3A_417, %dma_wait3A_418] : memref<5x128x128xbf16, #tpu.memory_space<vmem>> -> memref<1x128x128xbf16, #tpu.memory_space<vmem>>
            %dma_wait3A_420 = tpu.memref_squeeze %dma_wait3A_419 : memref<1x128x128xbf16, #tpu.memory_space<vmem>> -> memref<128x128xbf16, #tpu.memory_space<vmem>>
            %dma_wait3A_421 = arith.constant 0 : i32
            %dma_wait3A_422 = tpu.memref_slice %arg13[%sub3A_415, %dma_wait3A_421] : memref<80x128xi32, #tpu.memory_space<vmem>> -> memref<1x128xi32, #tpu.memory_space<vmem>>
            %dma_wait3A_423 = tpu.memref_squeeze %dma_wait3A_422 : memref<1x128xi32, #tpu.memory_space<vmem>> -> memref<128xi32, #tpu.memory_space<vmem>>
            %dma_wait3A_424 = arith.constant 0 : i32
            %dma_wait3A_425 = arith.constant 0 : i32
            %dma_wait3A_426 = tpu.memref_slice %arg17[%dma_wait3A_424, %dma_wait3A_425] : memref<10112x128xbf16, #tpu.memory_space<vmem_shared>> -> memref<10112x128xbf16, #tpu.memory_space<vmem_shared>>
            tpu.wait_indirect_dma semaphore(%arg24 : memref<!tpu.dma_semaphore, #tpu.memory_space<semaphore_mem>>) src(%dma_wait3A_420 : memref<128x128xbf16, #tpu.memory_space<vmem>>) dst(%dma_wait3A_426 : memref<10112x128xbf16, #tpu.memory_space<vmem_shared>>)
            %sub3A_427 = arith.constant 1 : i32
            %sub3A_428 = arith.subi %add3A_240, %sub3A_427 : i32
            %dma_wait3A_429 = arith.constant 0 : i32
            %dma_wait3A_430 = tpu.memref_slice %arg13[%sub3A_428, %dma_wait3A_429] : memref<80x128xi32, #tpu.memory_space<vmem>> -> memref<1x128xi32, #tpu.memory_space<vmem>>
            %dma_wait3A_431 = tpu.memref_squeeze %dma_wait3A_430 : memref<1x128xi32, #tpu.memory_space<vmem>> -> memref<128xi32, #tpu.memory_space<vmem>>
            %dma_wait3A_432 = arith.constant 0 : i32
            %dma_wait3A_433 = arith.constant 0 : i32
            %dma_wait3A_434 = tpu.memref_slice %arg18[%dma_wait3A_432, %dma_wait3A_433] : memref<10112x8xf32, #tpu.memory_space<vmem_shared>> -> memref<10112x8xf32, #tpu.memory_space<vmem_shared>>
            tpu.wait_indirect_dma semaphore(%arg29 : memref<!tpu.dma_semaphore, #tpu.memory_space<semaphore_mem>>) src(%arg15 : memref<128x8xf32, #tpu.memory_space<vmem>>) dst(%dma_wait3A_434 : memref<10112x8xf32, #tpu.memory_space<vmem_shared>>)
          } else {
          }
          %add3A_399 = arith.constant 5 : i32
          %add3A_400 = arith.addi %add3A_240, %add3A_399 : i32
          %sub3A_401 = arith.constant 1 : i32
          %sub3A_402 = arith.subi %add3A_400, %sub3A_401 : i32
          %dma_start3A_403 = arith.constant 0 : i32
          %dma_start3A_404 = arith.constant 0 : i32
          %dma_start3A_405 = arith.constant 0 : i32
          %dma_start3A_406 = tpu.memref_slice %arg14[%dma_start3A_403, %dma_start3A_404, %dma_start3A_405] : memref<5x128x128xbf16, #tpu.memory_space<vmem>> -> memref<1x128x128xbf16, #tpu.memory_space<vmem>>
          %dma_start3A_407 = tpu.memref_squeeze %dma_start3A_406 : memref<1x128x128xbf16, #tpu.memory_space<vmem>> -> memref<128x128xbf16, #tpu.memory_space<vmem>>
          %dma_start3A_408 = arith.constant 0 : i32
          %dma_start3A_409 = tpu.memref_slice %arg12[%sub3A_402, %dma_start3A_408] : memref<80x128xi32, #tpu.memory_space<vmem>> -> memref<1x128xi32, #tpu.memory_space<vmem>>
          %dma_start3A_410 = tpu.memref_squeeze %dma_start3A_409 : memref<1x128xi32, #tpu.memory_space<vmem>> -> memref<128xi32, #tpu.memory_space<vmem>>
          %dma_start3A_411 = arith.constant 0 : i32
          %dma_start3A_412 = arith.constant 0 : i32
          %dma_start3A_413 = tpu.memref_slice %arg3[%dma_start3A_411, %dma_start3A_412] : memref<10000x128xbf16, #tpu.memory_space<hbm>> -> memref<10000x128xbf16, #tpu.memory_space<hbm>>
          tpu.enqueue_indirect_dma source(%dma_start3A_413 : memref<10000x128xbf16, #tpu.memory_space<hbm>>) target(%dma_start3A_407 : memref<128x128xbf16, #tpu.memory_space<vmem>>) offsets(%dma_start3A_410 : memref<128xi32, #tpu.memory_space<vmem>>) semaphore(%arg19 : memref<!tpu.dma_semaphore, #tpu.memory_space<semaphore_mem>>)
        } else {
        }
        %dma_start3A_261 = arith.constant 1 : i32
        %dma_start3A_262 = arith.constant 0 : i32
        %dma_start3A_263 = arith.constant 0 : i32
        %dma_start3A_264 = tpu.memref_slice %arg14[%dma_start3A_261, %dma_start3A_262, %dma_start3A_263] : memref<5x128x128xbf16, #tpu.memory_space<vmem>> -> memref<1x128x128xbf16, #tpu.memory_space<vmem>>
        %dma_start3A_265 = tpu.memref_squeeze %dma_start3A_264 : memref<1x128x128xbf16, #tpu.memory_space<vmem>> -> memref<128x128xbf16, #tpu.memory_space<vmem>>
        %dma_start3A_266 = arith.constant 0 : i32
        %dma_start3A_267 = tpu.memref_slice %arg13[%add3A_240, %dma_start3A_266] : memref<80x128xi32, #tpu.memory_space<vmem>> -> memref<1x128xi32, #tpu.memory_space<vmem>>
        %dma_start3A_268 = tpu.memref_squeeze %dma_start3A_267 : memref<1x128xi32, #tpu.memory_space<vmem>> -> memref<128xi32, #tpu.memory_space<vmem>>
        %dma_start3A_269 = arith.constant 0 : i32
        %dma_start3A_270 = arith.constant 0 : i32
        %dma_start3A_271 = tpu.memref_slice %arg17[%dma_start3A_269, %dma_start3A_270] : memref<10112x128xbf16, #tpu.memory_space<vmem_shared>> -> memref<10112x128xbf16, #tpu.memory_space<vmem_shared>>
        tpu.enqueue_indirect_dma source(%dma_start3A_265 : memref<128x128xbf16, #tpu.memory_space<vmem>>) target(%dma_start3A_271 : memref<10112x128xbf16, #tpu.memory_space<vmem_shared>>) offsets(%dma_start3A_268 : memref<128xi32, #tpu.memory_space<vmem>>) semaphore(%arg25 : memref<!tpu.dma_semaphore, #tpu.memory_space<semaphore_mem>>) {add = true}
        %dma_start3A_272 = arith.constant 0 : i32
        %dma_start3A_273 = tpu.memref_slice %arg13[%add3A_240, %dma_start3A_272] : memref<80x128xi32, #tpu.memory_space<vmem>> -> memref<1x128xi32, #tpu.memory_space<vmem>>
        %dma_start3A_274 = tpu.memref_squeeze %dma_start3A_273 : memref<1x128xi32, #tpu.memory_space<vmem>> -> memref<128xi32, #tpu.memory_space<vmem>>
        %dma_start3A_275 = arith.constant 0 : i32
        %dma_start3A_276 = arith.constant 0 : i32
        %dma_start3A_277 = tpu.memref_slice %arg18[%dma_start3A_275, %dma_start3A_276] : memref<10112x8xf32, #tpu.memory_space<vmem_shared>> -> memref<10112x8xf32, #tpu.memory_space<vmem_shared>>
        tpu.enqueue_indirect_dma source(%arg15 : memref<128x8xf32, #tpu.memory_space<vmem>>) target(%dma_start3A_277 : memref<10112x8xf32, #tpu.memory_space<vmem_shared>>) offsets(%dma_start3A_274 : memref<128xi32, #tpu.memory_space<vmem>>) semaphore(%arg30 : memref<!tpu.dma_semaphore, #tpu.memory_space<semaphore_mem>>) {add = true}
        %add3A_278 = arith.constant 2 : i32
        %add3A_279 = arith.addi %add3A_201, %add3A_278 : i32
        %dma_wait3A_280 = arith.constant 2 : i32
        %dma_wait3A_281 = arith.constant 0 : i32
        %dma_wait3A_282 = arith.constant 0 : i32
        %dma_wait3A_283 = tpu.memref_slice %arg14[%dma_wait3A_280, %dma_wait3A_281, %dma_wait3A_282] : memref<5x128x128xbf16, #tpu.memory_space<vmem>> -> memref<1x128x128xbf16, #tpu.memory_space<vmem>>
        %dma_wait3A_284 = tpu.memref_squeeze %dma_wait3A_283 : memref<1x128x128xbf16, #tpu.memory_space<vmem>> -> memref<128x128xbf16, #tpu.memory_space<vmem>>
        %dma_wait3A_285 = arith.constant 0 : i32
        %dma_wait3A_286 = tpu.memref_slice %arg12[%add3A_279, %dma_wait3A_285] : memref<80x128xi32, #tpu.memory_space<vmem>> -> memref<1x128xi32, #tpu.memory_space<vmem>>
        %dma_wait3A_287 = tpu.memref_squeeze %dma_wait3A_286 : memref<1x128xi32, #tpu.memory_space<vmem>> -> memref<128xi32, #tpu.memory_space<vmem>>
        %dma_wait3A_288 = arith.constant 0 : i32
        %dma_wait3A_289 = arith.constant 0 : i32
        %dma_wait3A_290 = tpu.memref_slice %arg3[%dma_wait3A_288, %dma_wait3A_289] : memref<10000x128xbf16, #tpu.memory_space<hbm>> -> memref<10000x128xbf16, #tpu.memory_space<hbm>>
        tpu.wait_indirect_dma semaphore(%arg21 : memref<!tpu.dma_semaphore, #tpu.memory_space<semaphore_mem>>) src(%dma_wait3A_290 : memref<10000x128xbf16, #tpu.memory_space<hbm>>) dst(%dma_wait3A_284 : memref<128x128xbf16, #tpu.memory_space<vmem>>)
        %add3A_291 = arith.constant 5 : i32
        %add3A_292 = arith.addi %add3A_279, %add3A_291 : i32
        %sub3A_293 = arith.constant 1 : i32
        %sub3A_294 = arith.subi %add3A_292, %sub3A_293 : i32
        %lt3A_295 = arith.constant 80 : i32
        %lt3A_296 = arith.cmpi slt, %sub3A_294, %lt3A_295 : i32
        %convert_element_type3A_297 = arith.extui %lt3A_296 : i1 to i32
        %cond3A_298 = arith.constant 0 : i32
        %cond3A_299 = arith.cmpi ne, %convert_element_type3A_297, %cond3A_298 : i32
        scf.if %cond3A_299 {
          %ge3A = arith.constant 1 : i32
          %ge3A_395 = arith.cmpi sge, %add3A_279, %ge3A : i32
          %convert_element_type3A_396 = arith.extui %ge3A_395 : i1 to i32
          %cond3A_397 = arith.constant 0 : i32
          %cond3A_398 = arith.cmpi ne, %convert_element_type3A_396, %cond3A_397 : i32
          scf.if %cond3A_398 {
            %sub3A_414 = arith.constant 1 : i32
            %sub3A_415 = arith.subi %add3A_279, %sub3A_414 : i32
            %dma_wait3A_416 = arith.constant 1 : i32
            %dma_wait3A_417 = arith.constant 0 : i32
            %dma_wait3A_418 = arith.constant 0 : i32
            %dma_wait3A_419 = tpu.memref_slice %arg14[%dma_wait3A_416, %dma_wait3A_417, %dma_wait3A_418] : memref<5x128x128xbf16, #tpu.memory_space<vmem>> -> memref<1x128x128xbf16, #tpu.memory_space<vmem>>
            %dma_wait3A_420 = tpu.memref_squeeze %dma_wait3A_419 : memref<1x128x128xbf16, #tpu.memory_space<vmem>> -> memref<128x128xbf16, #tpu.memory_space<vmem>>
            %dma_wait3A_421 = arith.constant 0 : i32
            %dma_wait3A_422 = tpu.memref_slice %arg13[%sub3A_415, %dma_wait3A_421] : memref<80x128xi32, #tpu.memory_space<vmem>> -> memref<1x128xi32, #tpu.memory_space<vmem>>
            %dma_wait3A_423 = tpu.memref_squeeze %dma_wait3A_422 : memref<1x128xi32, #tpu.memory_space<vmem>> -> memref<128xi32, #tpu.memory_space<vmem>>
            %dma_wait3A_424 = arith.constant 0 : i32
            %dma_wait3A_425 = arith.constant 0 : i32
            %dma_wait3A_426 = tpu.memref_slice %arg17[%dma_wait3A_424, %dma_wait3A_425] : memref<10112x128xbf16, #tpu.memory_space<vmem_shared>> -> memref<10112x128xbf16, #tpu.memory_space<vmem_shared>>
            tpu.wait_indirect_dma semaphore(%arg25 : memref<!tpu.dma_semaphore, #tpu.memory_space<semaphore_mem>>) src(%dma_wait3A_420 : memref<128x128xbf16, #tpu.memory_space<vmem>>) dst(%dma_wait3A_426 : memref<10112x128xbf16, #tpu.memory_space<vmem_shared>>)
            %sub3A_427 = arith.constant 1 : i32
            %sub3A_428 = arith.subi %add3A_279, %sub3A_427 : i32
            %dma_wait3A_429 = arith.constant 0 : i32
            %dma_wait3A_430 = tpu.memref_slice %arg13[%sub3A_428, %dma_wait3A_429] : memref<80x128xi32, #tpu.memory_space<vmem>> -> memref<1x128xi32, #tpu.memory_space<vmem>>
            %dma_wait3A_431 = tpu.memref_squeeze %dma_wait3A_430 : memref<1x128xi32, #tpu.memory_space<vmem>> -> memref<128xi32, #tpu.memory_space<vmem>>
            %dma_wait3A_432 = arith.constant 0 : i32
            %dma_wait3A_433 = arith.constant 0 : i32
            %dma_wait3A_434 = tpu.memref_slice %arg18[%dma_wait3A_432, %dma_wait3A_433] : memref<10112x8xf32, #tpu.memory_space<vmem_shared>> -> memref<10112x8xf32, #tpu.memory_space<vmem_shared>>
            tpu.wait_indirect_dma semaphore(%arg30 : memref<!tpu.dma_semaphore, #tpu.memory_space<semaphore_mem>>) src(%arg15 : memref<128x8xf32, #tpu.memory_space<vmem>>) dst(%dma_wait3A_434 : memref<10112x8xf32, #tpu.memory_space<vmem_shared>>)
          } else {
          }
          %add3A_399 = arith.constant 5 : i32
          %add3A_400 = arith.addi %add3A_279, %add3A_399 : i32
          %sub3A_401 = arith.constant 1 : i32
          %sub3A_402 = arith.subi %add3A_400, %sub3A_401 : i32
          %dma_start3A_403 = arith.constant 1 : i32
          %dma_start3A_404 = arith.constant 0 : i32
          %dma_start3A_405 = arith.constant 0 : i32
          %dma_start3A_406 = tpu.memref_slice %arg14[%dma_start3A_403, %dma_start3A_404, %dma_start3A_405] : memref<5x128x128xbf16, #tpu.memory_space<vmem>> -> memref<1x128x128xbf16, #tpu.memory_space<vmem>>
          %dma_start3A_407 = tpu.memref_squeeze %dma_start3A_406 : memref<1x128x128xbf16, #tpu.memory_space<vmem>> -> memref<128x128xbf16, #tpu.memory_space<vmem>>
          %dma_start3A_408 = arith.constant 0 : i32
          %dma_start3A_409 = tpu.memref_slice %arg12[%sub3A_402, %dma_start3A_408] : memref<80x128xi32, #tpu.memory_space<vmem>> -> memref<1x128xi32, #tpu.memory_space<vmem>>
          %dma_start3A_410 = tpu.memref_squeeze %dma_start3A_409 : memref<1x128xi32, #tpu.memory_space<vmem>> -> memref<128xi32, #tpu.memory_space<vmem>>
          %dma_start3A_411 = arith.constant 0 : i32
          %dma_start3A_412 = arith.constant 0 : i32
          %dma_start3A_413 = tpu.memref_slice %arg3[%dma_start3A_411, %dma_start3A_412] : memref<10000x128xbf16, #tpu.memory_space<hbm>> -> memref<10000x128xbf16, #tpu.memory_space<hbm>>
          tpu.enqueue_indirect_dma source(%dma_start3A_413 : memref<10000x128xbf16, #tpu.memory_space<hbm>>) target(%dma_start3A_407 : memref<128x128xbf16, #tpu.memory_space<vmem>>) offsets(%dma_start3A_410 : memref<128xi32, #tpu.memory_space<vmem>>) semaphore(%arg20 : memref<!tpu.dma_semaphore, #tpu.memory_space<semaphore_mem>>)
        } else {
        }
        %dma_start3A_300 = arith.constant 2 : i32
        %dma_start3A_301 = arith.constant 0 : i32
        %dma_start3A_302 = arith.constant 0 : i32
        %dma_start3A_303 = tpu.memref_slice %arg14[%dma_start3A_300, %dma_start3A_301, %dma_start3A_302] : memref<5x128x128xbf16, #tpu.memory_space<vmem>> -> memref<1x128x128xbf16, #tpu.memory_space<vmem>>
        %dma_start3A_304 = tpu.memref_squeeze %dma_start3A_303 : memref<1x128x128xbf16, #tpu.memory_space<vmem>> -> memref<128x128xbf16, #tpu.memory_space<vmem>>
        %dma_start3A_305 = arith.constant 0 : i32
        %dma_start3A_306 = tpu.memref_slice %arg13[%add3A_279, %dma_start3A_305] : memref<80x128xi32, #tpu.memory_space<vmem>> -> memref<1x128xi32, #tpu.memory_space<vmem>>
        %dma_start3A_307 = tpu.memref_squeeze %dma_start3A_306 : memref<1x128xi32, #tpu.memory_space<vmem>> -> memref<128xi32, #tpu.memory_space<vmem>>
        %dma_start3A_308 = arith.constant 0 : i32
        %dma_start3A_309 = arith.constant 0 : i32
        %dma_start3A_310 = tpu.memref_slice %arg17[%dma_start3A_308, %dma_start3A_309] : memref<10112x128xbf16, #tpu.memory_space<vmem_shared>> -> memref<10112x128xbf16, #tpu.memory_space<vmem_shared>>
        tpu.enqueue_indirect_dma source(%dma_start3A_304 : memref<128x128xbf16, #tpu.memory_space<vmem>>) target(%dma_start3A_310 : memref<10112x128xbf16, #tpu.memory_space<vmem_shared>>) offsets(%dma_start3A_307 : memref<128xi32, #tpu.memory_space<vmem>>) semaphore(%arg26 : memref<!tpu.dma_semaphore, #tpu.memory_space<semaphore_mem>>) {add = true}
        %dma_start3A_311 = arith.constant 0 : i32
        %dma_start3A_312 = tpu.memref_slice %arg13[%add3A_279, %dma_start3A_311] : memref<80x128xi32, #tpu.memory_space<vmem>> -> memref<1x128xi32, #tpu.memory_space<vmem>>
        %dma_start3A_313 = tpu.memref_squeeze %dma_start3A_312 : memref<1x128xi32, #tpu.memory_space<vmem>> -> memref<128xi32, #tpu.memory_space<vmem>>
        %dma_start3A_314 = arith.constant 0 : i32
        %dma_start3A_315 = arith.constant 0 : i32
        %dma_start3A_316 = tpu.memref_slice %arg18[%dma_start3A_314, %dma_start3A_315] : memref<10112x8xf32, #tpu.memory_space<vmem_shared>> -> memref<10112x8xf32, #tpu.memory_space<vmem_shared>>
        tpu.enqueue_indirect_dma source(%arg15 : memref<128x8xf32, #tpu.memory_space<vmem>>) target(%dma_start3A_316 : memref<10112x8xf32, #tpu.memory_space<vmem_shared>>) offsets(%dma_start3A_313 : memref<128xi32, #tpu.memory_space<vmem>>) semaphore(%arg31 : memref<!tpu.dma_semaphore, #tpu.memory_space<semaphore_mem>>) {add = true}
        %add3A_317 = arith.constant 3 : i32
        %add3A_318 = arith.addi %add3A_201, %add3A_317 : i32
        %dma_wait3A_319 = arith.constant 3 : i32
        %dma_wait3A_320 = arith.constant 0 : i32
        %dma_wait3A_321 = arith.constant 0 : i32
        %dma_wait3A_322 = tpu.memref_slice %arg14[%dma_wait3A_319, %dma_wait3A_320, %dma_wait3A_321] : memref<5x128x128xbf16, #tpu.memory_space<vmem>> -> memref<1x128x128xbf16, #tpu.memory_space<vmem>>
        %dma_wait3A_323 = tpu.memref_squeeze %dma_wait3A_322 : memref<1x128x128xbf16, #tpu.memory_space<vmem>> -> memref<128x128xbf16, #tpu.memory_space<vmem>>
        %dma_wait3A_324 = arith.constant 0 : i32
        %dma_wait3A_325 = tpu.memref_slice %arg12[%add3A_318, %dma_wait3A_324] : memref<80x128xi32, #tpu.memory_space<vmem>> -> memref<1x128xi32, #tpu.memory_space<vmem>>
        %dma_wait3A_326 = tpu.memref_squeeze %dma_wait3A_325 : memref<1x128xi32, #tpu.memory_space<vmem>> -> memref<128xi32, #tpu.memory_space<vmem>>
        %dma_wait3A_327 = arith.constant 0 : i32
        %dma_wait3A_328 = arith.constant 0 : i32
        %dma_wait3A_329 = tpu.memref_slice %arg3[%dma_wait3A_327, %dma_wait3A_328] : memref<10000x128xbf16, #tpu.memory_space<hbm>> -> memref<10000x128xbf16, #tpu.memory_space<hbm>>
        tpu.wait_indirect_dma semaphore(%arg22 : memref<!tpu.dma_semaphore, #tpu.memory_space<semaphore_mem>>) src(%dma_wait3A_329 : memref<10000x128xbf16, #tpu.memory_space<hbm>>) dst(%dma_wait3A_323 : memref<128x128xbf16, #tpu.memory_space<vmem>>)
        %add3A_330 = arith.constant 5 : i32
        %add3A_331 = arith.addi %add3A_318, %add3A_330 : i32
        %sub3A_332 = arith.constant 1 : i32
        %sub3A_333 = arith.subi %add3A_331, %sub3A_332 : i32
        %lt3A_334 = arith.constant 80 : i32
        %lt3A_335 = arith.cmpi slt, %sub3A_333, %lt3A_334 : i32
        %convert_element_type3A_336 = arith.extui %lt3A_335 : i1 to i32
        %cond3A_337 = arith.constant 0 : i32
        %cond3A_338 = arith.cmpi ne, %convert_element_type3A_336, %cond3A_337 : i32
        scf.if %cond3A_338 {
          %ge3A = arith.constant 1 : i32
          %ge3A_395 = arith.cmpi sge, %add3A_318, %ge3A : i32
          %convert_element_type3A_396 = arith.extui %ge3A_395 : i1 to i32
          %cond3A_397 = arith.constant 0 : i32
          %cond3A_398 = arith.cmpi ne, %convert_element_type3A_396, %cond3A_397 : i32
          scf.if %cond3A_398 {
            %sub3A_414 = arith.constant 1 : i32
            %sub3A_415 = arith.subi %add3A_318, %sub3A_414 : i32
            %dma_wait3A_416 = arith.constant 2 : i32
            %dma_wait3A_417 = arith.constant 0 : i32
            %dma_wait3A_418 = arith.constant 0 : i32
            %dma_wait3A_419 = tpu.memref_slice %arg14[%dma_wait3A_416, %dma_wait3A_417, %dma_wait3A_418] : memref<5x128x128xbf16, #tpu.memory_space<vmem>> -> memref<1x128x128xbf16, #tpu.memory_space<vmem>>
            %dma_wait3A_420 = tpu.memref_squeeze %dma_wait3A_419 : memref<1x128x128xbf16, #tpu.memory_space<vmem>> -> memref<128x128xbf16, #tpu.memory_space<vmem>>
            %dma_wait3A_421 = arith.constant 0 : i32
            %dma_wait3A_422 = tpu.memref_slice %arg13[%sub3A_415, %dma_wait3A_421] : memref<80x128xi32, #tpu.memory_space<vmem>> -> memref<1x128xi32, #tpu.memory_space<vmem>>
            %dma_wait3A_423 = tpu.memref_squeeze %dma_wait3A_422 : memref<1x128xi32, #tpu.memory_space<vmem>> -> memref<128xi32, #tpu.memory_space<vmem>>
            %dma_wait3A_424 = arith.constant 0 : i32
            %dma_wait3A_425 = arith.constant 0 : i32
            %dma_wait3A_426 = tpu.memref_slice %arg17[%dma_wait3A_424, %dma_wait3A_425] : memref<10112x128xbf16, #tpu.memory_space<vmem_shared>> -> memref<10112x128xbf16, #tpu.memory_space<vmem_shared>>
            tpu.wait_indirect_dma semaphore(%arg26 : memref<!tpu.dma_semaphore, #tpu.memory_space<semaphore_mem>>) src(%dma_wait3A_420 : memref<128x128xbf16, #tpu.memory_space<vmem>>) dst(%dma_wait3A_426 : memref<10112x128xbf16, #tpu.memory_space<vmem_shared>>)
            %sub3A_427 = arith.constant 1 : i32
            %sub3A_428 = arith.subi %add3A_318, %sub3A_427 : i32
            %dma_wait3A_429 = arith.constant 0 : i32
            %dma_wait3A_430 = tpu.memref_slice %arg13[%sub3A_428, %dma_wait3A_429] : memref<80x128xi32, #tpu.memory_space<vmem>> -> memref<1x128xi32, #tpu.memory_space<vmem>>
            %dma_wait3A_431 = tpu.memref_squeeze %dma_wait3A_430 : memref<1x128xi32, #tpu.memory_space<vmem>> -> memref<128xi32, #tpu.memory_space<vmem>>
            %dma_wait3A_432 = arith.constant 0 : i32
            %dma_wait3A_433 = arith.constant 0 : i32
            %dma_wait3A_434 = tpu.memref_slice %arg18[%dma_wait3A_432, %dma_wait3A_433] : memref<10112x8xf32, #tpu.memory_space<vmem_shared>> -> memref<10112x8xf32, #tpu.memory_space<vmem_shared>>
            tpu.wait_indirect_dma semaphore(%arg31 : memref<!tpu.dma_semaphore, #tpu.memory_space<semaphore_mem>>) src(%arg15 : memref<128x8xf32, #tpu.memory_space<vmem>>) dst(%dma_wait3A_434 : memref<10112x8xf32, #tpu.memory_space<vmem_shared>>)
          } else {
          }
          %add3A_399 = arith.constant 5 : i32
          %add3A_400 = arith.addi %add3A_318, %add3A_399 : i32
          %sub3A_401 = arith.constant 1 : i32
          %sub3A_402 = arith.subi %add3A_400, %sub3A_401 : i32
          %dma_start3A_403 = arith.constant 2 : i32
          %dma_start3A_404 = arith.constant 0 : i32
          %dma_start3A_405 = arith.constant 0 : i32
          %dma_start3A_406 = tpu.memref_slice %arg14[%dma_start3A_403, %dma_start3A_404, %dma_start3A_405] : memref<5x128x128xbf16, #tpu.memory_space<vmem>> -> memref<1x128x128xbf16, #tpu.memory_space<vmem>>
          %dma_start3A_407 = tpu.memref_squeeze %dma_start3A_406 : memref<1x128x128xbf16, #tpu.memory_space<vmem>> -> memref<128x128xbf16, #tpu.memory_space<vmem>>
          %dma_start3A_408 = arith.constant 0 : i32
          %dma_start3A_409 = tpu.memref_slice %arg12[%sub3A_402, %dma_start3A_408] : memref<80x128xi32, #tpu.memory_space<vmem>> -> memref<1x128xi32, #tpu.memory_space<vmem>>
          %dma_start3A_410 = tpu.memref_squeeze %dma_start3A_409 : memref<1x128xi32, #tpu.memory_space<vmem>> -> memref<128xi32, #tpu.memory_space<vmem>>
          %dma_start3A_411 = arith.constant 0 : i32
          %dma_start3A_412 = arith.constant 0 : i32
          %dma_start3A_413 = tpu.memref_slice %arg3[%dma_start3A_411, %dma_start3A_412] : memref<10000x128xbf16, #tpu.memory_space<hbm>> -> memref<10000x128xbf16, #tpu.memory_space<hbm>>
          tpu.enqueue_indirect_dma source(%dma_start3A_413 : memref<10000x128xbf16, #tpu.memory_space<hbm>>) target(%dma_start3A_407 : memref<128x128xbf16, #tpu.memory_space<vmem>>) offsets(%dma_start3A_410 : memref<128xi32, #tpu.memory_space<vmem>>) semaphore(%arg21 : memref<!tpu.dma_semaphore, #tpu.memory_space<semaphore_mem>>)
        } else {
        }
        %dma_start3A_339 = arith.constant 3 : i32
        %dma_start3A_340 = arith.constant 0 : i32
        %dma_start3A_341 = arith.constant 0 : i32
        %dma_start3A_342 = tpu.memref_slice %arg14[%dma_start3A_339, %dma_start3A_340, %dma_start3A_341] : memref<5x128x128xbf16, #tpu.memory_space<vmem>> -> memref<1x128x128xbf16, #tpu.memory_space<vmem>>
        %dma_start3A_343 = tpu.memref_squeeze %dma_start3A_342 : memref<1x128x128xbf16, #tpu.memory_space<vmem>> -> memref<128x128xbf16, #tpu.memory_space<vmem>>
        %dma_start3A_344 = arith.constant 0 : i32
        %dma_start3A_345 = tpu.memref_slice %arg13[%add3A_318, %dma_start3A_344] : memref<80x128xi32, #tpu.memory_space<vmem>> -> memref<1x128xi32, #tpu.memory_space<vmem>>
        %dma_start3A_346 = tpu.memref_squeeze %dma_start3A_345 : memref<1x128xi32, #tpu.memory_space<vmem>> -> memref<128xi32, #tpu.memory_space<vmem>>
        %dma_start3A_347 = arith.constant 0 : i32
        %dma_start3A_348 = arith.constant 0 : i32
        %dma_start3A_349 = tpu.memref_slice %arg17[%dma_start3A_347, %dma_start3A_348] : memref<10112x128xbf16, #tpu.memory_space<vmem_shared>> -> memref<10112x128xbf16, #tpu.memory_space<vmem_shared>>
        tpu.enqueue_indirect_dma source(%dma_start3A_343 : memref<128x128xbf16, #tpu.memory_space<vmem>>) target(%dma_start3A_349 : memref<10112x128xbf16, #tpu.memory_space<vmem_shared>>) offsets(%dma_start3A_346 : memref<128xi32, #tpu.memory_space<vmem>>) semaphore(%arg27 : memref<!tpu.dma_semaphore, #tpu.memory_space<semaphore_mem>>) {add = true}
        %dma_start3A_350 = arith.constant 0 : i32
        %dma_start3A_351 = tpu.memref_slice %arg13[%add3A_318, %dma_start3A_350] : memref<80x128xi32, #tpu.memory_space<vmem>> -> memref<1x128xi32, #tpu.memory_space<vmem>>
        %dma_start3A_352 = tpu.memref_squeeze %dma_start3A_351 : memref<1x128xi32, #tpu.memory_space<vmem>> -> memref<128xi32, #tpu.memory_space<vmem>>
        %dma_start3A_353 = arith.constant 0 : i32
        %dma_start3A_354 = arith.constant 0 : i32
        %dma_start3A_355 = tpu.memref_slice %arg18[%dma_start3A_353, %dma_start3A_354] : memref<10112x8xf32, #tpu.memory_space<vmem_shared>> -> memref<10112x8xf32, #tpu.memory_space<vmem_shared>>
        tpu.enqueue_indirect_dma source(%arg15 : memref<128x8xf32, #tpu.memory_space<vmem>>) target(%dma_start3A_355 : memref<10112x8xf32, #tpu.memory_space<vmem_shared>>) offsets(%dma_start3A_352 : memref<128xi32, #tpu.memory_space<vmem>>) semaphore(%arg32 : memref<!tpu.dma_semaphore, #tpu.memory_space<semaphore_mem>>) {add = true}
        %add3A_356 = arith.constant 4 : i32
        %add3A_357 = arith.addi %add3A_201, %add3A_356 : i32
        %dma_wait3A_358 = arith.constant 4 : i32
        %dma_wait3A_359 = arith.constant 0 : i32
        %dma_wait3A_360 = arith.constant 0 : i32
        %dma_wait3A_361 = tpu.memref_slice %arg14[%dma_wait3A_358, %dma_wait3A_359, %dma_wait3A_360] : memref<5x128x128xbf16, #tpu.memory_space<vmem>> -> memref<1x128x128xbf16, #tpu.memory_space<vmem>>
        %dma_wait3A_362 = tpu.memref_squeeze %dma_wait3A_361 : memref<1x128x128xbf16, #tpu.memory_space<vmem>> -> memref<128x128xbf16, #tpu.memory_space<vmem>>
        %dma_wait3A_363 = arith.constant 0 : i32
        %dma_wait3A_364 = tpu.memref_slice %arg12[%add3A_357, %dma_wait3A_363] : memref<80x128xi32, #tpu.memory_space<vmem>> -> memref<1x128xi32, #tpu.memory_space<vmem>>
        %dma_wait3A_365 = tpu.memref_squeeze %dma_wait3A_364 : memref<1x128xi32, #tpu.memory_space<vmem>> -> memref<128xi32, #tpu.memory_space<vmem>>
        %dma_wait3A_366 = arith.constant 0 : i32
        %dma_wait3A_367 = arith.constant 0 : i32
        %dma_wait3A_368 = tpu.memref_slice %arg3[%dma_wait3A_366, %dma_wait3A_367] : memref<10000x128xbf16, #tpu.memory_space<hbm>> -> memref<10000x128xbf16, #tpu.memory_space<hbm>>
        tpu.wait_indirect_dma semaphore(%arg23 : memref<!tpu.dma_semaphore, #tpu.memory_space<semaphore_mem>>) src(%dma_wait3A_368 : memref<10000x128xbf16, #tpu.memory_space<hbm>>) dst(%dma_wait3A_362 : memref<128x128xbf16, #tpu.memory_space<vmem>>)
        %add3A_369 = arith.constant 5 : i32
        %add3A_370 = arith.addi %add3A_357, %add3A_369 : i32
        %sub3A_371 = arith.constant 1 : i32
        %sub3A_372 = arith.subi %add3A_370, %sub3A_371 : i32
        %lt3A_373 = arith.constant 80 : i32
        %lt3A_374 = arith.cmpi slt, %sub3A_372, %lt3A_373 : i32
        %convert_element_type3A_375 = arith.extui %lt3A_374 : i1 to i32
        %cond3A_376 = arith.constant 0 : i32
        %cond3A_377 = arith.cmpi ne, %convert_element_type3A_375, %cond3A_376 : i32
        scf.if %cond3A_377 {
          %ge3A = arith.constant 1 : i32
          %ge3A_395 = arith.cmpi sge, %add3A_357, %ge3A : i32
          %convert_element_type3A_396 = arith.extui %ge3A_395 : i1 to i32
          %cond3A_397 = arith.constant 0 : i32
          %cond3A_398 = arith.cmpi ne, %convert_element_type3A_396, %cond3A_397 : i32
          scf.if %cond3A_398 {
            %sub3A_414 = arith.constant 1 : i32
            %sub3A_415 = arith.subi %add3A_357, %sub3A_414 : i32
            %dma_wait3A_416 = arith.constant 3 : i32
            %dma_wait3A_417 = arith.constant 0 : i32
            %dma_wait3A_418 = arith.constant 0 : i32
            %dma_wait3A_419 = tpu.memref_slice %arg14[%dma_wait3A_416, %dma_wait3A_417, %dma_wait3A_418] : memref<5x128x128xbf16, #tpu.memory_space<vmem>> -> memref<1x128x128xbf16, #tpu.memory_space<vmem>>
            %dma_wait3A_420 = tpu.memref_squeeze %dma_wait3A_419 : memref<1x128x128xbf16, #tpu.memory_space<vmem>> -> memref<128x128xbf16, #tpu.memory_space<vmem>>
            %dma_wait3A_421 = arith.constant 0 : i32
            %dma_wait3A_422 = tpu.memref_slice %arg13[%sub3A_415, %dma_wait3A_421] : memref<80x128xi32, #tpu.memory_space<vmem>> -> memref<1x128xi32, #tpu.memory_space<vmem>>
            %dma_wait3A_423 = tpu.memref_squeeze %dma_wait3A_422 : memref<1x128xi32, #tpu.memory_space<vmem>> -> memref<128xi32, #tpu.memory_space<vmem>>
            %dma_wait3A_424 = arith.constant 0 : i32
            %dma_wait3A_425 = arith.constant 0 : i32
            %dma_wait3A_426 = tpu.memref_slice %arg17[%dma_wait3A_424, %dma_wait3A_425] : memref<10112x128xbf16, #tpu.memory_space<vmem_shared>> -> memref<10112x128xbf16, #tpu.memory_space<vmem_shared>>
            tpu.wait_indirect_dma semaphore(%arg27 : memref<!tpu.dma_semaphore, #tpu.memory_space<semaphore_mem>>) src(%dma_wait3A_420 : memref<128x128xbf16, #tpu.memory_space<vmem>>) dst(%dma_wait3A_426 : memref<10112x128xbf16, #tpu.memory_space<vmem_shared>>)
            %sub3A_427 = arith.constant 1 : i32
            %sub3A_428 = arith.subi %add3A_357, %sub3A_427 : i32
            %dma_wait3A_429 = arith.constant 0 : i32
            %dma_wait3A_430 = tpu.memref_slice %arg13[%sub3A_428, %dma_wait3A_429] : memref<80x128xi32, #tpu.memory_space<vmem>> -> memref<1x128xi32, #tpu.memory_space<vmem>>
            %dma_wait3A_431 = tpu.memref_squeeze %dma_wait3A_430 : memref<1x128xi32, #tpu.memory_space<vmem>> -> memref<128xi32, #tpu.memory_space<vmem>>
            %dma_wait3A_432 = arith.constant 0 : i32
            %dma_wait3A_433 = arith.constant 0 : i32
            %dma_wait3A_434 = tpu.memref_slice %arg18[%dma_wait3A_432, %dma_wait3A_433] : memref<10112x8xf32, #tpu.memory_space<vmem_shared>> -> memref<10112x8xf32, #tpu.memory_space<vmem_shared>>
            tpu.wait_indirect_dma semaphore(%arg32 : memref<!tpu.dma_semaphore, #tpu.memory_space<semaphore_mem>>) src(%arg15 : memref<128x8xf32, #tpu.memory_space<vmem>>) dst(%dma_wait3A_434 : memref<10112x8xf32, #tpu.memory_space<vmem_shared>>)
          } else {
          }
          %add3A_399 = arith.constant 5 : i32
          %add3A_400 = arith.addi %add3A_357, %add3A_399 : i32
          %sub3A_401 = arith.constant 1 : i32
          %sub3A_402 = arith.subi %add3A_400, %sub3A_401 : i32
          %dma_start3A_403 = arith.constant 3 : i32
          %dma_start3A_404 = arith.constant 0 : i32
          %dma_start3A_405 = arith.constant 0 : i32
          %dma_start3A_406 = tpu.memref_slice %arg14[%dma_start3A_403, %dma_start3A_404, %dma_start3A_405] : memref<5x128x128xbf16, #tpu.memory_space<vmem>> -> memref<1x128x128xbf16, #tpu.memory_space<vmem>>
          %dma_start3A_407 = tpu.memref_squeeze %dma_start3A_406 : memref<1x128x128xbf16, #tpu.memory_space<vmem>> -> memref<128x128xbf16, #tpu.memory_space<vmem>>
          %dma_start3A_408 = arith.constant 0 : i32
          %dma_start3A_409 = tpu.memref_slice %arg12[%sub3A_402, %dma_start3A_408] : memref<80x128xi32, #tpu.memory_space<vmem>> -> memref<1x128xi32, #tpu.memory_space<vmem>>
          %dma_start3A_410 = tpu.memref_squeeze %dma_start3A_409 : memref<1x128xi32, #tpu.memory_space<vmem>> -> memref<128xi32, #tpu.memory_space<vmem>>
          %dma_start3A_411 = arith.constant 0 : i32
          %dma_start3A_412 = arith.constant 0 : i32
          %dma_start3A_413 = tpu.memref_slice %arg3[%dma_start3A_411, %dma_start3A_412] : memref<10000x128xbf16, #tpu.memory_space<hbm>> -> memref<10000x128xbf16, #tpu.memory_space<hbm>>
          tpu.enqueue_indirect_dma source(%dma_start3A_413 : memref<10000x128xbf16, #tpu.memory_space<hbm>>) target(%dma_start3A_407 : memref<128x128xbf16, #tpu.memory_space<vmem>>) offsets(%dma_start3A_410 : memref<128xi32, #tpu.memory_space<vmem>>) semaphore(%arg22 : memref<!tpu.dma_semaphore, #tpu.memory_space<semaphore_mem>>)
        } else {
        }
        %dma_start3A_378 = arith.constant 4 : i32
        %dma_start3A_379 = arith.constant 0 : i32
        %dma_start3A_380 = arith.constant 0 : i32
        %dma_start3A_381 = tpu.memref_slice %arg14[%dma_start3A_378, %dma_start3A_379, %dma_start3A_380] : memref<5x128x128xbf16, #tpu.memory_space<vmem>> -> memref<1x128x128xbf16, #tpu.memory_space<vmem>>
        %dma_start3A_382 = tpu.memref_squeeze %dma_start3A_381 : memref<1x128x128xbf16, #tpu.memory_space<vmem>> -> memref<128x128xbf16, #tpu.memory_space<vmem>>
        %dma_start3A_383 = arith.constant 0 : i32
        %dma_start3A_384 = tpu.memref_slice %arg13[%add3A_357, %dma_start3A_383] : memref<80x128xi32, #tpu.memory_space<vmem>> -> memref<1x128xi32, #tpu.memory_space<vmem>>
        %dma_start3A_385 = tpu.memref_squeeze %dma_start3A_384 : memref<1x128xi32, #tpu.memory_space<vmem>> -> memref<128xi32, #tpu.memory_space<vmem>>
        %dma_start3A_386 = arith.constant 0 : i32
        %dma_start3A_387 = arith.constant 0 : i32
        %dma_start3A_388 = tpu.memref_slice %arg17[%dma_start3A_386, %dma_start3A_387] : memref<10112x128xbf16, #tpu.memory_space<vmem_shared>> -> memref<10112x128xbf16, #tpu.memory_space<vmem_shared>>
        tpu.enqueue_indirect_dma source(%dma_start3A_382 : memref<128x128xbf16, #tpu.memory_space<vmem>>) target(%dma_start3A_388 : memref<10112x128xbf16, #tpu.memory_space<vmem_shared>>) offsets(%dma_start3A_385 : memref<128xi32, #tpu.memory_space<vmem>>) semaphore(%arg28 : memref<!tpu.dma_semaphore, #tpu.memory_space<semaphore_mem>>) {add = true}
        %dma_start3A_389 = arith.constant 0 : i32
        %dma_start3A_390 = tpu.memref_slice %arg13[%add3A_357, %dma_start3A_389] : memref<80x128xi32, #tpu.memory_space<vmem>> -> memref<1x128xi32, #tpu.memory_space<vmem>>
        %dma_start3A_391 = tpu.memref_squeeze %dma_start3A_390 : memref<1x128xi32, #tpu.memory_space<vmem>> -> memref<128xi32, #tpu.memory_space<vmem>>
        %dma_start3A_392 = arith.constant 0 : i32
        %dma_start3A_393 = arith.constant 0 : i32
        %dma_start3A_394 = tpu.memref_slice %arg18[%dma_start3A_392, %dma_start3A_393] : memref<10112x8xf32, #tpu.memory_space<vmem_shared>> -> memref<10112x8xf32, #tpu.memory_space<vmem_shared>>
        tpu.enqueue_indirect_dma source(%arg15 : memref<128x8xf32, #tpu.memory_space<vmem>>) target(%dma_start3A_394 : memref<10112x8xf32, #tpu.memory_space<vmem_shared>>) offsets(%dma_start3A_391 : memref<128xi32, #tpu.memory_space<vmem>>) semaphore(%arg33 : memref<!tpu.dma_semaphore, #tpu.memory_space<semaphore_mem>>) {add = true}
      }
      %scan3A_102 = arith.constant 16 : i32
      %dma_wait3A = arith.constant 0 : i32
      %dma_wait3A_103 = arith.constant 75 : i32
      %dma_wait3A_104 = arith.constant 0 : i32
      %dma_wait3A_105 = arith.constant 0 : i32
      %dma_wait3A_106 = tpu.memref_slice %arg14[%dma_wait3A, %dma_wait3A_104, %dma_wait3A_105] : memref<5x128x128xbf16, #tpu.memory_space<vmem>> -> memref<1x128x128xbf16, #tpu.memory_space<vmem>>
      %dma_wait3A_107 = tpu.memref_squeeze %dma_wait3A_106 : memref<1x128x128xbf16, #tpu.memory_space<vmem>> -> memref<128x128xbf16, #tpu.memory_space<vmem>>
      %dma_wait3A_108 = arith.constant 0 : i32
      %dma_wait3A_109 = tpu.memref_slice %arg13[%dma_wait3A_103, %dma_wait3A_108] : memref<80x128xi32, #tpu.memory_space<vmem>> -> memref<1x128xi32, #tpu.memory_space<vmem>>
      %dma_wait3A_110 = tpu.memref_squeeze %dma_wait3A_109 : memref<1x128xi32, #tpu.memory_space<vmem>> -> memref<128xi32, #tpu.memory_space<vmem>>
      %dma_wait3A_111 = arith.constant 0 : i32
      %dma_wait3A_112 = arith.constant 0 : i32
      %dma_wait3A_113 = tpu.memref_slice %arg17[%dma_wait3A_111, %dma_wait3A_112] : memref<10112x128xbf16, #tpu.memory_space<vmem_shared>> -> memref<10112x128xbf16, #tpu.memory_space<vmem_shared>>
      tpu.wait_indirect_dma semaphore(%arg24 : memref<!tpu.dma_semaphore, #tpu.memory_space<semaphore_mem>>) src(%dma_wait3A_107 : memref<128x128xbf16, #tpu.memory_space<vmem>>) dst(%dma_wait3A_113 : memref<10112x128xbf16, #tpu.memory_space<vmem_shared>>)
      %dma_wait3A_114 = arith.constant 75 : i32
      %dma_wait3A_115 = arith.constant 0 : i32
      %dma_wait3A_116 = tpu.memref_slice %arg13[%dma_wait3A_114, %dma_wait3A_115] : memref<80x128xi32, #tpu.memory_space<vmem>> -> memref<1x128xi32, #tpu.memory_space<vmem>>
      %dma_wait3A_117 = tpu.memref_squeeze %dma_wait3A_116 : memref<1x128xi32, #tpu.memory_space<vmem>> -> memref<128xi32, #tpu.memory_space<vmem>>
      %dma_wait3A_118 = arith.constant 0 : i32
      %dma_wait3A_119 = arith.constant 0 : i32
      %dma_wait3A_120 = tpu.memref_slice %arg18[%dma_wait3A_118, %dma_wait3A_119] : memref<10112x8xf32, #tpu.memory_space<vmem_shared>> -> memref<10112x8xf32, #tpu.memory_space<vmem_shared>>
      tpu.wait_indirect_dma semaphore(%arg29 : memref<!tpu.dma_semaphore, #tpu.memory_space<semaphore_mem>>) src(%arg15 : memref<128x8xf32, #tpu.memory_space<vmem>>) dst(%dma_wait3A_120 : memref<10112x8xf32, #tpu.memory_space<vmem_shared>>)
      %dma_wait3A_121 = arith.constant 1 : i32
      %dma_wait3A_122 = arith.constant 76 : i32
      %dma_wait3A_123 = arith.constant 0 : i32
      %dma_wait3A_124 = arith.constant 0 : i32
      %dma_wait3A_125 = tpu.memref_slice %arg14[%dma_wait3A_121, %dma_wait3A_123, %dma_wait3A_124] : memref<5x128x128xbf16, #tpu.memory_space<vmem>> -> memref<1x128x128xbf16, #tpu.memory_space<vmem>>
      %dma_wait3A_126 = tpu.memref_squeeze %dma_wait3A_125 : memref<1x128x128xbf16, #tpu.memory_space<vmem>> -> memref<128x128xbf16, #tpu.memory_space<vmem>>
      %dma_wait3A_127 = arith.constant 0 : i32
      %dma_wait3A_128 = tpu.memref_slice %arg13[%dma_wait3A_122, %dma_wait3A_127] : memref<80x128xi32, #tpu.memory_space<vmem>> -> memref<1x128xi32, #tpu.memory_space<vmem>>
      %dma_wait3A_129 = tpu.memref_squeeze %dma_wait3A_128 : memref<1x128xi32, #tpu.memory_space<vmem>> -> memref<128xi32, #tpu.memory_space<vmem>>
      %dma_wait3A_130 = arith.constant 0 : i32
      %dma_wait3A_131 = arith.constant 0 : i32
      %dma_wait3A_132 = tpu.memref_slice %arg17[%dma_wait3A_130, %dma_wait3A_131] : memref<10112x128xbf16, #tpu.memory_space<vmem_shared>> -> memref<10112x128xbf16, #tpu.memory_space<vmem_shared>>
      tpu.wait_indirect_dma semaphore(%arg25 : memref<!tpu.dma_semaphore, #tpu.memory_space<semaphore_mem>>) src(%dma_wait3A_126 : memref<128x128xbf16, #tpu.memory_space<vmem>>) dst(%dma_wait3A_132 : memref<10112x128xbf16, #tpu.memory_space<vmem_shared>>)
      %dma_wait3A_133 = arith.constant 76 : i32
      %dma_wait3A_134 = arith.constant 0 : i32
      %dma_wait3A_135 = tpu.memref_slice %arg13[%dma_wait3A_133, %dma_wait3A_134] : memref<80x128xi32, #tpu.memory_space<vmem>> -> memref<1x128xi32, #tpu.memory_space<vmem>>
      %dma_wait3A_136 = tpu.memref_squeeze %dma_wait3A_135 : memref<1x128xi32, #tpu.memory_space<vmem>> -> memref<128xi32, #tpu.memory_space<vmem>>
      %dma_wait3A_137 = arith.constant 0 : i32
      %dma_wait3A_138 = arith.constant 0 : i32
      %dma_wait3A_139 = tpu.memref_slice %arg18[%dma_wait3A_137, %dma_wait3A_138] : memref<10112x8xf32, #tpu.memory_space<vmem_shared>> -> memref<10112x8xf32, #tpu.memory_space<vmem_shared>>
      tpu.wait_indirect_dma semaphore(%arg30 : memref<!tpu.dma_semaphore, #tpu.memory_space<semaphore_mem>>) src(%arg15 : memref<128x8xf32, #tpu.memory_space<vmem>>) dst(%dma_wait3A_139 : memref<10112x8xf32, #tpu.memory_space<vmem_shared>>)
      %dma_wait3A_140 = arith.constant 2 : i32
      %dma_wait3A_141 = arith.constant 77 : i32
      %dma_wait3A_142 = arith.constant 0 : i32
      %dma_wait3A_143 = arith.constant 0 : i32
      %dma_wait3A_144 = tpu.memref_slice %arg14[%dma_wait3A_140, %dma_wait3A_142, %dma_wait3A_143] : memref<5x128x128xbf16, #tpu.memory_space<vmem>> -> memref<1x128x128xbf16, #tpu.memory_space<vmem>>
      %dma_wait3A_145 = tpu.memref_squeeze %dma_wait3A_144 : memref<1x128x128xbf16, #tpu.memory_space<vmem>> -> memref<128x128xbf16, #tpu.memory_space<vmem>>
      %dma_wait3A_146 = arith.constant 0 : i32
      %dma_wait3A_147 = tpu.memref_slice %arg13[%dma_wait3A_141, %dma_wait3A_146] : memref<80x128xi32, #tpu.memory_space<vmem>> -> memref<1x128xi32, #tpu.memory_space<vmem>>
      %dma_wait3A_148 = tpu.memref_squeeze %dma_wait3A_147 : memref<1x128xi32, #tpu.memory_space<vmem>> -> memref<128xi32, #tpu.memory_space<vmem>>
      %dma_wait3A_149 = arith.constant 0 : i32
      %dma_wait3A_150 = arith.constant 0 : i32
      %dma_wait3A_151 = tpu.memref_slice %arg17[%dma_wait3A_149, %dma_wait3A_150] : memref<10112x128xbf16, #tpu.memory_space<vmem_shared>> -> memref<10112x128xbf16, #tpu.memory_space<vmem_shared>>
      tpu.wait_indirect_dma semaphore(%arg26 : memref<!tpu.dma_semaphore, #tpu.memory_space<semaphore_mem>>) src(%dma_wait3A_145 : memref<128x128xbf16, #tpu.memory_space<vmem>>) dst(%dma_wait3A_151 : memref<10112x128xbf16, #tpu.memory_space<vmem_shared>>)
      %dma_wait3A_152 = arith.constant 77 : i32
      %dma_wait3A_153 = arith.constant 0 : i32
      %dma_wait3A_154 = tpu.memref_slice %arg13[%dma_wait3A_152, %dma_wait3A_153] : memref<80x128xi32, #tpu.memory_space<vmem>> -> memref<1x128xi32, #tpu.memory_space<vmem>>
      %dma_wait3A_155 = tpu.memref_squeeze %dma_wait3A_154 : memref<1x128xi32, #tpu.memory_space<vmem>> -> memref<128xi32, #tpu.memory_space<vmem>>
      %dma_wait3A_156 = arith.constant 0 : i32
      %dma_wait3A_157 = arith.constant 0 : i32
      %dma_wait3A_158 = tpu.memref_slice %arg18[%dma_wait3A_156, %dma_wait3A_157] : memref<10112x8xf32, #tpu.memory_space<vmem_shared>> -> memref<10112x8xf32, #tpu.memory_space<vmem_shared>>
      tpu.wait_indirect_dma semaphore(%arg31 : memref<!tpu.dma_semaphore, #tpu.memory_space<semaphore_mem>>) src(%arg15 : memref<128x8xf32, #tpu.memory_space<vmem>>) dst(%dma_wait3A_158 : memref<10112x8xf32, #tpu.memory_space<vmem_shared>>)
      %dma_wait3A_159 = arith.constant 3 : i32
      %dma_wait3A_160 = arith.constant 78 : i32
      %dma_wait3A_161 = arith.constant 0 : i32
      %dma_wait3A_162 = arith.constant 0 : i32
      %dma_wait3A_163 = tpu.memref_slice %arg14[%dma_wait3A_159, %dma_wait3A_161, %dma_wait3A_162] : memref<5x128x128xbf16, #tpu.memory_space<vmem>> -> memref<1x128x128xbf16, #tpu.memory_space<vmem>>
      %dma_wait3A_164 = tpu.memref_squeeze %dma_wait3A_163 : memref<1x128x128xbf16, #tpu.memory_space<vmem>> -> memref<128x128xbf16, #tpu.memory_space<vmem>>
      %dma_wait3A_165 = arith.constant 0 : i32
      %dma_wait3A_166 = tpu.memref_slice %arg13[%dma_wait3A_160, %dma_wait3A_165] : memref<80x128xi32, #tpu.memory_space<vmem>> -> memref<1x128xi32, #tpu.memory_space<vmem>>
      %dma_wait3A_167 = tpu.memref_squeeze %dma_wait3A_166 : memref<1x128xi32, #tpu.memory_space<vmem>> -> memref<128xi32, #tpu.memory_space<vmem>>
      %dma_wait3A_168 = arith.constant 0 : i32
      %dma_wait3A_169 = arith.constant 0 : i32
      %dma_wait3A_170 = tpu.memref_slice %arg17[%dma_wait3A_168, %dma_wait3A_169] : memref<10112x128xbf16, #tpu.memory_space<vmem_shared>> -> memref<10112x128xbf16, #tpu.memory_space<vmem_shared>>
      tpu.wait_indirect_dma semaphore(%arg27 : memref<!tpu.dma_semaphore, #tpu.memory_space<semaphore_mem>>) src(%dma_wait3A_164 : memref<128x128xbf16, #tpu.memory_space<vmem>>) dst(%dma_wait3A_170 : memref<10112x128xbf16, #tpu.memory_space<vmem_shared>>)
      %dma_wait3A_171 = arith.constant 78 : i32
      %dma_wait3A_172 = arith.constant 0 : i32
      %dma_wait3A_173 = tpu.memref_slice %arg13[%dma_wait3A_171, %dma_wait3A_172] : memref<80x128xi32, #tpu.memory_space<vmem>> -> memref<1x128xi32, #tpu.memory_space<vmem>>
      %dma_wait3A_174 = tpu.memref_squeeze %dma_wait3A_173 : memref<1x128xi32, #tpu.memory_space<vmem>> -> memref<128xi32, #tpu.memory_space<vmem>>
      %dma_wait3A_175 = arith.constant 0 : i32
      %dma_wait3A_176 = arith.constant 0 : i32
      %dma_wait3A_177 = tpu.memref_slice %arg18[%dma_wait3A_175, %dma_wait3A_176] : memref<10112x8xf32, #tpu.memory_space<vmem_shared>> -> memref<10112x8xf32, #tpu.memory_space<vmem_shared>>
      tpu.wait_indirect_dma semaphore(%arg32 : memref<!tpu.dma_semaphore, #tpu.memory_space<semaphore_mem>>) src(%arg15 : memref<128x8xf32, #tpu.memory_space<vmem>>) dst(%dma_wait3A_177 : memref<10112x8xf32, #tpu.memory_space<vmem_shared>>)
      %dma_wait3A_178 = arith.constant 4 : i32
      %dma_wait3A_179 = arith.constant 79 : i32
      %dma_wait3A_180 = arith.constant 0 : i32
      %dma_wait3A_181 = arith.constant 0 : i32
      %dma_wait3A_182 = tpu.memref_slice %arg14[%dma_wait3A_178, %dma_wait3A_180, %dma_wait3A_181] : memref<5x128x128xbf16, #tpu.memory_space<vmem>> -> memref<1x128x128xbf16, #tpu.memory_space<vmem>>
      %dma_wait3A_183 = tpu.memref_squeeze %dma_wait3A_182 : memref<1x128x128xbf16, #tpu.memory_space<vmem>> -> memref<128x128xbf16, #tpu.memory_space<vmem>>
      %dma_wait3A_184 = arith.constant 0 : i32
      %dma_wait3A_185 = tpu.memref_slice %arg13[%dma_wait3A_179, %dma_wait3A_184] : memref<80x128xi32, #tpu.memory_space<vmem>> -> memref<1x128xi32, #tpu.memory_space<vmem>>
      %dma_wait3A_186 = tpu.memref_squeeze %dma_wait3A_185 : memref<1x128xi32, #tpu.memory_space<vmem>> -> memref<128xi32, #tpu.memory_space<vmem>>
      %dma_wait3A_187 = arith.constant 0 : i32
      %dma_wait3A_188 = arith.constant 0 : i32
      %dma_wait3A_189 = tpu.memref_slice %arg17[%dma_wait3A_187, %dma_wait3A_188] : memref<10112x128xbf16, #tpu.memory_space<vmem_shared>> -> memref<10112x128xbf16, #tpu.memory_space<vmem_shared>>
      tpu.wait_indirect_dma semaphore(%arg28 : memref<!tpu.dma_semaphore, #tpu.memory_space<semaphore_mem>>) src(%dma_wait3A_183 : memref<128x128xbf16, #tpu.memory_space<vmem>>) dst(%dma_wait3A_189 : memref<10112x128xbf16, #tpu.memory_space<vmem_shared>>)
      %dma_wait3A_190 = arith.constant 79 : i32
      %dma_wait3A_191 = arith.constant 0 : i32
      %dma_wait3A_192 = tpu.memref_slice %arg13[%dma_wait3A_190, %dma_wait3A_191] : memref<80x128xi32, #tpu.memory_space<vmem>> -> memref<1x128xi32, #tpu.memory_space<vmem>>
      %dma_wait3A_193 = tpu.memref_squeeze %dma_wait3A_192 : memref<1x128xi32, #tpu.memory_space<vmem>> -> memref<128xi32, #tpu.memory_space<vmem>>
      %dma_wait3A_194 = arith.constant 0 : i32
      %dma_wait3A_195 = arith.constant 0 : i32
      %dma_wait3A_196 = tpu.memref_slice %arg18[%dma_wait3A_194, %dma_wait3A_195] : memref<10112x8xf32, #tpu.memory_space<vmem_shared>> -> memref<10112x8xf32, #tpu.memory_space<vmem_shared>>
      tpu.wait_indirect_dma semaphore(%arg33 : memref<!tpu.dma_semaphore, #tpu.memory_space<semaphore_mem>>) src(%arg15 : memref<128x8xf32, #tpu.memory_space<vmem>>) dst(%dma_wait3A_196 : memref<10112x8xf32, #tpu.memory_space<vmem_shared>>)
    } else {
    }
    %barrier3A_40 = arith.constant 0 : index
    tpu.barrier barrier_id(%barrier3A_40)
    %eq3A_41 = arith.constant 0 : i32
    %eq3A_42 = arith.cmpi eq, %arg0, %eq3A_41 : i32
    %convert_element_type3A_43 = arith.extui %eq3A_42 : i1 to i32
    %cond3A_44 = arith.constant 0 : i32
    %cond3A_45 = arith.cmpi ne, %convert_element_type3A_43, %cond3A_44 : i32
    scf.if %cond3A_45 {
      %mul3A_51 = arith.constant 624 : i32
      %mul3A_52 = arith.muli %arg1, %mul3A_51 : i32
      %add3A_53 = arith.constant 0 : i32
      %add3A_54 = arith.addi %mul3A_52, %add3A_53 : i32
      %run_scoped3A_55 = arith.constant 0 : i32
      "tpu.region"() ({
        %run_scoped3A_103 = tpu.sem_alloc : memref<!tpu.dma_semaphore, #tpu.memory_space<semaphore_mem>>
        %dma_start3A = arith.constant 0 : i32
        %dma_start3A_104 = arith.constant 0 : i32
        %dma_start3A_105 = tpu.memref_slice %arg14[%run_scoped3A_55, %dma_start3A, %dma_start3A_104] : memref<5x128x128xbf16, #tpu.memory_space<vmem>> -> memref<1x128x128xbf16, #tpu.memory_space<vmem>>
        %dma_start3A_106 = tpu.memref_squeeze %dma_start3A_105 : memref<1x128x128xbf16, #tpu.memory_space<vmem>> -> memref<128x128xbf16, #tpu.memory_space<vmem>>
        %dma_start3A_107 = arith.constant 0 : i32
        %dma_start3A_108 = tpu.memref_slice %arg17[%add3A_54, %dma_start3A_107] : memref<10112x128xbf16, #tpu.memory_space<vmem_shared>> -> memref<128x128xbf16, #tpu.memory_space<vmem_shared>>
        %dma_start3A_109 = arith.constant 0 : i32
        %dma_start3A_110 = arith.constant 0 : i32
        %dma_start3A_111 = tpu.memref_slice %arg14[%run_scoped3A_55, %dma_start3A_109, %dma_start3A_110] : memref<5x128x128xbf16, #tpu.memory_space<vmem>> -> memref<1x128x128xbf16, #tpu.memory_space<vmem>>
        %dma_start3A_112 = tpu.memref_squeeze %dma_start3A_111 : memref<1x128x128xbf16, #tpu.memory_space<vmem>> -> memref<128x128xbf16, #tpu.memory_space<vmem>>
        %dma_start3A_113 = arith.constant 0 : i32
        %dma_start3A_114 = tpu.memref_slice %arg17[%add3A_54, %dma_start3A_113] : memref<10112x128xbf16, #tpu.memory_space<vmem_shared>> -> memref<128x128xbf16, #tpu.memory_space<vmem_shared>>
        tpu.enqueue_dma source(%dma_start3A_114 : memref<128x128xbf16, #tpu.memory_space<vmem_shared>>) target(%dma_start3A_112 : memref<128x128xbf16, #tpu.memory_space<vmem>>) target_semaphore(%run_scoped3A_103 : memref<!tpu.dma_semaphore, #tpu.memory_space<semaphore_mem>>)
        %dma_wait3A = arith.constant 0 : i32
        %dma_wait3A_115 = arith.constant 0 : i32
        %dma_wait3A_116 = tpu.memref_slice %arg14[%run_scoped3A_55, %dma_wait3A, %dma_wait3A_115] : memref<5x128x128xbf16, #tpu.memory_space<vmem>> -> memref<1x128x128xbf16, #tpu.memory_space<vmem>>
        %dma_wait3A_117 = tpu.memref_squeeze %dma_wait3A_116 : memref<1x128x128xbf16, #tpu.memory_space<vmem>> -> memref<128x128xbf16, #tpu.memory_space<vmem>>
        %dma_wait3A_118 = arith.constant 0 : i32
        %dma_wait3A_119 = tpu.memref_slice %arg17[%add3A_54, %dma_wait3A_118] : memref<10112x128xbf16, #tpu.memory_space<vmem_shared>> -> memref<128x128xbf16, #tpu.memory_space<vmem_shared>>
        %dma_wait3A_120 = arith.constant 0 : i32
        %dma_wait3A_121 = arith.constant 0 : i32
        %dma_wait3A_122 = tpu.memref_slice %arg14[%run_scoped3A_55, %dma_wait3A_120, %dma_wait3A_121] : memref<5x128x128xbf16, #tpu.memory_space<vmem>> -> memref<1x128x128xbf16, #tpu.memory_space<vmem>>
        %dma_wait3A_123 = tpu.memref_squeeze %dma_wait3A_122 : memref<1x128x128xbf16, #tpu.memory_space<vmem>> -> memref<128x128xbf16, #tpu.memory_space<vmem>>
        %dma_wait3A_124 = arith.constant 0 : i32
        %dma_wait3A_125 = tpu.memref_slice %arg17[%add3A_54, %dma_wait3A_124] : memref<10112x128xbf16, #tpu.memory_space<vmem_shared>> -> memref<128x128xbf16, #tpu.memory_space<vmem_shared>>
        tpu.wait_dma2 semaphore(%run_scoped3A_103 : memref<!tpu.dma_semaphore, #tpu.memory_space<semaphore_mem>>) src(%dma_wait3A_125 : memref<128x128xbf16, #tpu.memory_space<vmem_shared>>) dst(%dma_wait3A_123 : memref<128x128xbf16, #tpu.memory_space<vmem>>)
        tpu.yield
      }) : () -> ()
      %add3A_56 = arith.constant 0 : i32
      %add3A_57 = arith.addi %mul3A_52, %add3A_56 : i32
      %run_scoped3A_58 = arith.constant 0 : i32
      "tpu.region"() ({
        %run_scoped3A_103 = tpu.sem_alloc : memref<!tpu.dma_semaphore, #tpu.memory_space<semaphore_mem>>
        %dma_start3A = arith.constant 0 : i32
        %dma_start3A_104 = arith.constant 0 : i32
        %dma_start3A_105 = tpu.memref_slice %arg14[%run_scoped3A_58, %dma_start3A, %dma_start3A_104] : memref<5x128x128xbf16, #tpu.memory_space<vmem>> -> memref<1x128x128xbf16, #tpu.memory_space<vmem>>
        %dma_start3A_106 = tpu.memref_squeeze %dma_start3A_105 : memref<1x128x128xbf16, #tpu.memory_space<vmem>> -> memref<128x128xbf16, #tpu.memory_space<vmem>>
        %dma_start3A_107 = arith.constant 0 : i32
        %dma_start3A_108 = tpu.memref_slice %arg8[%add3A_57, %dma_start3A_107] : memref<10000x128xbf16, #tpu.memory_space<hbm>> -> memref<128x128xbf16, #tpu.memory_space<hbm>>
        %dma_start3A_109 = arith.constant 0 : i32
        %dma_start3A_110 = tpu.memref_slice %arg8[%add3A_57, %dma_start3A_109] : memref<10000x128xbf16, #tpu.memory_space<hbm>> -> memref<128x128xbf16, #tpu.memory_space<hbm>>
        %dma_start3A_111 = arith.constant 0 : i32
        %dma_start3A_112 = arith.constant 0 : i32
        %dma_start3A_113 = tpu.memref_slice %arg14[%run_scoped3A_58, %dma_start3A_111, %dma_start3A_112] : memref<5x128x128xbf16, #tpu.memory_space<vmem>> -> memref<1x128x128xbf16, #tpu.memory_space<vmem>>
        %dma_start3A_114 = tpu.memref_squeeze %dma_start3A_113 : memref<1x128x128xbf16, #tpu.memory_space<vmem>> -> memref<128x128xbf16, #tpu.memory_space<vmem>>
        tpu.enqueue_dma source(%dma_start3A_114 : memref<128x128xbf16, #tpu.memory_space<vmem>>) target(%dma_start3A_110 : memref<128x128xbf16, #tpu.memory_space<hbm>>) target_semaphore(%run_scoped3A_103 : memref<!tpu.dma_semaphore, #tpu.memory_space<semaphore_mem>>)
        %dma_wait3A = arith.constant 0 : i32
        %dma_wait3A_115 = arith.constant 0 : i32
        %dma_wait3A_116 = tpu.memref_slice %arg14[%run_scoped3A_58, %dma_wait3A, %dma_wait3A_115] : memref<5x128x128xbf16, #tpu.memory_space<vmem>> -> memref<1x128x128xbf16, #tpu.memory_space<vmem>>
        %dma_wait3A_117 = tpu.memref_squeeze %dma_wait3A_116 : memref<1x128x128xbf16, #tpu.memory_space<vmem>> -> memref<128x128xbf16, #tpu.memory_space<vmem>>
        %dma_wait3A_118 = arith.constant 0 : i32
        %dma_wait3A_119 = tpu.memref_slice %arg8[%add3A_57, %dma_wait3A_118] : memref<10000x128xbf16, #tpu.memory_space<hbm>> -> memref<128x128xbf16, #tpu.memory_space<hbm>>
        %dma_wait3A_120 = arith.constant 0 : i32
        %dma_wait3A_121 = tpu.memref_slice %arg8[%add3A_57, %dma_wait3A_120] : memref<10000x128xbf16, #tpu.memory_space<hbm>> -> memref<128x128xbf16, #tpu.memory_space<hbm>>
        %dma_wait3A_122 = arith.constant 0 : i32
        %dma_wait3A_123 = arith.constant 0 : i32
        %dma_wait3A_124 = tpu.memref_slice %arg14[%run_scoped3A_58, %dma_wait3A_122, %dma_wait3A_123] : memref<5x128x128xbf16, #tpu.memory_space<vmem>> -> memref<1x128x128xbf16, #tpu.memory_space<vmem>>
        %dma_wait3A_125 = tpu.memref_squeeze %dma_wait3A_124 : memref<1x128x128xbf16, #tpu.memory_space<vmem>> -> memref<128x128xbf16, #tpu.memory_space<vmem>>
        tpu.wait_dma2 semaphore(%run_scoped3A_103 : memref<!tpu.dma_semaphore, #tpu.memory_space<semaphore_mem>>) src(%dma_wait3A_125 : memref<128x128xbf16, #tpu.memory_space<vmem>>) dst(%dma_wait3A_121 : memref<128x128xbf16, #tpu.memory_space<hbm>>)
        tpu.yield
      }) : () -> ()
      %add3A_59 = arith.constant 0 : i32
      %add3A_60 = arith.addi %mul3A_52, %add3A_59 : i32
      "tpu.region"() ({
        %run_scoped3A_103 = tpu.sem_alloc : memref<!tpu.dma_semaphore, #tpu.memory_space<semaphore_mem>>
        %dma_start3A = arith.constant 0 : i32
        %dma_start3A_104 = tpu.memref_slice %arg18[%add3A_60, %dma_start3A] : memref<10112x8xf32, #tpu.memory_space<vmem_shared>> -> memref<128x8xf32, #tpu.memory_space<vmem_shared>>
        %dma_start3A_105 = arith.constant 0 : i32
        %dma_start3A_106 = tpu.memref_slice %arg18[%add3A_60, %dma_start3A_105] : memref<10112x8xf32, #tpu.memory_space<vmem_shared>> -> memref<128x8xf32, #tpu.memory_space<vmem_shared>>
        tpu.enqueue_dma source(%dma_start3A_106 : memref<128x8xf32, #tpu.memory_space<vmem_shared>>) target(%arg16 : memref<128x8xf32, #tpu.memory_space<vmem>>) target_semaphore(%run_scoped3A_103 : memref<!tpu.dma_semaphore, #tpu.memory_space<semaphore_mem>>)
        %dma_wait3A = arith.constant 0 : i32
        %dma_wait3A_107 = tpu.memref_slice %arg18[%add3A_60, %dma_wait3A] : memref<10112x8xf32, #tpu.memory_space<vmem_shared>> -> memref<128x8xf32, #tpu.memory_space<vmem_shared>>
        %dma_wait3A_108 = arith.constant 0 : i32
        %dma_wait3A_109 = tpu.memref_slice %arg18[%add3A_60, %dma_wait3A_108] : memref<10112x8xf32, #tpu.memory_space<vmem_shared>> -> memref<128x8xf32, #tpu.memory_space<vmem_shared>>
        tpu.wait_dma2 semaphore(%run_scoped3A_103 : memref<!tpu.dma_semaphore, #tpu.memory_space<semaphore_mem>>) src(%dma_wait3A_109 : memref<128x8xf32, #tpu.memory_space<vmem_shared>>) dst(%arg16 : memref<128x8xf32, #tpu.memory_space<vmem>>)
        tpu.yield
      }) : () -> ()
      %add3A_61 = arith.constant 0 : i32
      %add3A_62 = arith.addi %mul3A_52, %add3A_61 : i32
      "tpu.region"() ({
        %run_scoped3A_103 = tpu.sem_alloc : memref<!tpu.dma_semaphore, #tpu.memory_space<semaphore_mem>>
        %dma_start3A = arith.constant 0 : i32
        %dma_start3A_104 = tpu.memref_slice %arg9[%add3A_62, %dma_start3A] : memref<10000x8xf32, #tpu.memory_space<hbm>> -> memref<128x8xf32, #tpu.memory_space<hbm>>
        %dma_start3A_105 = arith.constant 0 : i32
        %dma_start3A_106 = tpu.memref_slice %arg9[%add3A_62, %dma_start3A_105] : memref<10000x8xf32, #tpu.memory_space<hbm>> -> memref<128x8xf32, #tpu.memory_space<hbm>>
        tpu.enqueue_dma source(%arg16 : memref<128x8xf32, #tpu.memory_space<vmem>>) target(%dma_start3A_106 : memref<128x8xf32, #tpu.memory_space<hbm>>) target_semaphore(%run_scoped3A_103 : memref<!tpu.dma_semaphore, #tpu.memory_space<semaphore_mem>>)
        %dma_wait3A = arith.constant 0 : i32
        %dma_wait3A_107 = tpu.memref_slice %arg9[%add3A_62, %dma_wait3A] : memref<10000x8xf32, #tpu.memory_space<hbm>> -> memref<128x8xf32, #tpu.memory_space<hbm>>
        %dma_wait3A_108 = arith.constant 0 : i32
        %dma_wait3A_109 = tpu.memref_slice %arg9[%add3A_62, %dma_wait3A_108] : memref<10000x8xf32, #tpu.memory_space<hbm>> -> memref<128x8xf32, #tpu.memory_space<hbm>>
        tpu.wait_dma2 semaphore(%run_scoped3A_103 : memref<!tpu.dma_semaphore, #tpu.memory_space<semaphore_mem>>) src(%arg16 : memref<128x8xf32, #tpu.memory_space<vmem>>) dst(%dma_wait3A_109 : memref<128x8xf32, #tpu.memory_space<hbm>>)
        tpu.yield
      }) : () -> ()
      %add3A_63 = arith.constant 128 : i32
      %add3A_64 = arith.addi %mul3A_52, %add3A_63 : i32
      %run_scoped3A_65 = arith.constant 0 : i32
      "tpu.region"() ({
        %run_scoped3A_103 = tpu.sem_alloc : memref<!tpu.dma_semaphore, #tpu.memory_space<semaphore_mem>>
        %dma_start3A = arith.constant 0 : i32
        %dma_start3A_104 = arith.constant 0 : i32
        %dma_start3A_105 = tpu.memref_slice %arg14[%run_scoped3A_65, %dma_start3A, %dma_start3A_104] : memref<5x128x128xbf16, #tpu.memory_space<vmem>> -> memref<1x128x128xbf16, #tpu.memory_space<vmem>>
        %dma_start3A_106 = tpu.memref_squeeze %dma_start3A_105 : memref<1x128x128xbf16, #tpu.memory_space<vmem>> -> memref<128x128xbf16, #tpu.memory_space<vmem>>
        %dma_start3A_107 = arith.constant 0 : i32
        %dma_start3A_108 = tpu.memref_slice %arg17[%add3A_64, %dma_start3A_107] : memref<10112x128xbf16, #tpu.memory_space<vmem_shared>> -> memref<128x128xbf16, #tpu.memory_space<vmem_shared>>
        %dma_start3A_109 = arith.constant 0 : i32
        %dma_start3A_110 = arith.constant 0 : i32
        %dma_start3A_111 = tpu.memref_slice %arg14[%run_scoped3A_65, %dma_start3A_109, %dma_start3A_110] : memref<5x128x128xbf16, #tpu.memory_space<vmem>> -> memref<1x128x128xbf16, #tpu.memory_space<vmem>>
        %dma_start3A_112 = tpu.memref_squeeze %dma_start3A_111 : memref<1x128x128xbf16, #tpu.memory_space<vmem>> -> memref<128x128xbf16, #tpu.memory_space<vmem>>
        %dma_start3A_113 = arith.constant 0 : i32
        %dma_start3A_114 = tpu.memref_slice %arg17[%add3A_64, %dma_start3A_113] : memref<10112x128xbf16, #tpu.memory_space<vmem_shared>> -> memref<128x128xbf16, #tpu.memory_space<vmem_shared>>
        tpu.enqueue_dma source(%dma_start3A_114 : memref<128x128xbf16, #tpu.memory_space<vmem_shared>>) target(%dma_start3A_112 : memref<128x128xbf16, #tpu.memory_space<vmem>>) target_semaphore(%run_scoped3A_103 : memref<!tpu.dma_semaphore, #tpu.memory_space<semaphore_mem>>)
        %dma_wait3A = arith.constant 0 : i32
        %dma_wait3A_115 = arith.constant 0 : i32
        %dma_wait3A_116 = tpu.memref_slice %arg14[%run_scoped3A_65, %dma_wait3A, %dma_wait3A_115] : memref<5x128x128xbf16, #tpu.memory_space<vmem>> -> memref<1x128x128xbf16, #tpu.memory_space<vmem>>
        %dma_wait3A_117 = tpu.memref_squeeze %dma_wait3A_116 : memref<1x128x128xbf16, #tpu.memory_space<vmem>> -> memref<128x128xbf16, #tpu.memory_space<vmem>>
        %dma_wait3A_118 = arith.constant 0 : i32
        %dma_wait3A_119 = tpu.memref_slice %arg17[%add3A_64, %dma_wait3A_118] : memref<10112x128xbf16, #tpu.memory_space<vmem_shared>> -> memref<128x128xbf16, #tpu.memory_space<vmem_shared>>
        %dma_wait3A_120 = arith.constant 0 : i32
        %dma_wait3A_121 = arith.constant 0 : i32
        %dma_wait3A_122 = tpu.memref_slice %arg14[%run_scoped3A_65, %dma_wait3A_120, %dma_wait3A_121] : memref<5x128x128xbf16, #tpu.memory_space<vmem>> -> memref<1x128x128xbf16, #tpu.memory_space<vmem>>
        %dma_wait3A_123 = tpu.memref_squeeze %dma_wait3A_122 : memref<1x128x128xbf16, #tpu.memory_space<vmem>> -> memref<128x128xbf16, #tpu.memory_space<vmem>>
        %dma_wait3A_124 = arith.constant 0 : i32
        %dma_wait3A_125 = tpu.memref_slice %arg17[%add3A_64, %dma_wait3A_124] : memref<10112x128xbf16, #tpu.memory_space<vmem_shared>> -> memref<128x128xbf16, #tpu.memory_space<vmem_shared>>
        tpu.wait_dma2 semaphore(%run_scoped3A_103 : memref<!tpu.dma_semaphore, #tpu.memory_space<semaphore_mem>>) src(%dma_wait3A_125 : memref<128x128xbf16, #tpu.memory_space<vmem_shared>>) dst(%dma_wait3A_123 : memref<128x128xbf16, #tpu.memory_space<vmem>>)
        tpu.yield
      }) : () -> ()
      %add3A_66 = arith.constant 128 : i32
      %add3A_67 = arith.addi %mul3A_52, %add3A_66 : i32
      %run_scoped3A_68 = arith.constant 0 : i32
      "tpu.region"() ({
        %run_scoped3A_103 = tpu.sem_alloc : memref<!tpu.dma_semaphore, #tpu.memory_space<semaphore_mem>>
        %dma_start3A = arith.constant 0 : i32
        %dma_start3A_104 = arith.constant 0 : i32
        %dma_start3A_105 = tpu.memref_slice %arg14[%run_scoped3A_68, %dma_start3A, %dma_start3A_104] : memref<5x128x128xbf16, #tpu.memory_space<vmem>> -> memref<1x128x128xbf16, #tpu.memory_space<vmem>>
        %dma_start3A_106 = tpu.memref_squeeze %dma_start3A_105 : memref<1x128x128xbf16, #tpu.memory_space<vmem>> -> memref<128x128xbf16, #tpu.memory_space<vmem>>
        %dma_start3A_107 = arith.constant 0 : i32
        %dma_start3A_108 = tpu.memref_slice %arg8[%add3A_67, %dma_start3A_107] : memref<10000x128xbf16, #tpu.memory_space<hbm>> -> memref<128x128xbf16, #tpu.memory_space<hbm>>
        %dma_start3A_109 = arith.constant 0 : i32
        %dma_start3A_110 = tpu.memref_slice %arg8[%add3A_67, %dma_start3A_109] : memref<10000x128xbf16, #tpu.memory_space<hbm>> -> memref<128x128xbf16, #tpu.memory_space<hbm>>
        %dma_start3A_111 = arith.constant 0 : i32
        %dma_start3A_112 = arith.constant 0 : i32
        %dma_start3A_113 = tpu.memref_slice %arg14[%run_scoped3A_68, %dma_start3A_111, %dma_start3A_112] : memref<5x128x128xbf16, #tpu.memory_space<vmem>> -> memref<1x128x128xbf16, #tpu.memory_space<vmem>>
        %dma_start3A_114 = tpu.memref_squeeze %dma_start3A_113 : memref<1x128x128xbf16, #tpu.memory_space<vmem>> -> memref<128x128xbf16, #tpu.memory_space<vmem>>
        tpu.enqueue_dma source(%dma_start3A_114 : memref<128x128xbf16, #tpu.memory_space<vmem>>) target(%dma_start3A_110 : memref<128x128xbf16, #tpu.memory_space<hbm>>) target_semaphore(%run_scoped3A_103 : memref<!tpu.dma_semaphore, #tpu.memory_space<semaphore_mem>>)
        %dma_wait3A = arith.constant 0 : i32
        %dma_wait3A_115 = arith.constant 0 : i32
        %dma_wait3A_116 = tpu.memref_slice %arg14[%run_scoped3A_68, %dma_wait3A, %dma_wait3A_115] : memref<5x128x128xbf16, #tpu.memory_space<vmem>> -> memref<1x128x128xbf16, #tpu.memory_space<vmem>>
        %dma_wait3A_117 = tpu.memref_squeeze %dma_wait3A_116 : memref<1x128x128xbf16, #tpu.memory_space<vmem>> -> memref<128x128xbf16, #tpu.memory_space<vmem>>
        %dma_wait3A_118 = arith.constant 0 : i32
        %dma_wait3A_119 = tpu.memref_slice %arg8[%add3A_67, %dma_wait3A_118] : memref<10000x128xbf16, #tpu.memory_space<hbm>> -> memref<128x128xbf16, #tpu.memory_space<hbm>>
        %dma_wait3A_120 = arith.constant 0 : i32
        %dma_wait3A_121 = tpu.memref_slice %arg8[%add3A_67, %dma_wait3A_120] : memref<10000x128xbf16, #tpu.memory_space<hbm>> -> memref<128x128xbf16, #tpu.memory_space<hbm>>
        %dma_wait3A_122 = arith.constant 0 : i32
        %dma_wait3A_123 = arith.constant 0 : i32
        %dma_wait3A_124 = tpu.memref_slice %arg14[%run_scoped3A_68, %dma_wait3A_122, %dma_wait3A_123] : memref<5x128x128xbf16, #tpu.memory_space<vmem>> -> memref<1x128x128xbf16, #tpu.memory_space<vmem>>
        %dma_wait3A_125 = tpu.memref_squeeze %dma_wait3A_124 : memref<1x128x128xbf16, #tpu.memory_space<vmem>> -> memref<128x128xbf16, #tpu.memory_space<vmem>>
        tpu.wait_dma2 semaphore(%run_scoped3A_103 : memref<!tpu.dma_semaphore, #tpu.memory_space<semaphore_mem>>) src(%dma_wait3A_125 : memref<128x128xbf16, #tpu.memory_space<vmem>>) dst(%dma_wait3A_121 : memref<128x128xbf16, #tpu.memory_space<hbm>>)
        tpu.yield
      }) : () -> ()
      %add3A_69 = arith.constant 128 : i32
      %add3A_70 = arith.addi %mul3A_52, %add3A_69 : i32
      "tpu.region"() ({
        %run_scoped3A_103 = tpu.sem_alloc : memref<!tpu.dma_semaphore, #tpu.memory_space<semaphore_mem>>
        %dma_start3A = arith.constant 0 : i32
        %dma_start3A_104 = tpu.memref_slice %arg18[%add3A_70, %dma_start3A] : memref<10112x8xf32, #tpu.memory_space<vmem_shared>> -> memref<128x8xf32, #tpu.memory_space<vmem_shared>>
        %dma_start3A_105 = arith.constant 0 : i32
        %dma_start3A_106 = tpu.memref_slice %arg18[%add3A_70, %dma_start3A_105] : memref<10112x8xf32, #tpu.memory_space<vmem_shared>> -> memref<128x8xf32, #tpu.memory_space<vmem_shared>>
        tpu.enqueue_dma source(%dma_start3A_106 : memref<128x8xf32, #tpu.memory_space<vmem_shared>>) target(%arg16 : memref<128x8xf32, #tpu.memory_space<vmem>>) target_semaphore(%run_scoped3A_103 : memref<!tpu.dma_semaphore, #tpu.memory_space<semaphore_mem>>)
        %dma_wait3A = arith.constant 0 : i32
        %dma_wait3A_107 = tpu.memref_slice %arg18[%add3A_70, %dma_wait3A] : memref<10112x8xf32, #tpu.memory_space<vmem_shared>> -> memref<128x8xf32, #tpu.memory_space<vmem_shared>>
        %dma_wait3A_108 = arith.constant 0 : i32
        %dma_wait3A_109 = tpu.memref_slice %arg18[%add3A_70, %dma_wait3A_108] : memref<10112x8xf32, #tpu.memory_space<vmem_shared>> -> memref<128x8xf32, #tpu.memory_space<vmem_shared>>
        tpu.wait_dma2 semaphore(%run_scoped3A_103 : memref<!tpu.dma_semaphore, #tpu.memory_space<semaphore_mem>>) src(%dma_wait3A_109 : memref<128x8xf32, #tpu.memory_space<vmem_shared>>) dst(%arg16 : memref<128x8xf32, #tpu.memory_space<vmem>>)
        tpu.yield
      }) : () -> ()
      %add3A_71 = arith.constant 128 : i32
      %add3A_72 = arith.addi %mul3A_52, %add3A_71 : i32
      "tpu.region"() ({
        %run_scoped3A_103 = tpu.sem_alloc : memref<!tpu.dma_semaphore, #tpu.memory_space<semaphore_mem>>
        %dma_start3A = arith.constant 0 : i32
        %dma_start3A_104 = tpu.memref_slice %arg9[%add3A_72, %dma_start3A] : memref<10000x8xf32, #tpu.memory_space<hbm>> -> memref<128x8xf32, #tpu.memory_space<hbm>>
        %dma_start3A_105 = arith.constant 0 : i32
        %dma_start3A_106 = tpu.memref_slice %arg9[%add3A_72, %dma_start3A_105] : memref<10000x8xf32, #tpu.memory_space<hbm>> -> memref<128x8xf32, #tpu.memory_space<hbm>>
        tpu.enqueue_dma source(%arg16 : memref<128x8xf32, #tpu.memory_space<vmem>>) target(%dma_start3A_106 : memref<128x8xf32, #tpu.memory_space<hbm>>) target_semaphore(%run_scoped3A_103 : memref<!tpu.dma_semaphore, #tpu.memory_space<semaphore_mem>>)
        %dma_wait3A = arith.constant 0 : i32
        %dma_wait3A_107 = tpu.memref_slice %arg9[%add3A_72, %dma_wait3A] : memref<10000x8xf32, #tpu.memory_space<hbm>> -> memref<128x8xf32, #tpu.memory_space<hbm>>
        %dma_wait3A_108 = arith.constant 0 : i32
        %dma_wait3A_109 = tpu.memref_slice %arg9[%add3A_72, %dma_wait3A_108] : memref<10000x8xf32, #tpu.memory_space<hbm>> -> memref<128x8xf32, #tpu.memory_space<hbm>>
        tpu.wait_dma2 semaphore(%run_scoped3A_103 : memref<!tpu.dma_semaphore, #tpu.memory_space<semaphore_mem>>) src(%arg16 : memref<128x8xf32, #tpu.memory_space<vmem>>) dst(%dma_wait3A_109 : memref<128x8xf32, #tpu.memory_space<hbm>>)
        tpu.yield
      }) : () -> ()
      %add3A_73 = arith.constant 256 : i32
      %add3A_74 = arith.addi %mul3A_52, %add3A_73 : i32
      %run_scoped3A_75 = arith.constant 0 : i32
      "tpu.region"() ({
        %run_scoped3A_103 = tpu.sem_alloc : memref<!tpu.dma_semaphore, #tpu.memory_space<semaphore_mem>>
        %dma_start3A = arith.constant 0 : i32
        %dma_start3A_104 = arith.constant 0 : i32
        %dma_start3A_105 = tpu.memref_slice %arg14[%run_scoped3A_75, %dma_start3A, %dma_start3A_104] : memref<5x128x128xbf16, #tpu.memory_space<vmem>> -> memref<1x128x128xbf16, #tpu.memory_space<vmem>>
        %dma_start3A_106 = tpu.memref_squeeze %dma_start3A_105 : memref<1x128x128xbf16, #tpu.memory_space<vmem>> -> memref<128x128xbf16, #tpu.memory_space<vmem>>
        %dma_start3A_107 = arith.constant 0 : i32
        %dma_start3A_108 = tpu.memref_slice %arg17[%add3A_74, %dma_start3A_107] : memref<10112x128xbf16, #tpu.memory_space<vmem_shared>> -> memref<128x128xbf16, #tpu.memory_space<vmem_shared>>
        %dma_start3A_109 = arith.constant 0 : i32
        %dma_start3A_110 = arith.constant 0 : i32
        %dma_start3A_111 = tpu.memref_slice %arg14[%run_scoped3A_75, %dma_start3A_109, %dma_start3A_110] : memref<5x128x128xbf16, #tpu.memory_space<vmem>> -> memref<1x128x128xbf16, #tpu.memory_space<vmem>>
        %dma_start3A_112 = tpu.memref_squeeze %dma_start3A_111 : memref<1x128x128xbf16, #tpu.memory_space<vmem>> -> memref<128x128xbf16, #tpu.memory_space<vmem>>
        %dma_start3A_113 = arith.constant 0 : i32
        %dma_start3A_114 = tpu.memref_slice %arg17[%add3A_74, %dma_start3A_113] : memref<10112x128xbf16, #tpu.memory_space<vmem_shared>> -> memref<128x128xbf16, #tpu.memory_space<vmem_shared>>
        tpu.enqueue_dma source(%dma_start3A_114 : memref<128x128xbf16, #tpu.memory_space<vmem_shared>>) target(%dma_start3A_112 : memref<128x128xbf16, #tpu.memory_space<vmem>>) target_semaphore(%run_scoped3A_103 : memref<!tpu.dma_semaphore, #tpu.memory_space<semaphore_mem>>)
        %dma_wait3A = arith.constant 0 : i32
        %dma_wait3A_115 = arith.constant 0 : i32
        %dma_wait3A_116 = tpu.memref_slice %arg14[%run_scoped3A_75, %dma_wait3A, %dma_wait3A_115] : memref<5x128x128xbf16, #tpu.memory_space<vmem>> -> memref<1x128x128xbf16, #tpu.memory_space<vmem>>
        %dma_wait3A_117 = tpu.memref_squeeze %dma_wait3A_116 : memref<1x128x128xbf16, #tpu.memory_space<vmem>> -> memref<128x128xbf16, #tpu.memory_space<vmem>>
        %dma_wait3A_118 = arith.constant 0 : i32
        %dma_wait3A_119 = tpu.memref_slice %arg17[%add3A_74, %dma_wait3A_118] : memref<10112x128xbf16, #tpu.memory_space<vmem_shared>> -> memref<128x128xbf16, #tpu.memory_space<vmem_shared>>
        %dma_wait3A_120 = arith.constant 0 : i32
        %dma_wait3A_121 = arith.constant 0 : i32
        %dma_wait3A_122 = tpu.memref_slice %arg14[%run_scoped3A_75, %dma_wait3A_120, %dma_wait3A_121] : memref<5x128x128xbf16, #tpu.memory_space<vmem>> -> memref<1x128x128xbf16, #tpu.memory_space<vmem>>
        %dma_wait3A_123 = tpu.memref_squeeze %dma_wait3A_122 : memref<1x128x128xbf16, #tpu.memory_space<vmem>> -> memref<128x128xbf16, #tpu.memory_space<vmem>>
        %dma_wait3A_124 = arith.constant 0 : i32
        %dma_wait3A_125 = tpu.memref_slice %arg17[%add3A_74, %dma_wait3A_124] : memref<10112x128xbf16, #tpu.memory_space<vmem_shared>> -> memref<128x128xbf16, #tpu.memory_space<vmem_shared>>
        tpu.wait_dma2 semaphore(%run_scoped3A_103 : memref<!tpu.dma_semaphore, #tpu.memory_space<semaphore_mem>>) src(%dma_wait3A_125 : memref<128x128xbf16, #tpu.memory_space<vmem_shared>>) dst(%dma_wait3A_123 : memref<128x128xbf16, #tpu.memory_space<vmem>>)
        tpu.yield
      }) : () -> ()
      %add3A_76 = arith.constant 256 : i32
      %add3A_77 = arith.addi %mul3A_52, %add3A_76 : i32
      %run_scoped3A_78 = arith.constant 0 : i32
      "tpu.region"() ({
        %run_scoped3A_103 = tpu.sem_alloc : memref<!tpu.dma_semaphore, #tpu.memory_space<semaphore_mem>>
        %dma_start3A = arith.constant 0 : i32
        %dma_start3A_104 = arith.constant 0 : i32
        %dma_start3A_105 = tpu.memref_slice %arg14[%run_scoped3A_78, %dma_start3A, %dma_start3A_104] : memref<5x128x128xbf16, #tpu.memory_space<vmem>> -> memref<1x128x128xbf16, #tpu.memory_space<vmem>>
        %dma_start3A_106 = tpu.memref_squeeze %dma_start3A_105 : memref<1x128x128xbf16, #tpu.memory_space<vmem>> -> memref<128x128xbf16, #tpu.memory_space<vmem>>
        %dma_start3A_107 = arith.constant 0 : i32
        %dma_start3A_108 = tpu.memref_slice %arg8[%add3A_77, %dma_start3A_107] : memref<10000x128xbf16, #tpu.memory_space<hbm>> -> memref<128x128xbf16, #tpu.memory_space<hbm>>
        %dma_start3A_109 = arith.constant 0 : i32
        %dma_start3A_110 = tpu.memref_slice %arg8[%add3A_77, %dma_start3A_109] : memref<10000x128xbf16, #tpu.memory_space<hbm>> -> memref<128x128xbf16, #tpu.memory_space<hbm>>
        %dma_start3A_111 = arith.constant 0 : i32
        %dma_start3A_112 = arith.constant 0 : i32
        %dma_start3A_113 = tpu.memref_slice %arg14[%run_scoped3A_78, %dma_start3A_111, %dma_start3A_112] : memref<5x128x128xbf16, #tpu.memory_space<vmem>> -> memref<1x128x128xbf16, #tpu.memory_space<vmem>>
        %dma_start3A_114 = tpu.memref_squeeze %dma_start3A_113 : memref<1x128x128xbf16, #tpu.memory_space<vmem>> -> memref<128x128xbf16, #tpu.memory_space<vmem>>
        tpu.enqueue_dma source(%dma_start3A_114 : memref<128x128xbf16, #tpu.memory_space<vmem>>) target(%dma_start3A_110 : memref<128x128xbf16, #tpu.memory_space<hbm>>) target_semaphore(%run_scoped3A_103 : memref<!tpu.dma_semaphore, #tpu.memory_space<semaphore_mem>>)
        %dma_wait3A = arith.constant 0 : i32
        %dma_wait3A_115 = arith.constant 0 : i32
        %dma_wait3A_116 = tpu.memref_slice %arg14[%run_scoped3A_78, %dma_wait3A, %dma_wait3A_115] : memref<5x128x128xbf16, #tpu.memory_space<vmem>> -> memref<1x128x128xbf16, #tpu.memory_space<vmem>>
        %dma_wait3A_117 = tpu.memref_squeeze %dma_wait3A_116 : memref<1x128x128xbf16, #tpu.memory_space<vmem>> -> memref<128x128xbf16, #tpu.memory_space<vmem>>
        %dma_wait3A_118 = arith.constant 0 : i32
        %dma_wait3A_119 = tpu.memref_slice %arg8[%add3A_77, %dma_wait3A_118] : memref<10000x128xbf16, #tpu.memory_space<hbm>> -> memref<128x128xbf16, #tpu.memory_space<hbm>>
        %dma_wait3A_120 = arith.constant 0 : i32
        %dma_wait3A_121 = tpu.memref_slice %arg8[%add3A_77, %dma_wait3A_120] : memref<10000x128xbf16, #tpu.memory_space<hbm>> -> memref<128x128xbf16, #tpu.memory_space<hbm>>
        %dma_wait3A_122 = arith.constant 0 : i32
        %dma_wait3A_123 = arith.constant 0 : i32
        %dma_wait3A_124 = tpu.memref_slice %arg14[%run_scoped3A_78, %dma_wait3A_122, %dma_wait3A_123] : memref<5x128x128xbf16, #tpu.memory_space<vmem>> -> memref<1x128x128xbf16, #tpu.memory_space<vmem>>
        %dma_wait3A_125 = tpu.memref_squeeze %dma_wait3A_124 : memref<1x128x128xbf16, #tpu.memory_space<vmem>> -> memref<128x128xbf16, #tpu.memory_space<vmem>>
        tpu.wait_dma2 semaphore(%run_scoped3A_103 : memref<!tpu.dma_semaphore, #tpu.memory_space<semaphore_mem>>) src(%dma_wait3A_125 : memref<128x128xbf16, #tpu.memory_space<vmem>>) dst(%dma_wait3A_121 : memref<128x128xbf16, #tpu.memory_space<hbm>>)
        tpu.yield
      }) : () -> ()
      %add3A_79 = arith.constant 256 : i32
      %add3A_80 = arith.addi %mul3A_52, %add3A_79 : i32
      "tpu.region"() ({
        %run_scoped3A_103 = tpu.sem_alloc : memref<!tpu.dma_semaphore, #tpu.memory_space<semaphore_mem>>
        %dma_start3A = arith.constant 0 : i32
        %dma_start3A_104 = tpu.memref_slice %arg18[%add3A_80, %dma_start3A] : memref<10112x8xf32, #tpu.memory_space<vmem_shared>> -> memref<128x8xf32, #tpu.memory_space<vmem_shared>>
        %dma_start3A_105 = arith.constant 0 : i32
        %dma_start3A_106 = tpu.memref_slice %arg18[%add3A_80, %dma_start3A_105] : memref<10112x8xf32, #tpu.memory_space<vmem_shared>> -> memref<128x8xf32, #tpu.memory_space<vmem_shared>>
        tpu.enqueue_dma source(%dma_start3A_106 : memref<128x8xf32, #tpu.memory_space<vmem_shared>>) target(%arg16 : memref<128x8xf32, #tpu.memory_space<vmem>>) target_semaphore(%run_scoped3A_103 : memref<!tpu.dma_semaphore, #tpu.memory_space<semaphore_mem>>)
        %dma_wait3A = arith.constant 0 : i32
        %dma_wait3A_107 = tpu.memref_slice %arg18[%add3A_80, %dma_wait3A] : memref<10112x8xf32, #tpu.memory_space<vmem_shared>> -> memref<128x8xf32, #tpu.memory_space<vmem_shared>>
        %dma_wait3A_108 = arith.constant 0 : i32
        %dma_wait3A_109 = tpu.memref_slice %arg18[%add3A_80, %dma_wait3A_108] : memref<10112x8xf32, #tpu.memory_space<vmem_shared>> -> memref<128x8xf32, #tpu.memory_space<vmem_shared>>
        tpu.wait_dma2 semaphore(%run_scoped3A_103 : memref<!tpu.dma_semaphore, #tpu.memory_space<semaphore_mem>>) src(%dma_wait3A_109 : memref<128x8xf32, #tpu.memory_space<vmem_shared>>) dst(%arg16 : memref<128x8xf32, #tpu.memory_space<vmem>>)
        tpu.yield
      }) : () -> ()
      %add3A_81 = arith.constant 256 : i32
      %add3A_82 = arith.addi %mul3A_52, %add3A_81 : i32
      "tpu.region"() ({
        %run_scoped3A_103 = tpu.sem_alloc : memref<!tpu.dma_semaphore, #tpu.memory_space<semaphore_mem>>
        %dma_start3A = arith.constant 0 : i32
        %dma_start3A_104 = tpu.memref_slice %arg9[%add3A_82, %dma_start3A] : memref<10000x8xf32, #tpu.memory_space<hbm>> -> memref<128x8xf32, #tpu.memory_space<hbm>>
        %dma_start3A_105 = arith.constant 0 : i32
        %dma_start3A_106 = tpu.memref_slice %arg9[%add3A_82, %dma_start3A_105] : memref<10000x8xf32, #tpu.memory_space<hbm>> -> memref<128x8xf32, #tpu.memory_space<hbm>>
        tpu.enqueue_dma source(%arg16 : memref<128x8xf32, #tpu.memory_space<vmem>>) target(%dma_start3A_106 : memref<128x8xf32, #tpu.memory_space<hbm>>) target_semaphore(%run_scoped3A_103 : memref<!tpu.dma_semaphore, #tpu.memory_space<semaphore_mem>>)
        %dma_wait3A = arith.constant 0 : i32
        %dma_wait3A_107 = tpu.memref_slice %arg9[%add3A_82, %dma_wait3A] : memref<10000x8xf32, #tpu.memory_space<hbm>> -> memref<128x8xf32, #tpu.memory_space<hbm>>
        %dma_wait3A_108 = arith.constant 0 : i32
        %dma_wait3A_109 = tpu.memref_slice %arg9[%add3A_82, %dma_wait3A_108] : memref<10000x8xf32, #tpu.memory_space<hbm>> -> memref<128x8xf32, #tpu.memory_space<hbm>>
        tpu.wait_dma2 semaphore(%run_scoped3A_103 : memref<!tpu.dma_semaphore, #tpu.memory_space<semaphore_mem>>) src(%arg16 : memref<128x8xf32, #tpu.memory_space<vmem>>) dst(%dma_wait3A_109 : memref<128x8xf32, #tpu.memory_space<hbm>>)
        tpu.yield
      }) : () -> ()
      %add3A_83 = arith.constant 384 : i32
      %add3A_84 = arith.addi %mul3A_52, %add3A_83 : i32
      %run_scoped3A_85 = arith.constant 0 : i32
      "tpu.region"() ({
        %run_scoped3A_103 = tpu.sem_alloc : memref<!tpu.dma_semaphore, #tpu.memory_space<semaphore_mem>>
        %dma_start3A = arith.constant 0 : i32
        %dma_start3A_104 = arith.constant 0 : i32
        %dma_start3A_105 = tpu.memref_slice %arg14[%run_scoped3A_85, %dma_start3A, %dma_start3A_104] : memref<5x128x128xbf16, #tpu.memory_space<vmem>> -> memref<1x128x128xbf16, #tpu.memory_space<vmem>>
        %dma_start3A_106 = tpu.memref_squeeze %dma_start3A_105 : memref<1x128x128xbf16, #tpu.memory_space<vmem>> -> memref<128x128xbf16, #tpu.memory_space<vmem>>
        %dma_start3A_107 = arith.constant 0 : i32
        %dma_start3A_108 = tpu.memref_slice %arg17[%add3A_84, %dma_start3A_107] : memref<10112x128xbf16, #tpu.memory_space<vmem_shared>> -> memref<128x128xbf16, #tpu.memory_space<vmem_shared>>
        %dma_start3A_109 = arith.constant 0 : i32
        %dma_start3A_110 = arith.constant 0 : i32
        %dma_start3A_111 = tpu.memref_slice %arg14[%run_scoped3A_85, %dma_start3A_109, %dma_start3A_110] : memref<5x128x128xbf16, #tpu.memory_space<vmem>> -> memref<1x128x128xbf16, #tpu.memory_space<vmem>>
        %dma_start3A_112 = tpu.memref_squeeze %dma_start3A_111 : memref<1x128x128xbf16, #tpu.memory_space<vmem>> -> memref<128x128xbf16, #tpu.memory_space<vmem>>
        %dma_start3A_113 = arith.constant 0 : i32
        %dma_start3A_114 = tpu.memref_slice %arg17[%add3A_84, %dma_start3A_113] : memref<10112x128xbf16, #tpu.memory_space<vmem_shared>> -> memref<128x128xbf16, #tpu.memory_space<vmem_shared>>
        tpu.enqueue_dma source(%dma_start3A_114 : memref<128x128xbf16, #tpu.memory_space<vmem_shared>>) target(%dma_start3A_112 : memref<128x128xbf16, #tpu.memory_space<vmem>>) target_semaphore(%run_scoped3A_103 : memref<!tpu.dma_semaphore, #tpu.memory_space<semaphore_mem>>)
        %dma_wait3A = arith.constant 0 : i32
        %dma_wait3A_115 = arith.constant 0 : i32
        %dma_wait3A_116 = tpu.memref_slice %arg14[%run_scoped3A_85, %dma_wait3A, %dma_wait3A_115] : memref<5x128x128xbf16, #tpu.memory_space<vmem>> -> memref<1x128x128xbf16, #tpu.memory_space<vmem>>
        %dma_wait3A_117 = tpu.memref_squeeze %dma_wait3A_116 : memref<1x128x128xbf16, #tpu.memory_space<vmem>> -> memref<128x128xbf16, #tpu.memory_space<vmem>>
        %dma_wait3A_118 = arith.constant 0 : i32
        %dma_wait3A_119 = tpu.memref_slice %arg17[%add3A_84, %dma_wait3A_118] : memref<10112x128xbf16, #tpu.memory_space<vmem_shared>> -> memref<128x128xbf16, #tpu.memory_space<vmem_shared>>
        %dma_wait3A_120 = arith.constant 0 : i32
        %dma_wait3A_121 = arith.constant 0 : i32
        %dma_wait3A_122 = tpu.memref_slice %arg14[%run_scoped3A_85, %dma_wait3A_120, %dma_wait3A_121] : memref<5x128x128xbf16, #tpu.memory_space<vmem>> -> memref<1x128x128xbf16, #tpu.memory_space<vmem>>
        %dma_wait3A_123 = tpu.memref_squeeze %dma_wait3A_122 : memref<1x128x128xbf16, #tpu.memory_space<vmem>> -> memref<128x128xbf16, #tpu.memory_space<vmem>>
        %dma_wait3A_124 = arith.constant 0 : i32
        %dma_wait3A_125 = tpu.memref_slice %arg17[%add3A_84, %dma_wait3A_124] : memref<10112x128xbf16, #tpu.memory_space<vmem_shared>> -> memref<128x128xbf16, #tpu.memory_space<vmem_shared>>
        tpu.wait_dma2 semaphore(%run_scoped3A_103 : memref<!tpu.dma_semaphore, #tpu.memory_space<semaphore_mem>>) src(%dma_wait3A_125 : memref<128x128xbf16, #tpu.memory_space<vmem_shared>>) dst(%dma_wait3A_123 : memref<128x128xbf16, #tpu.memory_space<vmem>>)
        tpu.yield
      }) : () -> ()
      %add3A_86 = arith.constant 384 : i32
      %add3A_87 = arith.addi %mul3A_52, %add3A_86 : i32
      %run_scoped3A_88 = arith.constant 0 : i32
      "tpu.region"() ({
        %run_scoped3A_103 = tpu.sem_alloc : memref<!tpu.dma_semaphore, #tpu.memory_space<semaphore_mem>>
        %dma_start3A = arith.constant 0 : i32
        %dma_start3A_104 = arith.constant 0 : i32
        %dma_start3A_105 = tpu.memref_slice %arg14[%run_scoped3A_88, %dma_start3A, %dma_start3A_104] : memref<5x128x128xbf16, #tpu.memory_space<vmem>> -> memref<1x128x128xbf16, #tpu.memory_space<vmem>>
        %dma_start3A_106 = tpu.memref_squeeze %dma_start3A_105 : memref<1x128x128xbf16, #tpu.memory_space<vmem>> -> memref<128x128xbf16, #tpu.memory_space<vmem>>
        %dma_start3A_107 = arith.constant 0 : i32
        %dma_start3A_108 = tpu.memref_slice %arg8[%add3A_87, %dma_start3A_107] : memref<10000x128xbf16, #tpu.memory_space<hbm>> -> memref<128x128xbf16, #tpu.memory_space<hbm>>
        %dma_start3A_109 = arith.constant 0 : i32
        %dma_start3A_110 = tpu.memref_slice %arg8[%add3A_87, %dma_start3A_109] : memref<10000x128xbf16, #tpu.memory_space<hbm>> -> memref<128x128xbf16, #tpu.memory_space<hbm>>
        %dma_start3A_111 = arith.constant 0 : i32
        %dma_start3A_112 = arith.constant 0 : i32
        %dma_start3A_113 = tpu.memref_slice %arg14[%run_scoped3A_88, %dma_start3A_111, %dma_start3A_112] : memref<5x128x128xbf16, #tpu.memory_space<vmem>> -> memref<1x128x128xbf16, #tpu.memory_space<vmem>>
        %dma_start3A_114 = tpu.memref_squeeze %dma_start3A_113 : memref<1x128x128xbf16, #tpu.memory_space<vmem>> -> memref<128x128xbf16, #tpu.memory_space<vmem>>
        tpu.enqueue_dma source(%dma_start3A_114 : memref<128x128xbf16, #tpu.memory_space<vmem>>) target(%dma_start3A_110 : memref<128x128xbf16, #tpu.memory_space<hbm>>) target_semaphore(%run_scoped3A_103 : memref<!tpu.dma_semaphore, #tpu.memory_space<semaphore_mem>>)
        %dma_wait3A = arith.constant 0 : i32
        %dma_wait3A_115 = arith.constant 0 : i32
        %dma_wait3A_116 = tpu.memref_slice %arg14[%run_scoped3A_88, %dma_wait3A, %dma_wait3A_115] : memref<5x128x128xbf16, #tpu.memory_space<vmem>> -> memref<1x128x128xbf16, #tpu.memory_space<vmem>>
        %dma_wait3A_117 = tpu.memref_squeeze %dma_wait3A_116 : memref<1x128x128xbf16, #tpu.memory_space<vmem>> -> memref<128x128xbf16, #tpu.memory_space<vmem>>
        %dma_wait3A_118 = arith.constant 0 : i32
        %dma_wait3A_119 = tpu.memref_slice %arg8[%add3A_87, %dma_wait3A_118] : memref<10000x128xbf16, #tpu.memory_space<hbm>> -> memref<128x128xbf16, #tpu.memory_space<hbm>>
        %dma_wait3A_120 = arith.constant 0 : i32
        %dma_wait3A_121 = tpu.memref_slice %arg8[%add3A_87, %dma_wait3A_120] : memref<10000x128xbf16, #tpu.memory_space<hbm>> -> memref<128x128xbf16, #tpu.memory_space<hbm>>
        %dma_wait3A_122 = arith.constant 0 : i32
        %dma_wait3A_123 = arith.constant 0 : i32
        %dma_wait3A_124 = tpu.memref_slice %arg14[%run_scoped3A_88, %dma_wait3A_122, %dma_wait3A_123] : memref<5x128x128xbf16, #tpu.memory_space<vmem>> -> memref<1x128x128xbf16, #tpu.memory_space<vmem>>
        %dma_wait3A_125 = tpu.memref_squeeze %dma_wait3A_124 : memref<1x128x128xbf16, #tpu.memory_space<vmem>> -> memref<128x128xbf16, #tpu.memory_space<vmem>>
        tpu.wait_dma2 semaphore(%run_scoped3A_103 : memref<!tpu.dma_semaphore, #tpu.memory_space<semaphore_mem>>) src(%dma_wait3A_125 : memref<128x128xbf16, #tpu.memory_space<vmem>>) dst(%dma_wait3A_121 : memref<128x128xbf16, #tpu.memory_space<hbm>>)
        tpu.yield
      }) : () -> ()
      %add3A_89 = arith.constant 384 : i32
      %add3A_90 = arith.addi %mul3A_52, %add3A_89 : i32
      "tpu.region"() ({
        %run_scoped3A_103 = tpu.sem_alloc : memref<!tpu.dma_semaphore, #tpu.memory_space<semaphore_mem>>
        %dma_start3A = arith.constant 0 : i32
        %dma_start3A_104 = tpu.memref_slice %arg18[%add3A_90, %dma_start3A] : memref<10112x8xf32, #tpu.memory_space<vmem_shared>> -> memref<128x8xf32, #tpu.memory_space<vmem_shared>>
        %dma_start3A_105 = arith.constant 0 : i32
        %dma_start3A_106 = tpu.memref_slice %arg18[%add3A_90, %dma_start3A_105] : memref<10112x8xf32, #tpu.memory_space<vmem_shared>> -> memref<128x8xf32, #tpu.memory_space<vmem_shared>>
        tpu.enqueue_dma source(%dma_start3A_106 : memref<128x8xf32, #tpu.memory_space<vmem_shared>>) target(%arg16 : memref<128x8xf32, #tpu.memory_space<vmem>>) target_semaphore(%run_scoped3A_103 : memref<!tpu.dma_semaphore, #tpu.memory_space<semaphore_mem>>)
        %dma_wait3A = arith.constant 0 : i32
        %dma_wait3A_107 = tpu.memref_slice %arg18[%add3A_90, %dma_wait3A] : memref<10112x8xf32, #tpu.memory_space<vmem_shared>> -> memref<128x8xf32, #tpu.memory_space<vmem_shared>>
        %dma_wait3A_108 = arith.constant 0 : i32
        %dma_wait3A_109 = tpu.memref_slice %arg18[%add3A_90, %dma_wait3A_108] : memref<10112x8xf32, #tpu.memory_space<vmem_shared>> -> memref<128x8xf32, #tpu.memory_space<vmem_shared>>
        tpu.wait_dma2 semaphore(%run_scoped3A_103 : memref<!tpu.dma_semaphore, #tpu.memory_space<semaphore_mem>>) src(%dma_wait3A_109 : memref<128x8xf32, #tpu.memory_space<vmem_shared>>) dst(%arg16 : memref<128x8xf32, #tpu.memory_space<vmem>>)
        tpu.yield
      }) : () -> ()
      %add3A_91 = arith.constant 384 : i32
      %add3A_92 = arith.addi %mul3A_52, %add3A_91 : i32
      "tpu.region"() ({
        %run_scoped3A_103 = tpu.sem_alloc : memref<!tpu.dma_semaphore, #tpu.memory_space<semaphore_mem>>
        %dma_start3A = arith.constant 0 : i32
        %dma_start3A_104 = tpu.memref_slice %arg9[%add3A_92, %dma_start3A] : memref<10000x8xf32, #tpu.memory_space<hbm>> -> memref<128x8xf32, #tpu.memory_space<hbm>>
        %dma_start3A_105 = arith.constant 0 : i32
        %dma_start3A_106 = tpu.memref_slice %arg9[%add3A_92, %dma_start3A_105] : memref<10000x8xf32, #tpu.memory_space<hbm>> -> memref<128x8xf32, #tpu.memory_space<hbm>>
        tpu.enqueue_dma source(%arg16 : memref<128x8xf32, #tpu.memory_space<vmem>>) target(%dma_start3A_106 : memref<128x8xf32, #tpu.memory_space<hbm>>) target_semaphore(%run_scoped3A_103 : memref<!tpu.dma_semaphore, #tpu.memory_space<semaphore_mem>>)
        %dma_wait3A = arith.constant 0 : i32
        %dma_wait3A_107 = tpu.memref_slice %arg9[%add3A_92, %dma_wait3A] : memref<10000x8xf32, #tpu.memory_space<hbm>> -> memref<128x8xf32, #tpu.memory_space<hbm>>
        %dma_wait3A_108 = arith.constant 0 : i32
        %dma_wait3A_109 = tpu.memref_slice %arg9[%add3A_92, %dma_wait3A_108] : memref<10000x8xf32, #tpu.memory_space<hbm>> -> memref<128x8xf32, #tpu.memory_space<hbm>>
        tpu.wait_dma2 semaphore(%run_scoped3A_103 : memref<!tpu.dma_semaphore, #tpu.memory_space<semaphore_mem>>) src(%arg16 : memref<128x8xf32, #tpu.memory_space<vmem>>) dst(%dma_wait3A_109 : memref<128x8xf32, #tpu.memory_space<hbm>>)
        tpu.yield
      }) : () -> ()
      %add3A_93 = arith.constant 512 : i32
      %add3A_94 = arith.addi %mul3A_52, %add3A_93 : i32
      %run_scoped3A_95 = arith.constant 0 : i32
      "tpu.region"() ({
        %run_scoped3A_103 = tpu.sem_alloc : memref<!tpu.dma_semaphore, #tpu.memory_space<semaphore_mem>>
        %dma_start3A = arith.constant 0 : i32
        %dma_start3A_104 = arith.constant 0 : i32
        %dma_start3A_105 = tpu.memref_slice %arg14[%run_scoped3A_95, %dma_start3A, %dma_start3A_104] : memref<5x128x128xbf16, #tpu.memory_space<vmem>> -> memref<1x128x128xbf16, #tpu.memory_space<vmem>>
        %dma_start3A_106 = tpu.memref_squeeze %dma_start3A_105 : memref<1x128x128xbf16, #tpu.memory_space<vmem>> -> memref<128x128xbf16, #tpu.memory_space<vmem>>
        %dma_start3A_107 = arith.constant 0 : i32
        %dma_start3A_108 = tpu.memref_slice %arg17[%add3A_94, %dma_start3A_107] : memref<10112x128xbf16, #tpu.memory_space<vmem_shared>> -> memref<128x128xbf16, #tpu.memory_space<vmem_shared>>
        %dma_start3A_109 = arith.constant 0 : i32
        %dma_start3A_110 = arith.constant 0 : i32
        %dma_start3A_111 = tpu.memref_slice %arg14[%run_scoped3A_95, %dma_start3A_109, %dma_start3A_110] : memref<5x128x128xbf16, #tpu.memory_space<vmem>> -> memref<1x128x128xbf16, #tpu.memory_space<vmem>>
        %dma_start3A_112 = tpu.memref_squeeze %dma_start3A_111 : memref<1x128x128xbf16, #tpu.memory_space<vmem>> -> memref<128x128xbf16, #tpu.memory_space<vmem>>
        %dma_start3A_113 = arith.constant 0 : i32
        %dma_start3A_114 = tpu.memref_slice %arg17[%add3A_94, %dma_start3A_113] : memref<10112x128xbf16, #tpu.memory_space<vmem_shared>> -> memref<128x128xbf16, #tpu.memory_space<vmem_shared>>
        tpu.enqueue_dma source(%dma_start3A_114 : memref<128x128xbf16, #tpu.memory_space<vmem_shared>>) target(%dma_start3A_112 : memref<128x128xbf16, #tpu.memory_space<vmem>>) target_semaphore(%run_scoped3A_103 : memref<!tpu.dma_semaphore, #tpu.memory_space<semaphore_mem>>)
        %dma_wait3A = arith.constant 0 : i32
        %dma_wait3A_115 = arith.constant 0 : i32
        %dma_wait3A_116 = tpu.memref_slice %arg14[%run_scoped3A_95, %dma_wait3A, %dma_wait3A_115] : memref<5x128x128xbf16, #tpu.memory_space<vmem>> -> memref<1x128x128xbf16, #tpu.memory_space<vmem>>
        %dma_wait3A_117 = tpu.memref_squeeze %dma_wait3A_116 : memref<1x128x128xbf16, #tpu.memory_space<vmem>> -> memref<128x128xbf16, #tpu.memory_space<vmem>>
        %dma_wait3A_118 = arith.constant 0 : i32
        %dma_wait3A_119 = tpu.memref_slice %arg17[%add3A_94, %dma_wait3A_118] : memref<10112x128xbf16, #tpu.memory_space<vmem_shared>> -> memref<128x128xbf16, #tpu.memory_space<vmem_shared>>
        %dma_wait3A_120 = arith.constant 0 : i32
        %dma_wait3A_121 = arith.constant 0 : i32
        %dma_wait3A_122 = tpu.memref_slice %arg14[%run_scoped3A_95, %dma_wait3A_120, %dma_wait3A_121] : memref<5x128x128xbf16, #tpu.memory_space<vmem>> -> memref<1x128x128xbf16, #tpu.memory_space<vmem>>
        %dma_wait3A_123 = tpu.memref_squeeze %dma_wait3A_122 : memref<1x128x128xbf16, #tpu.memory_space<vmem>> -> memref<128x128xbf16, #tpu.memory_space<vmem>>
        %dma_wait3A_124 = arith.constant 0 : i32
        %dma_wait3A_125 = tpu.memref_slice %arg17[%add3A_94, %dma_wait3A_124] : memref<10112x128xbf16, #tpu.memory_space<vmem_shared>> -> memref<128x128xbf16, #tpu.memory_space<vmem_shared>>
        tpu.wait_dma2 semaphore(%run_scoped3A_103 : memref<!tpu.dma_semaphore, #tpu.memory_space<semaphore_mem>>) src(%dma_wait3A_125 : memref<128x128xbf16, #tpu.memory_space<vmem_shared>>) dst(%dma_wait3A_123 : memref<128x128xbf16, #tpu.memory_space<vmem>>)
        tpu.yield
      }) : () -> ()
      %add3A_96 = arith.constant 512 : i32
      %add3A_97 = arith.addi %mul3A_52, %add3A_96 : i32
      %run_scoped3A_98 = arith.constant 0 : i32
      "tpu.region"() ({
        %run_scoped3A_103 = tpu.sem_alloc : memref<!tpu.dma_semaphore, #tpu.memory_space<semaphore_mem>>
        %dma_start3A = arith.constant 0 : i32
        %dma_start3A_104 = arith.constant 0 : i32
        %dma_start3A_105 = tpu.memref_slice %arg14[%run_scoped3A_98, %dma_start3A, %dma_start3A_104] : memref<5x128x128xbf16, #tpu.memory_space<vmem>> -> memref<1x128x128xbf16, #tpu.memory_space<vmem>>
        %dma_start3A_106 = tpu.memref_squeeze %dma_start3A_105 : memref<1x128x128xbf16, #tpu.memory_space<vmem>> -> memref<128x128xbf16, #tpu.memory_space<vmem>>
        %dma_start3A_107 = arith.constant 0 : i32
        %dma_start3A_108 = tpu.memref_slice %arg8[%add3A_97, %dma_start3A_107] : memref<10000x128xbf16, #tpu.memory_space<hbm>> -> memref<128x128xbf16, #tpu.memory_space<hbm>>
        %dma_start3A_109 = arith.constant 0 : i32
        %dma_start3A_110 = tpu.memref_slice %arg8[%add3A_97, %dma_start3A_109] : memref<10000x128xbf16, #tpu.memory_space<hbm>> -> memref<128x128xbf16, #tpu.memory_space<hbm>>
        %dma_start3A_111 = arith.constant 0 : i32
        %dma_start3A_112 = arith.constant 0 : i32
        %dma_start3A_113 = tpu.memref_slice %arg14[%run_scoped3A_98, %dma_start3A_111, %dma_start3A_112] : memref<5x128x128xbf16, #tpu.memory_space<vmem>> -> memref<1x128x128xbf16, #tpu.memory_space<vmem>>
        %dma_start3A_114 = tpu.memref_squeeze %dma_start3A_113 : memref<1x128x128xbf16, #tpu.memory_space<vmem>> -> memref<128x128xbf16, #tpu.memory_space<vmem>>
        tpu.enqueue_dma source(%dma_start3A_114 : memref<128x128xbf16, #tpu.memory_space<vmem>>) target(%dma_start3A_110 : memref<128x128xbf16, #tpu.memory_space<hbm>>) target_semaphore(%run_scoped3A_103 : memref<!tpu.dma_semaphore, #tpu.memory_space<semaphore_mem>>)
        %dma_wait3A = arith.constant 0 : i32
        %dma_wait3A_115 = arith.constant 0 : i32
        %dma_wait3A_116 = tpu.memref_slice %arg14[%run_scoped3A_98, %dma_wait3A, %dma_wait3A_115] : memref<5x128x128xbf16, #tpu.memory_space<vmem>> -> memref<1x128x128xbf16, #tpu.memory_space<vmem>>
        %dma_wait3A_117 = tpu.memref_squeeze %dma_wait3A_116 : memref<1x128x128xbf16, #tpu.memory_space<vmem>> -> memref<128x128xbf16, #tpu.memory_space<vmem>>
        %dma_wait3A_118 = arith.constant 0 : i32
        %dma_wait3A_119 = tpu.memref_slice %arg8[%add3A_97, %dma_wait3A_118] : memref<10000x128xbf16, #tpu.memory_space<hbm>> -> memref<128x128xbf16, #tpu.memory_space<hbm>>
        %dma_wait3A_120 = arith.constant 0 : i32
        %dma_wait3A_121 = tpu.memref_slice %arg8[%add3A_97, %dma_wait3A_120] : memref<10000x128xbf16, #tpu.memory_space<hbm>> -> memref<128x128xbf16, #tpu.memory_space<hbm>>
        %dma_wait3A_122 = arith.constant 0 : i32
        %dma_wait3A_123 = arith.constant 0 : i32
        %dma_wait3A_124 = tpu.memref_slice %arg14[%run_scoped3A_98, %dma_wait3A_122, %dma_wait3A_123] : memref<5x128x128xbf16, #tpu.memory_space<vmem>> -> memref<1x128x128xbf16, #tpu.memory_space<vmem>>
        %dma_wait3A_125 = tpu.memref_squeeze %dma_wait3A_124 : memref<1x128x128xbf16, #tpu.memory_space<vmem>> -> memref<128x128xbf16, #tpu.memory_space<vmem>>
        tpu.wait_dma2 semaphore(%run_scoped3A_103 : memref<!tpu.dma_semaphore, #tpu.memory_space<semaphore_mem>>) src(%dma_wait3A_125 : memref<128x128xbf16, #tpu.memory_space<vmem>>) dst(%dma_wait3A_121 : memref<128x128xbf16, #tpu.memory_space<hbm>>)
        tpu.yield
      }) : () -> ()
      %add3A_99 = arith.constant 512 : i32
      %add3A_100 = arith.addi %mul3A_52, %add3A_99 : i32
      "tpu.region"() ({
        %run_scoped3A_103 = tpu.sem_alloc : memref<!tpu.dma_semaphore, #tpu.memory_space<semaphore_mem>>
        %dma_start3A = arith.constant 0 : i32
        %dma_start3A_104 = tpu.memref_slice %arg18[%add3A_100, %dma_start3A] : memref<10112x8xf32, #tpu.memory_space<vmem_shared>> -> memref<128x8xf32, #tpu.memory_space<vmem_shared>>
        %dma_start3A_105 = arith.constant 0 : i32
        %dma_start3A_106 = tpu.memref_slice %arg18[%add3A_100, %dma_start3A_105] : memref<10112x8xf32, #tpu.memory_space<vmem_shared>> -> memref<128x8xf32, #tpu.memory_space<vmem_shared>>
        tpu.enqueue_dma source(%dma_start3A_106 : memref<128x8xf32, #tpu.memory_space<vmem_shared>>) target(%arg16 : memref<128x8xf32, #tpu.memory_space<vmem>>) target_semaphore(%run_scoped3A_103 : memref<!tpu.dma_semaphore, #tpu.memory_space<semaphore_mem>>)
        %dma_wait3A = arith.constant 0 : i32
        %dma_wait3A_107 = tpu.memref_slice %arg18[%add3A_100, %dma_wait3A] : memref<10112x8xf32, #tpu.memory_space<vmem_shared>> -> memref<128x8xf32, #tpu.memory_space<vmem_shared>>
        %dma_wait3A_108 = arith.constant 0 : i32
        %dma_wait3A_109 = tpu.memref_slice %arg18[%add3A_100, %dma_wait3A_108] : memref<10112x8xf32, #tpu.memory_space<vmem_shared>> -> memref<128x8xf32, #tpu.memory_space<vmem_shared>>
        tpu.wait_dma2 semaphore(%run_scoped3A_103 : memref<!tpu.dma_semaphore, #tpu.memory_space<semaphore_mem>>) src(%dma_wait3A_109 : memref<128x8xf32, #tpu.memory_space<vmem_shared>>) dst(%arg16 : memref<128x8xf32, #tpu.memory_space<vmem>>)
        tpu.yield
      }) : () -> ()
      %add3A_101 = arith.constant 512 : i32
      %add3A_102 = arith.addi %mul3A_52, %add3A_101 : i32
      "tpu.region"() ({
        %run_scoped3A_103 = tpu.sem_alloc : memref<!tpu.dma_semaphore, #tpu.memory_space<semaphore_mem>>
        %dma_start3A = arith.constant 0 : i32
        %dma_start3A_104 = tpu.memref_slice %arg9[%add3A_102, %dma_start3A] : memref<10000x8xf32, #tpu.memory_space<hbm>> -> memref<128x8xf32, #tpu.memory_space<hbm>>
        %dma_start3A_105 = arith.constant 0 : i32
        %dma_start3A_106 = tpu.memref_slice %arg9[%add3A_102, %dma_start3A_105] : memref<10000x8xf32, #tpu.memory_space<hbm>> -> memref<128x8xf32, #tpu.memory_space<hbm>>
        tpu.enqueue_dma source(%arg16 : memref<128x8xf32, #tpu.memory_space<vmem>>) target(%dma_start3A_106 : memref<128x8xf32, #tpu.memory_space<hbm>>) target_semaphore(%run_scoped3A_103 : memref<!tpu.dma_semaphore, #tpu.memory_space<semaphore_mem>>)
        %dma_wait3A = arith.constant 0 : i32
        %dma_wait3A_107 = tpu.memref_slice %arg9[%add3A_102, %dma_wait3A] : memref<10000x8xf32, #tpu.memory_space<hbm>> -> memref<128x8xf32, #tpu.memory_space<hbm>>
        %dma_wait3A_108 = arith.constant 0 : i32
        %dma_wait3A_109 = tpu.memref_slice %arg9[%add3A_102, %dma_wait3A_108] : memref<10000x8xf32, #tpu.memory_space<hbm>> -> memref<128x8xf32, #tpu.memory_space<hbm>>
        tpu.wait_dma2 semaphore(%run_scoped3A_103 : memref<!tpu.dma_semaphore, #tpu.memory_space<semaphore_mem>>) src(%arg16 : memref<128x8xf32, #tpu.memory_space<vmem>>) dst(%dma_wait3A_109 : memref<128x8xf32, #tpu.memory_space<hbm>>)
        tpu.yield
      }) : () -> ()
    } else {
    }
    %eq3A_46 = arith.constant 1 : i32
    %eq3A_47 = arith.cmpi eq, %arg0, %eq3A_46 : i32
    %convert_element_type3A_48 = arith.extui %eq3A_47 : i1 to i32
    %cond3A_49 = arith.constant 0 : i32
    %cond3A_50 = arith.cmpi ne, %convert_element_type3A_48, %cond3A_49 : i32
    scf.if %cond3A_50 {
      %mul3A_51 = arith.constant 624 : i32
      %mul3A_52 = arith.muli %arg1, %mul3A_51 : i32
      %add3A_53 = arith.constant 0 : i32
      %add3A_54 = arith.addi %mul3A_52, %add3A_53 : i32
      %run_scoped3A_55 = arith.constant 0 : i32
      "tpu.region"() ({
        %run_scoped3A_103 = tpu.sem_alloc : memref<!tpu.dma_semaphore, #tpu.memory_space<semaphore_mem>>
        %dma_start3A = arith.constant 0 : i32
        %dma_start3A_104 = arith.constant 0 : i32
        %dma_start3A_105 = tpu.memref_slice %arg14[%run_scoped3A_55, %dma_start3A, %dma_start3A_104] : memref<5x128x128xbf16, #tpu.memory_space<vmem>> -> memref<1x128x128xbf16, #tpu.memory_space<vmem>>
        %dma_start3A_106 = tpu.memref_squeeze %dma_start3A_105 : memref<1x128x128xbf16, #tpu.memory_space<vmem>> -> memref<128x128xbf16, #tpu.memory_space<vmem>>
        %dma_start3A_107 = arith.constant 0 : i32
        %dma_start3A_108 = tpu.memref_slice %arg17[%add3A_54, %dma_start3A_107] : memref<10112x128xbf16, #tpu.memory_space<vmem_shared>> -> memref<128x128xbf16, #tpu.memory_space<vmem_shared>>
        %dma_start3A_109 = arith.constant 0 : i32
        %dma_start3A_110 = arith.constant 0 : i32
        %dma_start3A_111 = tpu.memref_slice %arg14[%run_scoped3A_55, %dma_start3A_109, %dma_start3A_110] : memref<5x128x128xbf16, #tpu.memory_space<vmem>> -> memref<1x128x128xbf16, #tpu.memory_space<vmem>>
        %dma_start3A_112 = tpu.memref_squeeze %dma_start3A_111 : memref<1x128x128xbf16, #tpu.memory_space<vmem>> -> memref<128x128xbf16, #tpu.memory_space<vmem>>
        %dma_start3A_113 = arith.constant 0 : i32
        %dma_start3A_114 = tpu.memref_slice %arg17[%add3A_54, %dma_start3A_113] : memref<10112x128xbf16, #tpu.memory_space<vmem_shared>> -> memref<128x128xbf16, #tpu.memory_space<vmem_shared>>
        tpu.enqueue_dma source(%dma_start3A_114 : memref<128x128xbf16, #tpu.memory_space<vmem_shared>>) target(%dma_start3A_112 : memref<128x128xbf16, #tpu.memory_space<vmem>>) target_semaphore(%run_scoped3A_103 : memref<!tpu.dma_semaphore, #tpu.memory_space<semaphore_mem>>)
        %dma_wait3A = arith.constant 0 : i32
        %dma_wait3A_115 = arith.constant 0 : i32
        %dma_wait3A_116 = tpu.memref_slice %arg14[%run_scoped3A_55, %dma_wait3A, %dma_wait3A_115] : memref<5x128x128xbf16, #tpu.memory_space<vmem>> -> memref<1x128x128xbf16, #tpu.memory_space<vmem>>
        %dma_wait3A_117 = tpu.memref_squeeze %dma_wait3A_116 : memref<1x128x128xbf16, #tpu.memory_space<vmem>> -> memref<128x128xbf16, #tpu.memory_space<vmem>>
        %dma_wait3A_118 = arith.constant 0 : i32
        %dma_wait3A_119 = tpu.memref_slice %arg17[%add3A_54, %dma_wait3A_118] : memref<10112x128xbf16, #tpu.memory_space<vmem_shared>> -> memref<128x128xbf16, #tpu.memory_space<vmem_shared>>
        %dma_wait3A_120 = arith.constant 0 : i32
        %dma_wait3A_121 = arith.constant 0 : i32
        %dma_wait3A_122 = tpu.memref_slice %arg14[%run_scoped3A_55, %dma_wait3A_120, %dma_wait3A_121] : memref<5x128x128xbf16, #tpu.memory_space<vmem>> -> memref<1x128x128xbf16, #tpu.memory_space<vmem>>
        %dma_wait3A_123 = tpu.memref_squeeze %dma_wait3A_122 : memref<1x128x128xbf16, #tpu.memory_space<vmem>> -> memref<128x128xbf16, #tpu.memory_space<vmem>>
        %dma_wait3A_124 = arith.constant 0 : i32
        %dma_wait3A_125 = tpu.memref_slice %arg17[%add3A_54, %dma_wait3A_124] : memref<10112x128xbf16, #tpu.memory_space<vmem_shared>> -> memref<128x128xbf16, #tpu.memory_space<vmem_shared>>
        tpu.wait_dma2 semaphore(%run_scoped3A_103 : memref<!tpu.dma_semaphore, #tpu.memory_space<semaphore_mem>>) src(%dma_wait3A_125 : memref<128x128xbf16, #tpu.memory_space<vmem_shared>>) dst(%dma_wait3A_123 : memref<128x128xbf16, #tpu.memory_space<vmem>>)
        tpu.yield
      }) : () -> ()
      %add3A_56 = arith.constant 0 : i32
      %add3A_57 = arith.addi %mul3A_52, %add3A_56 : i32
      %run_scoped3A_58 = arith.constant 0 : i32
      "tpu.region"() ({
        %run_scoped3A_103 = tpu.sem_alloc : memref<!tpu.dma_semaphore, #tpu.memory_space<semaphore_mem>>
        %dma_start3A = arith.constant 0 : i32
        %dma_start3A_104 = arith.constant 0 : i32
        %dma_start3A_105 = tpu.memref_slice %arg14[%run_scoped3A_58, %dma_start3A, %dma_start3A_104] : memref<5x128x128xbf16, #tpu.memory_space<vmem>> -> memref<1x128x128xbf16, #tpu.memory_space<vmem>>
        %dma_start3A_106 = tpu.memref_squeeze %dma_start3A_105 : memref<1x128x128xbf16, #tpu.memory_space<vmem>> -> memref<128x128xbf16, #tpu.memory_space<vmem>>
        %dma_start3A_107 = arith.constant 0 : i32
        %dma_start3A_108 = tpu.memref_slice %arg10[%add3A_57, %dma_start3A_107] : memref<10000x128xbf16, #tpu.memory_space<hbm>> -> memref<128x128xbf16, #tpu.memory_space<hbm>>
        %dma_start3A_109 = arith.constant 0 : i32
        %dma_start3A_110 = tpu.memref_slice %arg10[%add3A_57, %dma_start3A_109] : memref<10000x128xbf16, #tpu.memory_space<hbm>> -> memref<128x128xbf16, #tpu.memory_space<hbm>>
        %dma_start3A_111 = arith.constant 0 : i32
        %dma_start3A_112 = arith.constant 0 : i32
        %dma_start3A_113 = tpu.memref_slice %arg14[%run_scoped3A_58, %dma_start3A_111, %dma_start3A_112] : memref<5x128x128xbf16, #tpu.memory_space<vmem>> -> memref<1x128x128xbf16, #tpu.memory_space<vmem>>
        %dma_start3A_114 = tpu.memref_squeeze %dma_start3A_113 : memref<1x128x128xbf16, #tpu.memory_space<vmem>> -> memref<128x128xbf16, #tpu.memory_space<vmem>>
        tpu.enqueue_dma source(%dma_start3A_114 : memref<128x128xbf16, #tpu.memory_space<vmem>>) target(%dma_start3A_110 : memref<128x128xbf16, #tpu.memory_space<hbm>>) target_semaphore(%run_scoped3A_103 : memref<!tpu.dma_semaphore, #tpu.memory_space<semaphore_mem>>)
        %dma_wait3A = arith.constant 0 : i32
        %dma_wait3A_115 = arith.constant 0 : i32
        %dma_wait3A_116 = tpu.memref_slice %arg14[%run_scoped3A_58, %dma_wait3A, %dma_wait3A_115] : memref<5x128x128xbf16, #tpu.memory_space<vmem>> -> memref<1x128x128xbf16, #tpu.memory_space<vmem>>
        %dma_wait3A_117 = tpu.memref_squeeze %dma_wait3A_116 : memref<1x128x128xbf16, #tpu.memory_space<vmem>> -> memref<128x128xbf16, #tpu.memory_space<vmem>>
        %dma_wait3A_118 = arith.constant 0 : i32
        %dma_wait3A_119 = tpu.memref_slice %arg10[%add3A_57, %dma_wait3A_118] : memref<10000x128xbf16, #tpu.memory_space<hbm>> -> memref<128x128xbf16, #tpu.memory_space<hbm>>
        %dma_wait3A_120 = arith.constant 0 : i32
        %dma_wait3A_121 = tpu.memref_slice %arg10[%add3A_57, %dma_wait3A_120] : memref<10000x128xbf16, #tpu.memory_space<hbm>> -> memref<128x128xbf16, #tpu.memory_space<hbm>>
        %dma_wait3A_122 = arith.constant 0 : i32
        %dma_wait3A_123 = arith.constant 0 : i32
        %dma_wait3A_124 = tpu.memref_slice %arg14[%run_scoped3A_58, %dma_wait3A_122, %dma_wait3A_123] : memref<5x128x128xbf16, #tpu.memory_space<vmem>> -> memref<1x128x128xbf16, #tpu.memory_space<vmem>>
        %dma_wait3A_125 = tpu.memref_squeeze %dma_wait3A_124 : memref<1x128x128xbf16, #tpu.memory_space<vmem>> -> memref<128x128xbf16, #tpu.memory_space<vmem>>
        tpu.wait_dma2 semaphore(%run_scoped3A_103 : memref<!tpu.dma_semaphore, #tpu.memory_space<semaphore_mem>>) src(%dma_wait3A_125 : memref<128x128xbf16, #tpu.memory_space<vmem>>) dst(%dma_wait3A_121 : memref<128x128xbf16, #tpu.memory_space<hbm>>)
        tpu.yield
      }) : () -> ()
      %add3A_59 = arith.constant 0 : i32
      %add3A_60 = arith.addi %mul3A_52, %add3A_59 : i32
      "tpu.region"() ({
        %run_scoped3A_103 = tpu.sem_alloc : memref<!tpu.dma_semaphore, #tpu.memory_space<semaphore_mem>>
        %dma_start3A = arith.constant 0 : i32
        %dma_start3A_104 = tpu.memref_slice %arg18[%add3A_60, %dma_start3A] : memref<10112x8xf32, #tpu.memory_space<vmem_shared>> -> memref<128x8xf32, #tpu.memory_space<vmem_shared>>
        %dma_start3A_105 = arith.constant 0 : i32
        %dma_start3A_106 = tpu.memref_slice %arg18[%add3A_60, %dma_start3A_105] : memref<10112x8xf32, #tpu.memory_space<vmem_shared>> -> memref<128x8xf32, #tpu.memory_space<vmem_shared>>
        tpu.enqueue_dma source(%dma_start3A_106 : memref<128x8xf32, #tpu.memory_space<vmem_shared>>) target(%arg16 : memref<128x8xf32, #tpu.memory_space<vmem>>) target_semaphore(%run_scoped3A_103 : memref<!tpu.dma_semaphore, #tpu.memory_space<semaphore_mem>>)
        %dma_wait3A = arith.constant 0 : i32
        %dma_wait3A_107 = tpu.memref_slice %arg18[%add3A_60, %dma_wait3A] : memref<10112x8xf32, #tpu.memory_space<vmem_shared>> -> memref<128x8xf32, #tpu.memory_space<vmem_shared>>
        %dma_wait3A_108 = arith.constant 0 : i32
        %dma_wait3A_109 = tpu.memref_slice %arg18[%add3A_60, %dma_wait3A_108] : memref<10112x8xf32, #tpu.memory_space<vmem_shared>> -> memref<128x8xf32, #tpu.memory_space<vmem_shared>>
        tpu.wait_dma2 semaphore(%run_scoped3A_103 : memref<!tpu.dma_semaphore, #tpu.memory_space<semaphore_mem>>) src(%dma_wait3A_109 : memref<128x8xf32, #tpu.memory_space<vmem_shared>>) dst(%arg16 : memref<128x8xf32, #tpu.memory_space<vmem>>)
        tpu.yield
      }) : () -> ()
      %add3A_61 = arith.constant 0 : i32
      %add3A_62 = arith.addi %mul3A_52, %add3A_61 : i32
      "tpu.region"() ({
        %run_scoped3A_103 = tpu.sem_alloc : memref<!tpu.dma_semaphore, #tpu.memory_space<semaphore_mem>>
        %dma_start3A = arith.constant 0 : i32
        %dma_start3A_104 = tpu.memref_slice %arg11[%add3A_62, %dma_start3A] : memref<10000x8xf32, #tpu.memory_space<hbm>> -> memref<128x8xf32, #tpu.memory_space<hbm>>
        %dma_start3A_105 = arith.constant 0 : i32
        %dma_start3A_106 = tpu.memref_slice %arg11[%add3A_62, %dma_start3A_105] : memref<10000x8xf32, #tpu.memory_space<hbm>> -> memref<128x8xf32, #tpu.memory_space<hbm>>
        tpu.enqueue_dma source(%arg16 : memref<128x8xf32, #tpu.memory_space<vmem>>) target(%dma_start3A_106 : memref<128x8xf32, #tpu.memory_space<hbm>>) target_semaphore(%run_scoped3A_103 : memref<!tpu.dma_semaphore, #tpu.memory_space<semaphore_mem>>)
        %dma_wait3A = arith.constant 0 : i32
        %dma_wait3A_107 = tpu.memref_slice %arg11[%add3A_62, %dma_wait3A] : memref<10000x8xf32, #tpu.memory_space<hbm>> -> memref<128x8xf32, #tpu.memory_space<hbm>>
        %dma_wait3A_108 = arith.constant 0 : i32
        %dma_wait3A_109 = tpu.memref_slice %arg11[%add3A_62, %dma_wait3A_108] : memref<10000x8xf32, #tpu.memory_space<hbm>> -> memref<128x8xf32, #tpu.memory_space<hbm>>
        tpu.wait_dma2 semaphore(%run_scoped3A_103 : memref<!tpu.dma_semaphore, #tpu.memory_space<semaphore_mem>>) src(%arg16 : memref<128x8xf32, #tpu.memory_space<vmem>>) dst(%dma_wait3A_109 : memref<128x8xf32, #tpu.memory_space<hbm>>)
        tpu.yield
      }) : () -> ()
      %add3A_63 = arith.constant 128 : i32
      %add3A_64 = arith.addi %mul3A_52, %add3A_63 : i32
      %run_scoped3A_65 = arith.constant 0 : i32
      "tpu.region"() ({
        %run_scoped3A_103 = tpu.sem_alloc : memref<!tpu.dma_semaphore, #tpu.memory_space<semaphore_mem>>
        %dma_start3A = arith.constant 0 : i32
        %dma_start3A_104 = arith.constant 0 : i32
        %dma_start3A_105 = tpu.memref_slice %arg14[%run_scoped3A_65, %dma_start3A, %dma_start3A_104] : memref<5x128x128xbf16, #tpu.memory_space<vmem>> -> memref<1x128x128xbf16, #tpu.memory_space<vmem>>
        %dma_start3A_106 = tpu.memref_squeeze %dma_start3A_105 : memref<1x128x128xbf16, #tpu.memory_space<vmem>> -> memref<128x128xbf16, #tpu.memory_space<vmem>>
        %dma_start3A_107 = arith.constant 0 : i32
        %dma_start3A_108 = tpu.memref_slice %arg17[%add3A_64, %dma_start3A_107] : memref<10112x128xbf16, #tpu.memory_space<vmem_shared>> -> memref<128x128xbf16, #tpu.memory_space<vmem_shared>>
        %dma_start3A_109 = arith.constant 0 : i32
        %dma_start3A_110 = arith.constant 0 : i32
        %dma_start3A_111 = tpu.memref_slice %arg14[%run_scoped3A_65, %dma_start3A_109, %dma_start3A_110] : memref<5x128x128xbf16, #tpu.memory_space<vmem>> -> memref<1x128x128xbf16, #tpu.memory_space<vmem>>
        %dma_start3A_112 = tpu.memref_squeeze %dma_start3A_111 : memref<1x128x128xbf16, #tpu.memory_space<vmem>> -> memref<128x128xbf16, #tpu.memory_space<vmem>>
        %dma_start3A_113 = arith.constant 0 : i32
        %dma_start3A_114 = tpu.memref_slice %arg17[%add3A_64, %dma_start3A_113] : memref<10112x128xbf16, #tpu.memory_space<vmem_shared>> -> memref<128x128xbf16, #tpu.memory_space<vmem_shared>>
        tpu.enqueue_dma source(%dma_start3A_114 : memref<128x128xbf16, #tpu.memory_space<vmem_shared>>) target(%dma_start3A_112 : memref<128x128xbf16, #tpu.memory_space<vmem>>) target_semaphore(%run_scoped3A_103 : memref<!tpu.dma_semaphore, #tpu.memory_space<semaphore_mem>>)
        %dma_wait3A = arith.constant 0 : i32
        %dma_wait3A_115 = arith.constant 0 : i32
        %dma_wait3A_116 = tpu.memref_slice %arg14[%run_scoped3A_65, %dma_wait3A, %dma_wait3A_115] : memref<5x128x128xbf16, #tpu.memory_space<vmem>> -> memref<1x128x128xbf16, #tpu.memory_space<vmem>>
        %dma_wait3A_117 = tpu.memref_squeeze %dma_wait3A_116 : memref<1x128x128xbf16, #tpu.memory_space<vmem>> -> memref<128x128xbf16, #tpu.memory_space<vmem>>
        %dma_wait3A_118 = arith.constant 0 : i32
        %dma_wait3A_119 = tpu.memref_slice %arg17[%add3A_64, %dma_wait3A_118] : memref<10112x128xbf16, #tpu.memory_space<vmem_shared>> -> memref<128x128xbf16, #tpu.memory_space<vmem_shared>>
        %dma_wait3A_120 = arith.constant 0 : i32
        %dma_wait3A_121 = arith.constant 0 : i32
        %dma_wait3A_122 = tpu.memref_slice %arg14[%run_scoped3A_65, %dma_wait3A_120, %dma_wait3A_121] : memref<5x128x128xbf16, #tpu.memory_space<vmem>> -> memref<1x128x128xbf16, #tpu.memory_space<vmem>>
        %dma_wait3A_123 = tpu.memref_squeeze %dma_wait3A_122 : memref<1x128x128xbf16, #tpu.memory_space<vmem>> -> memref<128x128xbf16, #tpu.memory_space<vmem>>
        %dma_wait3A_124 = arith.constant 0 : i32
        %dma_wait3A_125 = tpu.memref_slice %arg17[%add3A_64, %dma_wait3A_124] : memref<10112x128xbf16, #tpu.memory_space<vmem_shared>> -> memref<128x128xbf16, #tpu.memory_space<vmem_shared>>
        tpu.wait_dma2 semaphore(%run_scoped3A_103 : memref<!tpu.dma_semaphore, #tpu.memory_space<semaphore_mem>>) src(%dma_wait3A_125 : memref<128x128xbf16, #tpu.memory_space<vmem_shared>>) dst(%dma_wait3A_123 : memref<128x128xbf16, #tpu.memory_space<vmem>>)
        tpu.yield
      }) : () -> ()
      %add3A_66 = arith.constant 128 : i32
      %add3A_67 = arith.addi %mul3A_52, %add3A_66 : i32
      %run_scoped3A_68 = arith.constant 0 : i32
      "tpu.region"() ({
        %run_scoped3A_103 = tpu.sem_alloc : memref<!tpu.dma_semaphore, #tpu.memory_space<semaphore_mem>>
        %dma_start3A = arith.constant 0 : i32
        %dma_start3A_104 = arith.constant 0 : i32
        %dma_start3A_105 = tpu.memref_slice %arg14[%run_scoped3A_68, %dma_start3A, %dma_start3A_104] : memref<5x128x128xbf16, #tpu.memory_space<vmem>> -> memref<1x128x128xbf16, #tpu.memory_space<vmem>>
        %dma_start3A_106 = tpu.memref_squeeze %dma_start3A_105 : memref<1x128x128xbf16, #tpu.memory_space<vmem>> -> memref<128x128xbf16, #tpu.memory_space<vmem>>
        %dma_start3A_107 = arith.constant 0 : i32
        %dma_start3A_108 = tpu.memref_slice %arg10[%add3A_67, %dma_start3A_107] : memref<10000x128xbf16, #tpu.memory_space<hbm>> -> memref<128x128xbf16, #tpu.memory_space<hbm>>
        %dma_start3A_109 = arith.constant 0 : i32
        %dma_start3A_110 = tpu.memref_slice %arg10[%add3A_67, %dma_start3A_109] : memref<10000x128xbf16, #tpu.memory_space<hbm>> -> memref<128x128xbf16, #tpu.memory_space<hbm>>
        %dma_start3A_111 = arith.constant 0 : i32
        %dma_start3A_112 = arith.constant 0 : i32
        %dma_start3A_113 = tpu.memref_slice %arg14[%run_scoped3A_68, %dma_start3A_111, %dma_start3A_112] : memref<5x128x128xbf16, #tpu.memory_space<vmem>> -> memref<1x128x128xbf16, #tpu.memory_space<vmem>>
        %dma_start3A_114 = tpu.memref_squeeze %dma_start3A_113 : memref<1x128x128xbf16, #tpu.memory_space<vmem>> -> memref<128x128xbf16, #tpu.memory_space<vmem>>
        tpu.enqueue_dma source(%dma_start3A_114 : memref<128x128xbf16, #tpu.memory_space<vmem>>) target(%dma_start3A_110 : memref<128x128xbf16, #tpu.memory_space<hbm>>) target_semaphore(%run_scoped3A_103 : memref<!tpu.dma_semaphore, #tpu.memory_space<semaphore_mem>>)
        %dma_wait3A = arith.constant 0 : i32
        %dma_wait3A_115 = arith.constant 0 : i32
        %dma_wait3A_116 = tpu.memref_slice %arg14[%run_scoped3A_68, %dma_wait3A, %dma_wait3A_115] : memref<5x128x128xbf16, #tpu.memory_space<vmem>> -> memref<1x128x128xbf16, #tpu.memory_space<vmem>>
        %dma_wait3A_117 = tpu.memref_squeeze %dma_wait3A_116 : memref<1x128x128xbf16, #tpu.memory_space<vmem>> -> memref<128x128xbf16, #tpu.memory_space<vmem>>
        %dma_wait3A_118 = arith.constant 0 : i32
        %dma_wait3A_119 = tpu.memref_slice %arg10[%add3A_67, %dma_wait3A_118] : memref<10000x128xbf16, #tpu.memory_space<hbm>> -> memref<128x128xbf16, #tpu.memory_space<hbm>>
        %dma_wait3A_120 = arith.constant 0 : i32
        %dma_wait3A_121 = tpu.memref_slice %arg10[%add3A_67, %dma_wait3A_120] : memref<10000x128xbf16, #tpu.memory_space<hbm>> -> memref<128x128xbf16, #tpu.memory_space<hbm>>
        %dma_wait3A_122 = arith.constant 0 : i32
        %dma_wait3A_123 = arith.constant 0 : i32
        %dma_wait3A_124 = tpu.memref_slice %arg14[%run_scoped3A_68, %dma_wait3A_122, %dma_wait3A_123] : memref<5x128x128xbf16, #tpu.memory_space<vmem>> -> memref<1x128x128xbf16, #tpu.memory_space<vmem>>
        %dma_wait3A_125 = tpu.memref_squeeze %dma_wait3A_124 : memref<1x128x128xbf16, #tpu.memory_space<vmem>> -> memref<128x128xbf16, #tpu.memory_space<vmem>>
        tpu.wait_dma2 semaphore(%run_scoped3A_103 : memref<!tpu.dma_semaphore, #tpu.memory_space<semaphore_mem>>) src(%dma_wait3A_125 : memref<128x128xbf16, #tpu.memory_space<vmem>>) dst(%dma_wait3A_121 : memref<128x128xbf16, #tpu.memory_space<hbm>>)
        tpu.yield
      }) : () -> ()
      %add3A_69 = arith.constant 128 : i32
      %add3A_70 = arith.addi %mul3A_52, %add3A_69 : i32
      "tpu.region"() ({
        %run_scoped3A_103 = tpu.sem_alloc : memref<!tpu.dma_semaphore, #tpu.memory_space<semaphore_mem>>
        %dma_start3A = arith.constant 0 : i32
        %dma_start3A_104 = tpu.memref_slice %arg18[%add3A_70, %dma_start3A] : memref<10112x8xf32, #tpu.memory_space<vmem_shared>> -> memref<128x8xf32, #tpu.memory_space<vmem_shared>>
        %dma_start3A_105 = arith.constant 0 : i32
        %dma_start3A_106 = tpu.memref_slice %arg18[%add3A_70, %dma_start3A_105] : memref<10112x8xf32, #tpu.memory_space<vmem_shared>> -> memref<128x8xf32, #tpu.memory_space<vmem_shared>>
        tpu.enqueue_dma source(%dma_start3A_106 : memref<128x8xf32, #tpu.memory_space<vmem_shared>>) target(%arg16 : memref<128x8xf32, #tpu.memory_space<vmem>>) target_semaphore(%run_scoped3A_103 : memref<!tpu.dma_semaphore, #tpu.memory_space<semaphore_mem>>)
        %dma_wait3A = arith.constant 0 : i32
        %dma_wait3A_107 = tpu.memref_slice %arg18[%add3A_70, %dma_wait3A] : memref<10112x8xf32, #tpu.memory_space<vmem_shared>> -> memref<128x8xf32, #tpu.memory_space<vmem_shared>>
        %dma_wait3A_108 = arith.constant 0 : i32
        %dma_wait3A_109 = tpu.memref_slice %arg18[%add3A_70, %dma_wait3A_108] : memref<10112x8xf32, #tpu.memory_space<vmem_shared>> -> memref<128x8xf32, #tpu.memory_space<vmem_shared>>
        tpu.wait_dma2 semaphore(%run_scoped3A_103 : memref<!tpu.dma_semaphore, #tpu.memory_space<semaphore_mem>>) src(%dma_wait3A_109 : memref<128x8xf32, #tpu.memory_space<vmem_shared>>) dst(%arg16 : memref<128x8xf32, #tpu.memory_space<vmem>>)
        tpu.yield
      }) : () -> ()
      %add3A_71 = arith.constant 128 : i32
      %add3A_72 = arith.addi %mul3A_52, %add3A_71 : i32
      "tpu.region"() ({
        %run_scoped3A_103 = tpu.sem_alloc : memref<!tpu.dma_semaphore, #tpu.memory_space<semaphore_mem>>
        %dma_start3A = arith.constant 0 : i32
        %dma_start3A_104 = tpu.memref_slice %arg11[%add3A_72, %dma_start3A] : memref<10000x8xf32, #tpu.memory_space<hbm>> -> memref<128x8xf32, #tpu.memory_space<hbm>>
        %dma_start3A_105 = arith.constant 0 : i32
        %dma_start3A_106 = tpu.memref_slice %arg11[%add3A_72, %dma_start3A_105] : memref<10000x8xf32, #tpu.memory_space<hbm>> -> memref<128x8xf32, #tpu.memory_space<hbm>>
        tpu.enqueue_dma source(%arg16 : memref<128x8xf32, #tpu.memory_space<vmem>>) target(%dma_start3A_106 : memref<128x8xf32, #tpu.memory_space<hbm>>) target_semaphore(%run_scoped3A_103 : memref<!tpu.dma_semaphore, #tpu.memory_space<semaphore_mem>>)
        %dma_wait3A = arith.constant 0 : i32
        %dma_wait3A_107 = tpu.memref_slice %arg11[%add3A_72, %dma_wait3A] : memref<10000x8xf32, #tpu.memory_space<hbm>> -> memref<128x8xf32, #tpu.memory_space<hbm>>
        %dma_wait3A_108 = arith.constant 0 : i32
        %dma_wait3A_109 = tpu.memref_slice %arg11[%add3A_72, %dma_wait3A_108] : memref<10000x8xf32, #tpu.memory_space<hbm>> -> memref<128x8xf32, #tpu.memory_space<hbm>>
        tpu.wait_dma2 semaphore(%run_scoped3A_103 : memref<!tpu.dma_semaphore, #tpu.memory_space<semaphore_mem>>) src(%arg16 : memref<128x8xf32, #tpu.memory_space<vmem>>) dst(%dma_wait3A_109 : memref<128x8xf32, #tpu.memory_space<hbm>>)
        tpu.yield
      }) : () -> ()
      %add3A_73 = arith.constant 256 : i32
      %add3A_74 = arith.addi %mul3A_52, %add3A_73 : i32
      %run_scoped3A_75 = arith.constant 0 : i32
      "tpu.region"() ({
        %run_scoped3A_103 = tpu.sem_alloc : memref<!tpu.dma_semaphore, #tpu.memory_space<semaphore_mem>>
        %dma_start3A = arith.constant 0 : i32
        %dma_start3A_104 = arith.constant 0 : i32
        %dma_start3A_105 = tpu.memref_slice %arg14[%run_scoped3A_75, %dma_start3A, %dma_start3A_104] : memref<5x128x128xbf16, #tpu.memory_space<vmem>> -> memref<1x128x128xbf16, #tpu.memory_space<vmem>>
        %dma_start3A_106 = tpu.memref_squeeze %dma_start3A_105 : memref<1x128x128xbf16, #tpu.memory_space<vmem>> -> memref<128x128xbf16, #tpu.memory_space<vmem>>
        %dma_start3A_107 = arith.constant 0 : i32
        %dma_start3A_108 = tpu.memref_slice %arg17[%add3A_74, %dma_start3A_107] : memref<10112x128xbf16, #tpu.memory_space<vmem_shared>> -> memref<128x128xbf16, #tpu.memory_space<vmem_shared>>
        %dma_start3A_109 = arith.constant 0 : i32
        %dma_start3A_110 = arith.constant 0 : i32
        %dma_start3A_111 = tpu.memref_slice %arg14[%run_scoped3A_75, %dma_start3A_109, %dma_start3A_110] : memref<5x128x128xbf16, #tpu.memory_space<vmem>> -> memref<1x128x128xbf16, #tpu.memory_space<vmem>>
        %dma_start3A_112 = tpu.memref_squeeze %dma_start3A_111 : memref<1x128x128xbf16, #tpu.memory_space<vmem>> -> memref<128x128xbf16, #tpu.memory_space<vmem>>
        %dma_start3A_113 = arith.constant 0 : i32
        %dma_start3A_114 = tpu.memref_slice %arg17[%add3A_74, %dma_start3A_113] : memref<10112x128xbf16, #tpu.memory_space<vmem_shared>> -> memref<128x128xbf16, #tpu.memory_space<vmem_shared>>
        tpu.enqueue_dma source(%dma_start3A_114 : memref<128x128xbf16, #tpu.memory_space<vmem_shared>>) target(%dma_start3A_112 : memref<128x128xbf16, #tpu.memory_space<vmem>>) target_semaphore(%run_scoped3A_103 : memref<!tpu.dma_semaphore, #tpu.memory_space<semaphore_mem>>)
        %dma_wait3A = arith.constant 0 : i32
        %dma_wait3A_115 = arith.constant 0 : i32
        %dma_wait3A_116 = tpu.memref_slice %arg14[%run_scoped3A_75, %dma_wait3A, %dma_wait3A_115] : memref<5x128x128xbf16, #tpu.memory_space<vmem>> -> memref<1x128x128xbf16, #tpu.memory_space<vmem>>
        %dma_wait3A_117 = tpu.memref_squeeze %dma_wait3A_116 : memref<1x128x128xbf16, #tpu.memory_space<vmem>> -> memref<128x128xbf16, #tpu.memory_space<vmem>>
        %dma_wait3A_118 = arith.constant 0 : i32
        %dma_wait3A_119 = tpu.memref_slice %arg17[%add3A_74, %dma_wait3A_118] : memref<10112x128xbf16, #tpu.memory_space<vmem_shared>> -> memref<128x128xbf16, #tpu.memory_space<vmem_shared>>
        %dma_wait3A_120 = arith.constant 0 : i32
        %dma_wait3A_121 = arith.constant 0 : i32
        %dma_wait3A_122 = tpu.memref_slice %arg14[%run_scoped3A_75, %dma_wait3A_120, %dma_wait3A_121] : memref<5x128x128xbf16, #tpu.memory_space<vmem>> -> memref<1x128x128xbf16, #tpu.memory_space<vmem>>
        %dma_wait3A_123 = tpu.memref_squeeze %dma_wait3A_122 : memref<1x128x128xbf16, #tpu.memory_space<vmem>> -> memref<128x128xbf16, #tpu.memory_space<vmem>>
        %dma_wait3A_124 = arith.constant 0 : i32
        %dma_wait3A_125 = tpu.memref_slice %arg17[%add3A_74, %dma_wait3A_124] : memref<10112x128xbf16, #tpu.memory_space<vmem_shared>> -> memref<128x128xbf16, #tpu.memory_space<vmem_shared>>
        tpu.wait_dma2 semaphore(%run_scoped3A_103 : memref<!tpu.dma_semaphore, #tpu.memory_space<semaphore_mem>>) src(%dma_wait3A_125 : memref<128x128xbf16, #tpu.memory_space<vmem_shared>>) dst(%dma_wait3A_123 : memref<128x128xbf16, #tpu.memory_space<vmem>>)
        tpu.yield
      }) : () -> ()
      %add3A_76 = arith.constant 256 : i32
      %add3A_77 = arith.addi %mul3A_52, %add3A_76 : i32
      %run_scoped3A_78 = arith.constant 0 : i32
      "tpu.region"() ({
        %run_scoped3A_103 = tpu.sem_alloc : memref<!tpu.dma_semaphore, #tpu.memory_space<semaphore_mem>>
        %dma_start3A = arith.constant 0 : i32
        %dma_start3A_104 = arith.constant 0 : i32
        %dma_start3A_105 = tpu.memref_slice %arg14[%run_scoped3A_78, %dma_start3A, %dma_start3A_104] : memref<5x128x128xbf16, #tpu.memory_space<vmem>> -> memref<1x128x128xbf16, #tpu.memory_space<vmem>>
        %dma_start3A_106 = tpu.memref_squeeze %dma_start3A_105 : memref<1x128x128xbf16, #tpu.memory_space<vmem>> -> memref<128x128xbf16, #tpu.memory_space<vmem>>
        %dma_start3A_107 = arith.constant 0 : i32
        %dma_start3A_108 = tpu.memref_slice %arg10[%add3A_77, %dma_start3A_107] : memref<10000x128xbf16, #tpu.memory_space<hbm>> -> memref<128x128xbf16, #tpu.memory_space<hbm>>
        %dma_start3A_109 = arith.constant 0 : i32
        %dma_start3A_110 = tpu.memref_slice %arg10[%add3A_77, %dma_start3A_109] : memref<10000x128xbf16, #tpu.memory_space<hbm>> -> memref<128x128xbf16, #tpu.memory_space<hbm>>
        %dma_start3A_111 = arith.constant 0 : i32
        %dma_start3A_112 = arith.constant 0 : i32
        %dma_start3A_113 = tpu.memref_slice %arg14[%run_scoped3A_78, %dma_start3A_111, %dma_start3A_112] : memref<5x128x128xbf16, #tpu.memory_space<vmem>> -> memref<1x128x128xbf16, #tpu.memory_space<vmem>>
        %dma_start3A_114 = tpu.memref_squeeze %dma_start3A_113 : memref<1x128x128xbf16, #tpu.memory_space<vmem>> -> memref<128x128xbf16, #tpu.memory_space<vmem>>
        tpu.enqueue_dma source(%dma_start3A_114 : memref<128x128xbf16, #tpu.memory_space<vmem>>) target(%dma_start3A_110 : memref<128x128xbf16, #tpu.memory_space<hbm>>) target_semaphore(%run_scoped3A_103 : memref<!tpu.dma_semaphore, #tpu.memory_space<semaphore_mem>>)
        %dma_wait3A = arith.constant 0 : i32
        %dma_wait3A_115 = arith.constant 0 : i32
        %dma_wait3A_116 = tpu.memref_slice %arg14[%run_scoped3A_78, %dma_wait3A, %dma_wait3A_115] : memref<5x128x128xbf16, #tpu.memory_space<vmem>> -> memref<1x128x128xbf16, #tpu.memory_space<vmem>>
        %dma_wait3A_117 = tpu.memref_squeeze %dma_wait3A_116 : memref<1x128x128xbf16, #tpu.memory_space<vmem>> -> memref<128x128xbf16, #tpu.memory_space<vmem>>
        %dma_wait3A_118 = arith.constant 0 : i32
        %dma_wait3A_119 = tpu.memref_slice %arg10[%add3A_77, %dma_wait3A_118] : memref<10000x128xbf16, #tpu.memory_space<hbm>> -> memref<128x128xbf16, #tpu.memory_space<hbm>>
        %dma_wait3A_120 = arith.constant 0 : i32
        %dma_wait3A_121 = tpu.memref_slice %arg10[%add3A_77, %dma_wait3A_120] : memref<10000x128xbf16, #tpu.memory_space<hbm>> -> memref<128x128xbf16, #tpu.memory_space<hbm>>
        %dma_wait3A_122 = arith.constant 0 : i32
        %dma_wait3A_123 = arith.constant 0 : i32
        %dma_wait3A_124 = tpu.memref_slice %arg14[%run_scoped3A_78, %dma_wait3A_122, %dma_wait3A_123] : memref<5x128x128xbf16, #tpu.memory_space<vmem>> -> memref<1x128x128xbf16, #tpu.memory_space<vmem>>
        %dma_wait3A_125 = tpu.memref_squeeze %dma_wait3A_124 : memref<1x128x128xbf16, #tpu.memory_space<vmem>> -> memref<128x128xbf16, #tpu.memory_space<vmem>>
        tpu.wait_dma2 semaphore(%run_scoped3A_103 : memref<!tpu.dma_semaphore, #tpu.memory_space<semaphore_mem>>) src(%dma_wait3A_125 : memref<128x128xbf16, #tpu.memory_space<vmem>>) dst(%dma_wait3A_121 : memref<128x128xbf16, #tpu.memory_space<hbm>>)
        tpu.yield
      }) : () -> ()
      %add3A_79 = arith.constant 256 : i32
      %add3A_80 = arith.addi %mul3A_52, %add3A_79 : i32
      "tpu.region"() ({
        %run_scoped3A_103 = tpu.sem_alloc : memref<!tpu.dma_semaphore, #tpu.memory_space<semaphore_mem>>
        %dma_start3A = arith.constant 0 : i32
        %dma_start3A_104 = tpu.memref_slice %arg18[%add3A_80, %dma_start3A] : memref<10112x8xf32, #tpu.memory_space<vmem_shared>> -> memref<128x8xf32, #tpu.memory_space<vmem_shared>>
        %dma_start3A_105 = arith.constant 0 : i32
        %dma_start3A_106 = tpu.memref_slice %arg18[%add3A_80, %dma_start3A_105] : memref<10112x8xf32, #tpu.memory_space<vmem_shared>> -> memref<128x8xf32, #tpu.memory_space<vmem_shared>>
        tpu.enqueue_dma source(%dma_start3A_106 : memref<128x8xf32, #tpu.memory_space<vmem_shared>>) target(%arg16 : memref<128x8xf32, #tpu.memory_space<vmem>>) target_semaphore(%run_scoped3A_103 : memref<!tpu.dma_semaphore, #tpu.memory_space<semaphore_mem>>)
        %dma_wait3A = arith.constant 0 : i32
        %dma_wait3A_107 = tpu.memref_slice %arg18[%add3A_80, %dma_wait3A] : memref<10112x8xf32, #tpu.memory_space<vmem_shared>> -> memref<128x8xf32, #tpu.memory_space<vmem_shared>>
        %dma_wait3A_108 = arith.constant 0 : i32
        %dma_wait3A_109 = tpu.memref_slice %arg18[%add3A_80, %dma_wait3A_108] : memref<10112x8xf32, #tpu.memory_space<vmem_shared>> -> memref<128x8xf32, #tpu.memory_space<vmem_shared>>
        tpu.wait_dma2 semaphore(%run_scoped3A_103 : memref<!tpu.dma_semaphore, #tpu.memory_space<semaphore_mem>>) src(%dma_wait3A_109 : memref<128x8xf32, #tpu.memory_space<vmem_shared>>) dst(%arg16 : memref<128x8xf32, #tpu.memory_space<vmem>>)
        tpu.yield
      }) : () -> ()
      %add3A_81 = arith.constant 256 : i32
      %add3A_82 = arith.addi %mul3A_52, %add3A_81 : i32
      "tpu.region"() ({
        %run_scoped3A_103 = tpu.sem_alloc : memref<!tpu.dma_semaphore, #tpu.memory_space<semaphore_mem>>
        %dma_start3A = arith.constant 0 : i32
        %dma_start3A_104 = tpu.memref_slice %arg11[%add3A_82, %dma_start3A] : memref<10000x8xf32, #tpu.memory_space<hbm>> -> memref<128x8xf32, #tpu.memory_space<hbm>>
        %dma_start3A_105 = arith.constant 0 : i32
        %dma_start3A_106 = tpu.memref_slice %arg11[%add3A_82, %dma_start3A_105] : memref<10000x8xf32, #tpu.memory_space<hbm>> -> memref<128x8xf32, #tpu.memory_space<hbm>>
        tpu.enqueue_dma source(%arg16 : memref<128x8xf32, #tpu.memory_space<vmem>>) target(%dma_start3A_106 : memref<128x8xf32, #tpu.memory_space<hbm>>) target_semaphore(%run_scoped3A_103 : memref<!tpu.dma_semaphore, #tpu.memory_space<semaphore_mem>>)
        %dma_wait3A = arith.constant 0 : i32
        %dma_wait3A_107 = tpu.memref_slice %arg11[%add3A_82, %dma_wait3A] : memref<10000x8xf32, #tpu.memory_space<hbm>> -> memref<128x8xf32, #tpu.memory_space<hbm>>
        %dma_wait3A_108 = arith.constant 0 : i32
        %dma_wait3A_109 = tpu.memref_slice %arg11[%add3A_82, %dma_wait3A_108] : memref<10000x8xf32, #tpu.memory_space<hbm>> -> memref<128x8xf32, #tpu.memory_space<hbm>>
        tpu.wait_dma2 semaphore(%run_scoped3A_103 : memref<!tpu.dma_semaphore, #tpu.memory_space<semaphore_mem>>) src(%arg16 : memref<128x8xf32, #tpu.memory_space<vmem>>) dst(%dma_wait3A_109 : memref<128x8xf32, #tpu.memory_space<hbm>>)
        tpu.yield
      }) : () -> ()
      %add3A_83 = arith.constant 384 : i32
      %add3A_84 = arith.addi %mul3A_52, %add3A_83 : i32
      %run_scoped3A_85 = arith.constant 0 : i32
      "tpu.region"() ({
        %run_scoped3A_103 = tpu.sem_alloc : memref<!tpu.dma_semaphore, #tpu.memory_space<semaphore_mem>>
        %dma_start3A = arith.constant 0 : i32
        %dma_start3A_104 = arith.constant 0 : i32
        %dma_start3A_105 = tpu.memref_slice %arg14[%run_scoped3A_85, %dma_start3A, %dma_start3A_104] : memref<5x128x128xbf16, #tpu.memory_space<vmem>> -> memref<1x128x128xbf16, #tpu.memory_space<vmem>>
        %dma_start3A_106 = tpu.memref_squeeze %dma_start3A_105 : memref<1x128x128xbf16, #tpu.memory_space<vmem>> -> memref<128x128xbf16, #tpu.memory_space<vmem>>
        %dma_start3A_107 = arith.constant 0 : i32
        %dma_start3A_108 = tpu.memref_slice %arg17[%add3A_84, %dma_start3A_107] : memref<10112x128xbf16, #tpu.memory_space<vmem_shared>> -> memref<128x128xbf16, #tpu.memory_space<vmem_shared>>
        %dma_start3A_109 = arith.constant 0 : i32
        %dma_start3A_110 = arith.constant 0 : i32
        %dma_start3A_111 = tpu.memref_slice %arg14[%run_scoped3A_85, %dma_start3A_109, %dma_start3A_110] : memref<5x128x128xbf16, #tpu.memory_space<vmem>> -> memref<1x128x128xbf16, #tpu.memory_space<vmem>>
        %dma_start3A_112 = tpu.memref_squeeze %dma_start3A_111 : memref<1x128x128xbf16, #tpu.memory_space<vmem>> -> memref<128x128xbf16, #tpu.memory_space<vmem>>
        %dma_start3A_113 = arith.constant 0 : i32
        %dma_start3A_114 = tpu.memref_slice %arg17[%add3A_84, %dma_start3A_113] : memref<10112x128xbf16, #tpu.memory_space<vmem_shared>> -> memref<128x128xbf16, #tpu.memory_space<vmem_shared>>
        tpu.enqueue_dma source(%dma_start3A_114 : memref<128x128xbf16, #tpu.memory_space<vmem_shared>>) target(%dma_start3A_112 : memref<128x128xbf16, #tpu.memory_space<vmem>>) target_semaphore(%run_scoped3A_103 : memref<!tpu.dma_semaphore, #tpu.memory_space<semaphore_mem>>)
        %dma_wait3A = arith.constant 0 : i32
        %dma_wait3A_115 = arith.constant 0 : i32
        %dma_wait3A_116 = tpu.memref_slice %arg14[%run_scoped3A_85, %dma_wait3A, %dma_wait3A_115] : memref<5x128x128xbf16, #tpu.memory_space<vmem>> -> memref<1x128x128xbf16, #tpu.memory_space<vmem>>
        %dma_wait3A_117 = tpu.memref_squeeze %dma_wait3A_116 : memref<1x128x128xbf16, #tpu.memory_space<vmem>> -> memref<128x128xbf16, #tpu.memory_space<vmem>>
        %dma_wait3A_118 = arith.constant 0 : i32
        %dma_wait3A_119 = tpu.memref_slice %arg17[%add3A_84, %dma_wait3A_118] : memref<10112x128xbf16, #tpu.memory_space<vmem_shared>> -> memref<128x128xbf16, #tpu.memory_space<vmem_shared>>
        %dma_wait3A_120 = arith.constant 0 : i32
        %dma_wait3A_121 = arith.constant 0 : i32
        %dma_wait3A_122 = tpu.memref_slice %arg14[%run_scoped3A_85, %dma_wait3A_120, %dma_wait3A_121] : memref<5x128x128xbf16, #tpu.memory_space<vmem>> -> memref<1x128x128xbf16, #tpu.memory_space<vmem>>
        %dma_wait3A_123 = tpu.memref_squeeze %dma_wait3A_122 : memref<1x128x128xbf16, #tpu.memory_space<vmem>> -> memref<128x128xbf16, #tpu.memory_space<vmem>>
        %dma_wait3A_124 = arith.constant 0 : i32
        %dma_wait3A_125 = tpu.memref_slice %arg17[%add3A_84, %dma_wait3A_124] : memref<10112x128xbf16, #tpu.memory_space<vmem_shared>> -> memref<128x128xbf16, #tpu.memory_space<vmem_shared>>
        tpu.wait_dma2 semaphore(%run_scoped3A_103 : memref<!tpu.dma_semaphore, #tpu.memory_space<semaphore_mem>>) src(%dma_wait3A_125 : memref<128x128xbf16, #tpu.memory_space<vmem_shared>>) dst(%dma_wait3A_123 : memref<128x128xbf16, #tpu.memory_space<vmem>>)
        tpu.yield
      }) : () -> ()
      %add3A_86 = arith.constant 384 : i32
      %add3A_87 = arith.addi %mul3A_52, %add3A_86 : i32
      %run_scoped3A_88 = arith.constant 0 : i32
      "tpu.region"() ({
        %run_scoped3A_103 = tpu.sem_alloc : memref<!tpu.dma_semaphore, #tpu.memory_space<semaphore_mem>>
        %dma_start3A = arith.constant 0 : i32
        %dma_start3A_104 = arith.constant 0 : i32
        %dma_start3A_105 = tpu.memref_slice %arg14[%run_scoped3A_88, %dma_start3A, %dma_start3A_104] : memref<5x128x128xbf16, #tpu.memory_space<vmem>> -> memref<1x128x128xbf16, #tpu.memory_space<vmem>>
        %dma_start3A_106 = tpu.memref_squeeze %dma_start3A_105 : memref<1x128x128xbf16, #tpu.memory_space<vmem>> -> memref<128x128xbf16, #tpu.memory_space<vmem>>
        %dma_start3A_107 = arith.constant 0 : i32
        %dma_start3A_108 = tpu.memref_slice %arg10[%add3A_87, %dma_start3A_107] : memref<10000x128xbf16, #tpu.memory_space<hbm>> -> memref<128x128xbf16, #tpu.memory_space<hbm>>
        %dma_start3A_109 = arith.constant 0 : i32
        %dma_start3A_110 = tpu.memref_slice %arg10[%add3A_87, %dma_start3A_109] : memref<10000x128xbf16, #tpu.memory_space<hbm>> -> memref<128x128xbf16, #tpu.memory_space<hbm>>
        %dma_start3A_111 = arith.constant 0 : i32
        %dma_start3A_112 = arith.constant 0 : i32
        %dma_start3A_113 = tpu.memref_slice %arg14[%run_scoped3A_88, %dma_start3A_111, %dma_start3A_112] : memref<5x128x128xbf16, #tpu.memory_space<vmem>> -> memref<1x128x128xbf16, #tpu.memory_space<vmem>>
        %dma_start3A_114 = tpu.memref_squeeze %dma_start3A_113 : memref<1x128x128xbf16, #tpu.memory_space<vmem>> -> memref<128x128xbf16, #tpu.memory_space<vmem>>
        tpu.enqueue_dma source(%dma_start3A_114 : memref<128x128xbf16, #tpu.memory_space<vmem>>) target(%dma_start3A_110 : memref<128x128xbf16, #tpu.memory_space<hbm>>) target_semaphore(%run_scoped3A_103 : memref<!tpu.dma_semaphore, #tpu.memory_space<semaphore_mem>>)
        %dma_wait3A = arith.constant 0 : i32
        %dma_wait3A_115 = arith.constant 0 : i32
        %dma_wait3A_116 = tpu.memref_slice %arg14[%run_scoped3A_88, %dma_wait3A, %dma_wait3A_115] : memref<5x128x128xbf16, #tpu.memory_space<vmem>> -> memref<1x128x128xbf16, #tpu.memory_space<vmem>>
        %dma_wait3A_117 = tpu.memref_squeeze %dma_wait3A_116 : memref<1x128x128xbf16, #tpu.memory_space<vmem>> -> memref<128x128xbf16, #tpu.memory_space<vmem>>
        %dma_wait3A_118 = arith.constant 0 : i32
        %dma_wait3A_119 = tpu.memref_slice %arg10[%add3A_87, %dma_wait3A_118] : memref<10000x128xbf16, #tpu.memory_space<hbm>> -> memref<128x128xbf16, #tpu.memory_space<hbm>>
        %dma_wait3A_120 = arith.constant 0 : i32
        %dma_wait3A_121 = tpu.memref_slice %arg10[%add3A_87, %dma_wait3A_120] : memref<10000x128xbf16, #tpu.memory_space<hbm>> -> memref<128x128xbf16, #tpu.memory_space<hbm>>
        %dma_wait3A_122 = arith.constant 0 : i32
        %dma_wait3A_123 = arith.constant 0 : i32
        %dma_wait3A_124 = tpu.memref_slice %arg14[%run_scoped3A_88, %dma_wait3A_122, %dma_wait3A_123] : memref<5x128x128xbf16, #tpu.memory_space<vmem>> -> memref<1x128x128xbf16, #tpu.memory_space<vmem>>
        %dma_wait3A_125 = tpu.memref_squeeze %dma_wait3A_124 : memref<1x128x128xbf16, #tpu.memory_space<vmem>> -> memref<128x128xbf16, #tpu.memory_space<vmem>>
        tpu.wait_dma2 semaphore(%run_scoped3A_103 : memref<!tpu.dma_semaphore, #tpu.memory_space<semaphore_mem>>) src(%dma_wait3A_125 : memref<128x128xbf16, #tpu.memory_space<vmem>>) dst(%dma_wait3A_121 : memref<128x128xbf16, #tpu.memory_space<hbm>>)
        tpu.yield
      }) : () -> ()
      %add3A_89 = arith.constant 384 : i32
      %add3A_90 = arith.addi %mul3A_52, %add3A_89 : i32
      "tpu.region"() ({
        %run_scoped3A_103 = tpu.sem_alloc : memref<!tpu.dma_semaphore, #tpu.memory_space<semaphore_mem>>
        %dma_start3A = arith.constant 0 : i32
        %dma_start3A_104 = tpu.memref_slice %arg18[%add3A_90, %dma_start3A] : memref<10112x8xf32, #tpu.memory_space<vmem_shared>> -> memref<128x8xf32, #tpu.memory_space<vmem_shared>>
        %dma_start3A_105 = arith.constant 0 : i32
        %dma_start3A_106 = tpu.memref_slice %arg18[%add3A_90, %dma_start3A_105] : memref<10112x8xf32, #tpu.memory_space<vmem_shared>> -> memref<128x8xf32, #tpu.memory_space<vmem_shared>>
        tpu.enqueue_dma source(%dma_start3A_106 : memref<128x8xf32, #tpu.memory_space<vmem_shared>>) target(%arg16 : memref<128x8xf32, #tpu.memory_space<vmem>>) target_semaphore(%run_scoped3A_103 : memref<!tpu.dma_semaphore, #tpu.memory_space<semaphore_mem>>)
        %dma_wait3A = arith.constant 0 : i32
        %dma_wait3A_107 = tpu.memref_slice %arg18[%add3A_90, %dma_wait3A] : memref<10112x8xf32, #tpu.memory_space<vmem_shared>> -> memref<128x8xf32, #tpu.memory_space<vmem_shared>>
        %dma_wait3A_108 = arith.constant 0 : i32
        %dma_wait3A_109 = tpu.memref_slice %arg18[%add3A_90, %dma_wait3A_108] : memref<10112x8xf32, #tpu.memory_space<vmem_shared>> -> memref<128x8xf32, #tpu.memory_space<vmem_shared>>
        tpu.wait_dma2 semaphore(%run_scoped3A_103 : memref<!tpu.dma_semaphore, #tpu.memory_space<semaphore_mem>>) src(%dma_wait3A_109 : memref<128x8xf32, #tpu.memory_space<vmem_shared>>) dst(%arg16 : memref<128x8xf32, #tpu.memory_space<vmem>>)
        tpu.yield
      }) : () -> ()
      %add3A_91 = arith.constant 384 : i32
      %add3A_92 = arith.addi %mul3A_52, %add3A_91 : i32
      "tpu.region"() ({
        %run_scoped3A_103 = tpu.sem_alloc : memref<!tpu.dma_semaphore, #tpu.memory_space<semaphore_mem>>
        %dma_start3A = arith.constant 0 : i32
        %dma_start3A_104 = tpu.memref_slice %arg11[%add3A_92, %dma_start3A] : memref<10000x8xf32, #tpu.memory_space<hbm>> -> memref<128x8xf32, #tpu.memory_space<hbm>>
        %dma_start3A_105 = arith.constant 0 : i32
        %dma_start3A_106 = tpu.memref_slice %arg11[%add3A_92, %dma_start3A_105] : memref<10000x8xf32, #tpu.memory_space<hbm>> -> memref<128x8xf32, #tpu.memory_space<hbm>>
        tpu.enqueue_dma source(%arg16 : memref<128x8xf32, #tpu.memory_space<vmem>>) target(%dma_start3A_106 : memref<128x8xf32, #tpu.memory_space<hbm>>) target_semaphore(%run_scoped3A_103 : memref<!tpu.dma_semaphore, #tpu.memory_space<semaphore_mem>>)
        %dma_wait3A = arith.constant 0 : i32
        %dma_wait3A_107 = tpu.memref_slice %arg11[%add3A_92, %dma_wait3A] : memref<10000x8xf32, #tpu.memory_space<hbm>> -> memref<128x8xf32, #tpu.memory_space<hbm>>
        %dma_wait3A_108 = arith.constant 0 : i32
        %dma_wait3A_109 = tpu.memref_slice %arg11[%add3A_92, %dma_wait3A_108] : memref<10000x8xf32, #tpu.memory_space<hbm>> -> memref<128x8xf32, #tpu.memory_space<hbm>>
        tpu.wait_dma2 semaphore(%run_scoped3A_103 : memref<!tpu.dma_semaphore, #tpu.memory_space<semaphore_mem>>) src(%arg16 : memref<128x8xf32, #tpu.memory_space<vmem>>) dst(%dma_wait3A_109 : memref<128x8xf32, #tpu.memory_space<hbm>>)
        tpu.yield
      }) : () -> ()
      %add3A_93 = arith.constant 512 : i32
      %add3A_94 = arith.addi %mul3A_52, %add3A_93 : i32
      %run_scoped3A_95 = arith.constant 0 : i32
      "tpu.region"() ({
        %run_scoped3A_103 = tpu.sem_alloc : memref<!tpu.dma_semaphore, #tpu.memory_space<semaphore_mem>>
        %dma_start3A = arith.constant 0 : i32
        %dma_start3A_104 = arith.constant 0 : i32
        %dma_start3A_105 = tpu.memref_slice %arg14[%run_scoped3A_95, %dma_start3A, %dma_start3A_104] : memref<5x128x128xbf16, #tpu.memory_space<vmem>> -> memref<1x128x128xbf16, #tpu.memory_space<vmem>>
        %dma_start3A_106 = tpu.memref_squeeze %dma_start3A_105 : memref<1x128x128xbf16, #tpu.memory_space<vmem>> -> memref<128x128xbf16, #tpu.memory_space<vmem>>
        %dma_start3A_107 = arith.constant 0 : i32
        %dma_start3A_108 = tpu.memref_slice %arg17[%add3A_94, %dma_start3A_107] : memref<10112x128xbf16, #tpu.memory_space<vmem_shared>> -> memref<128x128xbf16, #tpu.memory_space<vmem_shared>>
        %dma_start3A_109 = arith.constant 0 : i32
        %dma_start3A_110 = arith.constant 0 : i32
        %dma_start3A_111 = tpu.memref_slice %arg14[%run_scoped3A_95, %dma_start3A_109, %dma_start3A_110] : memref<5x128x128xbf16, #tpu.memory_space<vmem>> -> memref<1x128x128xbf16, #tpu.memory_space<vmem>>
        %dma_start3A_112 = tpu.memref_squeeze %dma_start3A_111 : memref<1x128x128xbf16, #tpu.memory_space<vmem>> -> memref<128x128xbf16, #tpu.memory_space<vmem>>
        %dma_start3A_113 = arith.constant 0 : i32
        %dma_start3A_114 = tpu.memref_slice %arg17[%add3A_94, %dma_start3A_113] : memref<10112x128xbf16, #tpu.memory_space<vmem_shared>> -> memref<128x128xbf16, #tpu.memory_space<vmem_shared>>
        tpu.enqueue_dma source(%dma_start3A_114 : memref<128x128xbf16, #tpu.memory_space<vmem_shared>>) target(%dma_start3A_112 : memref<128x128xbf16, #tpu.memory_space<vmem>>) target_semaphore(%run_scoped3A_103 : memref<!tpu.dma_semaphore, #tpu.memory_space<semaphore_mem>>)
        %dma_wait3A = arith.constant 0 : i32
        %dma_wait3A_115 = arith.constant 0 : i32
        %dma_wait3A_116 = tpu.memref_slice %arg14[%run_scoped3A_95, %dma_wait3A, %dma_wait3A_115] : memref<5x128x128xbf16, #tpu.memory_space<vmem>> -> memref<1x128x128xbf16, #tpu.memory_space<vmem>>
        %dma_wait3A_117 = tpu.memref_squeeze %dma_wait3A_116 : memref<1x128x128xbf16, #tpu.memory_space<vmem>> -> memref<128x128xbf16, #tpu.memory_space<vmem>>
        %dma_wait3A_118 = arith.constant 0 : i32
        %dma_wait3A_119 = tpu.memref_slice %arg17[%add3A_94, %dma_wait3A_118] : memref<10112x128xbf16, #tpu.memory_space<vmem_shared>> -> memref<128x128xbf16, #tpu.memory_space<vmem_shared>>
        %dma_wait3A_120 = arith.constant 0 : i32
        %dma_wait3A_121 = arith.constant 0 : i32
        %dma_wait3A_122 = tpu.memref_slice %arg14[%run_scoped3A_95, %dma_wait3A_120, %dma_wait3A_121] : memref<5x128x128xbf16, #tpu.memory_space<vmem>> -> memref<1x128x128xbf16, #tpu.memory_space<vmem>>
        %dma_wait3A_123 = tpu.memref_squeeze %dma_wait3A_122 : memref<1x128x128xbf16, #tpu.memory_space<vmem>> -> memref<128x128xbf16, #tpu.memory_space<vmem>>
        %dma_wait3A_124 = arith.constant 0 : i32
        %dma_wait3A_125 = tpu.memref_slice %arg17[%add3A_94, %dma_wait3A_124] : memref<10112x128xbf16, #tpu.memory_space<vmem_shared>> -> memref<128x128xbf16, #tpu.memory_space<vmem_shared>>
        tpu.wait_dma2 semaphore(%run_scoped3A_103 : memref<!tpu.dma_semaphore, #tpu.memory_space<semaphore_mem>>) src(%dma_wait3A_125 : memref<128x128xbf16, #tpu.memory_space<vmem_shared>>) dst(%dma_wait3A_123 : memref<128x128xbf16, #tpu.memory_space<vmem>>)
        tpu.yield
      }) : () -> ()
      %add3A_96 = arith.constant 512 : i32
      %add3A_97 = arith.addi %mul3A_52, %add3A_96 : i32
      %run_scoped3A_98 = arith.constant 0 : i32
      "tpu.region"() ({
        %run_scoped3A_103 = tpu.sem_alloc : memref<!tpu.dma_semaphore, #tpu.memory_space<semaphore_mem>>
        %dma_start3A = arith.constant 0 : i32
        %dma_start3A_104 = arith.constant 0 : i32
        %dma_start3A_105 = tpu.memref_slice %arg14[%run_scoped3A_98, %dma_start3A, %dma_start3A_104] : memref<5x128x128xbf16, #tpu.memory_space<vmem>> -> memref<1x128x128xbf16, #tpu.memory_space<vmem>>
        %dma_start3A_106 = tpu.memref_squeeze %dma_start3A_105 : memref<1x128x128xbf16, #tpu.memory_space<vmem>> -> memref<128x128xbf16, #tpu.memory_space<vmem>>
        %dma_start3A_107 = arith.constant 0 : i32
        %dma_start3A_108 = tpu.memref_slice %arg10[%add3A_97, %dma_start3A_107] : memref<10000x128xbf16, #tpu.memory_space<hbm>> -> memref<128x128xbf16, #tpu.memory_space<hbm>>
        %dma_start3A_109 = arith.constant 0 : i32
        %dma_start3A_110 = tpu.memref_slice %arg10[%add3A_97, %dma_start3A_109] : memref<10000x128xbf16, #tpu.memory_space<hbm>> -> memref<128x128xbf16, #tpu.memory_space<hbm>>
        %dma_start3A_111 = arith.constant 0 : i32
        %dma_start3A_112 = arith.constant 0 : i32
        %dma_start3A_113 = tpu.memref_slice %arg14[%run_scoped3A_98, %dma_start3A_111, %dma_start3A_112] : memref<5x128x128xbf16, #tpu.memory_space<vmem>> -> memref<1x128x128xbf16, #tpu.memory_space<vmem>>
        %dma_start3A_114 = tpu.memref_squeeze %dma_start3A_113 : memref<1x128x128xbf16, #tpu.memory_space<vmem>> -> memref<128x128xbf16, #tpu.memory_space<vmem>>
        tpu.enqueue_dma source(%dma_start3A_114 : memref<128x128xbf16, #tpu.memory_space<vmem>>) target(%dma_start3A_110 : memref<128x128xbf16, #tpu.memory_space<hbm>>) target_semaphore(%run_scoped3A_103 : memref<!tpu.dma_semaphore, #tpu.memory_space<semaphore_mem>>)
        %dma_wait3A = arith.constant 0 : i32
        %dma_wait3A_115 = arith.constant 0 : i32
        %dma_wait3A_116 = tpu.memref_slice %arg14[%run_scoped3A_98, %dma_wait3A, %dma_wait3A_115] : memref<5x128x128xbf16, #tpu.memory_space<vmem>> -> memref<1x128x128xbf16, #tpu.memory_space<vmem>>
        %dma_wait3A_117 = tpu.memref_squeeze %dma_wait3A_116 : memref<1x128x128xbf16, #tpu.memory_space<vmem>> -> memref<128x128xbf16, #tpu.memory_space<vmem>>
        %dma_wait3A_118 = arith.constant 0 : i32
        %dma_wait3A_119 = tpu.memref_slice %arg10[%add3A_97, %dma_wait3A_118] : memref<10000x128xbf16, #tpu.memory_space<hbm>> -> memref<128x128xbf16, #tpu.memory_space<hbm>>
        %dma_wait3A_120 = arith.constant 0 : i32
        %dma_wait3A_121 = tpu.memref_slice %arg10[%add3A_97, %dma_wait3A_120] : memref<10000x128xbf16, #tpu.memory_space<hbm>> -> memref<128x128xbf16, #tpu.memory_space<hbm>>
        %dma_wait3A_122 = arith.constant 0 : i32
        %dma_wait3A_123 = arith.constant 0 : i32
        %dma_wait3A_124 = tpu.memref_slice %arg14[%run_scoped3A_98, %dma_wait3A_122, %dma_wait3A_123] : memref<5x128x128xbf16, #tpu.memory_space<vmem>> -> memref<1x128x128xbf16, #tpu.memory_space<vmem>>
        %dma_wait3A_125 = tpu.memref_squeeze %dma_wait3A_124 : memref<1x128x128xbf16, #tpu.memory_space<vmem>> -> memref<128x128xbf16, #tpu.memory_space<vmem>>
        tpu.wait_dma2 semaphore(%run_scoped3A_103 : memref<!tpu.dma_semaphore, #tpu.memory_space<semaphore_mem>>) src(%dma_wait3A_125 : memref<128x128xbf16, #tpu.memory_space<vmem>>) dst(%dma_wait3A_121 : memref<128x128xbf16, #tpu.memory_space<hbm>>)
        tpu.yield
      }) : () -> ()
      %add3A_99 = arith.constant 512 : i32
      %add3A_100 = arith.addi %mul3A_52, %add3A_99 : i32
      "tpu.region"() ({
        %run_scoped3A_103 = tpu.sem_alloc : memref<!tpu.dma_semaphore, #tpu.memory_space<semaphore_mem>>
        %dma_start3A = arith.constant 0 : i32
        %dma_start3A_104 = tpu.memref_slice %arg18[%add3A_100, %dma_start3A] : memref<10112x8xf32, #tpu.memory_space<vmem_shared>> -> memref<128x8xf32, #tpu.memory_space<vmem_shared>>
        %dma_start3A_105 = arith.constant 0 : i32
        %dma_start3A_106 = tpu.memref_slice %arg18[%add3A_100, %dma_start3A_105] : memref<10112x8xf32, #tpu.memory_space<vmem_shared>> -> memref<128x8xf32, #tpu.memory_space<vmem_shared>>
        tpu.enqueue_dma source(%dma_start3A_106 : memref<128x8xf32, #tpu.memory_space<vmem_shared>>) target(%arg16 : memref<128x8xf32, #tpu.memory_space<vmem>>) target_semaphore(%run_scoped3A_103 : memref<!tpu.dma_semaphore, #tpu.memory_space<semaphore_mem>>)
        %dma_wait3A = arith.constant 0 : i32
        %dma_wait3A_107 = tpu.memref_slice %arg18[%add3A_100, %dma_wait3A] : memref<10112x8xf32, #tpu.memory_space<vmem_shared>> -> memref<128x8xf32, #tpu.memory_space<vmem_shared>>
        %dma_wait3A_108 = arith.constant 0 : i32
        %dma_wait3A_109 = tpu.memref_slice %arg18[%add3A_100, %dma_wait3A_108] : memref<10112x8xf32, #tpu.memory_space<vmem_shared>> -> memref<128x8xf32, #tpu.memory_space<vmem_shared>>
        tpu.wait_dma2 semaphore(%run_scoped3A_103 : memref<!tpu.dma_semaphore, #tpu.memory_space<semaphore_mem>>) src(%dma_wait3A_109 : memref<128x8xf32, #tpu.memory_space<vmem_shared>>) dst(%arg16 : memref<128x8xf32, #tpu.memory_space<vmem>>)
        tpu.yield
      }) : () -> ()
      %add3A_101 = arith.constant 512 : i32
      %add3A_102 = arith.addi %mul3A_52, %add3A_101 : i32
      "tpu.region"() ({
        %run_scoped3A_103 = tpu.sem_alloc : memref<!tpu.dma_semaphore, #tpu.memory_space<semaphore_mem>>
        %dma_start3A = arith.constant 0 : i32
        %dma_start3A_104 = tpu.memref_slice %arg11[%add3A_102, %dma_start3A] : memref<10000x8xf32, #tpu.memory_space<hbm>> -> memref<128x8xf32, #tpu.memory_space<hbm>>
        %dma_start3A_105 = arith.constant 0 : i32
        %dma_start3A_106 = tpu.memref_slice %arg11[%add3A_102, %dma_start3A_105] : memref<10000x8xf32, #tpu.memory_space<hbm>> -> memref<128x8xf32, #tpu.memory_space<hbm>>
        tpu.enqueue_dma source(%arg16 : memref<128x8xf32, #tpu.memory_space<vmem>>) target(%dma_start3A_106 : memref<128x8xf32, #tpu.memory_space<hbm>>) target_semaphore(%run_scoped3A_103 : memref<!tpu.dma_semaphore, #tpu.memory_space<semaphore_mem>>)
        %dma_wait3A = arith.constant 0 : i32
        %dma_wait3A_107 = tpu.memref_slice %arg11[%add3A_102, %dma_wait3A] : memref<10000x8xf32, #tpu.memory_space<hbm>> -> memref<128x8xf32, #tpu.memory_space<hbm>>
        %dma_wait3A_108 = arith.constant 0 : i32
        %dma_wait3A_109 = tpu.memref_slice %arg11[%add3A_102, %dma_wait3A_108] : memref<10000x8xf32, #tpu.memory_space<hbm>> -> memref<128x8xf32, #tpu.memory_space<hbm>>
        tpu.wait_dma2 semaphore(%run_scoped3A_103 : memref<!tpu.dma_semaphore, #tpu.memory_space<semaphore_mem>>) src(%arg16 : memref<128x8xf32, #tpu.memory_space<vmem>>) dst(%dma_wait3A_109 : memref<128x8xf32, #tpu.memory_space<hbm>>)
        tpu.yield
      }) : () -> ()
    } else {
    }
    return
  }
}

module attributes {stable_mosaic.version = 14 : i64} {
  func.func @_tc_kernel_body(%arg0: i32, %arg1: memref<1000x128xbf16, #tpu.memory_space<vmem>>, %arg2: memref<1000x8xf32, #tpu.memory_space<vmem>>, %arg3: memref<128x128xf32, #tpu.memory_space<vmem>>, %arg4: memref<1000x128xbf16, #tpu.memory_space<vmem>>, %arg5: memref<1000x8xf32, #tpu.memory_space<vmem>>, %arg6: memref<128x128xf32, #tpu.memory_space<vmem>>, %arg7: memref<1000x128xf32, #tpu.memory_space<vmem>>, %arg8: memref<1000x128xf32, #tpu.memory_space<vmem>>) attributes {dimension_semantics = [#tpu.dimension_semantics<arbitrary>], iteration_bounds = array<i64: 10>, scalar_prefetch = 0 : i64, scratch_operands = 0 : i64, tpu.core_type = #tpu.core_type<tc>, window_params = [{transform_indices = @transform_0, window_bounds = array<i64: 1000, 128>}, {transform_indices = @transform_1, window_bounds = array<i64: 1000, 8>}, {pipeline_mode = #tpu.pipeline_mode<synchronous>, transform_indices = @transform_2, window_bounds = array<i64: 128, 128>}, {transform_indices = @transform_3, window_bounds = array<i64: 1000, 128>}, {transform_indices = @transform_4, window_bounds = array<i64: 1000, 8>}, {pipeline_mode = #tpu.pipeline_mode<synchronous>, transform_indices = @transform_5, window_bounds = array<i64: 128, 128>}, {transform_indices = @transform_6, window_bounds = array<i64: 1000, 128>}, {transform_indices = @transform_7, window_bounds = array<i64: 1000, 128>}]} {
    %get3A = arith.constant 0 : index
    %get3A_0 = arith.constant 0 : index
    %get3A_1 = vector.load %arg2[%get3A, %get3A_0] : memref<1000x8xf32, #tpu.memory_space<vmem>>, vector<1000x8xf32>
    %slice3A = vector.extract_strided_slice %get3A_1 {offsets = [0, 0], sizes = [1000, 1], strides = [1, 1]} : vector<1000x8xf32> to vector<1000x1xf32>
    %max3A = arith.constant 1.000000e+00 : f32
    %max3A_2 = vector.broadcast %max3A : f32 to vector<1000x1xf32>
    %max3A_3 = arith.maximumf %slice3A, %max3A_2 : vector<1000x1xf32>
    %div3A = arith.constant 1.000000e+00 : f32
    %div3A_4 = vector.broadcast %div3A : f32 to vector<1000x1xf32>
    %div3A_5 = arith.divf %div3A_4, %max3A_3 : vector<1000x1xf32>
    %get3A_6 = arith.constant 0 : index
    %get3A_7 = arith.constant 0 : index
    %get3A_8 = vector.load %arg1[%get3A_6, %get3A_7] : memref<1000x128xbf16, #tpu.memory_space<vmem>>, vector<1000x128xbf16>
    %convert_element_type3A = arith.extf %get3A_8 : vector<1000x128xbf16> to vector<1000x128xf32>
    %mul3A = vector.broadcast %div3A_5 : vector<1000x1xf32> to vector<1000x128xf32>
    %mul3A_9 = arith.mulf %convert_element_type3A, %mul3A : vector<1000x128xf32>
    %get3A_10 = arith.constant 0 : index
    %get3A_11 = arith.constant 0 : index
    %get3A_12 = vector.load %arg3[%get3A_10, %get3A_11] : memref<128x128xf32, #tpu.memory_space<vmem>>, vector<128x128xf32>
    %dot_general3A = arith.constant dense<0.000000e+00> : vector<1000x128xf32>
    %dot_general3A_13 = tpu.matmul %mul3A_9, %get3A_12, %dot_general3A {dimension_numbers = #tpu.dot_dimension_numbers<[1], [0], [0], [1], [0, 0, 1, 1], [], []>, transpose_lhs_hint = false} : vector<1000x128xf32>, vector<128x128xf32>, vector<1000x128xf32> -> vector<1000x128xf32>
    %swap3A = arith.constant 0 : index
    %swap3A_14 = arith.constant 0 : index
    %swap3A_15 = vector.load %arg7[%swap3A, %swap3A_14] : memref<1000x128xf32, #tpu.memory_space<vmem>>, vector<1000x128xf32>
    tpu.vector_store %arg7[%swap3A, %swap3A_14], %dot_general3A_13 {strides = array<i32>} : memref<1000x128xf32, #tpu.memory_space<vmem>>, vector<1000x128xf32>,
    %get3A_16 = arith.constant 0 : index
    %get3A_17 = arith.constant 0 : index
    %get3A_18 = vector.load %arg5[%get3A_16, %get3A_17] : memref<1000x8xf32, #tpu.memory_space<vmem>>, vector<1000x8xf32>
    %slice3A_19 = vector.extract_strided_slice %get3A_18 {offsets = [0, 0], sizes = [1000, 1], strides = [1, 1]} : vector<1000x8xf32> to vector<1000x1xf32>
    %max3A_20 = arith.constant 1.000000e+00 : f32
    %max3A_21 = vector.broadcast %max3A_20 : f32 to vector<1000x1xf32>
    %max3A_22 = arith.maximumf %slice3A_19, %max3A_21 : vector<1000x1xf32>
    %div3A_23 = arith.constant 1.000000e+00 : f32
    %div3A_24 = vector.broadcast %div3A_23 : f32 to vector<1000x1xf32>
    %div3A_25 = arith.divf %div3A_24, %max3A_22 : vector<1000x1xf32>
    %get3A_26 = arith.constant 0 : index
    %get3A_27 = arith.constant 0 : index
    %get3A_28 = vector.load %arg4[%get3A_26, %get3A_27] : memref<1000x128xbf16, #tpu.memory_space<vmem>>, vector<1000x128xbf16>
    %convert_element_type3A_29 = arith.extf %get3A_28 : vector<1000x128xbf16> to vector<1000x128xf32>
    %mul3A_30 = vector.broadcast %div3A_25 : vector<1000x1xf32> to vector<1000x128xf32>
    %mul3A_31 = arith.mulf %convert_element_type3A_29, %mul3A_30 : vector<1000x128xf32>
    %get3A_32 = arith.constant 0 : index
    %get3A_33 = arith.constant 0 : index
    %get3A_34 = vector.load %arg6[%get3A_32, %get3A_33] : memref<128x128xf32, #tpu.memory_space<vmem>>, vector<128x128xf32>
    %dot_general3A_35 = arith.constant dense<0.000000e+00> : vector<1000x128xf32>
    %dot_general3A_36 = tpu.matmul %mul3A_31, %get3A_34, %dot_general3A_35 {dimension_numbers = #tpu.dot_dimension_numbers<[1], [0], [0], [1], [0, 0, 1, 1], [], []>, transpose_lhs_hint = false} : vector<1000x128xf32>, vector<128x128xf32>, vector<1000x128xf32> -> vector<1000x128xf32>
    %swap3A_37 = arith.constant 0 : index
    %swap3A_38 = arith.constant 0 : index
    %swap3A_39 = vector.load %arg8[%swap3A_37, %swap3A_38] : memref<1000x128xf32, #tpu.memory_space<vmem>>, vector<1000x128xf32>
    tpu.vector_store %arg8[%swap3A_37, %swap3A_38], %dot_general3A_36 {strides = array<i32>} : memref<1000x128xf32, #tpu.memory_space<vmem>>, vector<1000x128xf32>,
    return
  }
  func.func @transform_0(%arg0: i32) -> (i32, i32) {
    %c0_i32 = arith.constant 0 : i32
    %c0_i32_0 = arith.constant 0 : i32
    return %arg0, %c0_i32 : i32, i32
  }
  func.func @transform_1(%arg0: i32) -> (i32, i32) {
    %c0_i32 = arith.constant 0 : i32
    %c0_i32_0 = arith.constant 0 : i32
    return %arg0, %c0_i32 : i32, i32
  }
  func.func @transform_2(%arg0: i32) -> (i32, i32) {
    %c0_i32 = arith.constant 0 : i32
    %c0_i32_0 = arith.constant 0 : i32
    %c0_i32_1 = arith.constant 0 : i32
    return %c0_i32, %c0_i32_0 : i32, i32
  }
  func.func @transform_3(%arg0: i32) -> (i32, i32) {
    %c0_i32 = arith.constant 0 : i32
    %c0_i32_0 = arith.constant 0 : i32
    return %arg0, %c0_i32 : i32, i32
  }
  func.func @transform_4(%arg0: i32) -> (i32, i32) {
    %c0_i32 = arith.constant 0 : i32
    %c0_i32_0 = arith.constant 0 : i32
    return %arg0, %c0_i32 : i32, i32
  }
  func.func @transform_5(%arg0: i32) -> (i32, i32) {
    %c0_i32 = arith.constant 0 : i32
    %c0_i32_0 = arith.constant 0 : i32
    %c0_i32_1 = arith.constant 0 : i32
    return %c0_i32, %c0_i32_0 : i32, i32
  }
  func.func @transform_6(%arg0: i32) -> (i32, i32) {
    %c0_i32 = arith.constant 0 : i32
    %c0_i32_0 = arith.constant 0 : i32
    return %arg0, %c0_i32 : i32, i32
  }
  func.func @transform_7(%arg0: i32) -> (i32, i32) {
    %c0_i32 = arith.constant 0 : i32
    %c0_i32_0 = arith.constant 0 : i32
    return %arg0, %c0_i32 : i32, i32
  }
}

</mosaic_0001>

<sc_bundles>
// kernel: kernel.4.cloned.1.call-start
scs
__scs_entry_jumppad:
0x0: {  	(pc) =	sbr.rel $0x88, $3  }
0x1: {  	(tag) =	ssettag $0x0;
	lr =	simm.s32 $0x1  }
0x2: {  	[smem:$0x3F9B] =	sst lr;
	_ =	strace $0xD0000000  }
0x3: {  	_ = 	snop  }
0x4: {  	_ = 	snop  }
0x5: {  	_ = 	snop  }
0x6: {  	_ = 	snop  }
0x7: {  	_ = 	snop  }
__scs_overlays_trampoline_lowered:
0x8: {  	[smem:$0x3FAA] =	sst s0  }
0x9: {  	[smem:$0x3FAB] =	sst s1  }
0xa: {  	[smem:$0x3FAC] =	sst s2  }
0xb: {  	[smem:$0x3FAD] =	sst s3  }
0xc: {  	[smem:$0x3FAE] =	sst s4  }
0xd: {  	[smem:$0x3FAF] =	sst s5  }
0xe: {  	[smem:$0x3FB0] =	sst s6  }
0xf: {  	[smem:$0x3FB1] =	sst s7  }
0x10: {  	[smem:$0x3FB2] =	sst s8  }
0x11: {  	[smem:$0x3FB3] =	sst s9;
	s0 =	simm.s32 @!p0 $0x0  }
0x12: {  	s1 =	sld [smem:$0x3F99];
	s0 =	simm.s32 @p0 $0x1  }
0x13: {  	[smem:$0x3FB4] =	sst s0;
	s0 =	simm.s32 @!p1 $0x0  }
0x14: {  	s2 =	sld [smem:$0x3F98];
	s0 =	simm.s32 @p1 $0x1  }
0x15: {  	[smem:$0x3FB5] =	sst s0;
	s0 =	simm.s32 @!p2 $0x0  }
0x16: {  	s3 =	sld [smem:$0x3FDB];
	s0 =	simm.s32 @p2 $0x1  }
0x17: {  	s4 =	simm.s32 $0x1BF5;
	[smem:$0x3FB7] =	sst s0  }
0x18: {  	s0 =	sld [smem:$0x3F9A];
	_ =	swait.ge [sflag:s4], $0x0  }
0x19: {  	s7 =	sld [smem:$0x3F9B]  }
0x1a: {  	s8 =	sadd.s32 $0xFFFFE003, lr  }
0x1b: {  	s9 =	sadd.s32 $0xFFFFFEF7, lr;
	s5 =	simm.s32 $0xFFFFFFFF;
	p2 =	slt.u32 s8, $0xFFFFF086  }
0x1c: {  	p1 =	slt.u32 s9, $0xF7A;
	s5 =	simm.s32 @!p2 $0x0  }
0x1d: {  	s5 =	simm.s32 @p1 $0x1;
	p0 =	seq.s32 s7, s2  }
0x1e: {  	s7 =	smul.u32 @!p0 $0xF7A, s2;
	p2 =	seq.s32 @!p0 s5, $0x0  }
0x1f: {  	s9 =	smul.u32 $0xF7A, s1;
	s8 =	simm.s32 @!p0 $0x1BF5;
	p2 =	por !p2, p0  }
0x20: {  	[sflag:s8] =	ssyncset.s32 @!p0 $0xFFFFF086;
	s6 =	sadd.s32 @!p0 s3, s7;
	s7 =	simm.s32 @!p0 $0x108  }
0x21: {  	s3 =	sadd.s32 s3, s9;
	s6 =	sadd.s32 @!p0 $0x88, s6;
	s7 =	simm.s32 @p2 $0x1082  }
0x22: {  	[simem:s7], [sflag:s8] =	dma.local @!p0 [hbm:s6], $0xF7A  }
0x23: {  	s9 =	sor.u32 $0xD0000000, s2;
	s6 =	simm.s32 $0x108;
	_ =	swait.ge @!p0 [sflag:s8], $0x0  }
0x24: {  	s3 =	sadd.s32 $0x88, s3;
	s6 =	simm.s32 @!p1 $0x1082;
	[sflag:s4] =	ssyncset.s32 $0xFFFFF086  }
0x25: {  	[simem:s6], [sflag:s4] =	dma.local [hbm:s3], $0xF7A  }
0x26: {  	[smem:$0x3F9B] =	sst s1;
	(tag) =	ssettag s2;
	_ =	strace s9  }
0x27: {  	s1 =	sld [smem:$0x3FAB]  }
0x28: {  	s2 =	sld [smem:$0x3FAC]  }
0x29: {  	s4 =	sld [smem:$0x3FAE]  }
0x2a: {  	p0 =	seq.s32 s5, $0x0;
	s5 =	sld [smem:$0x3FAF]  }
0x2b: {  	s6 =	sld [smem:$0x3FB0]  }
0x2c: {  	s7 =	sld [smem:$0x3FB1]  }
0x2d: {  	s3 =	simm.s32 $0x108;
	s8 =	sld [smem:$0x3FB2]  }
0x2e: {  	s3 =	simm.s32 @!p0 $0x1082;
	s9 =	sld [smem:$0x3FB3]  }
0x2f: {  	lr =	sadd.s32 s0, s3;
	s0 =	sld [smem:$0x3FAA]  }
0x30: {  	s3 =	sld [smem:$0x3FAD]  }
0x31: {  	[smem:$0x3FB6] =	sst s10  }
0x32: {  	s10 =	sld [smem:$0x3FB4];
	_ =	sdelay $0x3  }
0x33: {  	p0 =	seq.s32 s10, $0x1;
	s10 =	sld [smem:$0x3FB6];
	_ =	sdelay $0x3  }
0x34: {  	[smem:$0x3FB6] =	sst s10  }
0x35: {  	s10 =	sld [smem:$0x3FB5];
	_ =	sdelay $0x3  }
0x36: {  	p1 =	seq.s32 s10, $0x1;
	s10 =	sld [smem:$0x3FB6];
	_ =	sdelay $0x3  }
0x37: {  	[smem:$0x3FB6] =	sst s10  }
0x38: {  	s10 =	sld [smem:$0x3FB7]  }
0x39: {  	_ = 	snop;
	(pc) =	sbr.ind lr, $3  }
0x3a: {  	_ = 	snop  }
0x3b: {  	_ = 	snop  }
0x3c: {  	p2 =	seq.s32 s10, $0x1;
	s10 =	sld [smem:$0x3FB6]  }
0x3d: {  	_ =	shalt  }
0x3e: {  	_ =	shalt  }
0x3f: {  	_ =	shalt  }
0x40: {  	_ =	shalt  }
0x41: {  	_ =	shalt  }
0x42: {  	_ =	shalt  }
0x43: {  	_ =	shalt  }
0x44: {  	_ =	shalt  }
0x45: {  	_ =	shalt  }
0x46: {  	_ =	shalt  }
0x47: {  	_ =	shalt  }
0x48: {  	_ =	shalt  }
0x49: {  	_ =	shalt  }
0x4a: {  	_ =	shalt  }
0x4b: {  	_ =	shalt  }
0x4c: {  	_ =	shalt  }
0x4d: {  	_ =	shalt  }
0x4e: {  	_ =	shalt  }
0x4f: {  	_ =	shalt  }
0x50: {  	_ =	shalt  }
0x51: {  	_ =	shalt  }
0x52: {  	_ =	shalt  }
0x53: {  	_ =	shalt  }
0x54: {  	_ =	shalt  }
0x55: {  	_ =	shalt  }
0x56: {  	_ =	shalt  }
0x57: {  	_ =	shalt  }
0x58: {  	_ =	shalt  }
0x59: {  	_ =	shalt  }
0x5a: {  	_ =	shalt  }
0x5b: {  	_ =	shalt  }
0x5c: {  	_ =	shalt  }
0x5d: {  	_ =	shalt  }
0x5e: {  	_ =	shalt  }
0x5f: {  	_ =	shalt  }
0x60: {  	_ =	shalt  }
0x61: {  	_ =	shalt  }
0x62: {  	_ =	shalt  }
0x63: {  	_ =	shalt  }
0x64: {  	_ =	shalt  }
0x65: {  	_ =	shalt  }
0x66: {  	_ =	shalt  }
0x67: {  	_ =	shalt  }
0x68: {  	_ =	shalt  }
0x69: {  	_ =	shalt  }
0x6a: {  	_ =	shalt  }
0x6b: {  	_ =	shalt  }
0x6c: {  	_ =	shalt  }
0x6d: {  	_ =	shalt  }
0x6e: {  	_ =	shalt  }
0x6f: {  	_ =	shalt  }
0x70: {  	_ =	shalt  }
0x71: {  	_ =	shalt  }
0x72: {  	_ =	shalt  }
0x73: {  	_ =	shalt  }
0x74: {  	_ =	shalt  }
0x75: {  	_ =	shalt  }
0x76: {  	_ =	shalt  }
0x77: {  	_ =	shalt  }
0x78: {  	_ =	shalt  }
0x79: {  	_ =	shalt  }
0x7a: {  	_ =	shalt  }
0x7b: {  	_ =	shalt  }
0x7c: {  	_ =	shalt  }
0x7d: {  	_ =	shalt  }
0x7e: {  	_ =	shalt  }
0x7f: {  	_ =	shalt  }
0x80: {  	_ =	shalt  }
0x81: {  	_ =	shalt  }
0x82: {  	_ =	shalt  }
0x83: {  	_ =	shalt  }
0x84: {  	_ =	shalt  }
0x85: {  	_ =	shalt  }
0x86: {  	_ =	shalt  }
0x87: {  	_ =	shalt  }
.Lfunc_end0:
.L_simem_size_0:
called_computation_lowered:
.L_overlay_start_0:
0x88: {  	s2 =	sld [smem:$0x3FD9]  }
0x89: {  	s3 =	sld [smem:$0x3FFE];
	_ =	sdelay $0x1  }
0x8a: {  	s1 =	srdreg.scid  }
0x8b: {  	s0 =	sand.u32 $0x1, s1  }
0x8c: {  	s14 =	sshll.u32 s0, $0xA;
	s2 =	sadd.s32 s3, s2  }
0x8d: {  	s2 =	sadd.s32 s2, s14  }
0x8e: {  	[smem:$0x3FC2] =	sst s2  }
0x8f: {  	_ = 	snop  }
0x90: {  	s2 =	sld [smem:$0x3FD0];
	_ =	sdelay $0x2  }
0x91: {  	s15 =	simm.s32 $0xA;
	s4 =	simm.s32 $0x10  }
0x92: {  	[smem:s4], [sflag:s15] =	dma.local [hbm:s2], $0x1  }
0x93: {  	_ =	swait.eq [sflag:s15], $0x1  }
0x94: {  	[sflag:s15] =	ssyncset.done $0x0  }
0x95: {  	s16 =	sld [smem:$0x10];
	[sflag:s15] =	ssyncadd.s32 $0xFFFFFFFF  }
0x96: {  	s17 =	sld [smem:$0x11];
	(tm) =	ssettm $0x1  }
0x97: {  	s18 =	sld [smem:$0x3FFB];
	_ =	sdelay $0x3  }
0x98: {  	_ =	strace s18  }
0x99: {  	s4 =	sld [smem:$0x3FFC];
	_ =	sdelay $0x3  }
0x9a: {  	_ =	strace s4  }
0x9b: {  	s4 =	sld [smem:$0x3FFD];
	_ =	sdelay $0x3  }
0x9c: {  	_ =	strace s4  }
0x9d: {  	_ =	strace $0x8FFFFFFF  }
0x9e: {  	s19 =	sld [smem:$0x3FDB];
	_ =	sdelay $0x1  }
0x9f: {  	s5 =	simm.s32 $_scs_section_size  }
0xa0: {  	s6 =	simm.s32 $_size__tile_overlayer_lowered;
	s7 =	simm.s32 $_tile_overlayer_lowered  }
0xa1: {  	s22 =	simm.s32 $0x1BFF;
	s21 =	sshll.u32 s7, $0x1;
	s4 =	sadd.s32 s5, s19  }
0xa2: {  	s8 =	simm.s32 $0x0;
	s20 =	sshll.u32 s6, $0x1;
	s6 =	sadd.s32 s21, s4  }
0xa3: {  	[timem:s8], [sflag:s22] =	dma.local [hbm:s6], s20  }
0xa4: {  	_ =	swait.ge [sflag:s22], s20  }
0xa5: {  	s5 =	ssub.s32 $0x0, s20;
	[sflag:s22] =	ssyncset.done $0x0  }
0xa6: {  	[sflag:s22] =	ssyncadd.s32 s5;
	_ =	sdelay $0x1  }
0xa7: {  	s23 =	simm.s32 $0x1B8B  }
0xa8: {  	_ =	swait.ge [sflag:s23], $0x1  }
0xa9: {  	[sflag:s23] =	ssyncset.done $0x0  }
0xaa: {  	s25 =	simm.s32 $0x1B8E;
	s24 =	sld [smem:$0x3FFE];
	[sflag:s23] =	ssyncadd.s32 $0xFFFFFFFF  }
0xab: {  	s26 =	simm.s32 $execute0_lowered;
	[smem:$0x3FD2] =	sst s25  }
0xac: {  	s6 =	sshll.u32 s26, $0x1;
	_ =	strace $0x80000046;
	[dreg:$0x1] =	wrdreg $0xFFFFFFFF  }
0xad: {  	s28 =	simm.s32 $_size_execute0_lowered;
	s4 =	sadd.s32 s4, s6;
	[dreg:$0x0] =	wrdreg $0x0  }
0xae: {  	s6 =	sshll.u32 s28, $0x1;
	[dreg:$0x2] =	wrdreg s4  }
0xaf: {  	[dreg:$0x3] =	wrdreg s6  }
0xb0: {  	[dreg:$0x4] =	wrdreg $0xC0  }
0xb1: {  	_ =	task [dreg:s8], $0x5FFFF  }
0xb2: {  	[dreg:$0x1] =	wrdreg $0xFFFFFFFF  }
0xb3: {  	[dreg:$0x0] =	wrdreg $0x60  }
0xb4: {  	[dreg:$0x2] =	wrdreg s17  }
0xb5: {  	[dreg:$0x3] =	wrdreg s16  }
0xb6: {  	[dreg:$0x4] =	wrdreg s24  }
0xb7: {  	[dreg:$0x5] =	wrdreg $0xF8000  }
0xb8: {  	[dreg:$0x6] =	wrdreg $0x196000  }
0xb9: {  	[dreg:$0x7] =	wrdreg $0x9  }
0xba: {  	_ =	task.clear_ibuf [dreg:s8], $0x8FFFF;
	_ =	strace $0x90000046  }
0xbb: {  	s29 =	simm.s32 $0x9;
	_ =	strace $0x80000048  }
0xbc: {  	_ =	swait.ge [sflag:s29], $0x1  }
0xbd: {  	[sflag:s29] =	ssyncadd.s32 $0xFFFFFFFF  }
0xbe: {  	_ =	strace $0x90000048  }
0xbf: {  	_ =	sfence  }
0xc0: {  	s30 =	sld [smem:$0x0];
	_ =	sdelay $0x2  }
0xc1: {  	s31 =	sshll.u32 s1, $0xD;
	s1 =	sshrl.u32 s1, $0x2  }
0xc2: {  	s3 =	sand.u32 $0x4000, s31;
	s1 =	sadd.s32 s1, s30  }
0xc3: {  	s0 =	sor.u32 s3, s0;
	s1 =	sshll.u32 s1, $0x11  }
0xc4: {  	s0 =	sor.u32 s1, s0  }
0xc5: {  	s0 =	sadd.s32 $0x8F2B, s0  }
0xc6: {  	[sflag:s0] =	ssyncadd.remote.s32 $0x1  }
0xc7: {  	_ =	sfence.sel $0xFFFF  }
0xc8: {  	[dreg:$0x0] =	wrdreg $0xFFFFFFFF;
	(pc) =	sbr.abs _section_cstart, $3  }
0xc9: {  	[dreg:$0x1] =	wrdreg $0xFFFFFFFF  }
0xca: {  	_ =	task.clear_ibuf [dreg:s8], $0x2FFFF;
	_ =	strace $0x9FFFFFFF  }
0xcb: {  	(tm) =	ssettm $0x7FFFFFFF  }
tec
execute0_lowered:
.L_overlay_start_1:
0x0: {  	(tag) =	ssettag $0x1  }
0x1: {  	s1 =	rddreg [dreg:$0x0]  }
0x2: {  	s3 =	rddreg [dreg:$0x1]  }
0x3: {  	s0 =	rddreg [dreg:$0x2]  }
0x4: {  	s4 =	rddreg [dreg:$0x3]  }
0x5: {  	s5 =	rddreg [dreg:$0x4];
	s13 =	stileid.u32  }
0x6: {  	s6 =	simm.s32 $0x0;
	s7 =	srdreg.scid;
	s2 =	smul.u32 $0x500, s13  }
0x7: {  	[smem:$0x7FF] =	sst s6;
	s8 =	sadd.s32 $0x14C00, s0;
	s22 =	smul.u32 $0x278, s13  }
0x8: {  	s7 =	sand.u32 $0x1, s7;
	s9 =	sadd.s32 $0x3C000, s0;
	s10 =	smul.u32 $0x27800, s13  }
0x9: {  	s12 =	smul.u32 $0x4F00, s13;
	_ =	strace $0x80000047;
	[dreg:$0x6] =	wrdreg s8  }
0xa: {  	s11 =	sadd.s32 $0x28600, s0;
	s20 =	smul.u32 $0x13800, s13;
	[dreg:$0x7] =	wrdreg s9  }
0xb: {  	s21 =	smul.u32 $0x270, s13;
	s23 =	ssub.s32 $0x2, s7;
	[dreg:$0x8] =	wrdreg s11  }
0xc: {  	p0 =	sne.s32 s7, $0x0;
	s2 =	sadd.s32 s2, s0;
	s24 =	sshrl.u32 s23, $0x1  }
0xd: {  	s0 =	sadd.s32 $0x3E800, s0;
	s25 =	sshrl.u32 s10, $0x2;
	s30 =	sadd.s32 $0x80, s22  }
0xe: {  	s14 =	sadd.s32 $0x100, s22;
	s16 =	sadd.s32 $0x180, s22;
	s8 =	sadd.s32 $0x1F8, s22  }
0xf: {  	s22 =	sshrl.u32 s20, $0x1;
	[dreg:$0x9] =	wrdreg s0;
	s9 =	sadd.s32 s25, s4  }
0x10: {  	s26 =	sshrl.u32 s12, $0x2;
	s7 =	sadd.s32 s22, s4;
	[dreg:$0xa] =	wrdreg s9  }
0x11: {  	s0 =	ssub.s32 s23, s24;
	s25 =	sshrl.u32 s20, $0x4;
	[dreg:$0x14] =	wrdreg s7  }
0x12: {  	s10 =	sshll.u32 s30, $0x3;
	s24 =	sadd.s32 $0x80, s21;
	[dreg:$0x16] =	wrdreg s25  }
0x13: {  	s23 =	smul.u32 $0x1380, s13;
	s13 =	sadd.s32 $0x180, s21;
	[dreg:$0x15] =	wrdreg s24  }
0x14: {  	s15 =	sshll.u32 s14, $0x6;
	s9 =	sadd.s32 s26, s5;
	[dreg:$0x1b] =	wrdreg s13  }
0x15: {  	s19 =	sshll.u32 s8, $0x6;
	s12 =	sadd.s32 s10, s5;
	[dreg:$0xb] =	wrdreg s9  }
0x16: {  	s8 =	sshll.u32 s8, $0x3;
	s10 =	sadd.s32 s15, s4;
	[dreg:$0xd] =	wrdreg s12  }
0x17: {  	s8 =	sadd.s32 s8, s5;
	[dreg:$0xe] =	wrdreg s10  }
0x18: {  	s31 =	simm.s32 $0x4;
	s0 =	smax.u32 s0, $0x1;
	[dreg:$0x13] =	wrdreg s8  }
0x19: {  	s11 =	sshll.u32 s30, $0x6;
	s20 =	sshll.u32 s24, $0x3;
	[smem:$0x7F5] =	sst s0  }
0x1a: {  	s30 =	sshll.u32 s24, $0x6;
	s24 =	sshll.u32 s13, $0x3;
	[smem:$0x7F6] =	sst s20  }
0x1b: {  	s28 =	simm.s32 $0xA;
	s9 =	sadd.s32 s11, s4;
	[smem:$0x7FA] =	sst s24  }
0x1c: {  	s29 =	simm.s32 $0x0;
	s26 =	sadd.s32 s23, s5;
	[dreg:$0xc] =	wrdreg s9  }
0x1d: {  	s17 =	sshll.u32 s16, $0x6;
	s10 =	sshrl.u32 s23, $0x3;
	[dreg:$0x17] =	wrdreg s26  }
0x1e: {  	s18 =	sshll.u32 s16, $0x3;
	s7 =	sadd.s32 s30, s4;
	[dreg:$0x18] =	wrdreg s10  }
0x1f: {  	s15 =	sshll.u32 s13, $0x6;
	s22 =	sadd.s32 s20, s5;
	[dreg:$0x19] =	wrdreg s7  }
0x20: {  	s13 =	simm.s32 $0xE;
	s11 =	sadd.s32 $0x100, s21;
	[smem:$0x7F7] =	sst s22  }
0x21: {  	s20 =	simm.s32 $0x9000;
	[dreg:$0x1a] =	wrdreg s11;
	s23 =	sshll.u32 s11, $0x3  }
0x22: {  	s9 =	sshll.u32 s14, $0x3;
	s26 =	sadd.s32 s24, s5;
	[smem:$0x7F8] =	sst s23  }
0x23: {  	s14 =	sshll.u32 s11, $0x6;
	s9 =	sadd.s32 s9, s5;
	[smem:$0x7FB] =	sst s26  }
0x24: {  	s8 =	simm.s32 $0x5;
	s7 =	sadd.s32 s14, s4;
	[dreg:$0xf] =	wrdreg s9  }
0x25: {  	s24 =	simm.s32 $0xD000;
	s0 =	sadd.s32 s23, s5;
	[dreg:$0x1d] =	wrdreg s7  }
0x26: {  	s10 =	simm.s32 $0x9;
	s9 =	sadd.s32 s17, s4;
	[smem:$0x7F9] =	sst s0  }
0x27: {  	s23 =	simm.s32 $0x1;
	s7 =	sadd.s32 s15, s4;
	[dreg:$0x10] =	wrdreg s9  }
0x28: {  	s26 =	simm.s32 $0x2;
	s9 =	sadd.s32 s18, s5;
	[dreg:$0x1e] =	wrdreg s7  }
0x29: {  	s0 =	simm.s32 $0x8;
	s18 =	sadd.s32 $0xC00, s2;
	[dreg:$0x11] =	wrdreg s9  }
0x2a: {  	s7 =	simm.s32 $0xF;
	s9 =	sadd.s32 s19, s4;
	[smem:$0x7F1] =	sst s18  }
0x2b: {  	s19 =	sadd.s32 $0xAC00, s2;
	s18 =	simm.s32 $0xF400;
	[dreg:$0x12] =	wrdreg s9  }
0x2c: {  	s9 =	sadd.s32 $0x200, s21;
	[smem:$0x7F2] =	sst s19;
	s21 =	sadd.s32 $0x5C00, s2  }
0x2d: {  	s2 =	sadd.s32 $0xFC00, s2;
	s19 =	simm.s32 $0x80;
	[smem:$0x7F3] =	sst s21  }
.Ltmp0:
0x2e: {  	s16 =	sshll.u32 s9, $0x6;
	[smem:$0x7F4] =	sst s2;
	(pc) =	sbr.rel .LBB2_1-.Ltmp0, $4  }
0x2f: {  	[dreg:$0x1c] =	wrdreg s9;
	s25 =	sshll.u32 s9, $0x3;
	s21 =	simm.s32 $0xB000  }
0x30: {  	s2 =	simm.s32 $0xD;
	s17 =	sadd.s32 s16, s4;
	[smem:$0x7FC] =	sst s25  }
0x31: {  	s30 =	sadd.s32 s25, s5;
	s16 =	simm.s32 $0x5000;
	[dreg:$0x1f] =	wrdreg s17  }
0x32: {  	v0 =	vimm.bf16 $0.0e+00;
	v1 =	vimm.f32 $1.000000000e+00;
	v2 =	vimm.f32 $0.0e+00;
	s25 =	simm.s32 $0xF000;
	[smem:$0x7FD] =	sst s30;
	s17 =	simm.s32 $0x10  }
.LBB2_11:
0x33: {  	s12 =	rddreg [dreg:$0x8]  }
0x34: {  	s14 =	sadd.s32 $0x800, s11;
	s30 =	rddreg [dreg:$0x9]  }
.LBB2_12:
0x35: {  	s9 =	sshra.s32 s11, $0x2  }
0x36: {  	s9 =	sadd.s32 $0x2980, s9  }
0x37: {  	[spmem:s4] =	stream.indirect.scatter.add.bf16 [tilespmem:s21], [sflag:$0x9], $0x40, s9, s19, $0xb8;
	[tilespmem:$0x1A9C0] =	vst v63  }
0x38: {  	_ = 	snop  }
0x39: {  	[spmem:s5] =	stream.indirect.scatter.add.f32 [tilespmem:s25], [sflag:$0xE], $0x8, s9, s19, $0xb8;
	[tilespmem:$0x1A9C0] =	vst v63  }
0x3a: {  	_ =	swait.ge [sflag:s8], $0x2000  }
0x3b: {  	s22 =	sshra.s32 s14, $0x2;
	[sflag:s8] =	ssyncset.done $0x0  }
0x3c: {  	s9 =	sadd.s32 $0x2800, s22;
	[sflag:s8] =	ssyncadd.s32 $0xFFFFE000  }
0x3d: {  	[spmem:s4] =	stream.indirect.scatter.add.bf16 [tilespmem:s24], [sflag:$0xA], $0x40, s9, s19, $0xb8;
	[tilespmem:$0x1A9C0] =	vst v63  }
0x3e: {  	s11 =	simm.s32 $0x6  }
0x3f: {  	[spmem:s5] =	stream.indirect.scatter.add.f32 [tilespmem:s25], [sflag:$0xF], $0x8, s9, s19, $0xb8;
	[tilespmem:$0x1A9C0] =	vst v63  }
0x40: {  	_ =	swait.ge [sflag:s11], $0x2000  }
0x41: {  	[sflag:s11] =	ssyncset.done $0x0  }
0x42: {  	s14 =	simm.s32 $0xB;
	[sflag:s11] =	ssyncadd.s32 $0xFFFFE000  }
0x43: {  	_ =	swait.ge [sflag:s14], $0x400  }
0x44: {  	[sflag:s14] =	ssyncset.done $0x0  }
0x45: {  	s15 =	simm.s32 $0x7;
	[sflag:s14] =	ssyncadd.s32 $0xFFFFFC00  }
0x46: {  	_ =	swait.ge [sflag:s15], $0x2000  }
0x47: {  	[sflag:s15] =	ssyncset.done $0x0  }
0x48: {  	s22 =	simm.s32 $0xC;
	[sflag:s15] =	ssyncadd.s32 $0xFFFFE000  }
0x49: {  	_ =	swait.ge [sflag:s22], $0x400  }
0x4a: {  	[sflag:s22] =	ssyncset.done $0x0  }
0x4b: {  	[sflag:s22] =	ssyncadd.s32 $0xFFFFFC00  }
0x4c: {  	_ =	swait.ge [sflag:s0], $0x2000  }
0x4d: {  	[sflag:s0] =	ssyncset.done $0x0  }
0x4e: {  	[sflag:s0] =	ssyncadd.s32 $0xFFFFE000  }
0x4f: {  	_ =	swait.ge [sflag:s2], $0x400  }
0x50: {  	[sflag:s2] =	ssyncset.done $0x0  }
0x51: {  	[sflag:s2] =	ssyncadd.s32 $0xFFFFFC00  }
0x52: {  	_ =	swait.ge [sflag:s10], $0x2000  }
0x53: {  	[sflag:s10] =	ssyncset.done $0x0  }
0x54: {  	[sflag:s10] =	ssyncadd.s32 $0xFFFFE000  }
0x55: {  	_ =	swait.ge [sflag:s13], $0x400  }
0x56: {  	[sflag:s13] =	ssyncset.done $0x0  }
0x57: {  	[sflag:s13] =	ssyncadd.s32 $0xFFFFFC00  }
0x58: {  	_ =	swait.ge [sflag:s28], $0x2000  }
0x59: {  	[sflag:s28] =	ssyncset.done $0x0  }
0x5a: {  	[sflag:s28] =	ssyncadd.s32 $0xFFFFE000  }
0x5b: {  	_ =	swait.ge [sflag:s7], $0x400  }
0x5c: {  	[sflag:s7] =	ssyncset.done $0x0  }
0x5d: {  	[sflag:s7] =	ssyncadd.s32 $0xFFFFFC00  }
0x5e: {  	[bflag:$0x0] =	sbarrier.arrive $0xFFFF  }
0x5f: {  	s11 =	rddreg [dreg:$0x14]  }
0x60: {  	[tilespmem:s16], [sflag:$0x10] =	stream.linear.gather [spmem:s11], $0x2000, $0x38;
	[tilespmem:$0x1A9C0] =	vst v63  }
0x61: {  	_ =	swait.ge [sflag:s17], $0x2000  }
0x62: {  	[sflag:s17] =	ssyncset.done $0x0;
	s14 =	rddreg [dreg:$0x16]  }
0x63: {  	s9 =	sadd.s32 s12, s14;
	[sflag:s17] =	ssyncadd.s32 $0xFFFFE000  }
0x64: {  	[hbm4b:s9+s6] =	stream.linear.scatter [tilespmem:s16], [sflag:$0x10], $0x2000, $0x38;
	[tilespmem:$0x1A9C0] =	vst v63  }
0x65: {  	_ =	swait.ge [sflag:s17], $0x2000  }
0x66: {  	[sflag:s17] =	ssyncset.done $0x0  }
0x67: {  	s15 =	rddreg [dreg:$0x17];
	[sflag:s17] =	ssyncadd.s32 $0xFFFFE000  }
0x68: {  	[tilespmem:s18], [sflag:$0x10] =	stream.linear.gather [spmem:s15], $0x400, $0x38;
	[tilespmem:$0x1A9C0] =	vst v63  }
0x69: {  	_ =	swait.ge [sflag:s17], $0x400  }
0x6a: {  	[sflag:s17] =	ssyncset.done $0x0;
	s22 =	rddreg [dreg:$0x18]  }
0x6b: {  	s9 =	sadd.s32 s30, s22;
	[sflag:s17] =	ssyncadd.s32 $0xFFFFFC00  }
0x6c: {  	[hbm4b:s9+s6] =	stream.linear.scatter [tilespmem:s18], [sflag:$0x10], $0x400, $0x38;
	[tilespmem:$0x1A9C0] =	vst v63  }
0x6d: {  	_ =	swait.ge [sflag:s17], $0x400  }
0x6e: {  	[sflag:s17] =	ssyncset.done $0x0  }
0x6f: {  	s11 =	rddreg [dreg:$0x19];
	[sflag:s17] =	ssyncadd.s32 $0xFFFFFC00  }
0x70: {  	[tilespmem:s16], [sflag:$0x10] =	stream.linear.gather [spmem:s11], $0x2000, $0x38;
	[tilespmem:$0x1A9C0] =	vst v63  }
0x71: {  	_ =	swait.ge [sflag:s17], $0x2000  }
0x72: {  	s14 =	sld [smem:$0x7F6];
	_ =	sdelay $0x1  }
0x73: {  	[sflag:s17] =	ssyncset.done $0x0  }
0x74: {  	[sflag:s17] =	ssyncadd.s32 $0xFFFFE000;
	s9 =	sadd.s32 s12, s14  }
0x75: {  	[hbm4b:s9+s6] =	stream.linear.scatter [tilespmem:s16], [sflag:$0x10], $0x2000, $0x38;
	[tilespmem:$0x1A9C0] =	vst v63  }
0x76: {  	_ =	swait.ge [sflag:s17], $0x2000  }
0x77: {  	s15 =	sld [smem:$0x7F7]  }
0x78: {  	[sflag:s17] =	ssyncset.done $0x0  }
0x79: {  	[sflag:s17] =	ssyncadd.s32 $0xFFFFE000  }
0x7a: {  	[tilespmem:s18], [sflag:$0x10] =	stream.linear.gather [spmem:s15], $0x400, $0x38;
	[tilespmem:$0x1A9C0] =	vst v63  }
0x7b: {  	_ =	swait.ge [sflag:s17], $0x400  }
0x7c: {  	[sflag:s17] =	ssyncset.done $0x0;
	s22 =	rddreg [dreg:$0x15]  }
0x7d: {  	s9 =	sadd.s32 s30, s22;
	[sflag:s17] =	ssyncadd.s32 $0xFFFFFC00  }
0x7e: {  	[hbm4b:s9+s6] =	stream.linear.scatter [tilespmem:s18], [sflag:$0x10], $0x400, $0x38;
	[tilespmem:$0x1A9C0] =	vst v63  }
0x7f: {  	_ =	swait.ge [sflag:s17], $0x400  }
0x80: {  	[sflag:s17] =	ssyncset.done $0x0  }
0x81: {  	s11 =	rddreg [dreg:$0x1d];
	[sflag:s17] =	ssyncadd.s32 $0xFFFFFC00  }
0x82: {  	[tilespmem:s16], [sflag:$0x10] =	stream.linear.gather [spmem:s11], $0x2000, $0x38;
	[tilespmem:$0x1A9C0] =	vst v63  }
0x83: {  	_ =	swait.ge [sflag:s17], $0x2000  }
0x84: {  	s14 =	sld [smem:$0x7F8];
	_ =	sdelay $0x1  }
0x85: {  	[sflag:s17] =	ssyncset.done $0x0  }
0x86: {  	[sflag:s17] =	ssyncadd.s32 $0xFFFFE000;
	s9 =	sadd.s32 s12, s14  }
0x87: {  	[hbm4b:s9+s6] =	stream.linear.scatter [tilespmem:s16], [sflag:$0x10], $0x2000, $0x38;
	[tilespmem:$0x1A9C0] =	vst v63  }
0x88: {  	_ =	swait.ge [sflag:s17], $0x2000  }
0x89: {  	s15 =	sld [smem:$0x7F9]  }
0x8a: {  	[sflag:s17] =	ssyncset.done $0x0  }
0x8b: {  	[sflag:s17] =	ssyncadd.s32 $0xFFFFE000  }
0x8c: {  	[tilespmem:s18], [sflag:$0x10] =	stream.linear.gather [spmem:s15], $0x400, $0x38;
	[tilespmem:$0x1A9C0] =	vst v63  }
0x8d: {  	_ =	swait.ge [sflag:s17], $0x400  }
0x8e: {  	[sflag:s17] =	ssyncset.done $0x0;
	s22 =	rddreg [dreg:$0x1a]  }
0x8f: {  	s9 =	sadd.s32 s30, s22;
	[sflag:s17] =	ssyncadd.s32 $0xFFFFFC00  }
0x90: {  	[hbm4b:s9+s6] =	stream.linear.scatter [tilespmem:s18], [sflag:$0x10], $0x400, $0x38;
	[tilespmem:$0x1A9C0] =	vst v63  }
0x91: {  	_ =	swait.ge [sflag:s17], $0x400  }
0x92: {  	[sflag:s17] =	ssyncset.done $0x0  }
0x93: {  	s11 =	rddreg [dreg:$0x1e];
	[sflag:s17] =	ssyncadd.s32 $0xFFFFFC00  }
0x94: {  	[tilespmem:s16], [sflag:$0x10] =	stream.linear.gather [spmem:s11], $0x2000, $0x38;
	[tilespmem:$0x1A9C0] =	vst v63  }
0x95: {  	_ =	swait.ge [sflag:s17], $0x2000  }
0x96: {  	s14 =	sld [smem:$0x7FA];
	_ =	sdelay $0x1  }
0x97: {  	[sflag:s17] =	ssyncset.done $0x0  }
0x98: {  	[sflag:s17] =	ssyncadd.s32 $0xFFFFE000;
	s9 =	sadd.s32 s12, s14  }
0x99: {  	[hbm4b:s9+s6] =	stream.linear.scatter [tilespmem:s16], [sflag:$0x10], $0x2000, $0x38;
	[tilespmem:$0x1A9C0] =	vst v63  }
0x9a: {  	_ =	swait.ge [sflag:s17], $0x2000  }
0x9b: {  	s15 =	sld [smem:$0x7FB]  }
0x9c: {  	[sflag:s17] =	ssyncset.done $0x0  }
0x9d: {  	[sflag:s17] =	ssyncadd.s32 $0xFFFFE000  }
0x9e: {  	[tilespmem:s18], [sflag:$0x10] =	stream.linear.gather [spmem:s15], $0x400, $0x38;
	[tilespmem:$0x1A9C0] =	vst v63  }
0x9f: {  	_ =	swait.ge [sflag:s17], $0x400  }
0xa0: {  	[sflag:s17] =	ssyncset.done $0x0;
	s22 =	rddreg [dreg:$0x1b]  }
0xa1: {  	s9 =	sadd.s32 s30, s22;
	[sflag:s17] =	ssyncadd.s32 $0xFFFFFC00  }
0xa2: {  	[hbm4b:s9+s6] =	stream.linear.scatter [tilespmem:s18], [sflag:$0x10], $0x400, $0x38;
	[tilespmem:$0x1A9C0] =	vst v63  }
0xa3: {  	_ =	swait.ge [sflag:s17], $0x400  }
0xa4: {  	[sflag:s17] =	ssyncset.done $0x0  }
0xa5: {  	s11 =	rddreg [dreg:$0x1f];
	[sflag:s17] =	ssyncadd.s32 $0xFFFFFC00  }
0xa6: {  	[tilespmem:s16], [sflag:$0x10] =	stream.linear.gather [spmem:s11], $0x2000, $0x38;
	[tilespmem:$0x1A9C0] =	vst v63  }
0xa7: {  	_ =	swait.ge [sflag:s17], $0x2000  }
0xa8: {  	s14 =	sld [smem:$0x7FC];
	_ =	sdelay $0x1  }
0xa9: {  	[sflag:s17] =	ssyncset.done $0x0  }
0xaa: {  	[sflag:s17] =	ssyncadd.s32 $0xFFFFE000;
	s9 =	sadd.s32 s12, s14  }
0xab: {  	[hbm4b:s9+s6] =	stream.linear.scatter [tilespmem:s16], [sflag:$0x10], $0x2000, $0x38;
	[tilespmem:$0x1A9C0] =	vst v63  }
0xac: {  	_ =	swait.ge [sflag:s17], $0x2000  }
0xad: {  	s15 =	sld [smem:$0x7FD]  }
0xae: {  	[sflag:s17] =	ssyncset.done $0x0  }
0xaf: {  	[sflag:s17] =	ssyncadd.s32 $0xFFFFE000  }
0xb0: {  	[tilespmem:s18], [sflag:$0x10] =	stream.linear.gather [spmem:s15], $0x400, $0x38;
	[tilespmem:$0x1A9C0] =	vst v63  }
0xb1: {  	_ =	swait.ge [sflag:s17], $0x400  }
0xb2: {  	[sflag:s17] =	ssyncset.done $0x0;
	s22 =	rddreg [dreg:$0x1c]  }
0xb3: {  	s9 =	sadd.s32 s30, s22;
	[sflag:s17] =	ssyncadd.s32 $0xFFFFFC00  }
0xb4: {  	[hbm4b:s9+s6] =	stream.linear.scatter [tilespmem:s18], [sflag:$0x10], $0x400, $0x38;
	[tilespmem:$0x1A9C0] =	vst v63  }
0xb5: {  	_ =	swait.ge [sflag:s17], $0x400  }
0xb6: {  	s30 =	sld [smem:$0x7F5];
	_ =	sdelay $0x1  }
0xb7: {  	s29 =	sadd.s32 $0x1, s29  }
0xb8: {  	p1 =	sne.s32 s29, s30  }
.Ltmp1:
0xb9: {  	_ = 	snop;
	(pc) =	sbr.rel @!p1 .LBB2_13-.Ltmp1, $3  }
0xba: {  	_ =	sdelay $0x1  }
0xbb: {  	[sflag:s17] =	ssyncset.done $0x0  }
0xbc: {  	[sflag:s17] =	ssyncadd.s32 $0xFFFFFC00  }
.LBB2_1:
0xbd: {  	s11 =	simm.s32 $0x5020  }
0xbe: {  	[tilespmem:s11+$0xFFFFFFE0] =	vst v0  }
0xbf: {  	[tilespmem:s11+$0x10] =	vst v0  }
0xc0: {  	[tilespmem:s11+$0x0] =	vst v0  }
0xc1: {  	s12 =	simm.s32 $0x20;
	s30 =	simm.s32 $0x0;
	[tilespmem:s11+$0xFFFFFFF0] =	vst v0  }
.LBB2_2:
0xc2: {  	p1 =	sne.s32 s12, $0xFE0  }
0xc3: {  	[tilespmem:s30+$0xF000] =	vst.msk $0xff, v1;
	s11 =	sadd.s32 $0x40, s11;
	s14 =	smov.u32 s12;
	s12 =	sadd.s32 $0x20, s12  }
.Ltmp2:
0xc4: {  	[tilespmem:s30+$0xF400] =	vst.msk $0xff, v2;
	(pc) =	sbr.rel @p1 .LBB2_2-.Ltmp2, $4  }
0xc5: {  	[tilespmem:s11+$0xFFFFFFE0] =	vst v0  }
0xc6: {  	[tilespmem:s11+$0x10] =	vst v0  }
0xc7: {  	[tilespmem:s11+$0x0] =	vst v0  }
0xc8: {  	s30 =	sshra.s32 s14, $0x2;
	[tilespmem:s11+$0xFFFFFFF0] =	vst v0  }
0xc9: {  	[tilespmem:s30+$0xF000] =	vst.msk $0xff, v1  }
0xca: {  	[tilespmem:s30+$0xF400] =	vst.msk $0xff, v2;
	s9 =	rddreg [dreg:$0xa]  }
0xcb: {  	[spmem:s9] =	stream.linear.scatter [tilespmem:s16], [sflag:$0x10], $0x2000, $0x38;
	[tilespmem:$0x1A9C0] =	vst v63  }
0xcc: {  	_ =	swait.ge [sflag:s17], $0x2000  }
0xcd: {  	[sflag:s17] =	ssyncset.done $0x0  }
0xce: {  	s15 =	rddreg [dreg:$0xb];
	[sflag:s17] =	ssyncadd.s32 $0xFFFFE000  }
0xcf: {  	[spmem:s15] =	stream.linear.scatter [tilespmem:s18], [sflag:$0x10], $0x400, $0x38;
	[tilespmem:$0x1A9C0] =	vst v63  }
0xd0: {  	_ =	swait.ge [sflag:s17], $0x400  }
0xd1: {  	[sflag:s17] =	ssyncset.done $0x0  }
0xd2: {  	s22 =	rddreg [dreg:$0xc];
	[sflag:s17] =	ssyncadd.s32 $0xFFFFFC00  }
0xd3: {  	[spmem:s22] =	stream.linear.scatter [tilespmem:s16], [sflag:$0x10], $0x2000, $0x38;
	[tilespmem:$0x1A9C0] =	vst v63  }
0xd4: {  	_ =	swait.ge [sflag:s17], $0x2000  }
0xd5: {  	[sflag:s17] =	ssyncset.done $0x0  }
0xd6: {  	s30 =	rddreg [dreg:$0xd];
	[sflag:s17] =	ssyncadd.s32 $0xFFFFE000  }
0xd7: {  	[spmem:s30] =	stream.linear.scatter [tilespmem:s18], [sflag:$0x10], $0x400, $0x38;
	[tilespmem:$0x1A9C0] =	vst v63  }
0xd8: {  	_ =	swait.ge [sflag:s17], $0x400  }
0xd9: {  	[sflag:s17] =	ssyncset.done $0x0  }
0xda: {  	s11 =	rddreg [dreg:$0xe];
	[sflag:s17] =	ssyncadd.s32 $0xFFFFFC00  }
0xdb: {  	[spmem:s11] =	stream.linear.scatter [tilespmem:s16], [sflag:$0x10], $0x2000, $0x38;
	[tilespmem:$0x1A9C0] =	vst v63  }
0xdc: {  	_ =	swait.ge [sflag:s17], $0x2000  }
0xdd: {  	[sflag:s17] =	ssyncset.done $0x0  }
0xde: {  	s12 =	rddreg [dreg:$0xf];
	[sflag:s17] =	ssyncadd.s32 $0xFFFFE000  }
0xdf: {  	[spmem:s12] =	stream.linear.scatter [tilespmem:s18], [sflag:$0x10], $0x400, $0x38;
	[tilespmem:$0x1A9C0] =	vst v63  }
0xe0: {  	_ =	swait.ge [sflag:s17], $0x400  }
0xe1: {  	[sflag:s17] =	ssyncset.done $0x0  }
0xe2: {  	s14 =	rddreg [dreg:$0x10];
	[sflag:s17] =	ssyncadd.s32 $0xFFFFFC00  }
0xe3: {  	[spmem:s14] =	stream.linear.scatter [tilespmem:s16], [sflag:$0x10], $0x2000, $0x38;
	[tilespmem:$0x1A9C0] =	vst v63  }
0xe4: {  	_ =	swait.ge [sflag:s17], $0x2000  }
0xe5: {  	[sflag:s17] =	ssyncset.done $0x0  }
0xe6: {  	s15 =	rddreg [dreg:$0x11];
	[sflag:s17] =	ssyncadd.s32 $0xFFFFE000  }
0xe7: {  	[spmem:s15] =	stream.linear.scatter [tilespmem:s18], [sflag:$0x10], $0x400, $0x38;
	[tilespmem:$0x1A9C0] =	vst v63  }
0xe8: {  	_ =	swait.ge [sflag:s17], $0x400  }
0xe9: {  	[sflag:s17] =	ssyncset.done $0x0  }
0xea: {  	s22 =	rddreg [dreg:$0x12];
	[sflag:s17] =	ssyncadd.s32 $0xFFFFFC00  }
0xeb: {  	[spmem:s22] =	stream.linear.scatter [tilespmem:s16], [sflag:$0x10], $0x2000, $0x38;
	[tilespmem:$0x1A9C0] =	vst v63  }
0xec: {  	_ =	swait.ge [sflag:s17], $0x2000  }
0xed: {  	[sflag:s17] =	ssyncset.done $0x0  }
0xee: {  	s30 =	rddreg [dreg:$0x13];
	[sflag:s17] =	ssyncadd.s32 $0xFFFFE000  }
0xef: {  	[spmem:s30] =	stream.linear.scatter [tilespmem:s18], [sflag:$0x10], $0x400, $0x38;
	[tilespmem:$0x1A9C0] =	vst v63  }
.Ltmp3:
0xf0: {  	_ =	swait.ge [sflag:s17], $0x400;
	(pc) =	sbr.rel @p0 .LBB2_7-.Ltmp3, $4  }
0xf1: {  	[sflag:s17] =	ssyncset.done $0x0  }
0xf2: {  	[sflag:s17] =	ssyncadd.s32 $0xFFFFFC00  }
0xf3: {  	[bflag:$0x0] =	sbarrier.arrive $0xFFFF  }
0xf4: {  	s11 =	simm.s32 $0x0  }
0xf5: {  	s9 =	sld [smem:$0x7F3];
	_ =	sdelay $0x2  }
0xf6: {  	[tilespmem:s11], [sflag:$0x10] =	stream.linear.gather [hbm4b:s9+s11], $0x2800, $0x38;
	[tilespmem:$0x1A9C0] =	vst v63  }
0xf7: {  	_ =	swait.ge [sflag:s17], $0x2800  }
0xf8: {  	s14 =	sld [smem:$0x7F4]  }
0xf9: {  	[sflag:s17] =	ssyncset.done $0x0  }
0xfa: {  	s12 =	simm.s32 $0x2800;
	[sflag:s17] =	ssyncadd.s32 $0xFFFFD800  }
0xfb: {  	[tilespmem:s12], [sflag:$0x10] =	stream.linear.gather [hbm4b:s14+s11], $0x2800, $0x38;
	[tilespmem:$0x1A9C0] =	vst v63  }
0xfc: {  	_ =	swait.ge [sflag:s17], $0x2800  }
0xfd: {  	[sflag:s17] =	ssyncset.done $0x0  }
0xfe: {  	[sflag:s17] =	ssyncadd.s32 $0xFFFFD800  }
0xff: {  	[tilespmem:s16], [sflag:$0x1] =	stream.indirect.gather [hbm4b:s1+s19], $0x40, s11, s19, $0xb8;
	[tilespmem:$0x1A9C0] =	vst v63  }
0x100: {  	s15 =	simm.s32 $0x7000  }
0x101: {  	[tilespmem:s15], [sflag:$0x2] =	stream.indirect.gather [hbm4b:s1+s19], $0x40, s19, s19, $0xb8;
	[tilespmem:$0x1A9C0] =	vst v63  }
0x102: {  	s22 =	simm.s32 $0x100  }
0x103: {  	[tilespmem:s20], [sflag:$0x3] =	stream.indirect.gather [hbm4b:s1+s19], $0x40, s22, s19, $0xb8;
	[tilespmem:$0x1A9C0] =	vst v63  }
0x104: {  	s30 =	simm.s32 $0x180  }
0x105: {  	[tilespmem:s21], [sflag:$0x4] =	stream.indirect.gather [hbm4b:s1+s19], $0x40, s30, s19, $0xb8;
	[tilespmem:$0x1A9C0] =	vst v63  }
.LBB2_5:
0x106: {  	_ =	swait.ge [sflag:s23], $0x2000  }
0x107: {  	p1 =	seq.s32 s11, $0x0;
	[sflag:s23] =	ssyncset.done $0x0  }
0x108: {  	s12 =	simm.s32 @!p1 $0xA;
	[sflag:s23] =	ssyncadd.s32 $0xFFFFE000  }
0x109: {  	_ =	swait.ge @!p1 [sflag:s12], $0x2000  }
0x10a: {  	[sflag:s12] =	ssyncset.done @!p1 $0x0  }
0x10b: {  	s14 =	simm.s32 @!p1 $0xF;
	[sflag:s12] =	ssyncadd.s32 @!p1 $0xFFFFE000  }
0x10c: {  	_ =	swait.ge @!p1 [sflag:s14], $0x400  }
0x10d: {  	s12 =	sshra.s32 s11, $0x2;
	[sflag:s14] =	ssyncset.done @!p1 $0x0  }
0x10e: {  	s15 =	sadd.s32 $0x200, s12;
	[sflag:s14] =	ssyncadd.s32 @!p1 $0xFFFFFC00  }
0x10f: {  	[tilespmem:s24], [sflag:$0x5] =	stream.indirect.gather [hbm4b:s1+s19], $0x40, s15, s19, $0xb8;
	[tilespmem:$0x1A9C0] =	vst v63  }
0x110: {  	s22 =	sadd.s32 $0x2800, s12  }
0x111: {  	[spmem:s4] =	stream.indirect.scatter.add.bf16 [tilespmem:s16], [sflag:$0x6], $0x40, s22, s19, $0xb8;
	[tilespmem:$0x1A9C0] =	vst v63  }
0x112: {  	_ = 	snop  }
0x113: {  	[spmem:s5] =	stream.indirect.scatter.add.f32 [tilespmem:s25], [sflag:$0xB], $0x8, s22, s19, $0xb8;
	[tilespmem:$0x1A9C0] =	vst v63  }
0x114: {  	p1 =	seq.s32 s11, $0x9600;
	_ =	swait.ge [sflag:s26], $0x2000  }
0x115: {  	s14 =	sshra.s32 @p1 s11, $0x2;
	s30 =	simm.s32 @p1 $0x80;
	[sflag:s26] =	ssyncset.done $0x0  }
0x116: {  	s15 =	simm.s32 @p1 $0x7000;
	s14 =	sadd.s32 @p1 $0x2880, s14;
	[sflag:s26] =	ssyncadd.s32 $0xFFFFE000  }
0x117: {  	[spmem:s4] =	stream.indirect.scatter.add.bf16 @p1 [tilespmem:s15], [sflag:$0x7], $0x40, s14, s30, $0xb8;
	[tilespmem:$0x1A9C0] =	vst v63  }
0x118: {  	s15 =	simm.s32 @p1 $0xF000  }
0x119: {  	[spmem:s5] =	stream.indirect.scatter.add.f32 @p1 [tilespmem:s15], [sflag:$0xC], $0x8, s14, s30, $0xb8;
	[tilespmem:$0x1A9C0] =	vst v63  }
0x11a: {  	s14 =	simm.s32 @p1 $0x3  }
0x11b: {  	_ =	swait.ge @p1 [sflag:s14], $0x2000  }
0x11c: {  	[sflag:s14] =	ssyncset.done @p1 $0x0  }
0x11d: {  	[sflag:s14] =	ssyncadd.s32 @p1 $0xFFFFE000;
	s14 =	simm.s32 @!p1 $0x6  }
0x11e: {  	_ =	swait.ge @!p1 [sflag:s14], $0x2000  }
0x11f: {  	[sflag:s14] =	ssyncset.done @!p1 $0x0  }
0x120: {  	[sflag:s14] =	ssyncadd.s32 @!p1 $0xFFFFE000;
	s14 =	simm.s32 @!p1 $0xB  }
0x121: {  	_ =	swait.ge @!p1 [sflag:s14], $0x400  }
0x122: {  	[sflag:s14] =	ssyncset.done @!p1 $0x0  }
0x123: {  	[sflag:s14] =	ssyncadd.s32 @!p1 $0xFFFFFC00;
	s14 =	sshra.s32 @!p1 s11, $0x2  }
0x124: {  	s22 =	simm.s32 @!p1 $0x5000;
	s30 =	simm.s32 @!p1 $0x80;
	s15 =	sadd.s32 @!p1 $0x280, s14  }
0x125: {  	[tilespmem:s22], [sflag:$0x1] =	stream.indirect.gather @!p1 [hbm4b:s1+s30], $0x40, s15, s30, $0xb8;
	[tilespmem:$0x1A9C0] =	vst v63  }
0x126: {  	s15 =	sadd.s32 @!p1 $0x2880, s14;
	s22 =	simm.s32 @!p1 $0x7000  }
0x127: {  	[spmem:s4] =	stream.indirect.scatter.add.bf16 @!p1 [tilespmem:s22], [sflag:$0x7], $0x40, s15, s30, $0xb8;
	[tilespmem:$0x1A9C0] =	vst v63  }
0x128: {  	s9 =	simm.s32 @!p1 $0xF000  }
0x129: {  	[spmem:s5] =	stream.indirect.scatter.add.f32 @!p1 [tilespmem:s9], [sflag:$0xC], $0x8, s15, s30, $0xb8;
	[tilespmem:$0x1A9C0] =	vst v63  }
0x12a: {  	s9 =	simm.s32 @!p1 $0x3  }
0x12b: {  	_ =	swait.ge @!p1 [sflag:s9], $0x2000  }
0x12c: {  	[sflag:s9] =	ssyncset.done @!p1 $0x0  }
0x12d: {  	[sflag:s9] =	ssyncadd.s32 @!p1 $0xFFFFE000;
	s9 =	simm.s32 @!p1 $0x7  }
0x12e: {  	_ =	swait.ge @!p1 [sflag:s9], $0x2000  }
0x12f: {  	[sflag:s9] =	ssyncset.done @!p1 $0x0  }
0x130: {  	[sflag:s9] =	ssyncadd.s32 @!p1 $0xFFFFE000;
	s9 =	simm.s32 @!p1 $0xC  }
0x131: {  	_ =	swait.ge @!p1 [sflag:s9], $0x400  }
0x132: {  	[sflag:s9] =	ssyncset.done @!p1 $0x0  }
0x133: {  	[sflag:s9] =	ssyncadd.s32 @!p1 $0xFFFFFC00;
	s9 =	sadd.s32 @!p1 $0x300, s14  }
0x134: {  	[tilespmem:s22], [sflag:$0x2] =	stream.indirect.gather @!p1 [hbm4b:s1+s30], $0x40, s9, s30, $0xb8;
	[tilespmem:$0x1A9C0] =	vst v63  }
0x135: {  	s30 =	sadd.s32 $0x2900, s12  }
0x136: {  	[spmem:s4] =	stream.indirect.scatter.add.bf16 [tilespmem:s20], [sflag:$0x8], $0x40, s30, s19, $0xb8;
	[tilespmem:$0x1A9C0] =	vst v63  }
.Ltmp4:
0x137: {  	_ = 	snop;
	(pc) =	sbr.rel @p1 .LBB2_10-.Ltmp4, $4  }
0x138: {  	[spmem:s5] =	stream.indirect.scatter.add.f32 [tilespmem:s25], [sflag:$0xD], $0x8, s30, s19, $0xb8;
	[tilespmem:$0x1A9C0] =	vst v63  }
0x139: {  	_ =	swait.ge [sflag:s31], $0x2000  }
0x13a: {  	[sflag:s31] =	ssyncset.done $0x0  }
0x13b: {  	[sflag:s31] =	ssyncadd.s32 $0xFFFFE000  }
0x13c: {  	_ =	swait.ge [sflag:s0], $0x2000  }
0x13d: {  	[sflag:s0] =	ssyncset.done $0x0  }
0x13e: {  	[sflag:s0] =	ssyncadd.s32 $0xFFFFE000  }
0x13f: {  	_ =	swait.ge [sflag:s2], $0x400  }
0x140: {  	[sflag:s2] =	ssyncset.done $0x0  }
0x141: {  	s9 =	sadd.s32 $0x380, s12;
	[sflag:s2] =	ssyncadd.s32 $0xFFFFFC00  }
0x142: {  	[tilespmem:s20], [sflag:$0x3] =	stream.indirect.gather [hbm4b:s1+s19], $0x40, s9, s19, $0xb8;
	[tilespmem:$0x1A9C0] =	vst v63  }
0x143: {  	s15 =	sadd.s32 $0x2980, s12  }
0x144: {  	[spmem:s4] =	stream.indirect.scatter.add.bf16 [tilespmem:s21], [sflag:$0x9], $0x40, s15, s19, $0xb8;
	[tilespmem:$0x1A9C0] =	vst v63  }
0x145: {  	_ = 	snop  }
0x146: {  	[spmem:s5] =	stream.indirect.scatter.add.f32 [tilespmem:s25], [sflag:$0xE], $0x8, s15, s19, $0xb8;
	[tilespmem:$0x1A9C0] =	vst v63  }
0x147: {  	_ =	swait.ge [sflag:s8], $0x2000  }
0x148: {  	[sflag:s8] =	ssyncset.done $0x0  }
0x149: {  	[sflag:s8] =	ssyncadd.s32 $0xFFFFE000  }
0x14a: {  	_ =	swait.ge [sflag:s10], $0x2000  }
0x14b: {  	[sflag:s10] =	ssyncset.done $0x0  }
0x14c: {  	[sflag:s10] =	ssyncadd.s32 $0xFFFFE000  }
0x14d: {  	_ =	swait.ge [sflag:s13], $0x400  }
0x14e: {  	[sflag:s13] =	ssyncset.done $0x0  }
0x14f: {  	s22 =	sadd.s32 $0x400, s12;
	[sflag:s13] =	ssyncadd.s32 $0xFFFFFC00  }
0x150: {  	[tilespmem:s21], [sflag:$0x4] =	stream.indirect.gather [hbm4b:s1+s19], $0x40, s22, s19, $0xb8;
	[tilespmem:$0x1A9C0] =	vst v63  }
.Ltmp5:
0x151: {  	_ = 	snop;
	(pc) =	sbr.rel .LBB2_5-.Ltmp5, $4  }
0x152: {  	s30 =	sadd.s32 $0x2A00, s12  }
0x153: {  	[spmem:s4] =	stream.indirect.scatter.add.bf16 [tilespmem:s24], [sflag:$0xA], $0x40, s30, s19, $0xb8;
	[tilespmem:$0x1A9C0] =	vst v63  }
0x154: {  	s11 =	sadd.s32 $0xA00, s11  }
0x155: {  	[spmem:s5] =	stream.indirect.scatter.add.f32 [tilespmem:s25], [sflag:$0xF], $0x8, s30, s19, $0xb8;
	[tilespmem:$0x1A9C0] =	vst v63  }
.LBB2_7:
0x156: {  	s9 =	sld [smem:$0x7F1];
	_ =	sdelay $0x2  }
0x157: {  	[tilespmem:s11], [sflag:$0x10] =	stream.linear.gather [hbm4b:s9+s11], $0x2800, $0x38;
	[tilespmem:$0x1A9C0] =	vst v63  }
0x158: {  	_ =	swait.ge [sflag:s17], $0x2800  }
0x159: {  	s14 =	sld [smem:$0x7F2]  }
0x15a: {  	[sflag:s17] =	ssyncset.done $0x0  }
0x15b: {  	s12 =	simm.s32 $0x2800;
	[sflag:s17] =	ssyncadd.s32 $0xFFFFD800  }
0x15c: {  	[tilespmem:s12], [sflag:$0x10] =	stream.linear.gather [hbm4b:s14+s11], $0x2800, $0x38;
	[tilespmem:$0x1A9C0] =	vst v63  }
0x15d: {  	_ =	swait.ge [sflag:s17], $0x2800  }
0x15e: {  	[sflag:s17] =	ssyncset.done $0x0  }
0x15f: {  	[sflag:s17] =	ssyncadd.s32 $0xFFFFD800  }
0x160: {  	[tilespmem:s16], [sflag:$0x1] =	stream.indirect.gather [hbm4b:s3+s19], $0x40, s11, s19, $0xb8;
	[tilespmem:$0x1A9C0] =	vst v63  }
0x161: {  	s15 =	simm.s32 $0x7000  }
0x162: {  	[tilespmem:s15], [sflag:$0x2] =	stream.indirect.gather [hbm4b:s3+s19], $0x40, s19, s19, $0xb8;
	[tilespmem:$0x1A9C0] =	vst v63  }
0x163: {  	s22 =	simm.s32 $0x100  }
0x164: {  	[tilespmem:s20], [sflag:$0x3] =	stream.indirect.gather [hbm4b:s3+s19], $0x40, s22, s19, $0xb8;
	[tilespmem:$0x1A9C0] =	vst v63  }
0x165: {  	s30 =	simm.s32 $0x180  }
0x166: {  	[tilespmem:s21], [sflag:$0x4] =	stream.indirect.gather [hbm4b:s3+s19], $0x40, s30, s19, $0xb8;
	[tilespmem:$0x1A9C0] =	vst v63  }
.LBB2_8:
0x167: {  	_ =	swait.ge [sflag:s23], $0x2000  }
0x168: {  	p1 =	seq.s32 s11, $0x0;
	[sflag:s23] =	ssyncset.done $0x0  }
0x169: {  	s9 =	simm.s32 @!p1 $0xA;
	[sflag:s23] =	ssyncadd.s32 $0xFFFFE000  }
0x16a: {  	_ =	swait.ge @!p1 [sflag:s9], $0x2000  }
0x16b: {  	[sflag:s9] =	ssyncset.done @!p1 $0x0  }
0x16c: {  	[sflag:s9] =	ssyncadd.s32 @!p1 $0xFFFFE000;
	s9 =	simm.s32 @!p1 $0xF  }
0x16d: {  	_ =	swait.ge @!p1 [sflag:s9], $0x400  }
0x16e: {  	s12 =	sshra.s32 s11, $0x2;
	[sflag:s9] =	ssyncset.done @!p1 $0x0  }
0x16f: {  	s15 =	sadd.s32 $0x200, s12;
	[sflag:s9] =	ssyncadd.s32 @!p1 $0xFFFFFC00  }
0x170: {  	[tilespmem:s24], [sflag:$0x5] =	stream.indirect.gather [hbm4b:s3+s19], $0x40, s15, s19, $0xb8;
	[tilespmem:$0x1A9C0] =	vst v63  }
0x171: {  	s22 =	sadd.s32 $0x2800, s12  }
0x172: {  	[spmem:s4] =	stream.indirect.scatter.add.bf16 [tilespmem:s16], [sflag:$0x6], $0x40, s22, s19, $0xb8;
	[tilespmem:$0x1A9C0] =	vst v63  }
0x173: {  	_ = 	snop  }
0x174: {  	[spmem:s5] =	stream.indirect.scatter.add.f32 [tilespmem:s25], [sflag:$0xB], $0x8, s22, s19, $0xb8;
	[tilespmem:$0x1A9C0] =	vst v63  }
0x175: {  	p1 =	seq.s32 s11, $0x9600;
	_ =	swait.ge [sflag:s26], $0x2000  }
0x176: {  	s9 =	sshra.s32 @p1 s11, $0x2;
	s14 =	simm.s32 @p1 $0x80;
	[sflag:s26] =	ssyncset.done $0x0  }
0x177: {  	s15 =	simm.s32 @p1 $0x7000;
	s9 =	sadd.s32 @p1 $0x2880, s9;
	[sflag:s26] =	ssyncadd.s32 $0xFFFFE000  }
0x178: {  	[spmem:s4] =	stream.indirect.scatter.add.bf16 @p1 [tilespmem:s15], [sflag:$0x7], $0x40, s9, s14, $0xb8;
	[tilespmem:$0x1A9C0] =	vst v63  }
0x179: {  	s15 =	simm.s32 @p1 $0xF000  }
0x17a: {  	[spmem:s5] =	stream.indirect.scatter.add.f32 @p1 [tilespmem:s15], [sflag:$0xC], $0x8, s9, s14, $0xb8;
	[tilespmem:$0x1A9C0] =	vst v63  }
0x17b: {  	s9 =	simm.s32 @p1 $0x3  }
0x17c: {  	_ =	swait.ge @p1 [sflag:s9], $0x2000  }
0x17d: {  	[sflag:s9] =	ssyncset.done @p1 $0x0  }
0x17e: {  	[sflag:s9] =	ssyncadd.s32 @p1 $0xFFFFE000;
	s9 =	simm.s32 @!p1 $0x6  }
0x17f: {  	_ =	swait.ge @!p1 [sflag:s9], $0x2000  }
0x180: {  	[sflag:s9] =	ssyncset.done @!p1 $0x0  }
0x181: {  	[sflag:s9] =	ssyncadd.s32 @!p1 $0xFFFFE000;
	s9 =	simm.s32 @!p1 $0xB  }
0x182: {  	_ =	swait.ge @!p1 [sflag:s9], $0x400  }
0x183: {  	[sflag:s9] =	ssyncset.done @!p1 $0x0  }
0x184: {  	[sflag:s9] =	ssyncadd.s32 @!p1 $0xFFFFFC00;
	s9 =	sshra.s32 @!p1 s11, $0x2  }
0x185: {  	s22 =	simm.s32 @!p1 $0x5000;
	s15 =	simm.s32 @!p1 $0x80;
	s14 =	sadd.s32 @!p1 $0x280, s9  }
0x186: {  	[tilespmem:s22], [sflag:$0x1] =	stream.indirect.gather @!p1 [hbm4b:s3+s15], $0x40, s14, s15, $0xb8;
	[tilespmem:$0x1A9C0] =	vst v63  }
0x187: {  	s14 =	sadd.s32 @!p1 $0x2880, s9;
	s22 =	simm.s32 @!p1 $0x7000  }
0x188: {  	[spmem:s4] =	stream.indirect.scatter.add.bf16 @!p1 [tilespmem:s22], [sflag:$0x7], $0x40, s14, s15, $0xb8;
	[tilespmem:$0x1A9C0] =	vst v63  }
0x189: {  	s30 =	simm.s32 @!p1 $0xF000  }
0x18a: {  	[spmem:s5] =	stream.indirect.scatter.add.f32 @!p1 [tilespmem:s30], [sflag:$0xC], $0x8, s14, s15, $0xb8;
	[tilespmem:$0x1A9C0] =	vst v63  }
0x18b: {  	s14 =	simm.s32 @!p1 $0x3  }
0x18c: {  	_ =	swait.ge @!p1 [sflag:s14], $0x2000  }
0x18d: {  	[sflag:s14] =	ssyncset.done @!p1 $0x0  }
0x18e: {  	[sflag:s14] =	ssyncadd.s32 @!p1 $0xFFFFE000;
	s14 =	simm.s32 @!p1 $0x7  }
0x18f: {  	_ =	swait.ge @!p1 [sflag:s14], $0x2000  }
0x190: {  	[sflag:s14] =	ssyncset.done @!p1 $0x0  }
0x191: {  	[sflag:s14] =	ssyncadd.s32 @!p1 $0xFFFFE000;
	s14 =	simm.s32 @!p1 $0xC  }
0x192: {  	_ =	swait.ge @!p1 [sflag:s14], $0x400  }
0x193: {  	[sflag:s14] =	ssyncset.done @!p1 $0x0  }
0x194: {  	s9 =	sadd.s32 @!p1 $0x300, s9;
	[sflag:s14] =	ssyncadd.s32 @!p1 $0xFFFFFC00  }
0x195: {  	[tilespmem:s22], [sflag:$0x2] =	stream.indirect.gather @!p1 [hbm4b:s3+s15], $0x40, s9, s15, $0xb8;
	[tilespmem:$0x1A9C0] =	vst v63  }
0x196: {  	s30 =	sadd.s32 $0x2900, s12  }
0x197: {  	[spmem:s4] =	stream.indirect.scatter.add.bf16 [tilespmem:s20], [sflag:$0x8], $0x40, s30, s19, $0xb8;
	[tilespmem:$0x1A9C0] =	vst v63  }
.Ltmp6:
0x198: {  	_ = 	snop;
	(pc) =	sbr.rel @p1 .LBB2_11-.Ltmp6, $4  }
0x199: {  	[spmem:s5] =	stream.indirect.scatter.add.f32 [tilespmem:s25], [sflag:$0xD], $0x8, s30, s19, $0xb8;
	[tilespmem:$0x1A9C0] =	vst v63  }
0x19a: {  	_ =	swait.ge [sflag:s31], $0x2000  }
0x19b: {  	[sflag:s31] =	ssyncset.done $0x0  }
0x19c: {  	[sflag:s31] =	ssyncadd.s32 $0xFFFFE000  }
0x19d: {  	_ =	swait.ge [sflag:s0], $0x2000  }
0x19e: {  	[sflag:s0] =	ssyncset.done $0x0  }
0x19f: {  	[sflag:s0] =	ssyncadd.s32 $0xFFFFE000  }
0x1a0: {  	_ =	swait.ge [sflag:s2], $0x400  }
0x1a1: {  	[sflag:s2] =	ssyncset.done $0x0  }
0x1a2: {  	s9 =	sadd.s32 $0x380, s12;
	[sflag:s2] =	ssyncadd.s32 $0xFFFFFC00  }
0x1a3: {  	[tilespmem:s20], [sflag:$0x3] =	stream.indirect.gather [hbm4b:s3+s19], $0x40, s9, s19, $0xb8;
	[tilespmem:$0x1A9C0] =	vst v63  }
0x1a4: {  	s15 =	sadd.s32 $0x2980, s12  }
0x1a5: {  	[spmem:s4] =	stream.indirect.scatter.add.bf16 [tilespmem:s21], [sflag:$0x9], $0x40, s15, s19, $0xb8;
	[tilespmem:$0x1A9C0] =	vst v63  }
0x1a6: {  	_ = 	snop  }
0x1a7: {  	[spmem:s5] =	stream.indirect.scatter.add.f32 [tilespmem:s25], [sflag:$0xE], $0x8, s15, s19, $0xb8;
	[tilespmem:$0x1A9C0] =	vst v63  }
0x1a8: {  	_ =	swait.ge [sflag:s8], $0x2000  }
0x1a9: {  	[sflag:s8] =	ssyncset.done $0x0  }
0x1aa: {  	[sflag:s8] =	ssyncadd.s32 $0xFFFFE000  }
0x1ab: {  	_ =	swait.ge [sflag:s10], $0x2000  }
0x1ac: {  	[sflag:s10] =	ssyncset.done $0x0  }
0x1ad: {  	[sflag:s10] =	ssyncadd.s32 $0xFFFFE000  }
0x1ae: {  	_ =	swait.ge [sflag:s13], $0x400  }
0x1af: {  	[sflag:s13] =	ssyncset.done $0x0  }
0x1b0: {  	s22 =	sadd.s32 $0x400, s12;
	[sflag:s13] =	ssyncadd.s32 $0xFFFFFC00  }
0x1b1: {  	[tilespmem:s21], [sflag:$0x4] =	stream.indirect.gather [hbm4b:s3+s19], $0x40, s22, s19, $0xb8;
	[tilespmem:$0x1A9C0] =	vst v63  }
.Ltmp7:
0x1b2: {  	_ = 	snop;
	(pc) =	sbr.rel .LBB2_8-.Ltmp7, $4  }
0x1b3: {  	s30 =	sadd.s32 $0x2A00, s12  }
0x1b4: {  	[spmem:s4] =	stream.indirect.scatter.add.bf16 [tilespmem:s24], [sflag:$0xA], $0x40, s30, s19, $0xb8;
	[tilespmem:$0x1A9C0] =	vst v63  }
0x1b5: {  	s11 =	sadd.s32 $0xA00, s11  }
0x1b6: {  	[spmem:s5] =	stream.indirect.scatter.add.f32 [tilespmem:s25], [sflag:$0xF], $0x8, s30, s19, $0xb8;
	[tilespmem:$0x1A9C0] =	vst v63  }
.LBB2_10:
.Ltmp8:
0x1b7: {  	(pc) =	sbr.rel .LBB2_12-.Ltmp8, $3  }
0x1b8: {  	_ =	sdelay $0x1  }
0x1b9: {  	s12 =	rddreg [dreg:$0x6]  }
0x1ba: {  	s14 =	sadd.s32 $0x800, s11;
	s30 =	rddreg [dreg:$0x7]  }
.LBB2_13:
0x1bb: {  	_ =	sfence.sel $0x180000  }
0x1bc: {  	[bflag:$0x0] =	sbarrier.arrive $0xFFFF  }
0x1bd: {  	_ =	strace $0x90000047  }
0x1be: {  	s0 =	stileid.u32;
	[bflag:$0x2] =	sbarrier.arrive $0xFFFF  }
0x1bf: {  	p0 =	sne.s32 s0, $0x0;
	s0 =	rddreg [dreg:$0x5]  }
0x1c0: {  	s0 =	sadd.s32 @!p0 $0x100000, s0  }
0x1c1: {  	[sflag:s0] =	ssyncadd.tile.s32 @!p0 $0x1;
	_ =	shalt  }
.Lfunc_end2:
_tile_overlayer_lowered:
.L_overlay_start_2:
0x1c2: {  	(tag) =	ssettag $0x2  }
0x1c3: {  	s0 =	rddreg [dreg:$0x0];
	s2 =	stileid.u32  }
0x1c4: {  	s1 =	rddreg [dreg:$0x1];
	p0 =	sne.s32 s2, $0x0  }
0x1c5: {  	s3 =	rddreg [dreg:$0x2];
	[bflag:$0x3] =	sbarrier.arrive $0xFFFF;
	s2 =	simm.s32 @!p0 $0x1C10  }
0x1c6: {  	[timem:s3], [sflag:s2] =	dma.local @!p0 [hbm:s0], s1  }
0x1c7: {  	s0 =	simm.s32 @!p0 $0x10  }
0x1c8: {  	_ =	swait.ge @!p0 [sflag:s0], s1  }
0x1c9: {  	s1 =	ssub.s32 @!p0 $0x0, s1;
	[sflag:s0] =	ssyncset.done @!p0 $0x0  }
0x1ca: {  	[sflag:s0] =	ssyncadd.s32 @!p0 s1  }
0x1cb: {  	[bflag:$0x3] =	sbarrier.arrive $0xFFFF  }
0x1cc: {  	_ =	shalt  }

</sc_bundles>
